<compile_context>
chip_gen: v7x
topology: tpu7x:2x2x1
jax: 0.10.2.dev20260603
libtpu: 0.0.44.dev20260713+nightly
codegen_flags: <defaults>
</compile_context>

<pallas_src>
import jax
import jax.numpy as jnp
from jax import lax
from jax.experimental import pallas as pl
from jax.experimental.pallas import tpu as pltpu
from jax.experimental.pallas import tpu_sc as plsc

N = 16384
D_ATOM = 16
D_CHARGE = 32
D_NUM = 16
D_OUT = 64
V_ATOM = 1000000
V_LAST = (V_ATOM // 128) - 1
A_TAIL = (V_LAST + 1) * 128

NC = 2
NS = 16
NW = NC * NS
B_W = N // NW
HG = 8
NHG = B_W // HG


def _body(ef_t, wa_t, wa_tail, wc, at_hbm, cs_hbm, out_t,
          idx_a, idx_c, slabs_a, slabs_c, tail_v, out_v,
          sem_i, sem_a0, sem_c0, sem_a1, sem_c1):
    wid = lax.axis_index("s") * NC + lax.axis_index("c")
    base = wid * B_W
    sems = ((sem_a0, sem_c0), (sem_a1, sem_c1))
    rows16 = lax.iota(jnp.int32, 16)

    cp_ia = pltpu.make_async_copy(at_hbm.at[pl.ds(base, B_W)], idx_a, sem_i)
    cp_ic = pltpu.make_async_copy(cs_hbm.at[pl.ds(base, B_W)], idx_c, sem_i)
    cp_t = pltpu.make_async_copy(wa_tail, tail_v, sem_i)
    cp_ia.start()
    cp_ic.start()
    cp_t.start()
    cp_ia.wait()
    cp_ic.wait()
    cp_t.wait()
    pltpu.sync_copy(ef_t.at[:, pl.ds(base, B_W)],
                    out_v.at[pl.ds(D_ATOM + D_CHARGE, D_NUM), :])

    def issue_half_at(vec_a, vec_c, lane0, b):
        sa, sc = sems[b]
        for n in range(HG):
            v = vec_a[lane0 + n]
            j = jnp.minimum(v >> 7, V_LAST).astype(jnp.int32)
            pltpu.make_async_copy(
                wa_t.at[:, pl.ds(j * 128, 128)], slabs_a.at[b, n], sa).start()
            w = vec_c[lane0 + n]
            k = (w >> 3).astype(jnp.int32)
            pltpu.make_async_copy(
                wc.at[pl.ds(k * 8, 8), :], slabs_c.at[b, n], sc).start()

    def wait_half(b):
        sa, sc = sems[b]
        for n in range(HG):
            pltpu.make_async_copy(
                wa_t.at[:, pl.ds(0, 128)], slabs_a.at[b, n], sa).wait()
            pltpu.make_async_copy(
                wc.at[pl.ds(0, 8), :], slabs_c.at[b, n], sc).wait()

    def extract_half(hg, vec_a, vec_c, lane0, b):
        for n in range(HG):
            v = vec_a[lane0 + n]
            j = jnp.minimum(v >> 7, V_LAST).astype(jnp.int32)
            l = jnp.minimum(v - (j << 7), 127).astype(jnp.int32)
            colv = jnp.full((16,), hg * HG + n, jnp.int32)
            a_main = plsc.load_gather(
                slabs_a.at[b, n], [rows16, jnp.full((16,), l, jnp.int32)])
            t = jnp.clip(v - A_TAIL, 0, 63).astype(jnp.int32)
            a_tail = plsc.load_gather(
                tail_v, [rows16, jnp.full((16,), t, jnp.int32)])
            a = jnp.where(v >= A_TAIL, a_tail, a_main)
            plsc.store_scatter(out_v, [rows16, colv], a)
            w = vec_c[lane0 + n]
            k = (w >> 3).astype(jnp.int32)
            r = (w - (k << 3)).astype(jnp.int32)
            c0 = slabs_c[b, n, r, pl.ds(0, 16)]
            c1 = slabs_c[b, n, r, pl.ds(16, 16)]
            plsc.store_scatter(out_v, [rows16 + D_ATOM, colv], c0)
            plsc.store_scatter(out_v, [rows16 + D_ATOM + 16, colv], c1)

    va0 = idx_a[pl.ds(0, 16)]
    vc0 = idx_c[pl.ds(0, 16)]
    issue_half_at(va0, vc0, 0, 0)
    issue_half_at(va0, vc0, HG, 1)

    def step(i, _):
        hg0 = 2 * i
        va = idx_a[pl.ds(i * 16, 16)]
        vc = idx_c[pl.ds(i * 16, 16)]

        wait_half(0)
        extract_half(hg0, va, vc, 0, 0)

        @pl.when(i + 1 < NHG // 2)
        def _issue0():
            van = idx_a[pl.ds((i + 1) * 16, 16)]
            vcn = idx_c[pl.ds((i + 1) * 16, 16)]
            issue_half_at(van, vcn, 0, 0)

        wait_half(1)
        extract_half(hg0 + 1, va, vc, HG, 1)

        @pl.when(i + 1 < NHG // 2)
        def _issue1():
            van = idx_a[pl.ds((i + 1) * 16, 16)]
            vcn = idx_c[pl.ds((i + 1) * 16, 16)]
            issue_half_at(van, vcn, HG, 1)

        return _

    lax.fori_loop(0, NHG // 2, step, 0)

    pltpu.sync_copy(out_v, out_t.at[:, pl.ds(base, B_W)])


@jax.jit
def _lookup(ef_t, wa_t, wa_tail, wc, at, cs):
    mesh = plsc.VectorSubcoreMesh(core_axis_name="c", subcore_axis_name="s")
    return pl.kernel(
        _body,
        out_type=jax.ShapeDtypeStruct((D_OUT, N), jnp.float32),
        mesh=mesh,
        scratch_types=[
            pltpu.VMEM((B_W,), jnp.int32),
            pltpu.VMEM((B_W,), jnp.int32),
            pltpu.VMEM((2, HG, D_ATOM, 128), jnp.float32),
            pltpu.VMEM((2, HG, 8, D_CHARGE), jnp.float32),
            pltpu.VMEM((D_ATOM, 64), jnp.float32),
            pltpu.VMEM((D_OUT, B_W), jnp.float32),
            pltpu.SemaphoreType.DMA,
            pltpu.SemaphoreType.DMA,
            pltpu.SemaphoreType.DMA,
            pltpu.SemaphoreType.DMA,
            pltpu.SemaphoreType.DMA,
        ],
        compiler_params=pltpu.CompilerParams(
            needs_layout_passes=False, skip_device_barrier=True),
    )(ef_t, wa_t, wa_tail, wc, at, cs)


def kernel(pos, extra_feat, W_atom, W_charge, atom_type, charge_state):
    out_t = _lookup(extra_feat.T, W_atom.T, W_atom[A_TAIL:].T, W_charge,
                    atom_type, charge_state)
    return out_t.T.astype(pos.dtype)

# --- scband reference (transcript-rebuilt; emitter-appended) ---
"""Pipeline reference for scband-embedding-input-attrs-14663018348660 (READ-ONLY COPY).

The authoritative reference and input builder live on the scoring server;
editing this copy changes nothing except your own understanding.
"""

import jax, jax.numpy as jnp
import numpy as np

N = 16384
VOCAB_ATOM = 1000000
VOCAB_CHARGE = 100000
D_ATOM = 16
D_CHARGE = 32
D_NUM = 16


def setup_inputs(seed: int = 0) -> dict:
    key = jax.random.key(seed)
    k1, k2, k3, k4, k5, k6 = jax.random.split(key, 6)
    pos = jax.random.normal(k1, (N, 3), dtype=jnp.float32)
    atom_type = jax.random.randint(k2, (N,), 0, VOCAB_ATOM, dtype=jnp.int32)
    charge_state = jax.random.randint(k3, (N,), 0, VOCAB_CHARGE, dtype=jnp.int32)
    extra_feat = jax.random.normal(k4, (N, D_NUM), dtype=jnp.float32)
    # learned embedding tables (xavier-uniform-ish init)
    bound_atom = float(np.sqrt(6.0 / (VOCAB_ATOM + D_ATOM)))
    bound_charge = float(np.sqrt(6.0 / (VOCAB_CHARGE + D_CHARGE)))
    W_atom = jax.random.uniform(k5, (VOCAB_ATOM, D_ATOM), dtype=jnp.float32, minval=-bound_atom, maxval=bound_atom)
    W_charge = jax.random.uniform(k6, (VOCAB_CHARGE, D_CHARGE), dtype=jnp.float32, minval=-bound_charge, maxval=bound_charge)
    return {"pos": pos, "extra_feat": extra_feat, "W_atom": W_atom, "W_charge": W_charge, "atom_type": atom_type, "charge_state": charge_state}


def reference(pos, extra_feat, W_atom, W_charge, atom_type, charge_state):
    # categorical embedding lookups (no masking: use_masking=False)
    emb_atom = jnp.take(W_atom, atom_type, axis=0)
    emb_charge = jnp.take(W_charge, charge_state, axis=0)
    # concat categorical embeddings followed by numerical passthrough, cast to pos dtype
    node_attrs = jnp.concatenate([emb_atom, emb_charge, extra_feat], axis=-1).astype(pos.dtype)
    return node_attrs

if __name__ == "__main__":
    import jax
    _d = setup_inputs()
    print(jax.jit(kernel)(*tuple(_d.values())))

</pallas_src>

<mosaic_0001>
#map = affine_map<(d0, d1) -> (0, 0)>
#map1 = affine_map<(d0, d1) -> (0)>
module attributes {stable_mosaic.version = 14 : i64} {
  func.func @_body(%arg0: i32, %arg1: i32, %arg2: memref<16x16384xf32, #tpu.memory_space<hbm>>, %arg3: memref<16x1000000xf32, #tpu.memory_space<hbm>>, %arg4: memref<16x64xf32, #tpu.memory_space<hbm>>, %arg5: memref<100000x32xf32, #tpu.memory_space<hbm>>, %arg6: memref<16384xi32, #tpu.memory_space<hbm>>, %arg7: memref<16384xi32, #tpu.memory_space<hbm>>, %arg8: memref<64x16384xf32, #tpu.memory_space<hbm>>, %arg9: memref<512xi32, #tpu.memory_space<vmem>>, %arg10: memref<512xi32, #tpu.memory_space<vmem>>, %arg11: memref<2x8x16x128xf32, #tpu.memory_space<vmem>>, %arg12: memref<2x8x8x32xf32, #tpu.memory_space<vmem>>, %arg13: memref<16x64xf32, #tpu.memory_space<vmem>>, %arg14: memref<64x512xf32, #tpu.memory_space<vmem>>, %arg15: memref<!tpu.dma_semaphore, #tpu.memory_space<semaphore_mem>>, %arg16: memref<!tpu.dma_semaphore, #tpu.memory_space<semaphore_mem>>, %arg17: memref<!tpu.dma_semaphore, #tpu.memory_space<semaphore_mem>>, %arg18: memref<!tpu.dma_semaphore, #tpu.memory_space<semaphore_mem>>, %arg19: memref<!tpu.dma_semaphore, #tpu.memory_space<semaphore_mem>>) attributes {dimension_semantics = [#tpu.dimension_semantics<core_parallel>, #tpu.dimension_semantics<subcore_parallel>], iteration_bounds = array<i64: 2, 16>, scalar_prefetch = 0 : i64, scratch_operands = 11 : i64, tpu.core_type = #tpu.core_type<sc_vector_subcore>, window_params = [{transform_indices = #map}, {transform_indices = #map}, {transform_indices = #map}, {transform_indices = #map}, {transform_indices = #map1}, {transform_indices = #map1}, {transform_indices = #map}]} {
    %mul3A = arith.constant 2 : i32
    %mul3A_0 = arith.muli %arg1, %mul3A : i32
    %add3A = arith.addi %mul3A_0, %arg0 : i32
    %mul3A_1 = arith.constant 512 : i32
    %mul3A_2 = arith.muli %add3A, %mul3A_1 : i32
    %iota3A = tpu.iota {dimensions = array<i32: 0>} : vector<16xi32>
    %dma_start3A = tpu.memref_slice %arg6[%mul3A_2] : memref<16384xi32, #tpu.memory_space<hbm>> -> memref<512xi32, #tpu.memory_space<hbm>>
    %dma_start3A_3 = tpu.memref_slice %arg6[%mul3A_2] : memref<16384xi32, #tpu.memory_space<hbm>> -> memref<512xi32, #tpu.memory_space<hbm>>
    tpu.enqueue_dma source(%dma_start3A_3 : memref<512xi32, #tpu.memory_space<hbm>>) target(%arg9 : memref<512xi32, #tpu.memory_space<vmem>>) target_semaphore(%arg15 : memref<!tpu.dma_semaphore, #tpu.memory_space<semaphore_mem>>)
    %dma_start3A_4 = tpu.memref_slice %arg7[%mul3A_2] : memref<16384xi32, #tpu.memory_space<hbm>> -> memref<512xi32, #tpu.memory_space<hbm>>
    %dma_start3A_5 = tpu.memref_slice %arg7[%mul3A_2] : memref<16384xi32, #tpu.memory_space<hbm>> -> memref<512xi32, #tpu.memory_space<hbm>>
    tpu.enqueue_dma source(%dma_start3A_5 : memref<512xi32, #tpu.memory_space<hbm>>) target(%arg10 : memref<512xi32, #tpu.memory_space<vmem>>) target_semaphore(%arg15 : memref<!tpu.dma_semaphore, #tpu.memory_space<semaphore_mem>>)
    tpu.enqueue_dma source(%arg4 : memref<16x64xf32, #tpu.memory_space<hbm>>) target(%arg13 : memref<16x64xf32, #tpu.memory_space<vmem>>) target_semaphore(%arg15 : memref<!tpu.dma_semaphore, #tpu.memory_space<semaphore_mem>>)
    %dma_wait3A = tpu.memref_slice %arg6[%mul3A_2] : memref<16384xi32, #tpu.memory_space<hbm>> -> memref<512xi32, #tpu.memory_space<hbm>>
    %dma_wait3A_6 = tpu.memref_slice %arg6[%mul3A_2] : memref<16384xi32, #tpu.memory_space<hbm>> -> memref<512xi32, #tpu.memory_space<hbm>>
    tpu.wait_dma2 semaphore(%arg15 : memref<!tpu.dma_semaphore, #tpu.memory_space<semaphore_mem>>) src(%dma_wait3A_6 : memref<512xi32, #tpu.memory_space<hbm>>) dst(%arg9 : memref<512xi32, #tpu.memory_space<vmem>>)
    %dma_wait3A_7 = tpu.memref_slice %arg7[%mul3A_2] : memref<16384xi32, #tpu.memory_space<hbm>> -> memref<512xi32, #tpu.memory_space<hbm>>
    %dma_wait3A_8 = tpu.memref_slice %arg7[%mul3A_2] : memref<16384xi32, #tpu.memory_space<hbm>> -> memref<512xi32, #tpu.memory_space<hbm>>
    tpu.wait_dma2 semaphore(%arg15 : memref<!tpu.dma_semaphore, #tpu.memory_space<semaphore_mem>>) src(%dma_wait3A_8 : memref<512xi32, #tpu.memory_space<hbm>>) dst(%arg10 : memref<512xi32, #tpu.memory_space<vmem>>)
    tpu.wait_dma2 semaphore(%arg15 : memref<!tpu.dma_semaphore, #tpu.memory_space<semaphore_mem>>) src(%arg4 : memref<16x64xf32, #tpu.memory_space<hbm>>) dst(%arg13 : memref<16x64xf32, #tpu.memory_space<vmem>>)
    "tpu.region"() ({
      %run_scoped3A = tpu.sem_alloc : memref<!tpu.dma_semaphore, #tpu.memory_space<semaphore_mem>>
      %dma_start3A_685 = arith.constant 48 : i32
      %dma_start3A_686 = arith.constant 0 : i32
      %dma_start3A_687 = tpu.memref_slice %arg14[%dma_start3A_685, %dma_start3A_686] : memref<64x512xf32, #tpu.memory_space<vmem>> -> memref<16x512xf32, #tpu.memory_space<vmem>>
      %dma_start3A_688 = arith.constant 0 : i32
      %dma_start3A_689 = tpu.memref_slice %arg2[%dma_start3A_688, %mul3A_2] : memref<16x16384xf32, #tpu.memory_space<hbm>> -> memref<16x512xf32, #tpu.memory_space<hbm>>
      %dma_start3A_690 = arith.constant 48 : i32
      %dma_start3A_691 = arith.constant 0 : i32
      %dma_start3A_692 = tpu.memref_slice %arg14[%dma_start3A_690, %dma_start3A_691] : memref<64x512xf32, #tpu.memory_space<vmem>> -> memref<16x512xf32, #tpu.memory_space<vmem>>
      %dma_start3A_693 = arith.constant 0 : i32
      %dma_start3A_694 = tpu.memref_slice %arg2[%dma_start3A_693, %mul3A_2] : memref<16x16384xf32, #tpu.memory_space<hbm>> -> memref<16x512xf32, #tpu.memory_space<hbm>>
      tpu.enqueue_dma source(%dma_start3A_694 : memref<16x512xf32, #tpu.memory_space<hbm>>) target(%dma_start3A_692 : memref<16x512xf32, #tpu.memory_space<vmem>>) target_semaphore(%run_scoped3A : memref<!tpu.dma_semaphore, #tpu.memory_space<semaphore_mem>>)
      %dma_wait3A_695 = arith.constant 48 : i32
      %dma_wait3A_696 = arith.constant 0 : i32
      %dma_wait3A_697 = tpu.memref_slice %arg14[%dma_wait3A_695, %dma_wait3A_696] : memref<64x512xf32, #tpu.memory_space<vmem>> -> memref<16x512xf32, #tpu.memory_space<vmem>>
      %dma_wait3A_698 = arith.constant 0 : i32
      %dma_wait3A_699 = tpu.memref_slice %arg2[%dma_wait3A_698, %mul3A_2] : memref<16x16384xf32, #tpu.memory_space<hbm>> -> memref<16x512xf32, #tpu.memory_space<hbm>>
      %dma_wait3A_700 = arith.constant 48 : i32
      %dma_wait3A_701 = arith.constant 0 : i32
      %dma_wait3A_702 = tpu.memref_slice %arg14[%dma_wait3A_700, %dma_wait3A_701] : memref<64x512xf32, #tpu.memory_space<vmem>> -> memref<16x512xf32, #tpu.memory_space<vmem>>
      %dma_wait3A_703 = arith.constant 0 : i32
      %dma_wait3A_704 = tpu.memref_slice %arg2[%dma_wait3A_703, %mul3A_2] : memref<16x16384xf32, #tpu.memory_space<hbm>> -> memref<16x512xf32, #tpu.memory_space<hbm>>
      tpu.wait_dma2 semaphore(%run_scoped3A : memref<!tpu.dma_semaphore, #tpu.memory_space<semaphore_mem>>) src(%dma_wait3A_704 : memref<16x512xf32, #tpu.memory_space<hbm>>) dst(%dma_wait3A_702 : memref<16x512xf32, #tpu.memory_space<vmem>>)
      tpu.yield
    }) : () -> ()
    %get3A = arith.constant 0 : index
    %get3A_9 = tpu.vector_load %arg9[%get3A] {strides = array<i32>} : memref<512xi32, #tpu.memory_space<vmem>>, vector<16xi32>,
    %get3A_10 = arith.constant 0 : index
    %get3A_11 = tpu.vector_load %arg10[%get3A_10] {strides = array<i32>} : memref<512xi32, #tpu.memory_space<vmem>>, vector<16xi32>,
    %slice3A = vector.extract_strided_slice %get3A_9 {offsets = [0], sizes = [1], strides = [1]} : vector<16xi32> to vector<1xi32>
    %squeeze3A = vector.extract %slice3A[0] : i32 from vector<1xi32>
    %shift_right_arithmetic3A = arith.constant 7 : i32
    %shift_right_arithmetic3A_12 = arith.shrsi %squeeze3A, %shift_right_arithmetic3A : i32
    %min3A = arith.constant 7811 : i32
    %min3A_13 = arith.minsi %shift_right_arithmetic3A_12, %min3A : i32
    %mul3A_14 = arith.constant 128 : i32
    %mul3A_15 = arith.muli %min3A_13, %mul3A_14 : i32
    %dma_start3A_16 = arith.constant 0 : i32
    %dma_start3A_17 = arith.constant 0 : i32
    %dma_start3A_18 = arith.constant 0 : i32
    %dma_start3A_19 = arith.constant 0 : i32
    %dma_start3A_20 = tpu.memref_slice %arg11[%dma_start3A_16, %dma_start3A_17, %dma_start3A_18, %dma_start3A_19] : memref<2x8x16x128xf32, #tpu.memory_space<vmem>> -> memref<1x1x16x128xf32, #tpu.memory_space<vmem>>
    %dma_start3A_21 = tpu.memref_squeeze %dma_start3A_20 : memref<1x1x16x128xf32, #tpu.memory_space<vmem>> -> memref<16x128xf32, #tpu.memory_space<vmem>>
    %dma_start3A_22 = arith.constant 0 : i32
    %dma_start3A_23 = tpu.memref_slice %arg3[%dma_start3A_22, %mul3A_15] : memref<16x1000000xf32, #tpu.memory_space<hbm>> -> memref<16x128xf32, #tpu.memory_space<hbm>>
    %dma_start3A_24 = arith.constant 0 : i32
    %dma_start3A_25 = arith.constant 0 : i32
    %dma_start3A_26 = tpu.memref_slice %arg11[%dma_start3A_16, %dma_start3A_17, %dma_start3A_24, %dma_start3A_25] : memref<2x8x16x128xf32, #tpu.memory_space<vmem>> -> memref<1x1x16x128xf32, #tpu.memory_space<vmem>>
    %dma_start3A_27 = tpu.memref_squeeze %dma_start3A_26 : memref<1x1x16x128xf32, #tpu.memory_space<vmem>> -> memref<16x128xf32, #tpu.memory_space<vmem>>
    %dma_start3A_28 = arith.constant 0 : i32
    %dma_start3A_29 = tpu.memref_slice %arg3[%dma_start3A_28, %mul3A_15] : memref<16x1000000xf32, #tpu.memory_space<hbm>> -> memref<16x128xf32, #tpu.memory_space<hbm>>
    tpu.enqueue_dma source(%dma_start3A_29 : memref<16x128xf32, #tpu.memory_space<hbm>>) target(%dma_start3A_27 : memref<16x128xf32, #tpu.memory_space<vmem>>) target_semaphore(%arg16 : memref<!tpu.dma_semaphore, #tpu.memory_space<semaphore_mem>>)
    %slice3A_30 = vector.extract_strided_slice %get3A_11 {offsets = [0], sizes = [1], strides = [1]} : vector<16xi32> to vector<1xi32>
    %squeeze3A_31 = vector.extract %slice3A_30[0] : i32 from vector<1xi32>
    %shift_right_arithmetic3A_32 = arith.constant 3 : i32
    %shift_right_arithmetic3A_33 = arith.shrsi %squeeze3A_31, %shift_right_arithmetic3A_32 : i32
    %mul3A_34 = arith.constant 8 : i32
    %mul3A_35 = arith.muli %shift_right_arithmetic3A_33, %mul3A_34 : i32
    %dma_start3A_36 = arith.constant 0 : i32
    %dma_start3A_37 = arith.constant 0 : i32
    %dma_start3A_38 = arith.constant 0 : i32
    %dma_start3A_39 = arith.constant 0 : i32
    %dma_start3A_40 = tpu.memref_slice %arg12[%dma_start3A_36, %dma_start3A_37, %dma_start3A_38, %dma_start3A_39] : memref<2x8x8x32xf32, #tpu.memory_space<vmem>> -> memref<1x1x8x32xf32, #tpu.memory_space<vmem>>
    %dma_start3A_41 = tpu.memref_squeeze %dma_start3A_40 : memref<1x1x8x32xf32, #tpu.memory_space<vmem>> -> memref<8x32xf32, #tpu.memory_space<vmem>>
    %dma_start3A_42 = arith.constant 0 : i32
    %dma_start3A_43 = tpu.memref_slice %arg5[%mul3A_35, %dma_start3A_42] : memref<100000x32xf32, #tpu.memory_space<hbm>> -> memref<8x32xf32, #tpu.memory_space<hbm>>
    %dma_start3A_44 = arith.constant 0 : i32
    %dma_start3A_45 = arith.constant 0 : i32
    %dma_start3A_46 = tpu.memref_slice %arg12[%dma_start3A_36, %dma_start3A_37, %dma_start3A_44, %dma_start3A_45] : memref<2x8x8x32xf32, #tpu.memory_space<vmem>> -> memref<1x1x8x32xf32, #tpu.memory_space<vmem>>
    %dma_start3A_47 = tpu.memref_squeeze %dma_start3A_46 : memref<1x1x8x32xf32, #tpu.memory_space<vmem>> -> memref<8x32xf32, #tpu.memory_space<vmem>>
    %dma_start3A_48 = arith.constant 0 : i32
    %dma_start3A_49 = tpu.memref_slice %arg5[%mul3A_35, %dma_start3A_48] : memref<100000x32xf32, #tpu.memory_space<hbm>> -> memref<8x32xf32, #tpu.memory_space<hbm>>
    tpu.enqueue_dma source(%dma_start3A_49 : memref<8x32xf32, #tpu.memory_space<hbm>>) target(%dma_start3A_47 : memref<8x32xf32, #tpu.memory_space<vmem>>) target_semaphore(%arg17 : memref<!tpu.dma_semaphore, #tpu.memory_space<semaphore_mem>>)
    %slice3A_50 = vector.extract_strided_slice %get3A_9 {offsets = [1], sizes = [1], strides = [1]} : vector<16xi32> to vector<1xi32>
    %squeeze3A_51 = vector.extract %slice3A_50[0] : i32 from vector<1xi32>
    %shift_right_arithmetic3A_52 = arith.constant 7 : i32
    %shift_right_arithmetic3A_53 = arith.shrsi %squeeze3A_51, %shift_right_arithmetic3A_52 : i32
    %min3A_54 = arith.constant 7811 : i32
    %min3A_55 = arith.minsi %shift_right_arithmetic3A_53, %min3A_54 : i32
    %mul3A_56 = arith.constant 128 : i32
    %mul3A_57 = arith.muli %min3A_55, %mul3A_56 : i32
    %dma_start3A_58 = arith.constant 0 : i32
    %dma_start3A_59 = arith.constant 1 : i32
    %dma_start3A_60 = arith.constant 0 : i32
    %dma_start3A_61 = arith.constant 0 : i32
    %dma_start3A_62 = tpu.memref_slice %arg11[%dma_start3A_58, %dma_start3A_59, %dma_start3A_60, %dma_start3A_61] : memref<2x8x16x128xf32, #tpu.memory_space<vmem>> -> memref<1x1x16x128xf32, #tpu.memory_space<vmem>>
    %dma_start3A_63 = tpu.memref_squeeze %dma_start3A_62 : memref<1x1x16x128xf32, #tpu.memory_space<vmem>> -> memref<16x128xf32, #tpu.memory_space<vmem>>
    %dma_start3A_64 = arith.constant 0 : i32
    %dma_start3A_65 = tpu.memref_slice %arg3[%dma_start3A_64, %mul3A_57] : memref<16x1000000xf32, #tpu.memory_space<hbm>> -> memref<16x128xf32, #tpu.memory_space<hbm>>
    %dma_start3A_66 = arith.constant 0 : i32
    %dma_start3A_67 = arith.constant 0 : i32
    %dma_start3A_68 = tpu.memref_slice %arg11[%dma_start3A_58, %dma_start3A_59, %dma_start3A_66, %dma_start3A_67] : memref<2x8x16x128xf32, #tpu.memory_space<vmem>> -> memref<1x1x16x128xf32, #tpu.memory_space<vmem>>
    %dma_start3A_69 = tpu.memref_squeeze %dma_start3A_68 : memref<1x1x16x128xf32, #tpu.memory_space<vmem>> -> memref<16x128xf32, #tpu.memory_space<vmem>>
    %dma_start3A_70 = arith.constant 0 : i32
    %dma_start3A_71 = tpu.memref_slice %arg3[%dma_start3A_70, %mul3A_57] : memref<16x1000000xf32, #tpu.memory_space<hbm>> -> memref<16x128xf32, #tpu.memory_space<hbm>>
    tpu.enqueue_dma source(%dma_start3A_71 : memref<16x128xf32, #tpu.memory_space<hbm>>) target(%dma_start3A_69 : memref<16x128xf32, #tpu.memory_space<vmem>>) target_semaphore(%arg16 : memref<!tpu.dma_semaphore, #tpu.memory_space<semaphore_mem>>)
    %slice3A_72 = vector.extract_strided_slice %get3A_11 {offsets = [1], sizes = [1], strides = [1]} : vector<16xi32> to vector<1xi32>
    %squeeze3A_73 = vector.extract %slice3A_72[0] : i32 from vector<1xi32>
    %shift_right_arithmetic3A_74 = arith.constant 3 : i32
    %shift_right_arithmetic3A_75 = arith.shrsi %squeeze3A_73, %shift_right_arithmetic3A_74 : i32
    %mul3A_76 = arith.constant 8 : i32
    %mul3A_77 = arith.muli %shift_right_arithmetic3A_75, %mul3A_76 : i32
    %dma_start3A_78 = arith.constant 0 : i32
    %dma_start3A_79 = arith.constant 1 : i32
    %dma_start3A_80 = arith.constant 0 : i32
    %dma_start3A_81 = arith.constant 0 : i32
    %dma_start3A_82 = tpu.memref_slice %arg12[%dma_start3A_78, %dma_start3A_79, %dma_start3A_80, %dma_start3A_81] : memref<2x8x8x32xf32, #tpu.memory_space<vmem>> -> memref<1x1x8x32xf32, #tpu.memory_space<vmem>>
    %dma_start3A_83 = tpu.memref_squeeze %dma_start3A_82 : memref<1x1x8x32xf32, #tpu.memory_space<vmem>> -> memref<8x32xf32, #tpu.memory_space<vmem>>
    %dma_start3A_84 = arith.constant 0 : i32
    %dma_start3A_85 = tpu.memref_slice %arg5[%mul3A_77, %dma_start3A_84] : memref<100000x32xf32, #tpu.memory_space<hbm>> -> memref<8x32xf32, #tpu.memory_space<hbm>>
    %dma_start3A_86 = arith.constant 0 : i32
    %dma_start3A_87 = arith.constant 0 : i32
    %dma_start3A_88 = tpu.memref_slice %arg12[%dma_start3A_78, %dma_start3A_79, %dma_start3A_86, %dma_start3A_87] : memref<2x8x8x32xf32, #tpu.memory_space<vmem>> -> memref<1x1x8x32xf32, #tpu.memory_space<vmem>>
    %dma_start3A_89 = tpu.memref_squeeze %dma_start3A_88 : memref<1x1x8x32xf32, #tpu.memory_space<vmem>> -> memref<8x32xf32, #tpu.memory_space<vmem>>
    %dma_start3A_90 = arith.constant 0 : i32
    %dma_start3A_91 = tpu.memref_slice %arg5[%mul3A_77, %dma_start3A_90] : memref<100000x32xf32, #tpu.memory_space<hbm>> -> memref<8x32xf32, #tpu.memory_space<hbm>>
    tpu.enqueue_dma source(%dma_start3A_91 : memref<8x32xf32, #tpu.memory_space<hbm>>) target(%dma_start3A_89 : memref<8x32xf32, #tpu.memory_space<vmem>>) target_semaphore(%arg17 : memref<!tpu.dma_semaphore, #tpu.memory_space<semaphore_mem>>)
    %slice3A_92 = vector.extract_strided_slice %get3A_9 {offsets = [2], sizes = [1], strides = [1]} : vector<16xi32> to vector<1xi32>
    %squeeze3A_93 = vector.extract %slice3A_92[0] : i32 from vector<1xi32>
    %shift_right_arithmetic3A_94 = arith.constant 7 : i32
    %shift_right_arithmetic3A_95 = arith.shrsi %squeeze3A_93, %shift_right_arithmetic3A_94 : i32
    %min3A_96 = arith.constant 7811 : i32
    %min3A_97 = arith.minsi %shift_right_arithmetic3A_95, %min3A_96 : i32
    %mul3A_98 = arith.constant 128 : i32
    %mul3A_99 = arith.muli %min3A_97, %mul3A_98 : i32
    %dma_start3A_100 = arith.constant 0 : i32
    %dma_start3A_101 = arith.constant 2 : i32
    %dma_start3A_102 = arith.constant 0 : i32
    %dma_start3A_103 = arith.constant 0 : i32
    %dma_start3A_104 = tpu.memref_slice %arg11[%dma_start3A_100, %dma_start3A_101, %dma_start3A_102, %dma_start3A_103] : memref<2x8x16x128xf32, #tpu.memory_space<vmem>> -> memref<1x1x16x128xf32, #tpu.memory_space<vmem>>
    %dma_start3A_105 = tpu.memref_squeeze %dma_start3A_104 : memref<1x1x16x128xf32, #tpu.memory_space<vmem>> -> memref<16x128xf32, #tpu.memory_space<vmem>>
    %dma_start3A_106 = arith.constant 0 : i32
    %dma_start3A_107 = tpu.memref_slice %arg3[%dma_start3A_106, %mul3A_99] : memref<16x1000000xf32, #tpu.memory_space<hbm>> -> memref<16x128xf32, #tpu.memory_space<hbm>>
    %dma_start3A_108 = arith.constant 0 : i32
    %dma_start3A_109 = arith.constant 0 : i32
    %dma_start3A_110 = tpu.memref_slice %arg11[%dma_start3A_100, %dma_start3A_101, %dma_start3A_108, %dma_start3A_109] : memref<2x8x16x128xf32, #tpu.memory_space<vmem>> -> memref<1x1x16x128xf32, #tpu.memory_space<vmem>>
    %dma_start3A_111 = tpu.memref_squeeze %dma_start3A_110 : memref<1x1x16x128xf32, #tpu.memory_space<vmem>> -> memref<16x128xf32, #tpu.memory_space<vmem>>
    %dma_start3A_112 = arith.constant 0 : i32
    %dma_start3A_113 = tpu.memref_slice %arg3[%dma_start3A_112, %mul3A_99] : memref<16x1000000xf32, #tpu.memory_space<hbm>> -> memref<16x128xf32, #tpu.memory_space<hbm>>
    tpu.enqueue_dma source(%dma_start3A_113 : memref<16x128xf32, #tpu.memory_space<hbm>>) target(%dma_start3A_111 : memref<16x128xf32, #tpu.memory_space<vmem>>) target_semaphore(%arg16 : memref<!tpu.dma_semaphore, #tpu.memory_space<semaphore_mem>>)
    %slice3A_114 = vector.extract_strided_slice %get3A_11 {offsets = [2], sizes = [1], strides = [1]} : vector<16xi32> to vector<1xi32>
    %squeeze3A_115 = vector.extract %slice3A_114[0] : i32 from vector<1xi32>
    %shift_right_arithmetic3A_116 = arith.constant 3 : i32
    %shift_right_arithmetic3A_117 = arith.shrsi %squeeze3A_115, %shift_right_arithmetic3A_116 : i32
    %mul3A_118 = arith.constant 8 : i32
    %mul3A_119 = arith.muli %shift_right_arithmetic3A_117, %mul3A_118 : i32
    %dma_start3A_120 = arith.constant 0 : i32
    %dma_start3A_121 = arith.constant 2 : i32
    %dma_start3A_122 = arith.constant 0 : i32
    %dma_start3A_123 = arith.constant 0 : i32
    %dma_start3A_124 = tpu.memref_slice %arg12[%dma_start3A_120, %dma_start3A_121, %dma_start3A_122, %dma_start3A_123] : memref<2x8x8x32xf32, #tpu.memory_space<vmem>> -> memref<1x1x8x32xf32, #tpu.memory_space<vmem>>
    %dma_start3A_125 = tpu.memref_squeeze %dma_start3A_124 : memref<1x1x8x32xf32, #tpu.memory_space<vmem>> -> memref<8x32xf32, #tpu.memory_space<vmem>>
    %dma_start3A_126 = arith.constant 0 : i32
    %dma_start3A_127 = tpu.memref_slice %arg5[%mul3A_119, %dma_start3A_126] : memref<100000x32xf32, #tpu.memory_space<hbm>> -> memref<8x32xf32, #tpu.memory_space<hbm>>
    %dma_start3A_128 = arith.constant 0 : i32
    %dma_start3A_129 = arith.constant 0 : i32
    %dma_start3A_130 = tpu.memref_slice %arg12[%dma_start3A_120, %dma_start3A_121, %dma_start3A_128, %dma_start3A_129] : memref<2x8x8x32xf32, #tpu.memory_space<vmem>> -> memref<1x1x8x32xf32, #tpu.memory_space<vmem>>
    %dma_start3A_131 = tpu.memref_squeeze %dma_start3A_130 : memref<1x1x8x32xf32, #tpu.memory_space<vmem>> -> memref<8x32xf32, #tpu.memory_space<vmem>>
    %dma_start3A_132 = arith.constant 0 : i32
    %dma_start3A_133 = tpu.memref_slice %arg5[%mul3A_119, %dma_start3A_132] : memref<100000x32xf32, #tpu.memory_space<hbm>> -> memref<8x32xf32, #tpu.memory_space<hbm>>
    tpu.enqueue_dma source(%dma_start3A_133 : memref<8x32xf32, #tpu.memory_space<hbm>>) target(%dma_start3A_131 : memref<8x32xf32, #tpu.memory_space<vmem>>) target_semaphore(%arg17 : memref<!tpu.dma_semaphore, #tpu.memory_space<semaphore_mem>>)
    %slice3A_134 = vector.extract_strided_slice %get3A_9 {offsets = [3], sizes = [1], strides = [1]} : vector<16xi32> to vector<1xi32>
    %squeeze3A_135 = vector.extract %slice3A_134[0] : i32 from vector<1xi32>
    %shift_right_arithmetic3A_136 = arith.constant 7 : i32
    %shift_right_arithmetic3A_137 = arith.shrsi %squeeze3A_135, %shift_right_arithmetic3A_136 : i32
    %min3A_138 = arith.constant 7811 : i32
    %min3A_139 = arith.minsi %shift_right_arithmetic3A_137, %min3A_138 : i32
    %mul3A_140 = arith.constant 128 : i32
    %mul3A_141 = arith.muli %min3A_139, %mul3A_140 : i32
    %dma_start3A_142 = arith.constant 0 : i32
    %dma_start3A_143 = arith.constant 3 : i32
    %dma_start3A_144 = arith.constant 0 : i32
    %dma_start3A_145 = arith.constant 0 : i32
    %dma_start3A_146 = tpu.memref_slice %arg11[%dma_start3A_142, %dma_start3A_143, %dma_start3A_144, %dma_start3A_145] : memref<2x8x16x128xf32, #tpu.memory_space<vmem>> -> memref<1x1x16x128xf32, #tpu.memory_space<vmem>>
    %dma_start3A_147 = tpu.memref_squeeze %dma_start3A_146 : memref<1x1x16x128xf32, #tpu.memory_space<vmem>> -> memref<16x128xf32, #tpu.memory_space<vmem>>
    %dma_start3A_148 = arith.constant 0 : i32
    %dma_start3A_149 = tpu.memref_slice %arg3[%dma_start3A_148, %mul3A_141] : memref<16x1000000xf32, #tpu.memory_space<hbm>> -> memref<16x128xf32, #tpu.memory_space<hbm>>
    %dma_start3A_150 = arith.constant 0 : i32
    %dma_start3A_151 = arith.constant 0 : i32
    %dma_start3A_152 = tpu.memref_slice %arg11[%dma_start3A_142, %dma_start3A_143, %dma_start3A_150, %dma_start3A_151] : memref<2x8x16x128xf32, #tpu.memory_space<vmem>> -> memref<1x1x16x128xf32, #tpu.memory_space<vmem>>
    %dma_start3A_153 = tpu.memref_squeeze %dma_start3A_152 : memref<1x1x16x128xf32, #tpu.memory_space<vmem>> -> memref<16x128xf32, #tpu.memory_space<vmem>>
    %dma_start3A_154 = arith.constant 0 : i32
    %dma_start3A_155 = tpu.memref_slice %arg3[%dma_start3A_154, %mul3A_141] : memref<16x1000000xf32, #tpu.memory_space<hbm>> -> memref<16x128xf32, #tpu.memory_space<hbm>>
    tpu.enqueue_dma source(%dma_start3A_155 : memref<16x128xf32, #tpu.memory_space<hbm>>) target(%dma_start3A_153 : memref<16x128xf32, #tpu.memory_space<vmem>>) target_semaphore(%arg16 : memref<!tpu.dma_semaphore, #tpu.memory_space<semaphore_mem>>)
    %slice3A_156 = vector.extract_strided_slice %get3A_11 {offsets = [3], sizes = [1], strides = [1]} : vector<16xi32> to vector<1xi32>
    %squeeze3A_157 = vector.extract %slice3A_156[0] : i32 from vector<1xi32>
    %shift_right_arithmetic3A_158 = arith.constant 3 : i32
    %shift_right_arithmetic3A_159 = arith.shrsi %squeeze3A_157, %shift_right_arithmetic3A_158 : i32
    %mul3A_160 = arith.constant 8 : i32
    %mul3A_161 = arith.muli %shift_right_arithmetic3A_159, %mul3A_160 : i32
    %dma_start3A_162 = arith.constant 0 : i32
    %dma_start3A_163 = arith.constant 3 : i32
    %dma_start3A_164 = arith.constant 0 : i32
    %dma_start3A_165 = arith.constant 0 : i32
    %dma_start3A_166 = tpu.memref_slice %arg12[%dma_start3A_162, %dma_start3A_163, %dma_start3A_164, %dma_start3A_165] : memref<2x8x8x32xf32, #tpu.memory_space<vmem>> -> memref<1x1x8x32xf32, #tpu.memory_space<vmem>>
    %dma_start3A_167 = tpu.memref_squeeze %dma_start3A_166 : memref<1x1x8x32xf32, #tpu.memory_space<vmem>> -> memref<8x32xf32, #tpu.memory_space<vmem>>
    %dma_start3A_168 = arith.constant 0 : i32
    %dma_start3A_169 = tpu.memref_slice %arg5[%mul3A_161, %dma_start3A_168] : memref<100000x32xf32, #tpu.memory_space<hbm>> -> memref<8x32xf32, #tpu.memory_space<hbm>>
    %dma_start3A_170 = arith.constant 0 : i32
    %dma_start3A_171 = arith.constant 0 : i32
    %dma_start3A_172 = tpu.memref_slice %arg12[%dma_start3A_162, %dma_start3A_163, %dma_start3A_170, %dma_start3A_171] : memref<2x8x8x32xf32, #tpu.memory_space<vmem>> -> memref<1x1x8x32xf32, #tpu.memory_space<vmem>>
    %dma_start3A_173 = tpu.memref_squeeze %dma_start3A_172 : memref<1x1x8x32xf32, #tpu.memory_space<vmem>> -> memref<8x32xf32, #tpu.memory_space<vmem>>
    %dma_start3A_174 = arith.constant 0 : i32
    %dma_start3A_175 = tpu.memref_slice %arg5[%mul3A_161, %dma_start3A_174] : memref<100000x32xf32, #tpu.memory_space<hbm>> -> memref<8x32xf32, #tpu.memory_space<hbm>>
    tpu.enqueue_dma source(%dma_start3A_175 : memref<8x32xf32, #tpu.memory_space<hbm>>) target(%dma_start3A_173 : memref<8x32xf32, #tpu.memory_space<vmem>>) target_semaphore(%arg17 : memref<!tpu.dma_semaphore, #tpu.memory_space<semaphore_mem>>)
    %slice3A_176 = vector.extract_strided_slice %get3A_9 {offsets = [4], sizes = [1], strides = [1]} : vector<16xi32> to vector<1xi32>
    %squeeze3A_177 = vector.extract %slice3A_176[0] : i32 from vector<1xi32>
    %shift_right_arithmetic3A_178 = arith.constant 7 : i32
    %shift_right_arithmetic3A_179 = arith.shrsi %squeeze3A_177, %shift_right_arithmetic3A_178 : i32
    %min3A_180 = arith.constant 7811 : i32
    %min3A_181 = arith.minsi %shift_right_arithmetic3A_179, %min3A_180 : i32
    %mul3A_182 = arith.constant 128 : i32
    %mul3A_183 = arith.muli %min3A_181, %mul3A_182 : i32
    %dma_start3A_184 = arith.constant 0 : i32
    %dma_start3A_185 = arith.constant 4 : i32
    %dma_start3A_186 = arith.constant 0 : i32
    %dma_start3A_187 = arith.constant 0 : i32
    %dma_start3A_188 = tpu.memref_slice %arg11[%dma_start3A_184, %dma_start3A_185, %dma_start3A_186, %dma_start3A_187] : memref<2x8x16x128xf32, #tpu.memory_space<vmem>> -> memref<1x1x16x128xf32, #tpu.memory_space<vmem>>
    %dma_start3A_189 = tpu.memref_squeeze %dma_start3A_188 : memref<1x1x16x128xf32, #tpu.memory_space<vmem>> -> memref<16x128xf32, #tpu.memory_space<vmem>>
    %dma_start3A_190 = arith.constant 0 : i32
    %dma_start3A_191 = tpu.memref_slice %arg3[%dma_start3A_190, %mul3A_183] : memref<16x1000000xf32, #tpu.memory_space<hbm>> -> memref<16x128xf32, #tpu.memory_space<hbm>>
    %dma_start3A_192 = arith.constant 0 : i32
    %dma_start3A_193 = arith.constant 0 : i32
    %dma_start3A_194 = tpu.memref_slice %arg11[%dma_start3A_184, %dma_start3A_185, %dma_start3A_192, %dma_start3A_193] : memref<2x8x16x128xf32, #tpu.memory_space<vmem>> -> memref<1x1x16x128xf32, #tpu.memory_space<vmem>>
    %dma_start3A_195 = tpu.memref_squeeze %dma_start3A_194 : memref<1x1x16x128xf32, #tpu.memory_space<vmem>> -> memref<16x128xf32, #tpu.memory_space<vmem>>
    %dma_start3A_196 = arith.constant 0 : i32
    %dma_start3A_197 = tpu.memref_slice %arg3[%dma_start3A_196, %mul3A_183] : memref<16x1000000xf32, #tpu.memory_space<hbm>> -> memref<16x128xf32, #tpu.memory_space<hbm>>
    tpu.enqueue_dma source(%dma_start3A_197 : memref<16x128xf32, #tpu.memory_space<hbm>>) target(%dma_start3A_195 : memref<16x128xf32, #tpu.memory_space<vmem>>) target_semaphore(%arg16 : memref<!tpu.dma_semaphore, #tpu.memory_space<semaphore_mem>>)
    %slice3A_198 = vector.extract_strided_slice %get3A_11 {offsets = [4], sizes = [1], strides = [1]} : vector<16xi32> to vector<1xi32>
    %squeeze3A_199 = vector.extract %slice3A_198[0] : i32 from vector<1xi32>
    %shift_right_arithmetic3A_200 = arith.constant 3 : i32
    %shift_right_arithmetic3A_201 = arith.shrsi %squeeze3A_199, %shift_right_arithmetic3A_200 : i32
    %mul3A_202 = arith.constant 8 : i32
    %mul3A_203 = arith.muli %shift_right_arithmetic3A_201, %mul3A_202 : i32
    %dma_start3A_204 = arith.constant 0 : i32
    %dma_start3A_205 = arith.constant 4 : i32
    %dma_start3A_206 = arith.constant 0 : i32
    %dma_start3A_207 = arith.constant 0 : i32
    %dma_start3A_208 = tpu.memref_slice %arg12[%dma_start3A_204, %dma_start3A_205, %dma_start3A_206, %dma_start3A_207] : memref<2x8x8x32xf32, #tpu.memory_space<vmem>> -> memref<1x1x8x32xf32, #tpu.memory_space<vmem>>
    %dma_start3A_209 = tpu.memref_squeeze %dma_start3A_208 : memref<1x1x8x32xf32, #tpu.memory_space<vmem>> -> memref<8x32xf32, #tpu.memory_space<vmem>>
    %dma_start3A_210 = arith.constant 0 : i32
    %dma_start3A_211 = tpu.memref_slice %arg5[%mul3A_203, %dma_start3A_210] : memref<100000x32xf32, #tpu.memory_space<hbm>> -> memref<8x32xf32, #tpu.memory_space<hbm>>
    %dma_start3A_212 = arith.constant 0 : i32
    %dma_start3A_213 = arith.constant 0 : i32
    %dma_start3A_214 = tpu.memref_slice %arg12[%dma_start3A_204, %dma_start3A_205, %dma_start3A_212, %dma_start3A_213] : memref<2x8x8x32xf32, #tpu.memory_space<vmem>> -> memref<1x1x8x32xf32, #tpu.memory_space<vmem>>
    %dma_start3A_215 = tpu.memref_squeeze %dma_start3A_214 : memref<1x1x8x32xf32, #tpu.memory_space<vmem>> -> memref<8x32xf32, #tpu.memory_space<vmem>>
    %dma_start3A_216 = arith.constant 0 : i32
    %dma_start3A_217 = tpu.memref_slice %arg5[%mul3A_203, %dma_start3A_216] : memref<100000x32xf32, #tpu.memory_space<hbm>> -> memref<8x32xf32, #tpu.memory_space<hbm>>
    tpu.enqueue_dma source(%dma_start3A_217 : memref<8x32xf32, #tpu.memory_space<hbm>>) target(%dma_start3A_215 : memref<8x32xf32, #tpu.memory_space<vmem>>) target_semaphore(%arg17 : memref<!tpu.dma_semaphore, #tpu.memory_space<semaphore_mem>>)
    %slice3A_218 = vector.extract_strided_slice %get3A_9 {offsets = [5], sizes = [1], strides = [1]} : vector<16xi32> to vector<1xi32>
    %squeeze3A_219 = vector.extract %slice3A_218[0] : i32 from vector<1xi32>
    %shift_right_arithmetic3A_220 = arith.constant 7 : i32
    %shift_right_arithmetic3A_221 = arith.shrsi %squeeze3A_219, %shift_right_arithmetic3A_220 : i32
    %min3A_222 = arith.constant 7811 : i32
    %min3A_223 = arith.minsi %shift_right_arithmetic3A_221, %min3A_222 : i32
    %mul3A_224 = arith.constant 128 : i32
    %mul3A_225 = arith.muli %min3A_223, %mul3A_224 : i32
    %dma_start3A_226 = arith.constant 0 : i32
    %dma_start3A_227 = arith.constant 5 : i32
    %dma_start3A_228 = arith.constant 0 : i32
    %dma_start3A_229 = arith.constant 0 : i32
    %dma_start3A_230 = tpu.memref_slice %arg11[%dma_start3A_226, %dma_start3A_227, %dma_start3A_228, %dma_start3A_229] : memref<2x8x16x128xf32, #tpu.memory_space<vmem>> -> memref<1x1x16x128xf32, #tpu.memory_space<vmem>>
    %dma_start3A_231 = tpu.memref_squeeze %dma_start3A_230 : memref<1x1x16x128xf32, #tpu.memory_space<vmem>> -> memref<16x128xf32, #tpu.memory_space<vmem>>
    %dma_start3A_232 = arith.constant 0 : i32
    %dma_start3A_233 = tpu.memref_slice %arg3[%dma_start3A_232, %mul3A_225] : memref<16x1000000xf32, #tpu.memory_space<hbm>> -> memref<16x128xf32, #tpu.memory_space<hbm>>
    %dma_start3A_234 = arith.constant 0 : i32
    %dma_start3A_235 = arith.constant 0 : i32
    %dma_start3A_236 = tpu.memref_slice %arg11[%dma_start3A_226, %dma_start3A_227, %dma_start3A_234, %dma_start3A_235] : memref<2x8x16x128xf32, #tpu.memory_space<vmem>> -> memref<1x1x16x128xf32, #tpu.memory_space<vmem>>
    %dma_start3A_237 = tpu.memref_squeeze %dma_start3A_236 : memref<1x1x16x128xf32, #tpu.memory_space<vmem>> -> memref<16x128xf32, #tpu.memory_space<vmem>>
    %dma_start3A_238 = arith.constant 0 : i32
    %dma_start3A_239 = tpu.memref_slice %arg3[%dma_start3A_238, %mul3A_225] : memref<16x1000000xf32, #tpu.memory_space<hbm>> -> memref<16x128xf32, #tpu.memory_space<hbm>>
    tpu.enqueue_dma source(%dma_start3A_239 : memref<16x128xf32, #tpu.memory_space<hbm>>) target(%dma_start3A_237 : memref<16x128xf32, #tpu.memory_space<vmem>>) target_semaphore(%arg16 : memref<!tpu.dma_semaphore, #tpu.memory_space<semaphore_mem>>)
    %slice3A_240 = vector.extract_strided_slice %get3A_11 {offsets = [5], sizes = [1], strides = [1]} : vector<16xi32> to vector<1xi32>
    %squeeze3A_241 = vector.extract %slice3A_240[0] : i32 from vector<1xi32>
    %shift_right_arithmetic3A_242 = arith.constant 3 : i32
    %shift_right_arithmetic3A_243 = arith.shrsi %squeeze3A_241, %shift_right_arithmetic3A_242 : i32
    %mul3A_244 = arith.constant 8 : i32
    %mul3A_245 = arith.muli %shift_right_arithmetic3A_243, %mul3A_244 : i32
    %dma_start3A_246 = arith.constant 0 : i32
    %dma_start3A_247 = arith.constant 5 : i32
    %dma_start3A_248 = arith.constant 0 : i32
    %dma_start3A_249 = arith.constant 0 : i32
    %dma_start3A_250 = tpu.memref_slice %arg12[%dma_start3A_246, %dma_start3A_247, %dma_start3A_248, %dma_start3A_249] : memref<2x8x8x32xf32, #tpu.memory_space<vmem>> -> memref<1x1x8x32xf32, #tpu.memory_space<vmem>>
    %dma_start3A_251 = tpu.memref_squeeze %dma_start3A_250 : memref<1x1x8x32xf32, #tpu.memory_space<vmem>> -> memref<8x32xf32, #tpu.memory_space<vmem>>
    %dma_start3A_252 = arith.constant 0 : i32
    %dma_start3A_253 = tpu.memref_slice %arg5[%mul3A_245, %dma_start3A_252] : memref<100000x32xf32, #tpu.memory_space<hbm>> -> memref<8x32xf32, #tpu.memory_space<hbm>>
    %dma_start3A_254 = arith.constant 0 : i32
    %dma_start3A_255 = arith.constant 0 : i32
    %dma_start3A_256 = tpu.memref_slice %arg12[%dma_start3A_246, %dma_start3A_247, %dma_start3A_254, %dma_start3A_255] : memref<2x8x8x32xf32, #tpu.memory_space<vmem>> -> memref<1x1x8x32xf32, #tpu.memory_space<vmem>>
    %dma_start3A_257 = tpu.memref_squeeze %dma_start3A_256 : memref<1x1x8x32xf32, #tpu.memory_space<vmem>> -> memref<8x32xf32, #tpu.memory_space<vmem>>
    %dma_start3A_258 = arith.constant 0 : i32
    %dma_start3A_259 = tpu.memref_slice %arg5[%mul3A_245, %dma_start3A_258] : memref<100000x32xf32, #tpu.memory_space<hbm>> -> memref<8x32xf32, #tpu.memory_space<hbm>>
    tpu.enqueue_dma source(%dma_start3A_259 : memref<8x32xf32, #tpu.memory_space<hbm>>) target(%dma_start3A_257 : memref<8x32xf32, #tpu.memory_space<vmem>>) target_semaphore(%arg17 : memref<!tpu.dma_semaphore, #tpu.memory_space<semaphore_mem>>)
    %slice3A_260 = vector.extract_strided_slice %get3A_9 {offsets = [6], sizes = [1], strides = [1]} : vector<16xi32> to vector<1xi32>
    %squeeze3A_261 = vector.extract %slice3A_260[0] : i32 from vector<1xi32>
    %shift_right_arithmetic3A_262 = arith.constant 7 : i32
    %shift_right_arithmetic3A_263 = arith.shrsi %squeeze3A_261, %shift_right_arithmetic3A_262 : i32
    %min3A_264 = arith.constant 7811 : i32
    %min3A_265 = arith.minsi %shift_right_arithmetic3A_263, %min3A_264 : i32
    %mul3A_266 = arith.constant 128 : i32
    %mul3A_267 = arith.muli %min3A_265, %mul3A_266 : i32
    %dma_start3A_268 = arith.constant 0 : i32
    %dma_start3A_269 = arith.constant 6 : i32
    %dma_start3A_270 = arith.constant 0 : i32
    %dma_start3A_271 = arith.constant 0 : i32
    %dma_start3A_272 = tpu.memref_slice %arg11[%dma_start3A_268, %dma_start3A_269, %dma_start3A_270, %dma_start3A_271] : memref<2x8x16x128xf32, #tpu.memory_space<vmem>> -> memref<1x1x16x128xf32, #tpu.memory_space<vmem>>
    %dma_start3A_273 = tpu.memref_squeeze %dma_start3A_272 : memref<1x1x16x128xf32, #tpu.memory_space<vmem>> -> memref<16x128xf32, #tpu.memory_space<vmem>>
    %dma_start3A_274 = arith.constant 0 : i32
    %dma_start3A_275 = tpu.memref_slice %arg3[%dma_start3A_274, %mul3A_267] : memref<16x1000000xf32, #tpu.memory_space<hbm>> -> memref<16x128xf32, #tpu.memory_space<hbm>>
    %dma_start3A_276 = arith.constant 0 : i32
    %dma_start3A_277 = arith.constant 0 : i32
    %dma_start3A_278 = tpu.memref_slice %arg11[%dma_start3A_268, %dma_start3A_269, %dma_start3A_276, %dma_start3A_277] : memref<2x8x16x128xf32, #tpu.memory_space<vmem>> -> memref<1x1x16x128xf32, #tpu.memory_space<vmem>>
    %dma_start3A_279 = tpu.memref_squeeze %dma_start3A_278 : memref<1x1x16x128xf32, #tpu.memory_space<vmem>> -> memref<16x128xf32, #tpu.memory_space<vmem>>
    %dma_start3A_280 = arith.constant 0 : i32
    %dma_start3A_281 = tpu.memref_slice %arg3[%dma_start3A_280, %mul3A_267] : memref<16x1000000xf32, #tpu.memory_space<hbm>> -> memref<16x128xf32, #tpu.memory_space<hbm>>
    tpu.enqueue_dma source(%dma_start3A_281 : memref<16x128xf32, #tpu.memory_space<hbm>>) target(%dma_start3A_279 : memref<16x128xf32, #tpu.memory_space<vmem>>) target_semaphore(%arg16 : memref<!tpu.dma_semaphore, #tpu.memory_space<semaphore_mem>>)
    %slice3A_282 = vector.extract_strided_slice %get3A_11 {offsets = [6], sizes = [1], strides = [1]} : vector<16xi32> to vector<1xi32>
    %squeeze3A_283 = vector.extract %slice3A_282[0] : i32 from vector<1xi32>
    %shift_right_arithmetic3A_284 = arith.constant 3 : i32
    %shift_right_arithmetic3A_285 = arith.shrsi %squeeze3A_283, %shift_right_arithmetic3A_284 : i32
    %mul3A_286 = arith.constant 8 : i32
    %mul3A_287 = arith.muli %shift_right_arithmetic3A_285, %mul3A_286 : i32
    %dma_start3A_288 = arith.constant 0 : i32
    %dma_start3A_289 = arith.constant 6 : i32
    %dma_start3A_290 = arith.constant 0 : i32
    %dma_start3A_291 = arith.constant 0 : i32
    %dma_start3A_292 = tpu.memref_slice %arg12[%dma_start3A_288, %dma_start3A_289, %dma_start3A_290, %dma_start3A_291] : memref<2x8x8x32xf32, #tpu.memory_space<vmem>> -> memref<1x1x8x32xf32, #tpu.memory_space<vmem>>
    %dma_start3A_293 = tpu.memref_squeeze %dma_start3A_292 : memref<1x1x8x32xf32, #tpu.memory_space<vmem>> -> memref<8x32xf32, #tpu.memory_space<vmem>>
    %dma_start3A_294 = arith.constant 0 : i32
    %dma_start3A_295 = tpu.memref_slice %arg5[%mul3A_287, %dma_start3A_294] : memref<100000x32xf32, #tpu.memory_space<hbm>> -> memref<8x32xf32, #tpu.memory_space<hbm>>
    %dma_start3A_296 = arith.constant 0 : i32
    %dma_start3A_297 = arith.constant 0 : i32
    %dma_start3A_298 = tpu.memref_slice %arg12[%dma_start3A_288, %dma_start3A_289, %dma_start3A_296, %dma_start3A_297] : memref<2x8x8x32xf32, #tpu.memory_space<vmem>> -> memref<1x1x8x32xf32, #tpu.memory_space<vmem>>
    %dma_start3A_299 = tpu.memref_squeeze %dma_start3A_298 : memref<1x1x8x32xf32, #tpu.memory_space<vmem>> -> memref<8x32xf32, #tpu.memory_space<vmem>>
    %dma_start3A_300 = arith.constant 0 : i32
    %dma_start3A_301 = tpu.memref_slice %arg5[%mul3A_287, %dma_start3A_300] : memref<100000x32xf32, #tpu.memory_space<hbm>> -> memref<8x32xf32, #tpu.memory_space<hbm>>
    tpu.enqueue_dma source(%dma_start3A_301 : memref<8x32xf32, #tpu.memory_space<hbm>>) target(%dma_start3A_299 : memref<8x32xf32, #tpu.memory_space<vmem>>) target_semaphore(%arg17 : memref<!tpu.dma_semaphore, #tpu.memory_space<semaphore_mem>>)
    %slice3A_302 = vector.extract_strided_slice %get3A_9 {offsets = [7], sizes = [1], strides = [1]} : vector<16xi32> to vector<1xi32>
    %squeeze3A_303 = vector.extract %slice3A_302[0] : i32 from vector<1xi32>
    %shift_right_arithmetic3A_304 = arith.constant 7 : i32
    %shift_right_arithmetic3A_305 = arith.shrsi %squeeze3A_303, %shift_right_arithmetic3A_304 : i32
    %min3A_306 = arith.constant 7811 : i32
    %min3A_307 = arith.minsi %shift_right_arithmetic3A_305, %min3A_306 : i32
    %mul3A_308 = arith.constant 128 : i32
    %mul3A_309 = arith.muli %min3A_307, %mul3A_308 : i32
    %dma_start3A_310 = arith.constant 0 : i32
    %dma_start3A_311 = arith.constant 7 : i32
    %dma_start3A_312 = arith.constant 0 : i32
    %dma_start3A_313 = arith.constant 0 : i32
    %dma_start3A_314 = tpu.memref_slice %arg11[%dma_start3A_310, %dma_start3A_311, %dma_start3A_312, %dma_start3A_313] : memref<2x8x16x128xf32, #tpu.memory_space<vmem>> -> memref<1x1x16x128xf32, #tpu.memory_space<vmem>>
    %dma_start3A_315 = tpu.memref_squeeze %dma_start3A_314 : memref<1x1x16x128xf32, #tpu.memory_space<vmem>> -> memref<16x128xf32, #tpu.memory_space<vmem>>
    %dma_start3A_316 = arith.constant 0 : i32
    %dma_start3A_317 = tpu.memref_slice %arg3[%dma_start3A_316, %mul3A_309] : memref<16x1000000xf32, #tpu.memory_space<hbm>> -> memref<16x128xf32, #tpu.memory_space<hbm>>
    %dma_start3A_318 = arith.constant 0 : i32
    %dma_start3A_319 = arith.constant 0 : i32
    %dma_start3A_320 = tpu.memref_slice %arg11[%dma_start3A_310, %dma_start3A_311, %dma_start3A_318, %dma_start3A_319] : memref<2x8x16x128xf32, #tpu.memory_space<vmem>> -> memref<1x1x16x128xf32, #tpu.memory_space<vmem>>
    %dma_start3A_321 = tpu.memref_squeeze %dma_start3A_320 : memref<1x1x16x128xf32, #tpu.memory_space<vmem>> -> memref<16x128xf32, #tpu.memory_space<vmem>>
    %dma_start3A_322 = arith.constant 0 : i32
    %dma_start3A_323 = tpu.memref_slice %arg3[%dma_start3A_322, %mul3A_309] : memref<16x1000000xf32, #tpu.memory_space<hbm>> -> memref<16x128xf32, #tpu.memory_space<hbm>>
    tpu.enqueue_dma source(%dma_start3A_323 : memref<16x128xf32, #tpu.memory_space<hbm>>) target(%dma_start3A_321 : memref<16x128xf32, #tpu.memory_space<vmem>>) target_semaphore(%arg16 : memref<!tpu.dma_semaphore, #tpu.memory_space<semaphore_mem>>)
    %slice3A_324 = vector.extract_strided_slice %get3A_11 {offsets = [7], sizes = [1], strides = [1]} : vector<16xi32> to vector<1xi32>
    %squeeze3A_325 = vector.extract %slice3A_324[0] : i32 from vector<1xi32>
    %shift_right_arithmetic3A_326 = arith.constant 3 : i32
    %shift_right_arithmetic3A_327 = arith.shrsi %squeeze3A_325, %shift_right_arithmetic3A_326 : i32
    %mul3A_328 = arith.constant 8 : i32
    %mul3A_329 = arith.muli %shift_right_arithmetic3A_327, %mul3A_328 : i32
    %dma_start3A_330 = arith.constant 0 : i32
    %dma_start3A_331 = arith.constant 7 : i32
    %dma_start3A_332 = arith.constant 0 : i32
    %dma_start3A_333 = arith.constant 0 : i32
    %dma_start3A_334 = tpu.memref_slice %arg12[%dma_start3A_330, %dma_start3A_331, %dma_start3A_332, %dma_start3A_333] : memref<2x8x8x32xf32, #tpu.memory_space<vmem>> -> memref<1x1x8x32xf32, #tpu.memory_space<vmem>>
    %dma_start3A_335 = tpu.memref_squeeze %dma_start3A_334 : memref<1x1x8x32xf32, #tpu.memory_space<vmem>> -> memref<8x32xf32, #tpu.memory_space<vmem>>
    %dma_start3A_336 = arith.constant 0 : i32
    %dma_start3A_337 = tpu.memref_slice %arg5[%mul3A_329, %dma_start3A_336] : memref<100000x32xf32, #tpu.memory_space<hbm>> -> memref<8x32xf32, #tpu.memory_space<hbm>>
    %dma_start3A_338 = arith.constant 0 : i32
    %dma_start3A_339 = arith.constant 0 : i32
    %dma_start3A_340 = tpu.memref_slice %arg12[%dma_start3A_330, %dma_start3A_331, %dma_start3A_338, %dma_start3A_339] : memref<2x8x8x32xf32, #tpu.memory_space<vmem>> -> memref<1x1x8x32xf32, #tpu.memory_space<vmem>>
    %dma_start3A_341 = tpu.memref_squeeze %dma_start3A_340 : memref<1x1x8x32xf32, #tpu.memory_space<vmem>> -> memref<8x32xf32, #tpu.memory_space<vmem>>
    %dma_start3A_342 = arith.constant 0 : i32
    %dma_start3A_343 = tpu.memref_slice %arg5[%mul3A_329, %dma_start3A_342] : memref<100000x32xf32, #tpu.memory_space<hbm>> -> memref<8x32xf32, #tpu.memory_space<hbm>>
    tpu.enqueue_dma source(%dma_start3A_343 : memref<8x32xf32, #tpu.memory_space<hbm>>) target(%dma_start3A_341 : memref<8x32xf32, #tpu.memory_space<vmem>>) target_semaphore(%arg17 : memref<!tpu.dma_semaphore, #tpu.memory_space<semaphore_mem>>)
    %slice3A_344 = vector.extract_strided_slice %get3A_9 {offsets = [8], sizes = [1], strides = [1]} : vector<16xi32> to vector<1xi32>
    %squeeze3A_345 = vector.extract %slice3A_344[0] : i32 from vector<1xi32>
    %shift_right_arithmetic3A_346 = arith.constant 7 : i32
    %shift_right_arithmetic3A_347 = arith.shrsi %squeeze3A_345, %shift_right_arithmetic3A_346 : i32
    %min3A_348 = arith.constant 7811 : i32
    %min3A_349 = arith.minsi %shift_right_arithmetic3A_347, %min3A_348 : i32
    %mul3A_350 = arith.constant 128 : i32
    %mul3A_351 = arith.muli %min3A_349, %mul3A_350 : i32
    %dma_start3A_352 = arith.constant 1 : i32
    %dma_start3A_353 = arith.constant 0 : i32
    %dma_start3A_354 = arith.constant 0 : i32
    %dma_start3A_355 = arith.constant 0 : i32
    %dma_start3A_356 = tpu.memref_slice %arg11[%dma_start3A_352, %dma_start3A_353, %dma_start3A_354, %dma_start3A_355] : memref<2x8x16x128xf32, #tpu.memory_space<vmem>> -> memref<1x1x16x128xf32, #tpu.memory_space<vmem>>
    %dma_start3A_357 = tpu.memref_squeeze %dma_start3A_356 : memref<1x1x16x128xf32, #tpu.memory_space<vmem>> -> memref<16x128xf32, #tpu.memory_space<vmem>>
    %dma_start3A_358 = arith.constant 0 : i32
    %dma_start3A_359 = tpu.memref_slice %arg3[%dma_start3A_358, %mul3A_351] : memref<16x1000000xf32, #tpu.memory_space<hbm>> -> memref<16x128xf32, #tpu.memory_space<hbm>>
    %dma_start3A_360 = arith.constant 0 : i32
    %dma_start3A_361 = arith.constant 0 : i32
    %dma_start3A_362 = tpu.memref_slice %arg11[%dma_start3A_352, %dma_start3A_353, %dma_start3A_360, %dma_start3A_361] : memref<2x8x16x128xf32, #tpu.memory_space<vmem>> -> memref<1x1x16x128xf32, #tpu.memory_space<vmem>>
    %dma_start3A_363 = tpu.memref_squeeze %dma_start3A_362 : memref<1x1x16x128xf32, #tpu.memory_space<vmem>> -> memref<16x128xf32, #tpu.memory_space<vmem>>
    %dma_start3A_364 = arith.constant 0 : i32
    %dma_start3A_365 = tpu.memref_slice %arg3[%dma_start3A_364, %mul3A_351] : memref<16x1000000xf32, #tpu.memory_space<hbm>> -> memref<16x128xf32, #tpu.memory_space<hbm>>
    tpu.enqueue_dma source(%dma_start3A_365 : memref<16x128xf32, #tpu.memory_space<hbm>>) target(%dma_start3A_363 : memref<16x128xf32, #tpu.memory_space<vmem>>) target_semaphore(%arg18 : memref<!tpu.dma_semaphore, #tpu.memory_space<semaphore_mem>>)
    %slice3A_366 = vector.extract_strided_slice %get3A_11 {offsets = [8], sizes = [1], strides = [1]} : vector<16xi32> to vector<1xi32>
    %squeeze3A_367 = vector.extract %slice3A_366[0] : i32 from vector<1xi32>
    %shift_right_arithmetic3A_368 = arith.constant 3 : i32
    %shift_right_arithmetic3A_369 = arith.shrsi %squeeze3A_367, %shift_right_arithmetic3A_368 : i32
    %mul3A_370 = arith.constant 8 : i32
    %mul3A_371 = arith.muli %shift_right_arithmetic3A_369, %mul3A_370 : i32
    %dma_start3A_372 = arith.constant 1 : i32
    %dma_start3A_373 = arith.constant 0 : i32
    %dma_start3A_374 = arith.constant 0 : i32
    %dma_start3A_375 = arith.constant 0 : i32
    %dma_start3A_376 = tpu.memref_slice %arg12[%dma_start3A_372, %dma_start3A_373, %dma_start3A_374, %dma_start3A_375] : memref<2x8x8x32xf32, #tpu.memory_space<vmem>> -> memref<1x1x8x32xf32, #tpu.memory_space<vmem>>
    %dma_start3A_377 = tpu.memref_squeeze %dma_start3A_376 : memref<1x1x8x32xf32, #tpu.memory_space<vmem>> -> memref<8x32xf32, #tpu.memory_space<vmem>>
    %dma_start3A_378 = arith.constant 0 : i32
    %dma_start3A_379 = tpu.memref_slice %arg5[%mul3A_371, %dma_start3A_378] : memref<100000x32xf32, #tpu.memory_space<hbm>> -> memref<8x32xf32, #tpu.memory_space<hbm>>
    %dma_start3A_380 = arith.constant 0 : i32
    %dma_start3A_381 = arith.constant 0 : i32
    %dma_start3A_382 = tpu.memref_slice %arg12[%dma_start3A_372, %dma_start3A_373, %dma_start3A_380, %dma_start3A_381] : memref<2x8x8x32xf32, #tpu.memory_space<vmem>> -> memref<1x1x8x32xf32, #tpu.memory_space<vmem>>
    %dma_start3A_383 = tpu.memref_squeeze %dma_start3A_382 : memref<1x1x8x32xf32, #tpu.memory_space<vmem>> -> memref<8x32xf32, #tpu.memory_space<vmem>>
    %dma_start3A_384 = arith.constant 0 : i32
    %dma_start3A_385 = tpu.memref_slice %arg5[%mul3A_371, %dma_start3A_384] : memref<100000x32xf32, #tpu.memory_space<hbm>> -> memref<8x32xf32, #tpu.memory_space<hbm>>
    tpu.enqueue_dma source(%dma_start3A_385 : memref<8x32xf32, #tpu.memory_space<hbm>>) target(%dma_start3A_383 : memref<8x32xf32, #tpu.memory_space<vmem>>) target_semaphore(%arg19 : memref<!tpu.dma_semaphore, #tpu.memory_space<semaphore_mem>>)
    %slice3A_386 = vector.extract_strided_slice %get3A_9 {offsets = [9], sizes = [1], strides = [1]} : vector<16xi32> to vector<1xi32>
    %squeeze3A_387 = vector.extract %slice3A_386[0] : i32 from vector<1xi32>
    %shift_right_arithmetic3A_388 = arith.constant 7 : i32
    %shift_right_arithmetic3A_389 = arith.shrsi %squeeze3A_387, %shift_right_arithmetic3A_388 : i32
    %min3A_390 = arith.constant 7811 : i32
    %min3A_391 = arith.minsi %shift_right_arithmetic3A_389, %min3A_390 : i32
    %mul3A_392 = arith.constant 128 : i32
    %mul3A_393 = arith.muli %min3A_391, %mul3A_392 : i32
    %dma_start3A_394 = arith.constant 1 : i32
    %dma_start3A_395 = arith.constant 1 : i32
    %dma_start3A_396 = arith.constant 0 : i32
    %dma_start3A_397 = arith.constant 0 : i32
    %dma_start3A_398 = tpu.memref_slice %arg11[%dma_start3A_394, %dma_start3A_395, %dma_start3A_396, %dma_start3A_397] : memref<2x8x16x128xf32, #tpu.memory_space<vmem>> -> memref<1x1x16x128xf32, #tpu.memory_space<vmem>>
    %dma_start3A_399 = tpu.memref_squeeze %dma_start3A_398 : memref<1x1x16x128xf32, #tpu.memory_space<vmem>> -> memref<16x128xf32, #tpu.memory_space<vmem>>
    %dma_start3A_400 = arith.constant 0 : i32
    %dma_start3A_401 = tpu.memref_slice %arg3[%dma_start3A_400, %mul3A_393] : memref<16x1000000xf32, #tpu.memory_space<hbm>> -> memref<16x128xf32, #tpu.memory_space<hbm>>
    %dma_start3A_402 = arith.constant 0 : i32
    %dma_start3A_403 = arith.constant 0 : i32
    %dma_start3A_404 = tpu.memref_slice %arg11[%dma_start3A_394, %dma_start3A_395, %dma_start3A_402, %dma_start3A_403] : memref<2x8x16x128xf32, #tpu.memory_space<vmem>> -> memref<1x1x16x128xf32, #tpu.memory_space<vmem>>
    %dma_start3A_405 = tpu.memref_squeeze %dma_start3A_404 : memref<1x1x16x128xf32, #tpu.memory_space<vmem>> -> memref<16x128xf32, #tpu.memory_space<vmem>>
    %dma_start3A_406 = arith.constant 0 : i32
    %dma_start3A_407 = tpu.memref_slice %arg3[%dma_start3A_406, %mul3A_393] : memref<16x1000000xf32, #tpu.memory_space<hbm>> -> memref<16x128xf32, #tpu.memory_space<hbm>>
    tpu.enqueue_dma source(%dma_start3A_407 : memref<16x128xf32, #tpu.memory_space<hbm>>) target(%dma_start3A_405 : memref<16x128xf32, #tpu.memory_space<vmem>>) target_semaphore(%arg18 : memref<!tpu.dma_semaphore, #tpu.memory_space<semaphore_mem>>)
    %slice3A_408 = vector.extract_strided_slice %get3A_11 {offsets = [9], sizes = [1], strides = [1]} : vector<16xi32> to vector<1xi32>
    %squeeze3A_409 = vector.extract %slice3A_408[0] : i32 from vector<1xi32>
    %shift_right_arithmetic3A_410 = arith.constant 3 : i32
    %shift_right_arithmetic3A_411 = arith.shrsi %squeeze3A_409, %shift_right_arithmetic3A_410 : i32
    %mul3A_412 = arith.constant 8 : i32
    %mul3A_413 = arith.muli %shift_right_arithmetic3A_411, %mul3A_412 : i32
    %dma_start3A_414 = arith.constant 1 : i32
    %dma_start3A_415 = arith.constant 1 : i32
    %dma_start3A_416 = arith.constant 0 : i32
    %dma_start3A_417 = arith.constant 0 : i32
    %dma_start3A_418 = tpu.memref_slice %arg12[%dma_start3A_414, %dma_start3A_415, %dma_start3A_416, %dma_start3A_417] : memref<2x8x8x32xf32, #tpu.memory_space<vmem>> -> memref<1x1x8x32xf32, #tpu.memory_space<vmem>>
    %dma_start3A_419 = tpu.memref_squeeze %dma_start3A_418 : memref<1x1x8x32xf32, #tpu.memory_space<vmem>> -> memref<8x32xf32, #tpu.memory_space<vmem>>
    %dma_start3A_420 = arith.constant 0 : i32
    %dma_start3A_421 = tpu.memref_slice %arg5[%mul3A_413, %dma_start3A_420] : memref<100000x32xf32, #tpu.memory_space<hbm>> -> memref<8x32xf32, #tpu.memory_space<hbm>>
    %dma_start3A_422 = arith.constant 0 : i32
    %dma_start3A_423 = arith.constant 0 : i32
    %dma_start3A_424 = tpu.memref_slice %arg12[%dma_start3A_414, %dma_start3A_415, %dma_start3A_422, %dma_start3A_423] : memref<2x8x8x32xf32, #tpu.memory_space<vmem>> -> memref<1x1x8x32xf32, #tpu.memory_space<vmem>>
    %dma_start3A_425 = tpu.memref_squeeze %dma_start3A_424 : memref<1x1x8x32xf32, #tpu.memory_space<vmem>> -> memref<8x32xf32, #tpu.memory_space<vmem>>
    %dma_start3A_426 = arith.constant 0 : i32
    %dma_start3A_427 = tpu.memref_slice %arg5[%mul3A_413, %dma_start3A_426] : memref<100000x32xf32, #tpu.memory_space<hbm>> -> memref<8x32xf32, #tpu.memory_space<hbm>>
    tpu.enqueue_dma source(%dma_start3A_427 : memref<8x32xf32, #tpu.memory_space<hbm>>) target(%dma_start3A_425 : memref<8x32xf32, #tpu.memory_space<vmem>>) target_semaphore(%arg19 : memref<!tpu.dma_semaphore, #tpu.memory_space<semaphore_mem>>)
    %slice3A_428 = vector.extract_strided_slice %get3A_9 {offsets = [10], sizes = [1], strides = [1]} : vector<16xi32> to vector<1xi32>
    %squeeze3A_429 = vector.extract %slice3A_428[0] : i32 from vector<1xi32>
    %shift_right_arithmetic3A_430 = arith.constant 7 : i32
    %shift_right_arithmetic3A_431 = arith.shrsi %squeeze3A_429, %shift_right_arithmetic3A_430 : i32
    %min3A_432 = arith.constant 7811 : i32
    %min3A_433 = arith.minsi %shift_right_arithmetic3A_431, %min3A_432 : i32
    %mul3A_434 = arith.constant 128 : i32
    %mul3A_435 = arith.muli %min3A_433, %mul3A_434 : i32
    %dma_start3A_436 = arith.constant 1 : i32
    %dma_start3A_437 = arith.constant 2 : i32
    %dma_start3A_438 = arith.constant 0 : i32
    %dma_start3A_439 = arith.constant 0 : i32
    %dma_start3A_440 = tpu.memref_slice %arg11[%dma_start3A_436, %dma_start3A_437, %dma_start3A_438, %dma_start3A_439] : memref<2x8x16x128xf32, #tpu.memory_space<vmem>> -> memref<1x1x16x128xf32, #tpu.memory_space<vmem>>
    %dma_start3A_441 = tpu.memref_squeeze %dma_start3A_440 : memref<1x1x16x128xf32, #tpu.memory_space<vmem>> -> memref<16x128xf32, #tpu.memory_space<vmem>>
    %dma_start3A_442 = arith.constant 0 : i32
    %dma_start3A_443 = tpu.memref_slice %arg3[%dma_start3A_442, %mul3A_435] : memref<16x1000000xf32, #tpu.memory_space<hbm>> -> memref<16x128xf32, #tpu.memory_space<hbm>>
    %dma_start3A_444 = arith.constant 0 : i32
    %dma_start3A_445 = arith.constant 0 : i32
    %dma_start3A_446 = tpu.memref_slice %arg11[%dma_start3A_436, %dma_start3A_437, %dma_start3A_444, %dma_start3A_445] : memref<2x8x16x128xf32, #tpu.memory_space<vmem>> -> memref<1x1x16x128xf32, #tpu.memory_space<vmem>>
    %dma_start3A_447 = tpu.memref_squeeze %dma_start3A_446 : memref<1x1x16x128xf32, #tpu.memory_space<vmem>> -> memref<16x128xf32, #tpu.memory_space<vmem>>
    %dma_start3A_448 = arith.constant 0 : i32
    %dma_start3A_449 = tpu.memref_slice %arg3[%dma_start3A_448, %mul3A_435] : memref<16x1000000xf32, #tpu.memory_space<hbm>> -> memref<16x128xf32, #tpu.memory_space<hbm>>
    tpu.enqueue_dma source(%dma_start3A_449 : memref<16x128xf32, #tpu.memory_space<hbm>>) target(%dma_start3A_447 : memref<16x128xf32, #tpu.memory_space<vmem>>) target_semaphore(%arg18 : memref<!tpu.dma_semaphore, #tpu.memory_space<semaphore_mem>>)
    %slice3A_450 = vector.extract_strided_slice %get3A_11 {offsets = [10], sizes = [1], strides = [1]} : vector<16xi32> to vector<1xi32>
    %squeeze3A_451 = vector.extract %slice3A_450[0] : i32 from vector<1xi32>
    %shift_right_arithmetic3A_452 = arith.constant 3 : i32
    %shift_right_arithmetic3A_453 = arith.shrsi %squeeze3A_451, %shift_right_arithmetic3A_452 : i32
    %mul3A_454 = arith.constant 8 : i32
    %mul3A_455 = arith.muli %shift_right_arithmetic3A_453, %mul3A_454 : i32
    %dma_start3A_456 = arith.constant 1 : i32
    %dma_start3A_457 = arith.constant 2 : i32
    %dma_start3A_458 = arith.constant 0 : i32
    %dma_start3A_459 = arith.constant 0 : i32
    %dma_start3A_460 = tpu.memref_slice %arg12[%dma_start3A_456, %dma_start3A_457, %dma_start3A_458, %dma_start3A_459] : memref<2x8x8x32xf32, #tpu.memory_space<vmem>> -> memref<1x1x8x32xf32, #tpu.memory_space<vmem>>
    %dma_start3A_461 = tpu.memref_squeeze %dma_start3A_460 : memref<1x1x8x32xf32, #tpu.memory_space<vmem>> -> memref<8x32xf32, #tpu.memory_space<vmem>>
    %dma_start3A_462 = arith.constant 0 : i32
    %dma_start3A_463 = tpu.memref_slice %arg5[%mul3A_455, %dma_start3A_462] : memref<100000x32xf32, #tpu.memory_space<hbm>> -> memref<8x32xf32, #tpu.memory_space<hbm>>
    %dma_start3A_464 = arith.constant 0 : i32
    %dma_start3A_465 = arith.constant 0 : i32
    %dma_start3A_466 = tpu.memref_slice %arg12[%dma_start3A_456, %dma_start3A_457, %dma_start3A_464, %dma_start3A_465] : memref<2x8x8x32xf32, #tpu.memory_space<vmem>> -> memref<1x1x8x32xf32, #tpu.memory_space<vmem>>
    %dma_start3A_467 = tpu.memref_squeeze %dma_start3A_466 : memref<1x1x8x32xf32, #tpu.memory_space<vmem>> -> memref<8x32xf32, #tpu.memory_space<vmem>>
    %dma_start3A_468 = arith.constant 0 : i32
    %dma_start3A_469 = tpu.memref_slice %arg5[%mul3A_455, %dma_start3A_468] : memref<100000x32xf32, #tpu.memory_space<hbm>> -> memref<8x32xf32, #tpu.memory_space<hbm>>
    tpu.enqueue_dma source(%dma_start3A_469 : memref<8x32xf32, #tpu.memory_space<hbm>>) target(%dma_start3A_467 : memref<8x32xf32, #tpu.memory_space<vmem>>) target_semaphore(%arg19 : memref<!tpu.dma_semaphore, #tpu.memory_space<semaphore_mem>>)
    %slice3A_470 = vector.extract_strided_slice %get3A_9 {offsets = [11], sizes = [1], strides = [1]} : vector<16xi32> to vector<1xi32>
    %squeeze3A_471 = vector.extract %slice3A_470[0] : i32 from vector<1xi32>
    %shift_right_arithmetic3A_472 = arith.constant 7 : i32
    %shift_right_arithmetic3A_473 = arith.shrsi %squeeze3A_471, %shift_right_arithmetic3A_472 : i32
    %min3A_474 = arith.constant 7811 : i32
    %min3A_475 = arith.minsi %shift_right_arithmetic3A_473, %min3A_474 : i32
    %mul3A_476 = arith.constant 128 : i32
    %mul3A_477 = arith.muli %min3A_475, %mul3A_476 : i32
    %dma_start3A_478 = arith.constant 1 : i32
    %dma_start3A_479 = arith.constant 3 : i32
    %dma_start3A_480 = arith.constant 0 : i32
    %dma_start3A_481 = arith.constant 0 : i32
    %dma_start3A_482 = tpu.memref_slice %arg11[%dma_start3A_478, %dma_start3A_479, %dma_start3A_480, %dma_start3A_481] : memref<2x8x16x128xf32, #tpu.memory_space<vmem>> -> memref<1x1x16x128xf32, #tpu.memory_space<vmem>>
    %dma_start3A_483 = tpu.memref_squeeze %dma_start3A_482 : memref<1x1x16x128xf32, #tpu.memory_space<vmem>> -> memref<16x128xf32, #tpu.memory_space<vmem>>
    %dma_start3A_484 = arith.constant 0 : i32
    %dma_start3A_485 = tpu.memref_slice %arg3[%dma_start3A_484, %mul3A_477] : memref<16x1000000xf32, #tpu.memory_space<hbm>> -> memref<16x128xf32, #tpu.memory_space<hbm>>
    %dma_start3A_486 = arith.constant 0 : i32
    %dma_start3A_487 = arith.constant 0 : i32
    %dma_start3A_488 = tpu.memref_slice %arg11[%dma_start3A_478, %dma_start3A_479, %dma_start3A_486, %dma_start3A_487] : memref<2x8x16x128xf32, #tpu.memory_space<vmem>> -> memref<1x1x16x128xf32, #tpu.memory_space<vmem>>
    %dma_start3A_489 = tpu.memref_squeeze %dma_start3A_488 : memref<1x1x16x128xf32, #tpu.memory_space<vmem>> -> memref<16x128xf32, #tpu.memory_space<vmem>>
    %dma_start3A_490 = arith.constant 0 : i32
    %dma_start3A_491 = tpu.memref_slice %arg3[%dma_start3A_490, %mul3A_477] : memref<16x1000000xf32, #tpu.memory_space<hbm>> -> memref<16x128xf32, #tpu.memory_space<hbm>>
    tpu.enqueue_dma source(%dma_start3A_491 : memref<16x128xf32, #tpu.memory_space<hbm>>) target(%dma_start3A_489 : memref<16x128xf32, #tpu.memory_space<vmem>>) target_semaphore(%arg18 : memref<!tpu.dma_semaphore, #tpu.memory_space<semaphore_mem>>)
    %slice3A_492 = vector.extract_strided_slice %get3A_11 {offsets = [11], sizes = [1], strides = [1]} : vector<16xi32> to vector<1xi32>
    %squeeze3A_493 = vector.extract %slice3A_492[0] : i32 from vector<1xi32>
    %shift_right_arithmetic3A_494 = arith.constant 3 : i32
    %shift_right_arithmetic3A_495 = arith.shrsi %squeeze3A_493, %shift_right_arithmetic3A_494 : i32
    %mul3A_496 = arith.constant 8 : i32
    %mul3A_497 = arith.muli %shift_right_arithmetic3A_495, %mul3A_496 : i32
    %dma_start3A_498 = arith.constant 1 : i32
    %dma_start3A_499 = arith.constant 3 : i32
    %dma_start3A_500 = arith.constant 0 : i32
    %dma_start3A_501 = arith.constant 0 : i32
    %dma_start3A_502 = tpu.memref_slice %arg12[%dma_start3A_498, %dma_start3A_499, %dma_start3A_500, %dma_start3A_501] : memref<2x8x8x32xf32, #tpu.memory_space<vmem>> -> memref<1x1x8x32xf32, #tpu.memory_space<vmem>>
    %dma_start3A_503 = tpu.memref_squeeze %dma_start3A_502 : memref<1x1x8x32xf32, #tpu.memory_space<vmem>> -> memref<8x32xf32, #tpu.memory_space<vmem>>
    %dma_start3A_504 = arith.constant 0 : i32
    %dma_start3A_505 = tpu.memref_slice %arg5[%mul3A_497, %dma_start3A_504] : memref<100000x32xf32, #tpu.memory_space<hbm>> -> memref<8x32xf32, #tpu.memory_space<hbm>>
    %dma_start3A_506 = arith.constant 0 : i32
    %dma_start3A_507 = arith.constant 0 : i32
    %dma_start3A_508 = tpu.memref_slice %arg12[%dma_start3A_498, %dma_start3A_499, %dma_start3A_506, %dma_start3A_507] : memref<2x8x8x32xf32, #tpu.memory_space<vmem>> -> memref<1x1x8x32xf32, #tpu.memory_space<vmem>>
    %dma_start3A_509 = tpu.memref_squeeze %dma_start3A_508 : memref<1x1x8x32xf32, #tpu.memory_space<vmem>> -> memref<8x32xf32, #tpu.memory_space<vmem>>
    %dma_start3A_510 = arith.constant 0 : i32
    %dma_start3A_511 = tpu.memref_slice %arg5[%mul3A_497, %dma_start3A_510] : memref<100000x32xf32, #tpu.memory_space<hbm>> -> memref<8x32xf32, #tpu.memory_space<hbm>>
    tpu.enqueue_dma source(%dma_start3A_511 : memref<8x32xf32, #tpu.memory_space<hbm>>) target(%dma_start3A_509 : memref<8x32xf32, #tpu.memory_space<vmem>>) target_semaphore(%arg19 : memref<!tpu.dma_semaphore, #tpu.memory_space<semaphore_mem>>)
    %slice3A_512 = vector.extract_strided_slice %get3A_9 {offsets = [12], sizes = [1], strides = [1]} : vector<16xi32> to vector<1xi32>
    %squeeze3A_513 = vector.extract %slice3A_512[0] : i32 from vector<1xi32>
    %shift_right_arithmetic3A_514 = arith.constant 7 : i32
    %shift_right_arithmetic3A_515 = arith.shrsi %squeeze3A_513, %shift_right_arithmetic3A_514 : i32
    %min3A_516 = arith.constant 7811 : i32
    %min3A_517 = arith.minsi %shift_right_arithmetic3A_515, %min3A_516 : i32
    %mul3A_518 = arith.constant 128 : i32
    %mul3A_519 = arith.muli %min3A_517, %mul3A_518 : i32
    %dma_start3A_520 = arith.constant 1 : i32
    %dma_start3A_521 = arith.constant 4 : i32
    %dma_start3A_522 = arith.constant 0 : i32
    %dma_start3A_523 = arith.constant 0 : i32
    %dma_start3A_524 = tpu.memref_slice %arg11[%dma_start3A_520, %dma_start3A_521, %dma_start3A_522, %dma_start3A_523] : memref<2x8x16x128xf32, #tpu.memory_space<vmem>> -> memref<1x1x16x128xf32, #tpu.memory_space<vmem>>
    %dma_start3A_525 = tpu.memref_squeeze %dma_start3A_524 : memref<1x1x16x128xf32, #tpu.memory_space<vmem>> -> memref<16x128xf32, #tpu.memory_space<vmem>>
    %dma_start3A_526 = arith.constant 0 : i32
    %dma_start3A_527 = tpu.memref_slice %arg3[%dma_start3A_526, %mul3A_519] : memref<16x1000000xf32, #tpu.memory_space<hbm>> -> memref<16x128xf32, #tpu.memory_space<hbm>>
    %dma_start3A_528 = arith.constant 0 : i32
    %dma_start3A_529 = arith.constant 0 : i32
    %dma_start3A_530 = tpu.memref_slice %arg11[%dma_start3A_520, %dma_start3A_521, %dma_start3A_528, %dma_start3A_529] : memref<2x8x16x128xf32, #tpu.memory_space<vmem>> -> memref<1x1x16x128xf32, #tpu.memory_space<vmem>>
    %dma_start3A_531 = tpu.memref_squeeze %dma_start3A_530 : memref<1x1x16x128xf32, #tpu.memory_space<vmem>> -> memref<16x128xf32, #tpu.memory_space<vmem>>
    %dma_start3A_532 = arith.constant 0 : i32
    %dma_start3A_533 = tpu.memref_slice %arg3[%dma_start3A_532, %mul3A_519] : memref<16x1000000xf32, #tpu.memory_space<hbm>> -> memref<16x128xf32, #tpu.memory_space<hbm>>
    tpu.enqueue_dma source(%dma_start3A_533 : memref<16x128xf32, #tpu.memory_space<hbm>>) target(%dma_start3A_531 : memref<16x128xf32, #tpu.memory_space<vmem>>) target_semaphore(%arg18 : memref<!tpu.dma_semaphore, #tpu.memory_space<semaphore_mem>>)
    %slice3A_534 = vector.extract_strided_slice %get3A_11 {offsets = [12], sizes = [1], strides = [1]} : vector<16xi32> to vector<1xi32>
    %squeeze3A_535 = vector.extract %slice3A_534[0] : i32 from vector<1xi32>
    %shift_right_arithmetic3A_536 = arith.constant 3 : i32
    %shift_right_arithmetic3A_537 = arith.shrsi %squeeze3A_535, %shift_right_arithmetic3A_536 : i32
    %mul3A_538 = arith.constant 8 : i32
    %mul3A_539 = arith.muli %shift_right_arithmetic3A_537, %mul3A_538 : i32
    %dma_start3A_540 = arith.constant 1 : i32
    %dma_start3A_541 = arith.constant 4 : i32
    %dma_start3A_542 = arith.constant 0 : i32
    %dma_start3A_543 = arith.constant 0 : i32
    %dma_start3A_544 = tpu.memref_slice %arg12[%dma_start3A_540, %dma_start3A_541, %dma_start3A_542, %dma_start3A_543] : memref<2x8x8x32xf32, #tpu.memory_space<vmem>> -> memref<1x1x8x32xf32, #tpu.memory_space<vmem>>
    %dma_start3A_545 = tpu.memref_squeeze %dma_start3A_544 : memref<1x1x8x32xf32, #tpu.memory_space<vmem>> -> memref<8x32xf32, #tpu.memory_space<vmem>>
    %dma_start3A_546 = arith.constant 0 : i32
    %dma_start3A_547 = tpu.memref_slice %arg5[%mul3A_539, %dma_start3A_546] : memref<100000x32xf32, #tpu.memory_space<hbm>> -> memref<8x32xf32, #tpu.memory_space<hbm>>
    %dma_start3A_548 = arith.constant 0 : i32
    %dma_start3A_549 = arith.constant 0 : i32
    %dma_start3A_550 = tpu.memref_slice %arg12[%dma_start3A_540, %dma_start3A_541, %dma_start3A_548, %dma_start3A_549] : memref<2x8x8x32xf32, #tpu.memory_space<vmem>> -> memref<1x1x8x32xf32, #tpu.memory_space<vmem>>
    %dma_start3A_551 = tpu.memref_squeeze %dma_start3A_550 : memref<1x1x8x32xf32, #tpu.memory_space<vmem>> -> memref<8x32xf32, #tpu.memory_space<vmem>>
    %dma_start3A_552 = arith.constant 0 : i32
    %dma_start3A_553 = tpu.memref_slice %arg5[%mul3A_539, %dma_start3A_552] : memref<100000x32xf32, #tpu.memory_space<hbm>> -> memref<8x32xf32, #tpu.memory_space<hbm>>
    tpu.enqueue_dma source(%dma_start3A_553 : memref<8x32xf32, #tpu.memory_space<hbm>>) target(%dma_start3A_551 : memref<8x32xf32, #tpu.memory_space<vmem>>) target_semaphore(%arg19 : memref<!tpu.dma_semaphore, #tpu.memory_space<semaphore_mem>>)
    %slice3A_554 = vector.extract_strided_slice %get3A_9 {offsets = [13], sizes = [1], strides = [1]} : vector<16xi32> to vector<1xi32>
    %squeeze3A_555 = vector.extract %slice3A_554[0] : i32 from vector<1xi32>
    %shift_right_arithmetic3A_556 = arith.constant 7 : i32
    %shift_right_arithmetic3A_557 = arith.shrsi %squeeze3A_555, %shift_right_arithmetic3A_556 : i32
    %min3A_558 = arith.constant 7811 : i32
    %min3A_559 = arith.minsi %shift_right_arithmetic3A_557, %min3A_558 : i32
    %mul3A_560 = arith.constant 128 : i32
    %mul3A_561 = arith.muli %min3A_559, %mul3A_560 : i32
    %dma_start3A_562 = arith.constant 1 : i32
    %dma_start3A_563 = arith.constant 5 : i32
    %dma_start3A_564 = arith.constant 0 : i32
    %dma_start3A_565 = arith.constant 0 : i32
    %dma_start3A_566 = tpu.memref_slice %arg11[%dma_start3A_562, %dma_start3A_563, %dma_start3A_564, %dma_start3A_565] : memref<2x8x16x128xf32, #tpu.memory_space<vmem>> -> memref<1x1x16x128xf32, #tpu.memory_space<vmem>>
    %dma_start3A_567 = tpu.memref_squeeze %dma_start3A_566 : memref<1x1x16x128xf32, #tpu.memory_space<vmem>> -> memref<16x128xf32, #tpu.memory_space<vmem>>
    %dma_start3A_568 = arith.constant 0 : i32
    %dma_start3A_569 = tpu.memref_slice %arg3[%dma_start3A_568, %mul3A_561] : memref<16x1000000xf32, #tpu.memory_space<hbm>> -> memref<16x128xf32, #tpu.memory_space<hbm>>
    %dma_start3A_570 = arith.constant 0 : i32
    %dma_start3A_571 = arith.constant 0 : i32
    %dma_start3A_572 = tpu.memref_slice %arg11[%dma_start3A_562, %dma_start3A_563, %dma_start3A_570, %dma_start3A_571] : memref<2x8x16x128xf32, #tpu.memory_space<vmem>> -> memref<1x1x16x128xf32, #tpu.memory_space<vmem>>
    %dma_start3A_573 = tpu.memref_squeeze %dma_start3A_572 : memref<1x1x16x128xf32, #tpu.memory_space<vmem>> -> memref<16x128xf32, #tpu.memory_space<vmem>>
    %dma_start3A_574 = arith.constant 0 : i32
    %dma_start3A_575 = tpu.memref_slice %arg3[%dma_start3A_574, %mul3A_561] : memref<16x1000000xf32, #tpu.memory_space<hbm>> -> memref<16x128xf32, #tpu.memory_space<hbm>>
    tpu.enqueue_dma source(%dma_start3A_575 : memref<16x128xf32, #tpu.memory_space<hbm>>) target(%dma_start3A_573 : memref<16x128xf32, #tpu.memory_space<vmem>>) target_semaphore(%arg18 : memref<!tpu.dma_semaphore, #tpu.memory_space<semaphore_mem>>)
    %slice3A_576 = vector.extract_strided_slice %get3A_11 {offsets = [13], sizes = [1], strides = [1]} : vector<16xi32> to vector<1xi32>
    %squeeze3A_577 = vector.extract %slice3A_576[0] : i32 from vector<1xi32>
    %shift_right_arithmetic3A_578 = arith.constant 3 : i32
    %shift_right_arithmetic3A_579 = arith.shrsi %squeeze3A_577, %shift_right_arithmetic3A_578 : i32
    %mul3A_580 = arith.constant 8 : i32
    %mul3A_581 = arith.muli %shift_right_arithmetic3A_579, %mul3A_580 : i32
    %dma_start3A_582 = arith.constant 1 : i32
    %dma_start3A_583 = arith.constant 5 : i32
    %dma_start3A_584 = arith.constant 0 : i32
    %dma_start3A_585 = arith.constant 0 : i32
    %dma_start3A_586 = tpu.memref_slice %arg12[%dma_start3A_582, %dma_start3A_583, %dma_start3A_584, %dma_start3A_585] : memref<2x8x8x32xf32, #tpu.memory_space<vmem>> -> memref<1x1x8x32xf32, #tpu.memory_space<vmem>>
    %dma_start3A_587 = tpu.memref_squeeze %dma_start3A_586 : memref<1x1x8x32xf32, #tpu.memory_space<vmem>> -> memref<8x32xf32, #tpu.memory_space<vmem>>
    %dma_start3A_588 = arith.constant 0 : i32
    %dma_start3A_589 = tpu.memref_slice %arg5[%mul3A_581, %dma_start3A_588] : memref<100000x32xf32, #tpu.memory_space<hbm>> -> memref<8x32xf32, #tpu.memory_space<hbm>>
    %dma_start3A_590 = arith.constant 0 : i32
    %dma_start3A_591 = arith.constant 0 : i32
    %dma_start3A_592 = tpu.memref_slice %arg12[%dma_start3A_582, %dma_start3A_583, %dma_start3A_590, %dma_start3A_591] : memref<2x8x8x32xf32, #tpu.memory_space<vmem>> -> memref<1x1x8x32xf32, #tpu.memory_space<vmem>>
    %dma_start3A_593 = tpu.memref_squeeze %dma_start3A_592 : memref<1x1x8x32xf32, #tpu.memory_space<vmem>> -> memref<8x32xf32, #tpu.memory_space<vmem>>
    %dma_start3A_594 = arith.constant 0 : i32
    %dma_start3A_595 = tpu.memref_slice %arg5[%mul3A_581, %dma_start3A_594] : memref<100000x32xf32, #tpu.memory_space<hbm>> -> memref<8x32xf32, #tpu.memory_space<hbm>>
    tpu.enqueue_dma source(%dma_start3A_595 : memref<8x32xf32, #tpu.memory_space<hbm>>) target(%dma_start3A_593 : memref<8x32xf32, #tpu.memory_space<vmem>>) target_semaphore(%arg19 : memref<!tpu.dma_semaphore, #tpu.memory_space<semaphore_mem>>)
    %slice3A_596 = vector.extract_strided_slice %get3A_9 {offsets = [14], sizes = [1], strides = [1]} : vector<16xi32> to vector<1xi32>
    %squeeze3A_597 = vector.extract %slice3A_596[0] : i32 from vector<1xi32>
    %shift_right_arithmetic3A_598 = arith.constant 7 : i32
    %shift_right_arithmetic3A_599 = arith.shrsi %squeeze3A_597, %shift_right_arithmetic3A_598 : i32
    %min3A_600 = arith.constant 7811 : i32
    %min3A_601 = arith.minsi %shift_right_arithmetic3A_599, %min3A_600 : i32
    %mul3A_602 = arith.constant 128 : i32
    %mul3A_603 = arith.muli %min3A_601, %mul3A_602 : i32
    %dma_start3A_604 = arith.constant 1 : i32
    %dma_start3A_605 = arith.constant 6 : i32
    %dma_start3A_606 = arith.constant 0 : i32
    %dma_start3A_607 = arith.constant 0 : i32
    %dma_start3A_608 = tpu.memref_slice %arg11[%dma_start3A_604, %dma_start3A_605, %dma_start3A_606, %dma_start3A_607] : memref<2x8x16x128xf32, #tpu.memory_space<vmem>> -> memref<1x1x16x128xf32, #tpu.memory_space<vmem>>
    %dma_start3A_609 = tpu.memref_squeeze %dma_start3A_608 : memref<1x1x16x128xf32, #tpu.memory_space<vmem>> -> memref<16x128xf32, #tpu.memory_space<vmem>>
    %dma_start3A_610 = arith.constant 0 : i32
    %dma_start3A_611 = tpu.memref_slice %arg3[%dma_start3A_610, %mul3A_603] : memref<16x1000000xf32, #tpu.memory_space<hbm>> -> memref<16x128xf32, #tpu.memory_space<hbm>>
    %dma_start3A_612 = arith.constant 0 : i32
    %dma_start3A_613 = arith.constant 0 : i32
    %dma_start3A_614 = tpu.memref_slice %arg11[%dma_start3A_604, %dma_start3A_605, %dma_start3A_612, %dma_start3A_613] : memref<2x8x16x128xf32, #tpu.memory_space<vmem>> -> memref<1x1x16x128xf32, #tpu.memory_space<vmem>>
    %dma_start3A_615 = tpu.memref_squeeze %dma_start3A_614 : memref<1x1x16x128xf32, #tpu.memory_space<vmem>> -> memref<16x128xf32, #tpu.memory_space<vmem>>
    %dma_start3A_616 = arith.constant 0 : i32
    %dma_start3A_617 = tpu.memref_slice %arg3[%dma_start3A_616, %mul3A_603] : memref<16x1000000xf32, #tpu.memory_space<hbm>> -> memref<16x128xf32, #tpu.memory_space<hbm>>
    tpu.enqueue_dma source(%dma_start3A_617 : memref<16x128xf32, #tpu.memory_space<hbm>>) target(%dma_start3A_615 : memref<16x128xf32, #tpu.memory_space<vmem>>) target_semaphore(%arg18 : memref<!tpu.dma_semaphore, #tpu.memory_space<semaphore_mem>>)
    %slice3A_618 = vector.extract_strided_slice %get3A_11 {offsets = [14], sizes = [1], strides = [1]} : vector<16xi32> to vector<1xi32>
    %squeeze3A_619 = vector.extract %slice3A_618[0] : i32 from vector<1xi32>
    %shift_right_arithmetic3A_620 = arith.constant 3 : i32
    %shift_right_arithmetic3A_621 = arith.shrsi %squeeze3A_619, %shift_right_arithmetic3A_620 : i32
    %mul3A_622 = arith.constant 8 : i32
    %mul3A_623 = arith.muli %shift_right_arithmetic3A_621, %mul3A_622 : i32
    %dma_start3A_624 = arith.constant 1 : i32
    %dma_start3A_625 = arith.constant 6 : i32
    %dma_start3A_626 = arith.constant 0 : i32
    %dma_start3A_627 = arith.constant 0 : i32
    %dma_start3A_628 = tpu.memref_slice %arg12[%dma_start3A_624, %dma_start3A_625, %dma_start3A_626, %dma_start3A_627] : memref<2x8x8x32xf32, #tpu.memory_space<vmem>> -> memref<1x1x8x32xf32, #tpu.memory_space<vmem>>
    %dma_start3A_629 = tpu.memref_squeeze %dma_start3A_628 : memref<1x1x8x32xf32, #tpu.memory_space<vmem>> -> memref<8x32xf32, #tpu.memory_space<vmem>>
    %dma_start3A_630 = arith.constant 0 : i32
    %dma_start3A_631 = tpu.memref_slice %arg5[%mul3A_623, %dma_start3A_630] : memref<100000x32xf32, #tpu.memory_space<hbm>> -> memref<8x32xf32, #tpu.memory_space<hbm>>
    %dma_start3A_632 = arith.constant 0 : i32
    %dma_start3A_633 = arith.constant 0 : i32
    %dma_start3A_634 = tpu.memref_slice %arg12[%dma_start3A_624, %dma_start3A_625, %dma_start3A_632, %dma_start3A_633] : memref<2x8x8x32xf32, #tpu.memory_space<vmem>> -> memref<1x1x8x32xf32, #tpu.memory_space<vmem>>
    %dma_start3A_635 = tpu.memref_squeeze %dma_start3A_634 : memref<1x1x8x32xf32, #tpu.memory_space<vmem>> -> memref<8x32xf32, #tpu.memory_space<vmem>>
    %dma_start3A_636 = arith.constant 0 : i32
    %dma_start3A_637 = tpu.memref_slice %arg5[%mul3A_623, %dma_start3A_636] : memref<100000x32xf32, #tpu.memory_space<hbm>> -> memref<8x32xf32, #tpu.memory_space<hbm>>
    tpu.enqueue_dma source(%dma_start3A_637 : memref<8x32xf32, #tpu.memory_space<hbm>>) target(%dma_start3A_635 : memref<8x32xf32, #tpu.memory_space<vmem>>) target_semaphore(%arg19 : memref<!tpu.dma_semaphore, #tpu.memory_space<semaphore_mem>>)
    %slice3A_638 = vector.extract_strided_slice %get3A_9 {offsets = [15], sizes = [1], strides = [1]} : vector<16xi32> to vector<1xi32>
    %squeeze3A_639 = vector.extract %slice3A_638[0] : i32 from vector<1xi32>
    %shift_right_arithmetic3A_640 = arith.constant 7 : i32
    %shift_right_arithmetic3A_641 = arith.shrsi %squeeze3A_639, %shift_right_arithmetic3A_640 : i32
    %min3A_642 = arith.constant 7811 : i32
    %min3A_643 = arith.minsi %shift_right_arithmetic3A_641, %min3A_642 : i32
    %mul3A_644 = arith.constant 128 : i32
    %mul3A_645 = arith.muli %min3A_643, %mul3A_644 : i32
    %dma_start3A_646 = arith.constant 1 : i32
    %dma_start3A_647 = arith.constant 7 : i32
    %dma_start3A_648 = arith.constant 0 : i32
    %dma_start3A_649 = arith.constant 0 : i32
    %dma_start3A_650 = tpu.memref_slice %arg11[%dma_start3A_646, %dma_start3A_647, %dma_start3A_648, %dma_start3A_649] : memref<2x8x16x128xf32, #tpu.memory_space<vmem>> -> memref<1x1x16x128xf32, #tpu.memory_space<vmem>>
    %dma_start3A_651 = tpu.memref_squeeze %dma_start3A_650 : memref<1x1x16x128xf32, #tpu.memory_space<vmem>> -> memref<16x128xf32, #tpu.memory_space<vmem>>
    %dma_start3A_652 = arith.constant 0 : i32
    %dma_start3A_653 = tpu.memref_slice %arg3[%dma_start3A_652, %mul3A_645] : memref<16x1000000xf32, #tpu.memory_space<hbm>> -> memref<16x128xf32, #tpu.memory_space<hbm>>
    %dma_start3A_654 = arith.constant 0 : i32
    %dma_start3A_655 = arith.constant 0 : i32
    %dma_start3A_656 = tpu.memref_slice %arg11[%dma_start3A_646, %dma_start3A_647, %dma_start3A_654, %dma_start3A_655] : memref<2x8x16x128xf32, #tpu.memory_space<vmem>> -> memref<1x1x16x128xf32, #tpu.memory_space<vmem>>
    %dma_start3A_657 = tpu.memref_squeeze %dma_start3A_656 : memref<1x1x16x128xf32, #tpu.memory_space<vmem>> -> memref<16x128xf32, #tpu.memory_space<vmem>>
    %dma_start3A_658 = arith.constant 0 : i32
    %dma_start3A_659 = tpu.memref_slice %arg3[%dma_start3A_658, %mul3A_645] : memref<16x1000000xf32, #tpu.memory_space<hbm>> -> memref<16x128xf32, #tpu.memory_space<hbm>>
    tpu.enqueue_dma source(%dma_start3A_659 : memref<16x128xf32, #tpu.memory_space<hbm>>) target(%dma_start3A_657 : memref<16x128xf32, #tpu.memory_space<vmem>>) target_semaphore(%arg18 : memref<!tpu.dma_semaphore, #tpu.memory_space<semaphore_mem>>)
    %slice3A_660 = vector.extract_strided_slice %get3A_11 {offsets = [15], sizes = [1], strides = [1]} : vector<16xi32> to vector<1xi32>
    %squeeze3A_661 = vector.extract %slice3A_660[0] : i32 from vector<1xi32>
    %shift_right_arithmetic3A_662 = arith.constant 3 : i32
    %shift_right_arithmetic3A_663 = arith.shrsi %squeeze3A_661, %shift_right_arithmetic3A_662 : i32
    %mul3A_664 = arith.constant 8 : i32
    %mul3A_665 = arith.muli %shift_right_arithmetic3A_663, %mul3A_664 : i32
    %dma_start3A_666 = arith.constant 1 : i32
    %dma_start3A_667 = arith.constant 7 : i32
    %dma_start3A_668 = arith.constant 0 : i32
    %dma_start3A_669 = arith.constant 0 : i32
    %dma_start3A_670 = tpu.memref_slice %arg12[%dma_start3A_666, %dma_start3A_667, %dma_start3A_668, %dma_start3A_669] : memref<2x8x8x32xf32, #tpu.memory_space<vmem>> -> memref<1x1x8x32xf32, #tpu.memory_space<vmem>>
    %dma_start3A_671 = tpu.memref_squeeze %dma_start3A_670 : memref<1x1x8x32xf32, #tpu.memory_space<vmem>> -> memref<8x32xf32, #tpu.memory_space<vmem>>
    %dma_start3A_672 = arith.constant 0 : i32
    %dma_start3A_673 = tpu.memref_slice %arg5[%mul3A_665, %dma_start3A_672] : memref<100000x32xf32, #tpu.memory_space<hbm>> -> memref<8x32xf32, #tpu.memory_space<hbm>>
    %dma_start3A_674 = arith.constant 0 : i32
    %dma_start3A_675 = arith.constant 0 : i32
    %dma_start3A_676 = tpu.memref_slice %arg12[%dma_start3A_666, %dma_start3A_667, %dma_start3A_674, %dma_start3A_675] : memref<2x8x8x32xf32, #tpu.memory_space<vmem>> -> memref<1x1x8x32xf32, #tpu.memory_space<vmem>>
    %dma_start3A_677 = tpu.memref_squeeze %dma_start3A_676 : memref<1x1x8x32xf32, #tpu.memory_space<vmem>> -> memref<8x32xf32, #tpu.memory_space<vmem>>
    %dma_start3A_678 = arith.constant 0 : i32
    %dma_start3A_679 = tpu.memref_slice %arg5[%mul3A_665, %dma_start3A_678] : memref<100000x32xf32, #tpu.memory_space<hbm>> -> memref<8x32xf32, #tpu.memory_space<hbm>>
    tpu.enqueue_dma source(%dma_start3A_679 : memref<8x32xf32, #tpu.memory_space<hbm>>) target(%dma_start3A_677 : memref<8x32xf32, #tpu.memory_space<vmem>>) target_semaphore(%arg19 : memref<!tpu.dma_semaphore, #tpu.memory_space<semaphore_mem>>)
    %scan3A = arith.constant 0 : i32
    %scan3A_680 = arith.constant 0 : i32
    %scan3A_681 = arith.constant 32 : i32
    %scan3A_682 = arith.addi %scan3A_680, %scan3A_681 : i32
    %scan3A_683 = arith.constant 1 : i32
    scf.for %scan3A_685 = %scan3A_680 to %scan3A_682 step %scan3A_683  : i32 {
      %mul3A_686 = arith.constant 2 : i32
      %mul3A_687 = arith.muli %mul3A_686, %scan3A_685 : i32
      %mul3A_688 = arith.constant 16 : i32
      %mul3A_689 = arith.muli %scan3A_685, %mul3A_688 : i32
      %get3A_690 = arith.index_cast %mul3A_689 : i32 to index
      %get3A_691 = tpu.vector_load %arg9[%get3A_690] {strides = array<i32>} : memref<512xi32, #tpu.memory_space<vmem>>, vector<16xi32>,
      %mul3A_692 = arith.constant 16 : i32
      %mul3A_693 = arith.muli %scan3A_685, %mul3A_692 : i32
      %get3A_694 = arith.index_cast %mul3A_693 : i32 to index
      %get3A_695 = tpu.vector_load %arg10[%get3A_694] {strides = array<i32>} : memref<512xi32, #tpu.memory_space<vmem>>, vector<16xi32>,
      %dma_wait3A_696 = arith.constant 0 : i32
      %dma_wait3A_697 = arith.constant 0 : i32
      %dma_wait3A_698 = arith.constant 0 : i32
      %dma_wait3A_699 = arith.constant 0 : i32
      %dma_wait3A_700 = tpu.memref_slice %arg11[%dma_wait3A_696, %dma_wait3A_697, %dma_wait3A_698, %dma_wait3A_699] : memref<2x8x16x128xf32, #tpu.memory_space<vmem>> -> memref<1x1x16x128xf32, #tpu.memory_space<vmem>>
      %dma_wait3A_701 = tpu.memref_squeeze %dma_wait3A_700 : memref<1x1x16x128xf32, #tpu.memory_space<vmem>> -> memref<16x128xf32, #tpu.memory_space<vmem>>
      %dma_wait3A_702 = arith.constant 0 : i32
      %dma_wait3A_703 = arith.constant 0 : i32
      %dma_wait3A_704 = tpu.memref_slice %arg3[%dma_wait3A_702, %dma_wait3A_703] : memref<16x1000000xf32, #tpu.memory_space<hbm>> -> memref<16x128xf32, #tpu.memory_space<hbm>>
      %dma_wait3A_705 = arith.constant 0 : i32
      %dma_wait3A_706 = arith.constant 0 : i32
      %dma_wait3A_707 = tpu.memref_slice %arg11[%dma_wait3A_696, %dma_wait3A_697, %dma_wait3A_705, %dma_wait3A_706] : memref<2x8x16x128xf32, #tpu.memory_space<vmem>> -> memref<1x1x16x128xf32, #tpu.memory_space<vmem>>
      %dma_wait3A_708 = tpu.memref_squeeze %dma_wait3A_707 : memref<1x1x16x128xf32, #tpu.memory_space<vmem>> -> memref<16x128xf32, #tpu.memory_space<vmem>>
      %dma_wait3A_709 = arith.constant 0 : i32
      %dma_wait3A_710 = arith.constant 0 : i32
      %dma_wait3A_711 = tpu.memref_slice %arg3[%dma_wait3A_709, %dma_wait3A_710] : memref<16x1000000xf32, #tpu.memory_space<hbm>> -> memref<16x128xf32, #tpu.memory_space<hbm>>
      tpu.wait_dma2 semaphore(%arg16 : memref<!tpu.dma_semaphore, #tpu.memory_space<semaphore_mem>>) src(%dma_wait3A_711 : memref<16x128xf32, #tpu.memory_space<hbm>>) dst(%dma_wait3A_708 : memref<16x128xf32, #tpu.memory_space<vmem>>)
      %dma_wait3A_712 = arith.constant 0 : i32
      %dma_wait3A_713 = arith.constant 0 : i32
      %dma_wait3A_714 = arith.constant 0 : i32
      %dma_wait3A_715 = arith.constant 0 : i32
      %dma_wait3A_716 = tpu.memref_slice %arg12[%dma_wait3A_712, %dma_wait3A_713, %dma_wait3A_714, %dma_wait3A_715] : memref<2x8x8x32xf32, #tpu.memory_space<vmem>> -> memref<1x1x8x32xf32, #tpu.memory_space<vmem>>
      %dma_wait3A_717 = tpu.memref_squeeze %dma_wait3A_716 : memref<1x1x8x32xf32, #tpu.memory_space<vmem>> -> memref<8x32xf32, #tpu.memory_space<vmem>>
      %dma_wait3A_718 = arith.constant 0 : i32
      %dma_wait3A_719 = arith.constant 0 : i32
      %dma_wait3A_720 = tpu.memref_slice %arg5[%dma_wait3A_718, %dma_wait3A_719] : memref<100000x32xf32, #tpu.memory_space<hbm>> -> memref<8x32xf32, #tpu.memory_space<hbm>>
      %dma_wait3A_721 = arith.constant 0 : i32
      %dma_wait3A_722 = arith.constant 0 : i32
      %dma_wait3A_723 = tpu.memref_slice %arg12[%dma_wait3A_712, %dma_wait3A_713, %dma_wait3A_721, %dma_wait3A_722] : memref<2x8x8x32xf32, #tpu.memory_space<vmem>> -> memref<1x1x8x32xf32, #tpu.memory_space<vmem>>
      %dma_wait3A_724 = tpu.memref_squeeze %dma_wait3A_723 : memref<1x1x8x32xf32, #tpu.memory_space<vmem>> -> memref<8x32xf32, #tpu.memory_space<vmem>>
      %dma_wait3A_725 = arith.constant 0 : i32
      %dma_wait3A_726 = arith.constant 0 : i32
      %dma_wait3A_727 = tpu.memref_slice %arg5[%dma_wait3A_725, %dma_wait3A_726] : memref<100000x32xf32, #tpu.memory_space<hbm>> -> memref<8x32xf32, #tpu.memory_space<hbm>>
      tpu.wait_dma2 semaphore(%arg17 : memref<!tpu.dma_semaphore, #tpu.memory_space<semaphore_mem>>) src(%dma_wait3A_727 : memref<8x32xf32, #tpu.memory_space<hbm>>) dst(%dma_wait3A_724 : memref<8x32xf32, #tpu.memory_space<vmem>>)
      %dma_wait3A_728 = arith.constant 0 : i32
      %dma_wait3A_729 = arith.constant 1 : i32
      %dma_wait3A_730 = arith.constant 0 : i32
      %dma_wait3A_731 = arith.constant 0 : i32
      %dma_wait3A_732 = tpu.memref_slice %arg11[%dma_wait3A_728, %dma_wait3A_729, %dma_wait3A_730, %dma_wait3A_731] : memref<2x8x16x128xf32, #tpu.memory_space<vmem>> -> memref<1x1x16x128xf32, #tpu.memory_space<vmem>>
      %dma_wait3A_733 = tpu.memref_squeeze %dma_wait3A_732 : memref<1x1x16x128xf32, #tpu.memory_space<vmem>> -> memref<16x128xf32, #tpu.memory_space<vmem>>
      %dma_wait3A_734 = arith.constant 0 : i32
      %dma_wait3A_735 = arith.constant 0 : i32
      %dma_wait3A_736 = tpu.memref_slice %arg3[%dma_wait3A_734, %dma_wait3A_735] : memref<16x1000000xf32, #tpu.memory_space<hbm>> -> memref<16x128xf32, #tpu.memory_space<hbm>>
      %dma_wait3A_737 = arith.constant 0 : i32
      %dma_wait3A_738 = arith.constant 0 : i32
      %dma_wait3A_739 = tpu.memref_slice %arg11[%dma_wait3A_728, %dma_wait3A_729, %dma_wait3A_737, %dma_wait3A_738] : memref<2x8x16x128xf32, #tpu.memory_space<vmem>> -> memref<1x1x16x128xf32, #tpu.memory_space<vmem>>
      %dma_wait3A_740 = tpu.memref_squeeze %dma_wait3A_739 : memref<1x1x16x128xf32, #tpu.memory_space<vmem>> -> memref<16x128xf32, #tpu.memory_space<vmem>>
      %dma_wait3A_741 = arith.constant 0 : i32
      %dma_wait3A_742 = arith.constant 0 : i32
      %dma_wait3A_743 = tpu.memref_slice %arg3[%dma_wait3A_741, %dma_wait3A_742] : memref<16x1000000xf32, #tpu.memory_space<hbm>> -> memref<16x128xf32, #tpu.memory_space<hbm>>
      tpu.wait_dma2 semaphore(%arg16 : memref<!tpu.dma_semaphore, #tpu.memory_space<semaphore_mem>>) src(%dma_wait3A_743 : memref<16x128xf32, #tpu.memory_space<hbm>>) dst(%dma_wait3A_740 : memref<16x128xf32, #tpu.memory_space<vmem>>)
      %dma_wait3A_744 = arith.constant 0 : i32
      %dma_wait3A_745 = arith.constant 1 : i32
      %dma_wait3A_746 = arith.constant 0 : i32
      %dma_wait3A_747 = arith.constant 0 : i32
      %dma_wait3A_748 = tpu.memref_slice %arg12[%dma_wait3A_744, %dma_wait3A_745, %dma_wait3A_746, %dma_wait3A_747] : memref<2x8x8x32xf32, #tpu.memory_space<vmem>> -> memref<1x1x8x32xf32, #tpu.memory_space<vmem>>
      %dma_wait3A_749 = tpu.memref_squeeze %dma_wait3A_748 : memref<1x1x8x32xf32, #tpu.memory_space<vmem>> -> memref<8x32xf32, #tpu.memory_space<vmem>>
      %dma_wait3A_750 = arith.constant 0 : i32
      %dma_wait3A_751 = arith.constant 0 : i32
      %dma_wait3A_752 = tpu.memref_slice %arg5[%dma_wait3A_750, %dma_wait3A_751] : memref<100000x32xf32, #tpu.memory_space<hbm>> -> memref<8x32xf32, #tpu.memory_space<hbm>>
      %dma_wait3A_753 = arith.constant 0 : i32
      %dma_wait3A_754 = arith.constant 0 : i32
      %dma_wait3A_755 = tpu.memref_slice %arg12[%dma_wait3A_744, %dma_wait3A_745, %dma_wait3A_753, %dma_wait3A_754] : memref<2x8x8x32xf32, #tpu.memory_space<vmem>> -> memref<1x1x8x32xf32, #tpu.memory_space<vmem>>
      %dma_wait3A_756 = tpu.memref_squeeze %dma_wait3A_755 : memref<1x1x8x32xf32, #tpu.memory_space<vmem>> -> memref<8x32xf32, #tpu.memory_space<vmem>>
      %dma_wait3A_757 = arith.constant 0 : i32
      %dma_wait3A_758 = arith.constant 0 : i32
      %dma_wait3A_759 = tpu.memref_slice %arg5[%dma_wait3A_757, %dma_wait3A_758] : memref<100000x32xf32, #tpu.memory_space<hbm>> -> memref<8x32xf32, #tpu.memory_space<hbm>>
      tpu.wait_dma2 semaphore(%arg17 : memref<!tpu.dma_semaphore, #tpu.memory_space<semaphore_mem>>) src(%dma_wait3A_759 : memref<8x32xf32, #tpu.memory_space<hbm>>) dst(%dma_wait3A_756 : memref<8x32xf32, #tpu.memory_space<vmem>>)
      %dma_wait3A_760 = arith.constant 0 : i32
      %dma_wait3A_761 = arith.constant 2 : i32
      %dma_wait3A_762 = arith.constant 0 : i32
      %dma_wait3A_763 = arith.constant 0 : i32
      %dma_wait3A_764 = tpu.memref_slice %arg11[%dma_wait3A_760, %dma_wait3A_761, %dma_wait3A_762, %dma_wait3A_763] : memref<2x8x16x128xf32, #tpu.memory_space<vmem>> -> memref<1x1x16x128xf32, #tpu.memory_space<vmem>>
      %dma_wait3A_765 = tpu.memref_squeeze %dma_wait3A_764 : memref<1x1x16x128xf32, #tpu.memory_space<vmem>> -> memref<16x128xf32, #tpu.memory_space<vmem>>
      %dma_wait3A_766 = arith.constant 0 : i32
      %dma_wait3A_767 = arith.constant 0 : i32
      %dma_wait3A_768 = tpu.memref_slice %arg3[%dma_wait3A_766, %dma_wait3A_767] : memref<16x1000000xf32, #tpu.memory_space<hbm>> -> memref<16x128xf32, #tpu.memory_space<hbm>>
      %dma_wait3A_769 = arith.constant 0 : i32
      %dma_wait3A_770 = arith.constant 0 : i32
      %dma_wait3A_771 = tpu.memref_slice %arg11[%dma_wait3A_760, %dma_wait3A_761, %dma_wait3A_769, %dma_wait3A_770] : memref<2x8x16x128xf32, #tpu.memory_space<vmem>> -> memref<1x1x16x128xf32, #tpu.memory_space<vmem>>
      %dma_wait3A_772 = tpu.memref_squeeze %dma_wait3A_771 : memref<1x1x16x128xf32, #tpu.memory_space<vmem>> -> memref<16x128xf32, #tpu.memory_space<vmem>>
      %dma_wait3A_773 = arith.constant 0 : i32
      %dma_wait3A_774 = arith.constant 0 : i32
      %dma_wait3A_775 = tpu.memref_slice %arg3[%dma_wait3A_773, %dma_wait3A_774] : memref<16x1000000xf32, #tpu.memory_space<hbm>> -> memref<16x128xf32, #tpu.memory_space<hbm>>
      tpu.wait_dma2 semaphore(%arg16 : memref<!tpu.dma_semaphore, #tpu.memory_space<semaphore_mem>>) src(%dma_wait3A_775 : memref<16x128xf32, #tpu.memory_space<hbm>>) dst(%dma_wait3A_772 : memref<16x128xf32, #tpu.memory_space<vmem>>)
      %dma_wait3A_776 = arith.constant 0 : i32
      %dma_wait3A_777 = arith.constant 2 : i32
      %dma_wait3A_778 = arith.constant 0 : i32
      %dma_wait3A_779 = arith.constant 0 : i32
      %dma_wait3A_780 = tpu.memref_slice %arg12[%dma_wait3A_776, %dma_wait3A_777, %dma_wait3A_778, %dma_wait3A_779] : memref<2x8x8x32xf32, #tpu.memory_space<vmem>> -> memref<1x1x8x32xf32, #tpu.memory_space<vmem>>
      %dma_wait3A_781 = tpu.memref_squeeze %dma_wait3A_780 : memref<1x1x8x32xf32, #tpu.memory_space<vmem>> -> memref<8x32xf32, #tpu.memory_space<vmem>>
      %dma_wait3A_782 = arith.constant 0 : i32
      %dma_wait3A_783 = arith.constant 0 : i32
      %dma_wait3A_784 = tpu.memref_slice %arg5[%dma_wait3A_782, %dma_wait3A_783] : memref<100000x32xf32, #tpu.memory_space<hbm>> -> memref<8x32xf32, #tpu.memory_space<hbm>>
      %dma_wait3A_785 = arith.constant 0 : i32
      %dma_wait3A_786 = arith.constant 0 : i32
      %dma_wait3A_787 = tpu.memref_slice %arg12[%dma_wait3A_776, %dma_wait3A_777, %dma_wait3A_785, %dma_wait3A_786] : memref<2x8x8x32xf32, #tpu.memory_space<vmem>> -> memref<1x1x8x32xf32, #tpu.memory_space<vmem>>
      %dma_wait3A_788 = tpu.memref_squeeze %dma_wait3A_787 : memref<1x1x8x32xf32, #tpu.memory_space<vmem>> -> memref<8x32xf32, #tpu.memory_space<vmem>>
      %dma_wait3A_789 = arith.constant 0 : i32
      %dma_wait3A_790 = arith.constant 0 : i32
      %dma_wait3A_791 = tpu.memref_slice %arg5[%dma_wait3A_789, %dma_wait3A_790] : memref<100000x32xf32, #tpu.memory_space<hbm>> -> memref<8x32xf32, #tpu.memory_space<hbm>>
      tpu.wait_dma2 semaphore(%arg17 : memref<!tpu.dma_semaphore, #tpu.memory_space<semaphore_mem>>) src(%dma_wait3A_791 : memref<8x32xf32, #tpu.memory_space<hbm>>) dst(%dma_wait3A_788 : memref<8x32xf32, #tpu.memory_space<vmem>>)
      %dma_wait3A_792 = arith.constant 0 : i32
      %dma_wait3A_793 = arith.constant 3 : i32
      %dma_wait3A_794 = arith.constant 0 : i32
      %dma_wait3A_795 = arith.constant 0 : i32
      %dma_wait3A_796 = tpu.memref_slice %arg11[%dma_wait3A_792, %dma_wait3A_793, %dma_wait3A_794, %dma_wait3A_795] : memref<2x8x16x128xf32, #tpu.memory_space<vmem>> -> memref<1x1x16x128xf32, #tpu.memory_space<vmem>>
      %dma_wait3A_797 = tpu.memref_squeeze %dma_wait3A_796 : memref<1x1x16x128xf32, #tpu.memory_space<vmem>> -> memref<16x128xf32, #tpu.memory_space<vmem>>
      %dma_wait3A_798 = arith.constant 0 : i32
      %dma_wait3A_799 = arith.constant 0 : i32
      %dma_wait3A_800 = tpu.memref_slice %arg3[%dma_wait3A_798, %dma_wait3A_799] : memref<16x1000000xf32, #tpu.memory_space<hbm>> -> memref<16x128xf32, #tpu.memory_space<hbm>>
      %dma_wait3A_801 = arith.constant 0 : i32
      %dma_wait3A_802 = arith.constant 0 : i32
      %dma_wait3A_803 = tpu.memref_slice %arg11[%dma_wait3A_792, %dma_wait3A_793, %dma_wait3A_801, %dma_wait3A_802] : memref<2x8x16x128xf32, #tpu.memory_space<vmem>> -> memref<1x1x16x128xf32, #tpu.memory_space<vmem>>
      %dma_wait3A_804 = tpu.memref_squeeze %dma_wait3A_803 : memref<1x1x16x128xf32, #tpu.memory_space<vmem>> -> memref<16x128xf32, #tpu.memory_space<vmem>>
      %dma_wait3A_805 = arith.constant 0 : i32
      %dma_wait3A_806 = arith.constant 0 : i32
      %dma_wait3A_807 = tpu.memref_slice %arg3[%dma_wait3A_805, %dma_wait3A_806] : memref<16x1000000xf32, #tpu.memory_space<hbm>> -> memref<16x128xf32, #tpu.memory_space<hbm>>
      tpu.wait_dma2 semaphore(%arg16 : memref<!tpu.dma_semaphore, #tpu.memory_space<semaphore_mem>>) src(%dma_wait3A_807 : memref<16x128xf32, #tpu.memory_space<hbm>>) dst(%dma_wait3A_804 : memref<16x128xf32, #tpu.memory_space<vmem>>)
      %dma_wait3A_808 = arith.constant 0 : i32
      %dma_wait3A_809 = arith.constant 3 : i32
      %dma_wait3A_810 = arith.constant 0 : i32
      %dma_wait3A_811 = arith.constant 0 : i32
      %dma_wait3A_812 = tpu.memref_slice %arg12[%dma_wait3A_808, %dma_wait3A_809, %dma_wait3A_810, %dma_wait3A_811] : memref<2x8x8x32xf32, #tpu.memory_space<vmem>> -> memref<1x1x8x32xf32, #tpu.memory_space<vmem>>
      %dma_wait3A_813 = tpu.memref_squeeze %dma_wait3A_812 : memref<1x1x8x32xf32, #tpu.memory_space<vmem>> -> memref<8x32xf32, #tpu.memory_space<vmem>>
      %dma_wait3A_814 = arith.constant 0 : i32
      %dma_wait3A_815 = arith.constant 0 : i32
      %dma_wait3A_816 = tpu.memref_slice %arg5[%dma_wait3A_814, %dma_wait3A_815] : memref<100000x32xf32, #tpu.memory_space<hbm>> -> memref<8x32xf32, #tpu.memory_space<hbm>>
      %dma_wait3A_817 = arith.constant 0 : i32
      %dma_wait3A_818 = arith.constant 0 : i32
      %dma_wait3A_819 = tpu.memref_slice %arg12[%dma_wait3A_808, %dma_wait3A_809, %dma_wait3A_817, %dma_wait3A_818] : memref<2x8x8x32xf32, #tpu.memory_space<vmem>> -> memref<1x1x8x32xf32, #tpu.memory_space<vmem>>
      %dma_wait3A_820 = tpu.memref_squeeze %dma_wait3A_819 : memref<1x1x8x32xf32, #tpu.memory_space<vmem>> -> memref<8x32xf32, #tpu.memory_space<vmem>>
      %dma_wait3A_821 = arith.constant 0 : i32
      %dma_wait3A_822 = arith.constant 0 : i32
      %dma_wait3A_823 = tpu.memref_slice %arg5[%dma_wait3A_821, %dma_wait3A_822] : memref<100000x32xf32, #tpu.memory_space<hbm>> -> memref<8x32xf32, #tpu.memory_space<hbm>>
      tpu.wait_dma2 semaphore(%arg17 : memref<!tpu.dma_semaphore, #tpu.memory_space<semaphore_mem>>) src(%dma_wait3A_823 : memref<8x32xf32, #tpu.memory_space<hbm>>) dst(%dma_wait3A_820 : memref<8x32xf32, #tpu.memory_space<vmem>>)
      %dma_wait3A_824 = arith.constant 0 : i32
      %dma_wait3A_825 = arith.constant 4 : i32
      %dma_wait3A_826 = arith.constant 0 : i32
      %dma_wait3A_827 = arith.constant 0 : i32
      %dma_wait3A_828 = tpu.memref_slice %arg11[%dma_wait3A_824, %dma_wait3A_825, %dma_wait3A_826, %dma_wait3A_827] : memref<2x8x16x128xf32, #tpu.memory_space<vmem>> -> memref<1x1x16x128xf32, #tpu.memory_space<vmem>>
      %dma_wait3A_829 = tpu.memref_squeeze %dma_wait3A_828 : memref<1x1x16x128xf32, #tpu.memory_space<vmem>> -> memref<16x128xf32, #tpu.memory_space<vmem>>
      %dma_wait3A_830 = arith.constant 0 : i32
      %dma_wait3A_831 = arith.constant 0 : i32
      %dma_wait3A_832 = tpu.memref_slice %arg3[%dma_wait3A_830, %dma_wait3A_831] : memref<16x1000000xf32, #tpu.memory_space<hbm>> -> memref<16x128xf32, #tpu.memory_space<hbm>>
      %dma_wait3A_833 = arith.constant 0 : i32
      %dma_wait3A_834 = arith.constant 0 : i32
      %dma_wait3A_835 = tpu.memref_slice %arg11[%dma_wait3A_824, %dma_wait3A_825, %dma_wait3A_833, %dma_wait3A_834] : memref<2x8x16x128xf32, #tpu.memory_space<vmem>> -> memref<1x1x16x128xf32, #tpu.memory_space<vmem>>
      %dma_wait3A_836 = tpu.memref_squeeze %dma_wait3A_835 : memref<1x1x16x128xf32, #tpu.memory_space<vmem>> -> memref<16x128xf32, #tpu.memory_space<vmem>>
      %dma_wait3A_837 = arith.constant 0 : i32
      %dma_wait3A_838 = arith.constant 0 : i32
      %dma_wait3A_839 = tpu.memref_slice %arg3[%dma_wait3A_837, %dma_wait3A_838] : memref<16x1000000xf32, #tpu.memory_space<hbm>> -> memref<16x128xf32, #tpu.memory_space<hbm>>
      tpu.wait_dma2 semaphore(%arg16 : memref<!tpu.dma_semaphore, #tpu.memory_space<semaphore_mem>>) src(%dma_wait3A_839 : memref<16x128xf32, #tpu.memory_space<hbm>>) dst(%dma_wait3A_836 : memref<16x128xf32, #tpu.memory_space<vmem>>)
      %dma_wait3A_840 = arith.constant 0 : i32
      %dma_wait3A_841 = arith.constant 4 : i32
      %dma_wait3A_842 = arith.constant 0 : i32
      %dma_wait3A_843 = arith.constant 0 : i32
      %dma_wait3A_844 = tpu.memref_slice %arg12[%dma_wait3A_840, %dma_wait3A_841, %dma_wait3A_842, %dma_wait3A_843] : memref<2x8x8x32xf32, #tpu.memory_space<vmem>> -> memref<1x1x8x32xf32, #tpu.memory_space<vmem>>
      %dma_wait3A_845 = tpu.memref_squeeze %dma_wait3A_844 : memref<1x1x8x32xf32, #tpu.memory_space<vmem>> -> memref<8x32xf32, #tpu.memory_space<vmem>>
      %dma_wait3A_846 = arith.constant 0 : i32
      %dma_wait3A_847 = arith.constant 0 : i32
      %dma_wait3A_848 = tpu.memref_slice %arg5[%dma_wait3A_846, %dma_wait3A_847] : memref<100000x32xf32, #tpu.memory_space<hbm>> -> memref<8x32xf32, #tpu.memory_space<hbm>>
      %dma_wait3A_849 = arith.constant 0 : i32
      %dma_wait3A_850 = arith.constant 0 : i32
      %dma_wait3A_851 = tpu.memref_slice %arg12[%dma_wait3A_840, %dma_wait3A_841, %dma_wait3A_849, %dma_wait3A_850] : memref<2x8x8x32xf32, #tpu.memory_space<vmem>> -> memref<1x1x8x32xf32, #tpu.memory_space<vmem>>
      %dma_wait3A_852 = tpu.memref_squeeze %dma_wait3A_851 : memref<1x1x8x32xf32, #tpu.memory_space<vmem>> -> memref<8x32xf32, #tpu.memory_space<vmem>>
      %dma_wait3A_853 = arith.constant 0 : i32
      %dma_wait3A_854 = arith.constant 0 : i32
      %dma_wait3A_855 = tpu.memref_slice %arg5[%dma_wait3A_853, %dma_wait3A_854] : memref<100000x32xf32, #tpu.memory_space<hbm>> -> memref<8x32xf32, #tpu.memory_space<hbm>>
      tpu.wait_dma2 semaphore(%arg17 : memref<!tpu.dma_semaphore, #tpu.memory_space<semaphore_mem>>) src(%dma_wait3A_855 : memref<8x32xf32, #tpu.memory_space<hbm>>) dst(%dma_wait3A_852 : memref<8x32xf32, #tpu.memory_space<vmem>>)
      %dma_wait3A_856 = arith.constant 0 : i32
      %dma_wait3A_857 = arith.constant 5 : i32
      %dma_wait3A_858 = arith.constant 0 : i32
      %dma_wait3A_859 = arith.constant 0 : i32
      %dma_wait3A_860 = tpu.memref_slice %arg11[%dma_wait3A_856, %dma_wait3A_857, %dma_wait3A_858, %dma_wait3A_859] : memref<2x8x16x128xf32, #tpu.memory_space<vmem>> -> memref<1x1x16x128xf32, #tpu.memory_space<vmem>>
      %dma_wait3A_861 = tpu.memref_squeeze %dma_wait3A_860 : memref<1x1x16x128xf32, #tpu.memory_space<vmem>> -> memref<16x128xf32, #tpu.memory_space<vmem>>
      %dma_wait3A_862 = arith.constant 0 : i32
      %dma_wait3A_863 = arith.constant 0 : i32
      %dma_wait3A_864 = tpu.memref_slice %arg3[%dma_wait3A_862, %dma_wait3A_863] : memref<16x1000000xf32, #tpu.memory_space<hbm>> -> memref<16x128xf32, #tpu.memory_space<hbm>>
      %dma_wait3A_865 = arith.constant 0 : i32
      %dma_wait3A_866 = arith.constant 0 : i32
      %dma_wait3A_867 = tpu.memref_slice %arg11[%dma_wait3A_856, %dma_wait3A_857, %dma_wait3A_865, %dma_wait3A_866] : memref<2x8x16x128xf32, #tpu.memory_space<vmem>> -> memref<1x1x16x128xf32, #tpu.memory_space<vmem>>
      %dma_wait3A_868 = tpu.memref_squeeze %dma_wait3A_867 : memref<1x1x16x128xf32, #tpu.memory_space<vmem>> -> memref<16x128xf32, #tpu.memory_space<vmem>>
      %dma_wait3A_869 = arith.constant 0 : i32
      %dma_wait3A_870 = arith.constant 0 : i32
      %dma_wait3A_871 = tpu.memref_slice %arg3[%dma_wait3A_869, %dma_wait3A_870] : memref<16x1000000xf32, #tpu.memory_space<hbm>> -> memref<16x128xf32, #tpu.memory_space<hbm>>
      tpu.wait_dma2 semaphore(%arg16 : memref<!tpu.dma_semaphore, #tpu.memory_space<semaphore_mem>>) src(%dma_wait3A_871 : memref<16x128xf32, #tpu.memory_space<hbm>>) dst(%dma_wait3A_868 : memref<16x128xf32, #tpu.memory_space<vmem>>)
      %dma_wait3A_872 = arith.constant 0 : i32
      %dma_wait3A_873 = arith.constant 5 : i32
      %dma_wait3A_874 = arith.constant 0 : i32
      %dma_wait3A_875 = arith.constant 0 : i32
      %dma_wait3A_876 = tpu.memref_slice %arg12[%dma_wait3A_872, %dma_wait3A_873, %dma_wait3A_874, %dma_wait3A_875] : memref<2x8x8x32xf32, #tpu.memory_space<vmem>> -> memref<1x1x8x32xf32, #tpu.memory_space<vmem>>
      %dma_wait3A_877 = tpu.memref_squeeze %dma_wait3A_876 : memref<1x1x8x32xf32, #tpu.memory_space<vmem>> -> memref<8x32xf32, #tpu.memory_space<vmem>>
      %dma_wait3A_878 = arith.constant 0 : i32
      %dma_wait3A_879 = arith.constant 0 : i32
      %dma_wait3A_880 = tpu.memref_slice %arg5[%dma_wait3A_878, %dma_wait3A_879] : memref<100000x32xf32, #tpu.memory_space<hbm>> -> memref<8x32xf32, #tpu.memory_space<hbm>>
      %dma_wait3A_881 = arith.constant 0 : i32
      %dma_wait3A_882 = arith.constant 0 : i32
      %dma_wait3A_883 = tpu.memref_slice %arg12[%dma_wait3A_872, %dma_wait3A_873, %dma_wait3A_881, %dma_wait3A_882] : memref<2x8x8x32xf32, #tpu.memory_space<vmem>> -> memref<1x1x8x32xf32, #tpu.memory_space<vmem>>
      %dma_wait3A_884 = tpu.memref_squeeze %dma_wait3A_883 : memref<1x1x8x32xf32, #tpu.memory_space<vmem>> -> memref<8x32xf32, #tpu.memory_space<vmem>>
      %dma_wait3A_885 = arith.constant 0 : i32
      %dma_wait3A_886 = arith.constant 0 : i32
      %dma_wait3A_887 = tpu.memref_slice %arg5[%dma_wait3A_885, %dma_wait3A_886] : memref<100000x32xf32, #tpu.memory_space<hbm>> -> memref<8x32xf32, #tpu.memory_space<hbm>>
      tpu.wait_dma2 semaphore(%arg17 : memref<!tpu.dma_semaphore, #tpu.memory_space<semaphore_mem>>) src(%dma_wait3A_887 : memref<8x32xf32, #tpu.memory_space<hbm>>) dst(%dma_wait3A_884 : memref<8x32xf32, #tpu.memory_space<vmem>>)
      %dma_wait3A_888 = arith.constant 0 : i32
      %dma_wait3A_889 = arith.constant 6 : i32
      %dma_wait3A_890 = arith.constant 0 : i32
      %dma_wait3A_891 = arith.constant 0 : i32
      %dma_wait3A_892 = tpu.memref_slice %arg11[%dma_wait3A_888, %dma_wait3A_889, %dma_wait3A_890, %dma_wait3A_891] : memref<2x8x16x128xf32, #tpu.memory_space<vmem>> -> memref<1x1x16x128xf32, #tpu.memory_space<vmem>>
      %dma_wait3A_893 = tpu.memref_squeeze %dma_wait3A_892 : memref<1x1x16x128xf32, #tpu.memory_space<vmem>> -> memref<16x128xf32, #tpu.memory_space<vmem>>
      %dma_wait3A_894 = arith.constant 0 : i32
      %dma_wait3A_895 = arith.constant 0 : i32
      %dma_wait3A_896 = tpu.memref_slice %arg3[%dma_wait3A_894, %dma_wait3A_895] : memref<16x1000000xf32, #tpu.memory_space<hbm>> -> memref<16x128xf32, #tpu.memory_space<hbm>>
      %dma_wait3A_897 = arith.constant 0 : i32
      %dma_wait3A_898 = arith.constant 0 : i32
      %dma_wait3A_899 = tpu.memref_slice %arg11[%dma_wait3A_888, %dma_wait3A_889, %dma_wait3A_897, %dma_wait3A_898] : memref<2x8x16x128xf32, #tpu.memory_space<vmem>> -> memref<1x1x16x128xf32, #tpu.memory_space<vmem>>
      %dma_wait3A_900 = tpu.memref_squeeze %dma_wait3A_899 : memref<1x1x16x128xf32, #tpu.memory_space<vmem>> -> memref<16x128xf32, #tpu.memory_space<vmem>>
      %dma_wait3A_901 = arith.constant 0 : i32
      %dma_wait3A_902 = arith.constant 0 : i32
      %dma_wait3A_903 = tpu.memref_slice %arg3[%dma_wait3A_901, %dma_wait3A_902] : memref<16x1000000xf32, #tpu.memory_space<hbm>> -> memref<16x128xf32, #tpu.memory_space<hbm>>
      tpu.wait_dma2 semaphore(%arg16 : memref<!tpu.dma_semaphore, #tpu.memory_space<semaphore_mem>>) src(%dma_wait3A_903 : memref<16x128xf32, #tpu.memory_space<hbm>>) dst(%dma_wait3A_900 : memref<16x128xf32, #tpu.memory_space<vmem>>)
      %dma_wait3A_904 = arith.constant 0 : i32
      %dma_wait3A_905 = arith.constant 6 : i32
      %dma_wait3A_906 = arith.constant 0 : i32
      %dma_wait3A_907 = arith.constant 0 : i32
      %dma_wait3A_908 = tpu.memref_slice %arg12[%dma_wait3A_904, %dma_wait3A_905, %dma_wait3A_906, %dma_wait3A_907] : memref<2x8x8x32xf32, #tpu.memory_space<vmem>> -> memref<1x1x8x32xf32, #tpu.memory_space<vmem>>
      %dma_wait3A_909 = tpu.memref_squeeze %dma_wait3A_908 : memref<1x1x8x32xf32, #tpu.memory_space<vmem>> -> memref<8x32xf32, #tpu.memory_space<vmem>>
      %dma_wait3A_910 = arith.constant 0 : i32
      %dma_wait3A_911 = arith.constant 0 : i32
      %dma_wait3A_912 = tpu.memref_slice %arg5[%dma_wait3A_910, %dma_wait3A_911] : memref<100000x32xf32, #tpu.memory_space<hbm>> -> memref<8x32xf32, #tpu.memory_space<hbm>>
      %dma_wait3A_913 = arith.constant 0 : i32
      %dma_wait3A_914 = arith.constant 0 : i32
      %dma_wait3A_915 = tpu.memref_slice %arg12[%dma_wait3A_904, %dma_wait3A_905, %dma_wait3A_913, %dma_wait3A_914] : memref<2x8x8x32xf32, #tpu.memory_space<vmem>> -> memref<1x1x8x32xf32, #tpu.memory_space<vmem>>
      %dma_wait3A_916 = tpu.memref_squeeze %dma_wait3A_915 : memref<1x1x8x32xf32, #tpu.memory_space<vmem>> -> memref<8x32xf32, #tpu.memory_space<vmem>>
      %dma_wait3A_917 = arith.constant 0 : i32
      %dma_wait3A_918 = arith.constant 0 : i32
      %dma_wait3A_919 = tpu.memref_slice %arg5[%dma_wait3A_917, %dma_wait3A_918] : memref<100000x32xf32, #tpu.memory_space<hbm>> -> memref<8x32xf32, #tpu.memory_space<hbm>>
      tpu.wait_dma2 semaphore(%arg17 : memref<!tpu.dma_semaphore, #tpu.memory_space<semaphore_mem>>) src(%dma_wait3A_919 : memref<8x32xf32, #tpu.memory_space<hbm>>) dst(%dma_wait3A_916 : memref<8x32xf32, #tpu.memory_space<vmem>>)
      %dma_wait3A_920 = arith.constant 0 : i32
      %dma_wait3A_921 = arith.constant 7 : i32
      %dma_wait3A_922 = arith.constant 0 : i32
      %dma_wait3A_923 = arith.constant 0 : i32
      %dma_wait3A_924 = tpu.memref_slice %arg11[%dma_wait3A_920, %dma_wait3A_921, %dma_wait3A_922, %dma_wait3A_923] : memref<2x8x16x128xf32, #tpu.memory_space<vmem>> -> memref<1x1x16x128xf32, #tpu.memory_space<vmem>>
      %dma_wait3A_925 = tpu.memref_squeeze %dma_wait3A_924 : memref<1x1x16x128xf32, #tpu.memory_space<vmem>> -> memref<16x128xf32, #tpu.memory_space<vmem>>
      %dma_wait3A_926 = arith.constant 0 : i32
      %dma_wait3A_927 = arith.constant 0 : i32
      %dma_wait3A_928 = tpu.memref_slice %arg3[%dma_wait3A_926, %dma_wait3A_927] : memref<16x1000000xf32, #tpu.memory_space<hbm>> -> memref<16x128xf32, #tpu.memory_space<hbm>>
      %dma_wait3A_929 = arith.constant 0 : i32
      %dma_wait3A_930 = arith.constant 0 : i32
      %dma_wait3A_931 = tpu.memref_slice %arg11[%dma_wait3A_920, %dma_wait3A_921, %dma_wait3A_929, %dma_wait3A_930] : memref<2x8x16x128xf32, #tpu.memory_space<vmem>> -> memref<1x1x16x128xf32, #tpu.memory_space<vmem>>
      %dma_wait3A_932 = tpu.memref_squeeze %dma_wait3A_931 : memref<1x1x16x128xf32, #tpu.memory_space<vmem>> -> memref<16x128xf32, #tpu.memory_space<vmem>>
      %dma_wait3A_933 = arith.constant 0 : i32
      %dma_wait3A_934 = arith.constant 0 : i32
      %dma_wait3A_935 = tpu.memref_slice %arg3[%dma_wait3A_933, %dma_wait3A_934] : memref<16x1000000xf32, #tpu.memory_space<hbm>> -> memref<16x128xf32, #tpu.memory_space<hbm>>
      tpu.wait_dma2 semaphore(%arg16 : memref<!tpu.dma_semaphore, #tpu.memory_space<semaphore_mem>>) src(%dma_wait3A_935 : memref<16x128xf32, #tpu.memory_space<hbm>>) dst(%dma_wait3A_932 : memref<16x128xf32, #tpu.memory_space<vmem>>)
      %dma_wait3A_936 = arith.constant 0 : i32
      %dma_wait3A_937 = arith.constant 7 : i32
      %dma_wait3A_938 = arith.constant 0 : i32
      %dma_wait3A_939 = arith.constant 0 : i32
      %dma_wait3A_940 = tpu.memref_slice %arg12[%dma_wait3A_936, %dma_wait3A_937, %dma_wait3A_938, %dma_wait3A_939] : memref<2x8x8x32xf32, #tpu.memory_space<vmem>> -> memref<1x1x8x32xf32, #tpu.memory_space<vmem>>
      %dma_wait3A_941 = tpu.memref_squeeze %dma_wait3A_940 : memref<1x1x8x32xf32, #tpu.memory_space<vmem>> -> memref<8x32xf32, #tpu.memory_space<vmem>>
      %dma_wait3A_942 = arith.constant 0 : i32
      %dma_wait3A_943 = arith.constant 0 : i32
      %dma_wait3A_944 = tpu.memref_slice %arg5[%dma_wait3A_942, %dma_wait3A_943] : memref<100000x32xf32, #tpu.memory_space<hbm>> -> memref<8x32xf32, #tpu.memory_space<hbm>>
      %dma_wait3A_945 = arith.constant 0 : i32
      %dma_wait3A_946 = arith.constant 0 : i32
      %dma_wait3A_947 = tpu.memref_slice %arg12[%dma_wait3A_936, %dma_wait3A_937, %dma_wait3A_945, %dma_wait3A_946] : memref<2x8x8x32xf32, #tpu.memory_space<vmem>> -> memref<1x1x8x32xf32, #tpu.memory_space<vmem>>
      %dma_wait3A_948 = tpu.memref_squeeze %dma_wait3A_947 : memref<1x1x8x32xf32, #tpu.memory_space<vmem>> -> memref<8x32xf32, #tpu.memory_space<vmem>>
      %dma_wait3A_949 = arith.constant 0 : i32
      %dma_wait3A_950 = arith.constant 0 : i32
      %dma_wait3A_951 = tpu.memref_slice %arg5[%dma_wait3A_949, %dma_wait3A_950] : memref<100000x32xf32, #tpu.memory_space<hbm>> -> memref<8x32xf32, #tpu.memory_space<hbm>>
      tpu.wait_dma2 semaphore(%arg17 : memref<!tpu.dma_semaphore, #tpu.memory_space<semaphore_mem>>) src(%dma_wait3A_951 : memref<8x32xf32, #tpu.memory_space<hbm>>) dst(%dma_wait3A_948 : memref<8x32xf32, #tpu.memory_space<vmem>>)
      %slice3A_952 = vector.extract_strided_slice %get3A_691 {offsets = [0], sizes = [1], strides = [1]} : vector<16xi32> to vector<1xi32>
      %squeeze3A_953 = vector.extract %slice3A_952[0] : i32 from vector<1xi32>
      %shift_right_arithmetic3A_954 = arith.constant 7 : i32
      %shift_right_arithmetic3A_955 = arith.shrsi %squeeze3A_953, %shift_right_arithmetic3A_954 : i32
      %min3A_956 = arith.constant 7811 : i32
      %min3A_957 = arith.minsi %shift_right_arithmetic3A_955, %min3A_956 : i32
      %shift_left3A = arith.constant 7 : i32
      %shift_left3A_958 = arith.shli %min3A_957, %shift_left3A : i32
      %sub3A = arith.subi %squeeze3A_953, %shift_left3A_958 : i32
      %min3A_959 = arith.constant 127 : i32
      %min3A_960 = arith.minsi %sub3A, %min3A_959 : i32
      %mul3A_961 = arith.constant 8 : i32
      %mul3A_962 = arith.muli %mul3A_687, %mul3A_961 : i32
      %add3A_963 = arith.constant 0 : i32
      %add3A_964 = arith.addi %mul3A_962, %add3A_963 : i32
      %broadcast_in_dim3A = vector.broadcast %add3A_964 : i32 to vector<16xi32>
      %broadcast_in_dim3A_965 = vector.broadcast %min3A_960 : i32 to vector<16xi32>
      %gather3A = arith.constant 0 : i32
      %gather3A_966 = arith.constant 0 : i32
      %gather3A_967 = arith.constant 0 : i32
      %gather3A_968 = arith.constant 0 : i32
      %gather3A_969 = tpu.memref_slice %arg11[%gather3A, %gather3A_966, %gather3A_967, %gather3A_968] : memref<2x8x16x128xf32, #tpu.memory_space<vmem>> -> memref<1x1x16x128xf32, #tpu.memory_space<vmem>>
      %gather3A_970 = tpu.memref_squeeze %gather3A_969 : memref<1x1x16x128xf32, #tpu.memory_space<vmem>> -> memref<16x128xf32, #tpu.memory_space<vmem>>
      %gather3A_971 = tpu.vector_load_idx %gather3A_970[%iota3A, %broadcast_in_dim3A_965] : memref<16x128xf32, #tpu.memory_space<vmem>>[vector<16xi32>, vector<16xi32>], vector<16xf32>,
      %sub3A_972 = arith.constant 999936 : i32
      %sub3A_973 = arith.subi %squeeze3A_953, %sub3A_972 : i32
      %jit3A = arith.constant 0 : i32
      %jit3A_974 = arith.constant 63 : i32
      %max3A = arith.maxsi %jit3A, %sub3A_973 : i32
      %min3A_975 = arith.minsi %jit3A_974, %max3A : i32
      %broadcast_in_dim3A_976 = vector.broadcast %min3A_975 : i32 to vector<16xi32>
      %gather3A_977 = tpu.vector_load_idx %arg13[%iota3A, %broadcast_in_dim3A_976] : memref<16x64xf32, #tpu.memory_space<vmem>>[vector<16xi32>, vector<16xi32>], vector<16xf32>,
      %ge3A = arith.constant 999936 : i32
      %ge3A_978 = arith.cmpi sge, %squeeze3A_953, %ge3A : i32
      %select_n3A = arith.select %ge3A_978, %gather3A_977, %gather3A_971 : vector<16xf32>
      tpu.vector_store_idx %arg14[%iota3A, %broadcast_in_dim3A], %select_n3A : memref<64x512xf32, #tpu.memory_space<vmem>>[vector<16xi32>, vector<16xi32>], vector<16xf32>,
      %slice3A_979 = vector.extract_strided_slice %get3A_695 {offsets = [0], sizes = [1], strides = [1]} : vector<16xi32> to vector<1xi32>
      %squeeze3A_980 = vector.extract %slice3A_979[0] : i32 from vector<1xi32>
      %shift_right_arithmetic3A_981 = arith.constant 3 : i32
      %shift_right_arithmetic3A_982 = arith.shrsi %squeeze3A_980, %shift_right_arithmetic3A_981 : i32
      %shift_left3A_983 = arith.constant 3 : i32
      %shift_left3A_984 = arith.shli %shift_right_arithmetic3A_982, %shift_left3A_983 : i32
      %sub3A_985 = arith.subi %squeeze3A_980, %shift_left3A_984 : i32
      %get3A_986 = arith.constant 0 : i32
      %get3A_987 = arith.constant 0 : i32
      %get3A_988 = arith.index_cast %get3A_986 : i32 to index
      %get3A_989 = arith.index_cast %get3A_987 : i32 to index
      %get3A_990 = arith.index_cast %sub3A_985 : i32 to index
      %get3A_991 = arith.constant 0 : index
      %get3A_992 = tpu.vector_load %arg12[%get3A_988, %get3A_989, %get3A_990, %get3A_991] {strides = array<i32>} : memref<2x8x8x32xf32, #tpu.memory_space<vmem>>, vector<16xf32>,
      %get3A_993 = arith.constant 0 : i32
      %get3A_994 = arith.constant 0 : i32
      %get3A_995 = arith.index_cast %get3A_993 : i32 to index
      %get3A_996 = arith.index_cast %get3A_994 : i32 to index
      %get3A_997 = arith.index_cast %sub3A_985 : i32 to index
      %get3A_998 = arith.constant 16 : index
      %get3A_999 = tpu.vector_load %arg12[%get3A_995, %get3A_996, %get3A_997, %get3A_998] {strides = array<i32>} : memref<2x8x8x32xf32, #tpu.memory_space<vmem>>, vector<16xf32>,
      %add3A_1000 = arith.constant 16 : i32
      %add3A_1001 = vector.broadcast %add3A_1000 : i32 to vector<16xi32>
      %add3A_1002 = arith.addi %iota3A, %add3A_1001 : vector<16xi32>
      tpu.vector_store_idx %arg14[%add3A_1002, %broadcast_in_dim3A], %get3A_992 : memref<64x512xf32, #tpu.memory_space<vmem>>[vector<16xi32>, vector<16xi32>], vector<16xf32>,
      %add3A_1003 = arith.constant 16 : i32
      %add3A_1004 = vector.broadcast %add3A_1003 : i32 to vector<16xi32>
      %add3A_1005 = arith.addi %iota3A, %add3A_1004 : vector<16xi32>
      %add3A_1006 = arith.constant 16 : i32
      %add3A_1007 = vector.broadcast %add3A_1006 : i32 to vector<16xi32>
      %add3A_1008 = arith.addi %add3A_1005, %add3A_1007 : vector<16xi32>
      tpu.vector_store_idx %arg14[%add3A_1008, %broadcast_in_dim3A], %get3A_999 : memref<64x512xf32, #tpu.memory_space<vmem>>[vector<16xi32>, vector<16xi32>], vector<16xf32>,
      %slice3A_1009 = vector.extract_strided_slice %get3A_691 {offsets = [1], sizes = [1], strides = [1]} : vector<16xi32> to vector<1xi32>
      %squeeze3A_1010 = vector.extract %slice3A_1009[0] : i32 from vector<1xi32>
      %shift_right_arithmetic3A_1011 = arith.constant 7 : i32
      %shift_right_arithmetic3A_1012 = arith.shrsi %squeeze3A_1010, %shift_right_arithmetic3A_1011 : i32
      %min3A_1013 = arith.constant 7811 : i32
      %min3A_1014 = arith.minsi %shift_right_arithmetic3A_1012, %min3A_1013 : i32
      %shift_left3A_1015 = arith.constant 7 : i32
      %shift_left3A_1016 = arith.shli %min3A_1014, %shift_left3A_1015 : i32
      %sub3A_1017 = arith.subi %squeeze3A_1010, %shift_left3A_1016 : i32
      %min3A_1018 = arith.constant 127 : i32
      %min3A_1019 = arith.minsi %sub3A_1017, %min3A_1018 : i32
      %mul3A_1020 = arith.constant 8 : i32
      %mul3A_1021 = arith.muli %mul3A_687, %mul3A_1020 : i32
      %add3A_1022 = arith.constant 1 : i32
      %add3A_1023 = arith.addi %mul3A_1021, %add3A_1022 : i32
      %broadcast_in_dim3A_1024 = vector.broadcast %add3A_1023 : i32 to vector<16xi32>
      %broadcast_in_dim3A_1025 = vector.broadcast %min3A_1019 : i32 to vector<16xi32>
      %gather3A_1026 = arith.constant 0 : i32
      %gather3A_1027 = arith.constant 1 : i32
      %gather3A_1028 = arith.constant 0 : i32
      %gather3A_1029 = arith.constant 0 : i32
      %gather3A_1030 = tpu.memref_slice %arg11[%gather3A_1026, %gather3A_1027, %gather3A_1028, %gather3A_1029] : memref<2x8x16x128xf32, #tpu.memory_space<vmem>> -> memref<1x1x16x128xf32, #tpu.memory_space<vmem>>
      %gather3A_1031 = tpu.memref_squeeze %gather3A_1030 : memref<1x1x16x128xf32, #tpu.memory_space<vmem>> -> memref<16x128xf32, #tpu.memory_space<vmem>>
      %gather3A_1032 = tpu.vector_load_idx %gather3A_1031[%iota3A, %broadcast_in_dim3A_1025] : memref<16x128xf32, #tpu.memory_space<vmem>>[vector<16xi32>, vector<16xi32>], vector<16xf32>,
      %sub3A_1033 = arith.constant 999936 : i32
      %sub3A_1034 = arith.subi %squeeze3A_1010, %sub3A_1033 : i32
      %jit3A_1035 = arith.constant 0 : i32
      %jit3A_1036 = arith.constant 63 : i32
      %max3A_1037 = arith.maxsi %jit3A_1035, %sub3A_1034 : i32
      %min3A_1038 = arith.minsi %jit3A_1036, %max3A_1037 : i32
      %broadcast_in_dim3A_1039 = vector.broadcast %min3A_1038 : i32 to vector<16xi32>
      %gather3A_1040 = tpu.vector_load_idx %arg13[%iota3A, %broadcast_in_dim3A_1039] : memref<16x64xf32, #tpu.memory_space<vmem>>[vector<16xi32>, vector<16xi32>], vector<16xf32>,
      %ge3A_1041 = arith.constant 999936 : i32
      %ge3A_1042 = arith.cmpi sge, %squeeze3A_1010, %ge3A_1041 : i32
      %select_n3A_1043 = arith.select %ge3A_1042, %gather3A_1040, %gather3A_1032 : vector<16xf32>
      tpu.vector_store_idx %arg14[%iota3A, %broadcast_in_dim3A_1024], %select_n3A_1043 : memref<64x512xf32, #tpu.memory_space<vmem>>[vector<16xi32>, vector<16xi32>], vector<16xf32>,
      %slice3A_1044 = vector.extract_strided_slice %get3A_695 {offsets = [1], sizes = [1], strides = [1]} : vector<16xi32> to vector<1xi32>
      %squeeze3A_1045 = vector.extract %slice3A_1044[0] : i32 from vector<1xi32>
      %shift_right_arithmetic3A_1046 = arith.constant 3 : i32
      %shift_right_arithmetic3A_1047 = arith.shrsi %squeeze3A_1045, %shift_right_arithmetic3A_1046 : i32
      %shift_left3A_1048 = arith.constant 3 : i32
      %shift_left3A_1049 = arith.shli %shift_right_arithmetic3A_1047, %shift_left3A_1048 : i32
      %sub3A_1050 = arith.subi %squeeze3A_1045, %shift_left3A_1049 : i32
      %get3A_1051 = arith.constant 0 : i32
      %get3A_1052 = arith.constant 1 : i32
      %get3A_1053 = arith.index_cast %get3A_1051 : i32 to index
      %get3A_1054 = arith.index_cast %get3A_1052 : i32 to index
      %get3A_1055 = arith.index_cast %sub3A_1050 : i32 to index
      %get3A_1056 = arith.constant 0 : index
      %get3A_1057 = tpu.vector_load %arg12[%get3A_1053, %get3A_1054, %get3A_1055, %get3A_1056] {strides = array<i32>} : memref<2x8x8x32xf32, #tpu.memory_space<vmem>>, vector<16xf32>,
      %get3A_1058 = arith.constant 0 : i32
      %get3A_1059 = arith.constant 1 : i32
      %get3A_1060 = arith.index_cast %get3A_1058 : i32 to index
      %get3A_1061 = arith.index_cast %get3A_1059 : i32 to index
      %get3A_1062 = arith.index_cast %sub3A_1050 : i32 to index
      %get3A_1063 = arith.constant 16 : index
      %get3A_1064 = tpu.vector_load %arg12[%get3A_1060, %get3A_1061, %get3A_1062, %get3A_1063] {strides = array<i32>} : memref<2x8x8x32xf32, #tpu.memory_space<vmem>>, vector<16xf32>,
      %add3A_1065 = arith.constant 16 : i32
      %add3A_1066 = vector.broadcast %add3A_1065 : i32 to vector<16xi32>
      %add3A_1067 = arith.addi %iota3A, %add3A_1066 : vector<16xi32>
      tpu.vector_store_idx %arg14[%add3A_1067, %broadcast_in_dim3A_1024], %get3A_1057 : memref<64x512xf32, #tpu.memory_space<vmem>>[vector<16xi32>, vector<16xi32>], vector<16xf32>,
      %add3A_1068 = arith.constant 16 : i32
      %add3A_1069 = vector.broadcast %add3A_1068 : i32 to vector<16xi32>
      %add3A_1070 = arith.addi %iota3A, %add3A_1069 : vector<16xi32>
      %add3A_1071 = arith.constant 16 : i32
      %add3A_1072 = vector.broadcast %add3A_1071 : i32 to vector<16xi32>
      %add3A_1073 = arith.addi %add3A_1070, %add3A_1072 : vector<16xi32>
      tpu.vector_store_idx %arg14[%add3A_1073, %broadcast_in_dim3A_1024], %get3A_1064 : memref<64x512xf32, #tpu.memory_space<vmem>>[vector<16xi32>, vector<16xi32>], vector<16xf32>,
      %slice3A_1074 = vector.extract_strided_slice %get3A_691 {offsets = [2], sizes = [1], strides = [1]} : vector<16xi32> to vector<1xi32>
      %squeeze3A_1075 = vector.extract %slice3A_1074[0] : i32 from vector<1xi32>
      %shift_right_arithmetic3A_1076 = arith.constant 7 : i32
      %shift_right_arithmetic3A_1077 = arith.shrsi %squeeze3A_1075, %shift_right_arithmetic3A_1076 : i32
      %min3A_1078 = arith.constant 7811 : i32
      %min3A_1079 = arith.minsi %shift_right_arithmetic3A_1077, %min3A_1078 : i32
      %shift_left3A_1080 = arith.constant 7 : i32
      %shift_left3A_1081 = arith.shli %min3A_1079, %shift_left3A_1080 : i32
      %sub3A_1082 = arith.subi %squeeze3A_1075, %shift_left3A_1081 : i32
      %min3A_1083 = arith.constant 127 : i32
      %min3A_1084 = arith.minsi %sub3A_1082, %min3A_1083 : i32
      %mul3A_1085 = arith.constant 8 : i32
      %mul3A_1086 = arith.muli %mul3A_687, %mul3A_1085 : i32
      %add3A_1087 = arith.constant 2 : i32
      %add3A_1088 = arith.addi %mul3A_1086, %add3A_1087 : i32
      %broadcast_in_dim3A_1089 = vector.broadcast %add3A_1088 : i32 to vector<16xi32>
      %broadcast_in_dim3A_1090 = vector.broadcast %min3A_1084 : i32 to vector<16xi32>
      %gather3A_1091 = arith.constant 0 : i32
      %gather3A_1092 = arith.constant 2 : i32
      %gather3A_1093 = arith.constant 0 : i32
      %gather3A_1094 = arith.constant 0 : i32
      %gather3A_1095 = tpu.memref_slice %arg11[%gather3A_1091, %gather3A_1092, %gather3A_1093, %gather3A_1094] : memref<2x8x16x128xf32, #tpu.memory_space<vmem>> -> memref<1x1x16x128xf32, #tpu.memory_space<vmem>>
      %gather3A_1096 = tpu.memref_squeeze %gather3A_1095 : memref<1x1x16x128xf32, #tpu.memory_space<vmem>> -> memref<16x128xf32, #tpu.memory_space<vmem>>
      %gather3A_1097 = tpu.vector_load_idx %gather3A_1096[%iota3A, %broadcast_in_dim3A_1090] : memref<16x128xf32, #tpu.memory_space<vmem>>[vector<16xi32>, vector<16xi32>], vector<16xf32>,
      %sub3A_1098 = arith.constant 999936 : i32
      %sub3A_1099 = arith.subi %squeeze3A_1075, %sub3A_1098 : i32
      %jit3A_1100 = arith.constant 0 : i32
      %jit3A_1101 = arith.constant 63 : i32
      %max3A_1102 = arith.maxsi %jit3A_1100, %sub3A_1099 : i32
      %min3A_1103 = arith.minsi %jit3A_1101, %max3A_1102 : i32
      %broadcast_in_dim3A_1104 = vector.broadcast %min3A_1103 : i32 to vector<16xi32>
      %gather3A_1105 = tpu.vector_load_idx %arg13[%iota3A, %broadcast_in_dim3A_1104] : memref<16x64xf32, #tpu.memory_space<vmem>>[vector<16xi32>, vector<16xi32>], vector<16xf32>,
      %ge3A_1106 = arith.constant 999936 : i32
      %ge3A_1107 = arith.cmpi sge, %squeeze3A_1075, %ge3A_1106 : i32
      %select_n3A_1108 = arith.select %ge3A_1107, %gather3A_1105, %gather3A_1097 : vector<16xf32>
      tpu.vector_store_idx %arg14[%iota3A, %broadcast_in_dim3A_1089], %select_n3A_1108 : memref<64x512xf32, #tpu.memory_space<vmem>>[vector<16xi32>, vector<16xi32>], vector<16xf32>,
      %slice3A_1109 = vector.extract_strided_slice %get3A_695 {offsets = [2], sizes = [1], strides = [1]} : vector<16xi32> to vector<1xi32>
      %squeeze3A_1110 = vector.extract %slice3A_1109[0] : i32 from vector<1xi32>
      %shift_right_arithmetic3A_1111 = arith.constant 3 : i32
      %shift_right_arithmetic3A_1112 = arith.shrsi %squeeze3A_1110, %shift_right_arithmetic3A_1111 : i32
      %shift_left3A_1113 = arith.constant 3 : i32
      %shift_left3A_1114 = arith.shli %shift_right_arithmetic3A_1112, %shift_left3A_1113 : i32
      %sub3A_1115 = arith.subi %squeeze3A_1110, %shift_left3A_1114 : i32
      %get3A_1116 = arith.constant 0 : i32
      %get3A_1117 = arith.constant 2 : i32
      %get3A_1118 = arith.index_cast %get3A_1116 : i32 to index
      %get3A_1119 = arith.index_cast %get3A_1117 : i32 to index
      %get3A_1120 = arith.index_cast %sub3A_1115 : i32 to index
      %get3A_1121 = arith.constant 0 : index
      %get3A_1122 = tpu.vector_load %arg12[%get3A_1118, %get3A_1119, %get3A_1120, %get3A_1121] {strides = array<i32>} : memref<2x8x8x32xf32, #tpu.memory_space<vmem>>, vector<16xf32>,
      %get3A_1123 = arith.constant 0 : i32
      %get3A_1124 = arith.constant 2 : i32
      %get3A_1125 = arith.index_cast %get3A_1123 : i32 to index
      %get3A_1126 = arith.index_cast %get3A_1124 : i32 to index
      %get3A_1127 = arith.index_cast %sub3A_1115 : i32 to index
      %get3A_1128 = arith.constant 16 : index
      %get3A_1129 = tpu.vector_load %arg12[%get3A_1125, %get3A_1126, %get3A_1127, %get3A_1128] {strides = array<i32>} : memref<2x8x8x32xf32, #tpu.memory_space<vmem>>, vector<16xf32>,
      %add3A_1130 = arith.constant 16 : i32
      %add3A_1131 = vector.broadcast %add3A_1130 : i32 to vector<16xi32>
      %add3A_1132 = arith.addi %iota3A, %add3A_1131 : vector<16xi32>
      tpu.vector_store_idx %arg14[%add3A_1132, %broadcast_in_dim3A_1089], %get3A_1122 : memref<64x512xf32, #tpu.memory_space<vmem>>[vector<16xi32>, vector<16xi32>], vector<16xf32>,
      %add3A_1133 = arith.constant 16 : i32
      %add3A_1134 = vector.broadcast %add3A_1133 : i32 to vector<16xi32>
      %add3A_1135 = arith.addi %iota3A, %add3A_1134 : vector<16xi32>
      %add3A_1136 = arith.constant 16 : i32
      %add3A_1137 = vector.broadcast %add3A_1136 : i32 to vector<16xi32>
      %add3A_1138 = arith.addi %add3A_1135, %add3A_1137 : vector<16xi32>
      tpu.vector_store_idx %arg14[%add3A_1138, %broadcast_in_dim3A_1089], %get3A_1129 : memref<64x512xf32, #tpu.memory_space<vmem>>[vector<16xi32>, vector<16xi32>], vector<16xf32>,
      %slice3A_1139 = vector.extract_strided_slice %get3A_691 {offsets = [3], sizes = [1], strides = [1]} : vector<16xi32> to vector<1xi32>
      %squeeze3A_1140 = vector.extract %slice3A_1139[0] : i32 from vector<1xi32>
      %shift_right_arithmetic3A_1141 = arith.constant 7 : i32
      %shift_right_arithmetic3A_1142 = arith.shrsi %squeeze3A_1140, %shift_right_arithmetic3A_1141 : i32
      %min3A_1143 = arith.constant 7811 : i32
      %min3A_1144 = arith.minsi %shift_right_arithmetic3A_1142, %min3A_1143 : i32
      %shift_left3A_1145 = arith.constant 7 : i32
      %shift_left3A_1146 = arith.shli %min3A_1144, %shift_left3A_1145 : i32
      %sub3A_1147 = arith.subi %squeeze3A_1140, %shift_left3A_1146 : i32
      %min3A_1148 = arith.constant 127 : i32
      %min3A_1149 = arith.minsi %sub3A_1147, %min3A_1148 : i32
      %mul3A_1150 = arith.constant 8 : i32
      %mul3A_1151 = arith.muli %mul3A_687, %mul3A_1150 : i32
      %add3A_1152 = arith.constant 3 : i32
      %add3A_1153 = arith.addi %mul3A_1151, %add3A_1152 : i32
      %broadcast_in_dim3A_1154 = vector.broadcast %add3A_1153 : i32 to vector<16xi32>
      %broadcast_in_dim3A_1155 = vector.broadcast %min3A_1149 : i32 to vector<16xi32>
      %gather3A_1156 = arith.constant 0 : i32
      %gather3A_1157 = arith.constant 3 : i32
      %gather3A_1158 = arith.constant 0 : i32
      %gather3A_1159 = arith.constant 0 : i32
      %gather3A_1160 = tpu.memref_slice %arg11[%gather3A_1156, %gather3A_1157, %gather3A_1158, %gather3A_1159] : memref<2x8x16x128xf32, #tpu.memory_space<vmem>> -> memref<1x1x16x128xf32, #tpu.memory_space<vmem>>
      %gather3A_1161 = tpu.memref_squeeze %gather3A_1160 : memref<1x1x16x128xf32, #tpu.memory_space<vmem>> -> memref<16x128xf32, #tpu.memory_space<vmem>>
      %gather3A_1162 = tpu.vector_load_idx %gather3A_1161[%iota3A, %broadcast_in_dim3A_1155] : memref<16x128xf32, #tpu.memory_space<vmem>>[vector<16xi32>, vector<16xi32>], vector<16xf32>,
      %sub3A_1163 = arith.constant 999936 : i32
      %sub3A_1164 = arith.subi %squeeze3A_1140, %sub3A_1163 : i32
      %jit3A_1165 = arith.constant 0 : i32
      %jit3A_1166 = arith.constant 63 : i32
      %max3A_1167 = arith.maxsi %jit3A_1165, %sub3A_1164 : i32
      %min3A_1168 = arith.minsi %jit3A_1166, %max3A_1167 : i32
      %broadcast_in_dim3A_1169 = vector.broadcast %min3A_1168 : i32 to vector<16xi32>
      %gather3A_1170 = tpu.vector_load_idx %arg13[%iota3A, %broadcast_in_dim3A_1169] : memref<16x64xf32, #tpu.memory_space<vmem>>[vector<16xi32>, vector<16xi32>], vector<16xf32>,
      %ge3A_1171 = arith.constant 999936 : i32
      %ge3A_1172 = arith.cmpi sge, %squeeze3A_1140, %ge3A_1171 : i32
      %select_n3A_1173 = arith.select %ge3A_1172, %gather3A_1170, %gather3A_1162 : vector<16xf32>
      tpu.vector_store_idx %arg14[%iota3A, %broadcast_in_dim3A_1154], %select_n3A_1173 : memref<64x512xf32, #tpu.memory_space<vmem>>[vector<16xi32>, vector<16xi32>], vector<16xf32>,
      %slice3A_1174 = vector.extract_strided_slice %get3A_695 {offsets = [3], sizes = [1], strides = [1]} : vector<16xi32> to vector<1xi32>
      %squeeze3A_1175 = vector.extract %slice3A_1174[0] : i32 from vector<1xi32>
      %shift_right_arithmetic3A_1176 = arith.constant 3 : i32
      %shift_right_arithmetic3A_1177 = arith.shrsi %squeeze3A_1175, %shift_right_arithmetic3A_1176 : i32
      %shift_left3A_1178 = arith.constant 3 : i32
      %shift_left3A_1179 = arith.shli %shift_right_arithmetic3A_1177, %shift_left3A_1178 : i32
      %sub3A_1180 = arith.subi %squeeze3A_1175, %shift_left3A_1179 : i32
      %get3A_1181 = arith.constant 0 : i32
      %get3A_1182 = arith.constant 3 : i32
      %get3A_1183 = arith.index_cast %get3A_1181 : i32 to index
      %get3A_1184 = arith.index_cast %get3A_1182 : i32 to index
      %get3A_1185 = arith.index_cast %sub3A_1180 : i32 to index
      %get3A_1186 = arith.constant 0 : index
      %get3A_1187 = tpu.vector_load %arg12[%get3A_1183, %get3A_1184, %get3A_1185, %get3A_1186] {strides = array<i32>} : memref<2x8x8x32xf32, #tpu.memory_space<vmem>>, vector<16xf32>,
      %get3A_1188 = arith.constant 0 : i32
      %get3A_1189 = arith.constant 3 : i32
      %get3A_1190 = arith.index_cast %get3A_1188 : i32 to index
      %get3A_1191 = arith.index_cast %get3A_1189 : i32 to index
      %get3A_1192 = arith.index_cast %sub3A_1180 : i32 to index
      %get3A_1193 = arith.constant 16 : index
      %get3A_1194 = tpu.vector_load %arg12[%get3A_1190, %get3A_1191, %get3A_1192, %get3A_1193] {strides = array<i32>} : memref<2x8x8x32xf32, #tpu.memory_space<vmem>>, vector<16xf32>,
      %add3A_1195 = arith.constant 16 : i32
      %add3A_1196 = vector.broadcast %add3A_1195 : i32 to vector<16xi32>
      %add3A_1197 = arith.addi %iota3A, %add3A_1196 : vector<16xi32>
      tpu.vector_store_idx %arg14[%add3A_1197, %broadcast_in_dim3A_1154], %get3A_1187 : memref<64x512xf32, #tpu.memory_space<vmem>>[vector<16xi32>, vector<16xi32>], vector<16xf32>,
      %add3A_1198 = arith.constant 16 : i32
      %add3A_1199 = vector.broadcast %add3A_1198 : i32 to vector<16xi32>
      %add3A_1200 = arith.addi %iota3A, %add3A_1199 : vector<16xi32>
      %add3A_1201 = arith.constant 16 : i32
      %add3A_1202 = vector.broadcast %add3A_1201 : i32 to vector<16xi32>
      %add3A_1203 = arith.addi %add3A_1200, %add3A_1202 : vector<16xi32>
      tpu.vector_store_idx %arg14[%add3A_1203, %broadcast_in_dim3A_1154], %get3A_1194 : memref<64x512xf32, #tpu.memory_space<vmem>>[vector<16xi32>, vector<16xi32>], vector<16xf32>,
      %slice3A_1204 = vector.extract_strided_slice %get3A_691 {offsets = [4], sizes = [1], strides = [1]} : vector<16xi32> to vector<1xi32>
      %squeeze3A_1205 = vector.extract %slice3A_1204[0] : i32 from vector<1xi32>
      %shift_right_arithmetic3A_1206 = arith.constant 7 : i32
      %shift_right_arithmetic3A_1207 = arith.shrsi %squeeze3A_1205, %shift_right_arithmetic3A_1206 : i32
      %min3A_1208 = arith.constant 7811 : i32
      %min3A_1209 = arith.minsi %shift_right_arithmetic3A_1207, %min3A_1208 : i32
      %shift_left3A_1210 = arith.constant 7 : i32
      %shift_left3A_1211 = arith.shli %min3A_1209, %shift_left3A_1210 : i32
      %sub3A_1212 = arith.subi %squeeze3A_1205, %shift_left3A_1211 : i32
      %min3A_1213 = arith.constant 127 : i32
      %min3A_1214 = arith.minsi %sub3A_1212, %min3A_1213 : i32
      %mul3A_1215 = arith.constant 8 : i32
      %mul3A_1216 = arith.muli %mul3A_687, %mul3A_1215 : i32
      %add3A_1217 = arith.constant 4 : i32
      %add3A_1218 = arith.addi %mul3A_1216, %add3A_1217 : i32
      %broadcast_in_dim3A_1219 = vector.broadcast %add3A_1218 : i32 to vector<16xi32>
      %broadcast_in_dim3A_1220 = vector.broadcast %min3A_1214 : i32 to vector<16xi32>
      %gather3A_1221 = arith.constant 0 : i32
      %gather3A_1222 = arith.constant 4 : i32
      %gather3A_1223 = arith.constant 0 : i32
      %gather3A_1224 = arith.constant 0 : i32
      %gather3A_1225 = tpu.memref_slice %arg11[%gather3A_1221, %gather3A_1222, %gather3A_1223, %gather3A_1224] : memref<2x8x16x128xf32, #tpu.memory_space<vmem>> -> memref<1x1x16x128xf32, #tpu.memory_space<vmem>>
      %gather3A_1226 = tpu.memref_squeeze %gather3A_1225 : memref<1x1x16x128xf32, #tpu.memory_space<vmem>> -> memref<16x128xf32, #tpu.memory_space<vmem>>
      %gather3A_1227 = tpu.vector_load_idx %gather3A_1226[%iota3A, %broadcast_in_dim3A_1220] : memref<16x128xf32, #tpu.memory_space<vmem>>[vector<16xi32>, vector<16xi32>], vector<16xf32>,
      %sub3A_1228 = arith.constant 999936 : i32
      %sub3A_1229 = arith.subi %squeeze3A_1205, %sub3A_1228 : i32
      %jit3A_1230 = arith.constant 0 : i32
      %jit3A_1231 = arith.constant 63 : i32
      %max3A_1232 = arith.maxsi %jit3A_1230, %sub3A_1229 : i32
      %min3A_1233 = arith.minsi %jit3A_1231, %max3A_1232 : i32
      %broadcast_in_dim3A_1234 = vector.broadcast %min3A_1233 : i32 to vector<16xi32>
      %gather3A_1235 = tpu.vector_load_idx %arg13[%iota3A, %broadcast_in_dim3A_1234] : memref<16x64xf32, #tpu.memory_space<vmem>>[vector<16xi32>, vector<16xi32>], vector<16xf32>,
      %ge3A_1236 = arith.constant 999936 : i32
      %ge3A_1237 = arith.cmpi sge, %squeeze3A_1205, %ge3A_1236 : i32
      %select_n3A_1238 = arith.select %ge3A_1237, %gather3A_1235, %gather3A_1227 : vector<16xf32>
      tpu.vector_store_idx %arg14[%iota3A, %broadcast_in_dim3A_1219], %select_n3A_1238 : memref<64x512xf32, #tpu.memory_space<vmem>>[vector<16xi32>, vector<16xi32>], vector<16xf32>,
      %slice3A_1239 = vector.extract_strided_slice %get3A_695 {offsets = [4], sizes = [1], strides = [1]} : vector<16xi32> to vector<1xi32>
      %squeeze3A_1240 = vector.extract %slice3A_1239[0] : i32 from vector<1xi32>
      %shift_right_arithmetic3A_1241 = arith.constant 3 : i32
      %shift_right_arithmetic3A_1242 = arith.shrsi %squeeze3A_1240, %shift_right_arithmetic3A_1241 : i32
      %shift_left3A_1243 = arith.constant 3 : i32
      %shift_left3A_1244 = arith.shli %shift_right_arithmetic3A_1242, %shift_left3A_1243 : i32
      %sub3A_1245 = arith.subi %squeeze3A_1240, %shift_left3A_1244 : i32
      %get3A_1246 = arith.constant 0 : i32
      %get3A_1247 = arith.constant 4 : i32
      %get3A_1248 = arith.index_cast %get3A_1246 : i32 to index
      %get3A_1249 = arith.index_cast %get3A_1247 : i32 to index
      %get3A_1250 = arith.index_cast %sub3A_1245 : i32 to index
      %get3A_1251 = arith.constant 0 : index
      %get3A_1252 = tpu.vector_load %arg12[%get3A_1248, %get3A_1249, %get3A_1250, %get3A_1251] {strides = array<i32>} : memref<2x8x8x32xf32, #tpu.memory_space<vmem>>, vector<16xf32>,
      %get3A_1253 = arith.constant 0 : i32
      %get3A_1254 = arith.constant 4 : i32
      %get3A_1255 = arith.index_cast %get3A_1253 : i32 to index
      %get3A_1256 = arith.index_cast %get3A_1254 : i32 to index
      %get3A_1257 = arith.index_cast %sub3A_1245 : i32 to index
      %get3A_1258 = arith.constant 16 : index
      %get3A_1259 = tpu.vector_load %arg12[%get3A_1255, %get3A_1256, %get3A_1257, %get3A_1258] {strides = array<i32>} : memref<2x8x8x32xf32, #tpu.memory_space<vmem>>, vector<16xf32>,
      %add3A_1260 = arith.constant 16 : i32
      %add3A_1261 = vector.broadcast %add3A_1260 : i32 to vector<16xi32>
      %add3A_1262 = arith.addi %iota3A, %add3A_1261 : vector<16xi32>
      tpu.vector_store_idx %arg14[%add3A_1262, %broadcast_in_dim3A_1219], %get3A_1252 : memref<64x512xf32, #tpu.memory_space<vmem>>[vector<16xi32>, vector<16xi32>], vector<16xf32>,
      %add3A_1263 = arith.constant 16 : i32
      %add3A_1264 = vector.broadcast %add3A_1263 : i32 to vector<16xi32>
      %add3A_1265 = arith.addi %iota3A, %add3A_1264 : vector<16xi32>
      %add3A_1266 = arith.constant 16 : i32
      %add3A_1267 = vector.broadcast %add3A_1266 : i32 to vector<16xi32>
      %add3A_1268 = arith.addi %add3A_1265, %add3A_1267 : vector<16xi32>
      tpu.vector_store_idx %arg14[%add3A_1268, %broadcast_in_dim3A_1219], %get3A_1259 : memref<64x512xf32, #tpu.memory_space<vmem>>[vector<16xi32>, vector<16xi32>], vector<16xf32>,
      %slice3A_1269 = vector.extract_strided_slice %get3A_691 {offsets = [5], sizes = [1], strides = [1]} : vector<16xi32> to vector<1xi32>
      %squeeze3A_1270 = vector.extract %slice3A_1269[0] : i32 from vector<1xi32>
      %shift_right_arithmetic3A_1271 = arith.constant 7 : i32
      %shift_right_arithmetic3A_1272 = arith.shrsi %squeeze3A_1270, %shift_right_arithmetic3A_1271 : i32
      %min3A_1273 = arith.constant 7811 : i32
      %min3A_1274 = arith.minsi %shift_right_arithmetic3A_1272, %min3A_1273 : i32
      %shift_left3A_1275 = arith.constant 7 : i32
      %shift_left3A_1276 = arith.shli %min3A_1274, %shift_left3A_1275 : i32
      %sub3A_1277 = arith.subi %squeeze3A_1270, %shift_left3A_1276 : i32
      %min3A_1278 = arith.constant 127 : i32
      %min3A_1279 = arith.minsi %sub3A_1277, %min3A_1278 : i32
      %mul3A_1280 = arith.constant 8 : i32
      %mul3A_1281 = arith.muli %mul3A_687, %mul3A_1280 : i32
      %add3A_1282 = arith.constant 5 : i32
      %add3A_1283 = arith.addi %mul3A_1281, %add3A_1282 : i32
      %broadcast_in_dim3A_1284 = vector.broadcast %add3A_1283 : i32 to vector<16xi32>
      %broadcast_in_dim3A_1285 = vector.broadcast %min3A_1279 : i32 to vector<16xi32>
      %gather3A_1286 = arith.constant 0 : i32
      %gather3A_1287 = arith.constant 5 : i32
      %gather3A_1288 = arith.constant 0 : i32
      %gather3A_1289 = arith.constant 0 : i32
      %gather3A_1290 = tpu.memref_slice %arg11[%gather3A_1286, %gather3A_1287, %gather3A_1288, %gather3A_1289] : memref<2x8x16x128xf32, #tpu.memory_space<vmem>> -> memref<1x1x16x128xf32, #tpu.memory_space<vmem>>
      %gather3A_1291 = tpu.memref_squeeze %gather3A_1290 : memref<1x1x16x128xf32, #tpu.memory_space<vmem>> -> memref<16x128xf32, #tpu.memory_space<vmem>>
      %gather3A_1292 = tpu.vector_load_idx %gather3A_1291[%iota3A, %broadcast_in_dim3A_1285] : memref<16x128xf32, #tpu.memory_space<vmem>>[vector<16xi32>, vector<16xi32>], vector<16xf32>,
      %sub3A_1293 = arith.constant 999936 : i32
      %sub3A_1294 = arith.subi %squeeze3A_1270, %sub3A_1293 : i32
      %jit3A_1295 = arith.constant 0 : i32
      %jit3A_1296 = arith.constant 63 : i32
      %max3A_1297 = arith.maxsi %jit3A_1295, %sub3A_1294 : i32
      %min3A_1298 = arith.minsi %jit3A_1296, %max3A_1297 : i32
      %broadcast_in_dim3A_1299 = vector.broadcast %min3A_1298 : i32 to vector<16xi32>
      %gather3A_1300 = tpu.vector_load_idx %arg13[%iota3A, %broadcast_in_dim3A_1299] : memref<16x64xf32, #tpu.memory_space<vmem>>[vector<16xi32>, vector<16xi32>], vector<16xf32>,
      %ge3A_1301 = arith.constant 999936 : i32
      %ge3A_1302 = arith.cmpi sge, %squeeze3A_1270, %ge3A_1301 : i32
      %select_n3A_1303 = arith.select %ge3A_1302, %gather3A_1300, %gather3A_1292 : vector<16xf32>
      tpu.vector_store_idx %arg14[%iota3A, %broadcast_in_dim3A_1284], %select_n3A_1303 : memref<64x512xf32, #tpu.memory_space<vmem>>[vector<16xi32>, vector<16xi32>], vector<16xf32>,
      %slice3A_1304 = vector.extract_strided_slice %get3A_695 {offsets = [5], sizes = [1], strides = [1]} : vector<16xi32> to vector<1xi32>
      %squeeze3A_1305 = vector.extract %slice3A_1304[0] : i32 from vector<1xi32>
      %shift_right_arithmetic3A_1306 = arith.constant 3 : i32
      %shift_right_arithmetic3A_1307 = arith.shrsi %squeeze3A_1305, %shift_right_arithmetic3A_1306 : i32
      %shift_left3A_1308 = arith.constant 3 : i32
      %shift_left3A_1309 = arith.shli %shift_right_arithmetic3A_1307, %shift_left3A_1308 : i32
      %sub3A_1310 = arith.subi %squeeze3A_1305, %shift_left3A_1309 : i32
      %get3A_1311 = arith.constant 0 : i32
      %get3A_1312 = arith.constant 5 : i32
      %get3A_1313 = arith.index_cast %get3A_1311 : i32 to index
      %get3A_1314 = arith.index_cast %get3A_1312 : i32 to index
      %get3A_1315 = arith.index_cast %sub3A_1310 : i32 to index
      %get3A_1316 = arith.constant 0 : index
      %get3A_1317 = tpu.vector_load %arg12[%get3A_1313, %get3A_1314, %get3A_1315, %get3A_1316] {strides = array<i32>} : memref<2x8x8x32xf32, #tpu.memory_space<vmem>>, vector<16xf32>,
      %get3A_1318 = arith.constant 0 : i32
      %get3A_1319 = arith.constant 5 : i32
      %get3A_1320 = arith.index_cast %get3A_1318 : i32 to index
      %get3A_1321 = arith.index_cast %get3A_1319 : i32 to index
      %get3A_1322 = arith.index_cast %sub3A_1310 : i32 to index
      %get3A_1323 = arith.constant 16 : index
      %get3A_1324 = tpu.vector_load %arg12[%get3A_1320, %get3A_1321, %get3A_1322, %get3A_1323] {strides = array<i32>} : memref<2x8x8x32xf32, #tpu.memory_space<vmem>>, vector<16xf32>,
      %add3A_1325 = arith.constant 16 : i32
      %add3A_1326 = vector.broadcast %add3A_1325 : i32 to vector<16xi32>
      %add3A_1327 = arith.addi %iota3A, %add3A_1326 : vector<16xi32>
      tpu.vector_store_idx %arg14[%add3A_1327, %broadcast_in_dim3A_1284], %get3A_1317 : memref<64x512xf32, #tpu.memory_space<vmem>>[vector<16xi32>, vector<16xi32>], vector<16xf32>,
      %add3A_1328 = arith.constant 16 : i32
      %add3A_1329 = vector.broadcast %add3A_1328 : i32 to vector<16xi32>
      %add3A_1330 = arith.addi %iota3A, %add3A_1329 : vector<16xi32>
      %add3A_1331 = arith.constant 16 : i32
      %add3A_1332 = vector.broadcast %add3A_1331 : i32 to vector<16xi32>
      %add3A_1333 = arith.addi %add3A_1330, %add3A_1332 : vector<16xi32>
      tpu.vector_store_idx %arg14[%add3A_1333, %broadcast_in_dim3A_1284], %get3A_1324 : memref<64x512xf32, #tpu.memory_space<vmem>>[vector<16xi32>, vector<16xi32>], vector<16xf32>,
      %slice3A_1334 = vector.extract_strided_slice %get3A_691 {offsets = [6], sizes = [1], strides = [1]} : vector<16xi32> to vector<1xi32>
      %squeeze3A_1335 = vector.extract %slice3A_1334[0] : i32 from vector<1xi32>
      %shift_right_arithmetic3A_1336 = arith.constant 7 : i32
      %shift_right_arithmetic3A_1337 = arith.shrsi %squeeze3A_1335, %shift_right_arithmetic3A_1336 : i32
      %min3A_1338 = arith.constant 7811 : i32
      %min3A_1339 = arith.minsi %shift_right_arithmetic3A_1337, %min3A_1338 : i32
      %shift_left3A_1340 = arith.constant 7 : i32
      %shift_left3A_1341 = arith.shli %min3A_1339, %shift_left3A_1340 : i32
      %sub3A_1342 = arith.subi %squeeze3A_1335, %shift_left3A_1341 : i32
      %min3A_1343 = arith.constant 127 : i32
      %min3A_1344 = arith.minsi %sub3A_1342, %min3A_1343 : i32
      %mul3A_1345 = arith.constant 8 : i32
      %mul3A_1346 = arith.muli %mul3A_687, %mul3A_1345 : i32
      %add3A_1347 = arith.constant 6 : i32
      %add3A_1348 = arith.addi %mul3A_1346, %add3A_1347 : i32
      %broadcast_in_dim3A_1349 = vector.broadcast %add3A_1348 : i32 to vector<16xi32>
      %broadcast_in_dim3A_1350 = vector.broadcast %min3A_1344 : i32 to vector<16xi32>
      %gather3A_1351 = arith.constant 0 : i32
      %gather3A_1352 = arith.constant 6 : i32
      %gather3A_1353 = arith.constant 0 : i32
      %gather3A_1354 = arith.constant 0 : i32
      %gather3A_1355 = tpu.memref_slice %arg11[%gather3A_1351, %gather3A_1352, %gather3A_1353, %gather3A_1354] : memref<2x8x16x128xf32, #tpu.memory_space<vmem>> -> memref<1x1x16x128xf32, #tpu.memory_space<vmem>>
      %gather3A_1356 = tpu.memref_squeeze %gather3A_1355 : memref<1x1x16x128xf32, #tpu.memory_space<vmem>> -> memref<16x128xf32, #tpu.memory_space<vmem>>
      %gather3A_1357 = tpu.vector_load_idx %gather3A_1356[%iota3A, %broadcast_in_dim3A_1350] : memref<16x128xf32, #tpu.memory_space<vmem>>[vector<16xi32>, vector<16xi32>], vector<16xf32>,
      %sub3A_1358 = arith.constant 999936 : i32
      %sub3A_1359 = arith.subi %squeeze3A_1335, %sub3A_1358 : i32
      %jit3A_1360 = arith.constant 0 : i32
      %jit3A_1361 = arith.constant 63 : i32
      %max3A_1362 = arith.maxsi %jit3A_1360, %sub3A_1359 : i32
      %min3A_1363 = arith.minsi %jit3A_1361, %max3A_1362 : i32
      %broadcast_in_dim3A_1364 = vector.broadcast %min3A_1363 : i32 to vector<16xi32>
      %gather3A_1365 = tpu.vector_load_idx %arg13[%iota3A, %broadcast_in_dim3A_1364] : memref<16x64xf32, #tpu.memory_space<vmem>>[vector<16xi32>, vector<16xi32>], vector<16xf32>,
      %ge3A_1366 = arith.constant 999936 : i32
      %ge3A_1367 = arith.cmpi sge, %squeeze3A_1335, %ge3A_1366 : i32
      %select_n3A_1368 = arith.select %ge3A_1367, %gather3A_1365, %gather3A_1357 : vector<16xf32>
      tpu.vector_store_idx %arg14[%iota3A, %broadcast_in_dim3A_1349], %select_n3A_1368 : memref<64x512xf32, #tpu.memory_space<vmem>>[vector<16xi32>, vector<16xi32>], vector<16xf32>,
      %slice3A_1369 = vector.extract_strided_slice %get3A_695 {offsets = [6], sizes = [1], strides = [1]} : vector<16xi32> to vector<1xi32>
      %squeeze3A_1370 = vector.extract %slice3A_1369[0] : i32 from vector<1xi32>
      %shift_right_arithmetic3A_1371 = arith.constant 3 : i32
      %shift_right_arithmetic3A_1372 = arith.shrsi %squeeze3A_1370, %shift_right_arithmetic3A_1371 : i32
      %shift_left3A_1373 = arith.constant 3 : i32
      %shift_left3A_1374 = arith.shli %shift_right_arithmetic3A_1372, %shift_left3A_1373 : i32
      %sub3A_1375 = arith.subi %squeeze3A_1370, %shift_left3A_1374 : i32
      %get3A_1376 = arith.constant 0 : i32
      %get3A_1377 = arith.constant 6 : i32
      %get3A_1378 = arith.index_cast %get3A_1376 : i32 to index
      %get3A_1379 = arith.index_cast %get3A_1377 : i32 to index
      %get3A_1380 = arith.index_cast %sub3A_1375 : i32 to index
      %get3A_1381 = arith.constant 0 : index
      %get3A_1382 = tpu.vector_load %arg12[%get3A_1378, %get3A_1379, %get3A_1380, %get3A_1381] {strides = array<i32>} : memref<2x8x8x32xf32, #tpu.memory_space<vmem>>, vector<16xf32>,
      %get3A_1383 = arith.constant 0 : i32
      %get3A_1384 = arith.constant 6 : i32
      %get3A_1385 = arith.index_cast %get3A_1383 : i32 to index
      %get3A_1386 = arith.index_cast %get3A_1384 : i32 to index
      %get3A_1387 = arith.index_cast %sub3A_1375 : i32 to index
      %get3A_1388 = arith.constant 16 : index
      %get3A_1389 = tpu.vector_load %arg12[%get3A_1385, %get3A_1386, %get3A_1387, %get3A_1388] {strides = array<i32>} : memref<2x8x8x32xf32, #tpu.memory_space<vmem>>, vector<16xf32>,
      %add3A_1390 = arith.constant 16 : i32
      %add3A_1391 = vector.broadcast %add3A_1390 : i32 to vector<16xi32>
      %add3A_1392 = arith.addi %iota3A, %add3A_1391 : vector<16xi32>
      tpu.vector_store_idx %arg14[%add3A_1392, %broadcast_in_dim3A_1349], %get3A_1382 : memref<64x512xf32, #tpu.memory_space<vmem>>[vector<16xi32>, vector<16xi32>], vector<16xf32>,
      %add3A_1393 = arith.constant 16 : i32
      %add3A_1394 = vector.broadcast %add3A_1393 : i32 to vector<16xi32>
      %add3A_1395 = arith.addi %iota3A, %add3A_1394 : vector<16xi32>
      %add3A_1396 = arith.constant 16 : i32
      %add3A_1397 = vector.broadcast %add3A_1396 : i32 to vector<16xi32>
      %add3A_1398 = arith.addi %add3A_1395, %add3A_1397 : vector<16xi32>
      tpu.vector_store_idx %arg14[%add3A_1398, %broadcast_in_dim3A_1349], %get3A_1389 : memref<64x512xf32, #tpu.memory_space<vmem>>[vector<16xi32>, vector<16xi32>], vector<16xf32>,
      %slice3A_1399 = vector.extract_strided_slice %get3A_691 {offsets = [7], sizes = [1], strides = [1]} : vector<16xi32> to vector<1xi32>
      %squeeze3A_1400 = vector.extract %slice3A_1399[0] : i32 from vector<1xi32>
      %shift_right_arithmetic3A_1401 = arith.constant 7 : i32
      %shift_right_arithmetic3A_1402 = arith.shrsi %squeeze3A_1400, %shift_right_arithmetic3A_1401 : i32
      %min3A_1403 = arith.constant 7811 : i32
      %min3A_1404 = arith.minsi %shift_right_arithmetic3A_1402, %min3A_1403 : i32
      %shift_left3A_1405 = arith.constant 7 : i32
      %shift_left3A_1406 = arith.shli %min3A_1404, %shift_left3A_1405 : i32
      %sub3A_1407 = arith.subi %squeeze3A_1400, %shift_left3A_1406 : i32
      %min3A_1408 = arith.constant 127 : i32
      %min3A_1409 = arith.minsi %sub3A_1407, %min3A_1408 : i32
      %mul3A_1410 = arith.constant 8 : i32
      %mul3A_1411 = arith.muli %mul3A_687, %mul3A_1410 : i32
      %add3A_1412 = arith.constant 7 : i32
      %add3A_1413 = arith.addi %mul3A_1411, %add3A_1412 : i32
      %broadcast_in_dim3A_1414 = vector.broadcast %add3A_1413 : i32 to vector<16xi32>
      %broadcast_in_dim3A_1415 = vector.broadcast %min3A_1409 : i32 to vector<16xi32>
      %gather3A_1416 = arith.constant 0 : i32
      %gather3A_1417 = arith.constant 7 : i32
      %gather3A_1418 = arith.constant 0 : i32
      %gather3A_1419 = arith.constant 0 : i32
      %gather3A_1420 = tpu.memref_slice %arg11[%gather3A_1416, %gather3A_1417, %gather3A_1418, %gather3A_1419] : memref<2x8x16x128xf32, #tpu.memory_space<vmem>> -> memref<1x1x16x128xf32, #tpu.memory_space<vmem>>
      %gather3A_1421 = tpu.memref_squeeze %gather3A_1420 : memref<1x1x16x128xf32, #tpu.memory_space<vmem>> -> memref<16x128xf32, #tpu.memory_space<vmem>>
      %gather3A_1422 = tpu.vector_load_idx %gather3A_1421[%iota3A, %broadcast_in_dim3A_1415] : memref<16x128xf32, #tpu.memory_space<vmem>>[vector<16xi32>, vector<16xi32>], vector<16xf32>,
      %sub3A_1423 = arith.constant 999936 : i32
      %sub3A_1424 = arith.subi %squeeze3A_1400, %sub3A_1423 : i32
      %jit3A_1425 = arith.constant 0 : i32
      %jit3A_1426 = arith.constant 63 : i32
      %max3A_1427 = arith.maxsi %jit3A_1425, %sub3A_1424 : i32
      %min3A_1428 = arith.minsi %jit3A_1426, %max3A_1427 : i32
      %broadcast_in_dim3A_1429 = vector.broadcast %min3A_1428 : i32 to vector<16xi32>
      %gather3A_1430 = tpu.vector_load_idx %arg13[%iota3A, %broadcast_in_dim3A_1429] : memref<16x64xf32, #tpu.memory_space<vmem>>[vector<16xi32>, vector<16xi32>], vector<16xf32>,
      %ge3A_1431 = arith.constant 999936 : i32
      %ge3A_1432 = arith.cmpi sge, %squeeze3A_1400, %ge3A_1431 : i32
      %select_n3A_1433 = arith.select %ge3A_1432, %gather3A_1430, %gather3A_1422 : vector<16xf32>
      tpu.vector_store_idx %arg14[%iota3A, %broadcast_in_dim3A_1414], %select_n3A_1433 : memref<64x512xf32, #tpu.memory_space<vmem>>[vector<16xi32>, vector<16xi32>], vector<16xf32>,
      %slice3A_1434 = vector.extract_strided_slice %get3A_695 {offsets = [7], sizes = [1], strides = [1]} : vector<16xi32> to vector<1xi32>
      %squeeze3A_1435 = vector.extract %slice3A_1434[0] : i32 from vector<1xi32>
      %shift_right_arithmetic3A_1436 = arith.constant 3 : i32
      %shift_right_arithmetic3A_1437 = arith.shrsi %squeeze3A_1435, %shift_right_arithmetic3A_1436 : i32
      %shift_left3A_1438 = arith.constant 3 : i32
      %shift_left3A_1439 = arith.shli %shift_right_arithmetic3A_1437, %shift_left3A_1438 : i32
      %sub3A_1440 = arith.subi %squeeze3A_1435, %shift_left3A_1439 : i32
      %get3A_1441 = arith.constant 0 : i32
      %get3A_1442 = arith.constant 7 : i32
      %get3A_1443 = arith.index_cast %get3A_1441 : i32 to index
      %get3A_1444 = arith.index_cast %get3A_1442 : i32 to index
      %get3A_1445 = arith.index_cast %sub3A_1440 : i32 to index
      %get3A_1446 = arith.constant 0 : index
      %get3A_1447 = tpu.vector_load %arg12[%get3A_1443, %get3A_1444, %get3A_1445, %get3A_1446] {strides = array<i32>} : memref<2x8x8x32xf32, #tpu.memory_space<vmem>>, vector<16xf32>,
      %get3A_1448 = arith.constant 0 : i32
      %get3A_1449 = arith.constant 7 : i32
      %get3A_1450 = arith.index_cast %get3A_1448 : i32 to index
      %get3A_1451 = arith.index_cast %get3A_1449 : i32 to index
      %get3A_1452 = arith.index_cast %sub3A_1440 : i32 to index
      %get3A_1453 = arith.constant 16 : index
      %get3A_1454 = tpu.vector_load %arg12[%get3A_1450, %get3A_1451, %get3A_1452, %get3A_1453] {strides = array<i32>} : memref<2x8x8x32xf32, #tpu.memory_space<vmem>>, vector<16xf32>,
      %add3A_1455 = arith.constant 16 : i32
      %add3A_1456 = vector.broadcast %add3A_1455 : i32 to vector<16xi32>
      %add3A_1457 = arith.addi %iota3A, %add3A_1456 : vector<16xi32>
      tpu.vector_store_idx %arg14[%add3A_1457, %broadcast_in_dim3A_1414], %get3A_1447 : memref<64x512xf32, #tpu.memory_space<vmem>>[vector<16xi32>, vector<16xi32>], vector<16xf32>,
      %add3A_1458 = arith.constant 16 : i32
      %add3A_1459 = vector.broadcast %add3A_1458 : i32 to vector<16xi32>
      %add3A_1460 = arith.addi %iota3A, %add3A_1459 : vector<16xi32>
      %add3A_1461 = arith.constant 16 : i32
      %add3A_1462 = vector.broadcast %add3A_1461 : i32 to vector<16xi32>
      %add3A_1463 = arith.addi %add3A_1460, %add3A_1462 : vector<16xi32>
      tpu.vector_store_idx %arg14[%add3A_1463, %broadcast_in_dim3A_1414], %get3A_1454 : memref<64x512xf32, #tpu.memory_space<vmem>>[vector<16xi32>, vector<16xi32>], vector<16xf32>,
      %add3A_1464 = arith.constant 1 : i32
      %add3A_1465 = arith.addi %scan3A_685, %add3A_1464 : i32
      %lt3A = arith.constant 32 : i32
      %lt3A_1466 = arith.cmpi slt, %add3A_1465, %lt3A : i32
      %convert_element_type3A = arith.extui %lt3A_1466 : i1 to i32
      %cond3A = arith.constant 0 : i32
      %cond3A_1467 = arith.cmpi ne, %convert_element_type3A, %cond3A : i32
      scf.if %cond3A_1467 {
        %add3A_2253 = arith.constant 1 : i32
        %add3A_2254 = arith.addi %scan3A_685, %add3A_2253 : i32
        %mul3A_2255 = arith.constant 16 : i32
        %mul3A_2256 = arith.muli %add3A_2254, %mul3A_2255 : i32
        %get3A_2257 = arith.index_cast %mul3A_2256 : i32 to index
        %get3A_2258 = tpu.vector_load %arg9[%get3A_2257] {strides = array<i32>} : memref<512xi32, #tpu.memory_space<vmem>>, vector<16xi32>,
        %add3A_2259 = arith.constant 1 : i32
        %add3A_2260 = arith.addi %scan3A_685, %add3A_2259 : i32
        %mul3A_2261 = arith.constant 16 : i32
        %mul3A_2262 = arith.muli %add3A_2260, %mul3A_2261 : i32
        %get3A_2263 = arith.index_cast %mul3A_2262 : i32 to index
        %get3A_2264 = tpu.vector_load %arg10[%get3A_2263] {strides = array<i32>} : memref<512xi32, #tpu.memory_space<vmem>>, vector<16xi32>,
        %slice3A_2265 = vector.extract_strided_slice %get3A_2258 {offsets = [0], sizes = [1], strides = [1]} : vector<16xi32> to vector<1xi32>
        %squeeze3A_2266 = vector.extract %slice3A_2265[0] : i32 from vector<1xi32>
        %shift_right_arithmetic3A_2267 = arith.constant 7 : i32
        %shift_right_arithmetic3A_2268 = arith.shrsi %squeeze3A_2266, %shift_right_arithmetic3A_2267 : i32
        %min3A_2269 = arith.constant 7811 : i32
        %min3A_2270 = arith.minsi %shift_right_arithmetic3A_2268, %min3A_2269 : i32
        %mul3A_2271 = arith.constant 128 : i32
        %mul3A_2272 = arith.muli %min3A_2270, %mul3A_2271 : i32
        %dma_start3A_2273 = arith.constant 0 : i32
        %dma_start3A_2274 = arith.constant 0 : i32
        %dma_start3A_2275 = arith.constant 0 : i32
        %dma_start3A_2276 = arith.constant 0 : i32
        %dma_start3A_2277 = tpu.memref_slice %arg11[%dma_start3A_2273, %dma_start3A_2274, %dma_start3A_2275, %dma_start3A_2276] : memref<2x8x16x128xf32, #tpu.memory_space<vmem>> -> memref<1x1x16x128xf32, #tpu.memory_space<vmem>>
        %dma_start3A_2278 = tpu.memref_squeeze %dma_start3A_2277 : memref<1x1x16x128xf32, #tpu.memory_space<vmem>> -> memref<16x128xf32, #tpu.memory_space<vmem>>
        %dma_start3A_2279 = arith.constant 0 : i32
        %dma_start3A_2280 = tpu.memref_slice %arg3[%dma_start3A_2279, %mul3A_2272] : memref<16x1000000xf32, #tpu.memory_space<hbm>> -> memref<16x128xf32, #tpu.memory_space<hbm>>
        %dma_start3A_2281 = arith.constant 0 : i32
        %dma_start3A_2282 = arith.constant 0 : i32
        %dma_start3A_2283 = tpu.memref_slice %arg11[%dma_start3A_2273, %dma_start3A_2274, %dma_start3A_2281, %dma_start3A_2282] : memref<2x8x16x128xf32, #tpu.memory_space<vmem>> -> memref<1x1x16x128xf32, #tpu.memory_space<vmem>>
        %dma_start3A_2284 = tpu.memref_squeeze %dma_start3A_2283 : memref<1x1x16x128xf32, #tpu.memory_space<vmem>> -> memref<16x128xf32, #tpu.memory_space<vmem>>
        %dma_start3A_2285 = arith.constant 0 : i32
        %dma_start3A_2286 = tpu.memref_slice %arg3[%dma_start3A_2285, %mul3A_2272] : memref<16x1000000xf32, #tpu.memory_space<hbm>> -> memref<16x128xf32, #tpu.memory_space<hbm>>
        tpu.enqueue_dma source(%dma_start3A_2286 : memref<16x128xf32, #tpu.memory_space<hbm>>) target(%dma_start3A_2284 : memref<16x128xf32, #tpu.memory_space<vmem>>) target_semaphore(%arg16 : memref<!tpu.dma_semaphore, #tpu.memory_space<semaphore_mem>>)
        %slice3A_2287 = vector.extract_strided_slice %get3A_2264 {offsets = [0], sizes = [1], strides = [1]} : vector<16xi32> to vector<1xi32>
        %squeeze3A_2288 = vector.extract %slice3A_2287[0] : i32 from vector<1xi32>
        %shift_right_arithmetic3A_2289 = arith.constant 3 : i32
        %shift_right_arithmetic3A_2290 = arith.shrsi %squeeze3A_2288, %shift_right_arithmetic3A_2289 : i32
        %mul3A_2291 = arith.constant 8 : i32
        %mul3A_2292 = arith.muli %shift_right_arithmetic3A_2290, %mul3A_2291 : i32
        %dma_start3A_2293 = arith.constant 0 : i32
        %dma_start3A_2294 = arith.constant 0 : i32
        %dma_start3A_2295 = arith.constant 0 : i32
        %dma_start3A_2296 = arith.constant 0 : i32
        %dma_start3A_2297 = tpu.memref_slice %arg12[%dma_start3A_2293, %dma_start3A_2294, %dma_start3A_2295, %dma_start3A_2296] : memref<2x8x8x32xf32, #tpu.memory_space<vmem>> -> memref<1x1x8x32xf32, #tpu.memory_space<vmem>>
        %dma_start3A_2298 = tpu.memref_squeeze %dma_start3A_2297 : memref<1x1x8x32xf32, #tpu.memory_space<vmem>> -> memref<8x32xf32, #tpu.memory_space<vmem>>
        %dma_start3A_2299 = arith.constant 0 : i32
        %dma_start3A_2300 = tpu.memref_slice %arg5[%mul3A_2292, %dma_start3A_2299] : memref<100000x32xf32, #tpu.memory_space<hbm>> -> memref<8x32xf32, #tpu.memory_space<hbm>>
        %dma_start3A_2301 = arith.constant 0 : i32
        %dma_start3A_2302 = arith.constant 0 : i32
        %dma_start3A_2303 = tpu.memref_slice %arg12[%dma_start3A_2293, %dma_start3A_2294, %dma_start3A_2301, %dma_start3A_2302] : memref<2x8x8x32xf32, #tpu.memory_space<vmem>> -> memref<1x1x8x32xf32, #tpu.memory_space<vmem>>
        %dma_start3A_2304 = tpu.memref_squeeze %dma_start3A_2303 : memref<1x1x8x32xf32, #tpu.memory_space<vmem>> -> memref<8x32xf32, #tpu.memory_space<vmem>>
        %dma_start3A_2305 = arith.constant 0 : i32
        %dma_start3A_2306 = tpu.memref_slice %arg5[%mul3A_2292, %dma_start3A_2305] : memref<100000x32xf32, #tpu.memory_space<hbm>> -> memref<8x32xf32, #tpu.memory_space<hbm>>
        tpu.enqueue_dma source(%dma_start3A_2306 : memref<8x32xf32, #tpu.memory_space<hbm>>) target(%dma_start3A_2304 : memref<8x32xf32, #tpu.memory_space<vmem>>) target_semaphore(%arg17 : memref<!tpu.dma_semaphore, #tpu.memory_space<semaphore_mem>>)
        %slice3A_2307 = vector.extract_strided_slice %get3A_2258 {offsets = [1], sizes = [1], strides = [1]} : vector<16xi32> to vector<1xi32>
        %squeeze3A_2308 = vector.extract %slice3A_2307[0] : i32 from vector<1xi32>
        %shift_right_arithmetic3A_2309 = arith.constant 7 : i32
        %shift_right_arithmetic3A_2310 = arith.shrsi %squeeze3A_2308, %shift_right_arithmetic3A_2309 : i32
        %min3A_2311 = arith.constant 7811 : i32
        %min3A_2312 = arith.minsi %shift_right_arithmetic3A_2310, %min3A_2311 : i32
        %mul3A_2313 = arith.constant 128 : i32
        %mul3A_2314 = arith.muli %min3A_2312, %mul3A_2313 : i32
        %dma_start3A_2315 = arith.constant 0 : i32
        %dma_start3A_2316 = arith.constant 1 : i32
        %dma_start3A_2317 = arith.constant 0 : i32
        %dma_start3A_2318 = arith.constant 0 : i32
        %dma_start3A_2319 = tpu.memref_slice %arg11[%dma_start3A_2315, %dma_start3A_2316, %dma_start3A_2317, %dma_start3A_2318] : memref<2x8x16x128xf32, #tpu.memory_space<vmem>> -> memref<1x1x16x128xf32, #tpu.memory_space<vmem>>
        %dma_start3A_2320 = tpu.memref_squeeze %dma_start3A_2319 : memref<1x1x16x128xf32, #tpu.memory_space<vmem>> -> memref<16x128xf32, #tpu.memory_space<vmem>>
        %dma_start3A_2321 = arith.constant 0 : i32
        %dma_start3A_2322 = tpu.memref_slice %arg3[%dma_start3A_2321, %mul3A_2314] : memref<16x1000000xf32, #tpu.memory_space<hbm>> -> memref<16x128xf32, #tpu.memory_space<hbm>>
        %dma_start3A_2323 = arith.constant 0 : i32
        %dma_start3A_2324 = arith.constant 0 : i32
        %dma_start3A_2325 = tpu.memref_slice %arg11[%dma_start3A_2315, %dma_start3A_2316, %dma_start3A_2323, %dma_start3A_2324] : memref<2x8x16x128xf32, #tpu.memory_space<vmem>> -> memref<1x1x16x128xf32, #tpu.memory_space<vmem>>
        %dma_start3A_2326 = tpu.memref_squeeze %dma_start3A_2325 : memref<1x1x16x128xf32, #tpu.memory_space<vmem>> -> memref<16x128xf32, #tpu.memory_space<vmem>>
        %dma_start3A_2327 = arith.constant 0 : i32
        %dma_start3A_2328 = tpu.memref_slice %arg3[%dma_start3A_2327, %mul3A_2314] : memref<16x1000000xf32, #tpu.memory_space<hbm>> -> memref<16x128xf32, #tpu.memory_space<hbm>>
        tpu.enqueue_dma source(%dma_start3A_2328 : memref<16x128xf32, #tpu.memory_space<hbm>>) target(%dma_start3A_2326 : memref<16x128xf32, #tpu.memory_space<vmem>>) target_semaphore(%arg16 : memref<!tpu.dma_semaphore, #tpu.memory_space<semaphore_mem>>)
        %slice3A_2329 = vector.extract_strided_slice %get3A_2264 {offsets = [1], sizes = [1], strides = [1]} : vector<16xi32> to vector<1xi32>
        %squeeze3A_2330 = vector.extract %slice3A_2329[0] : i32 from vector<1xi32>
        %shift_right_arithmetic3A_2331 = arith.constant 3 : i32
        %shift_right_arithmetic3A_2332 = arith.shrsi %squeeze3A_2330, %shift_right_arithmetic3A_2331 : i32
        %mul3A_2333 = arith.constant 8 : i32
        %mul3A_2334 = arith.muli %shift_right_arithmetic3A_2332, %mul3A_2333 : i32
        %dma_start3A_2335 = arith.constant 0 : i32
        %dma_start3A_2336 = arith.constant 1 : i32
        %dma_start3A_2337 = arith.constant 0 : i32
        %dma_start3A_2338 = arith.constant 0 : i32
        %dma_start3A_2339 = tpu.memref_slice %arg12[%dma_start3A_2335, %dma_start3A_2336, %dma_start3A_2337, %dma_start3A_2338] : memref<2x8x8x32xf32, #tpu.memory_space<vmem>> -> memref<1x1x8x32xf32, #tpu.memory_space<vmem>>
        %dma_start3A_2340 = tpu.memref_squeeze %dma_start3A_2339 : memref<1x1x8x32xf32, #tpu.memory_space<vmem>> -> memref<8x32xf32, #tpu.memory_space<vmem>>
        %dma_start3A_2341 = arith.constant 0 : i32
        %dma_start3A_2342 = tpu.memref_slice %arg5[%mul3A_2334, %dma_start3A_2341] : memref<100000x32xf32, #tpu.memory_space<hbm>> -> memref<8x32xf32, #tpu.memory_space<hbm>>
        %dma_start3A_2343 = arith.constant 0 : i32
        %dma_start3A_2344 = arith.constant 0 : i32
        %dma_start3A_2345 = tpu.memref_slice %arg12[%dma_start3A_2335, %dma_start3A_2336, %dma_start3A_2343, %dma_start3A_2344] : memref<2x8x8x32xf32, #tpu.memory_space<vmem>> -> memref<1x1x8x32xf32, #tpu.memory_space<vmem>>
        %dma_start3A_2346 = tpu.memref_squeeze %dma_start3A_2345 : memref<1x1x8x32xf32, #tpu.memory_space<vmem>> -> memref<8x32xf32, #tpu.memory_space<vmem>>
        %dma_start3A_2347 = arith.constant 0 : i32
        %dma_start3A_2348 = tpu.memref_slice %arg5[%mul3A_2334, %dma_start3A_2347] : memref<100000x32xf32, #tpu.memory_space<hbm>> -> memref<8x32xf32, #tpu.memory_space<hbm>>
        tpu.enqueue_dma source(%dma_start3A_2348 : memref<8x32xf32, #tpu.memory_space<hbm>>) target(%dma_start3A_2346 : memref<8x32xf32, #tpu.memory_space<vmem>>) target_semaphore(%arg17 : memref<!tpu.dma_semaphore, #tpu.memory_space<semaphore_mem>>)
        %slice3A_2349 = vector.extract_strided_slice %get3A_2258 {offsets = [2], sizes = [1], strides = [1]} : vector<16xi32> to vector<1xi32>
        %squeeze3A_2350 = vector.extract %slice3A_2349[0] : i32 from vector<1xi32>
        %shift_right_arithmetic3A_2351 = arith.constant 7 : i32
        %shift_right_arithmetic3A_2352 = arith.shrsi %squeeze3A_2350, %shift_right_arithmetic3A_2351 : i32
        %min3A_2353 = arith.constant 7811 : i32
        %min3A_2354 = arith.minsi %shift_right_arithmetic3A_2352, %min3A_2353 : i32
        %mul3A_2355 = arith.constant 128 : i32
        %mul3A_2356 = arith.muli %min3A_2354, %mul3A_2355 : i32
        %dma_start3A_2357 = arith.constant 0 : i32
        %dma_start3A_2358 = arith.constant 2 : i32
        %dma_start3A_2359 = arith.constant 0 : i32
        %dma_start3A_2360 = arith.constant 0 : i32
        %dma_start3A_2361 = tpu.memref_slice %arg11[%dma_start3A_2357, %dma_start3A_2358, %dma_start3A_2359, %dma_start3A_2360] : memref<2x8x16x128xf32, #tpu.memory_space<vmem>> -> memref<1x1x16x128xf32, #tpu.memory_space<vmem>>
        %dma_start3A_2362 = tpu.memref_squeeze %dma_start3A_2361 : memref<1x1x16x128xf32, #tpu.memory_space<vmem>> -> memref<16x128xf32, #tpu.memory_space<vmem>>
        %dma_start3A_2363 = arith.constant 0 : i32
        %dma_start3A_2364 = tpu.memref_slice %arg3[%dma_start3A_2363, %mul3A_2356] : memref<16x1000000xf32, #tpu.memory_space<hbm>> -> memref<16x128xf32, #tpu.memory_space<hbm>>
        %dma_start3A_2365 = arith.constant 0 : i32
        %dma_start3A_2366 = arith.constant 0 : i32
        %dma_start3A_2367 = tpu.memref_slice %arg11[%dma_start3A_2357, %dma_start3A_2358, %dma_start3A_2365, %dma_start3A_2366] : memref<2x8x16x128xf32, #tpu.memory_space<vmem>> -> memref<1x1x16x128xf32, #tpu.memory_space<vmem>>
        %dma_start3A_2368 = tpu.memref_squeeze %dma_start3A_2367 : memref<1x1x16x128xf32, #tpu.memory_space<vmem>> -> memref<16x128xf32, #tpu.memory_space<vmem>>
        %dma_start3A_2369 = arith.constant 0 : i32
        %dma_start3A_2370 = tpu.memref_slice %arg3[%dma_start3A_2369, %mul3A_2356] : memref<16x1000000xf32, #tpu.memory_space<hbm>> -> memref<16x128xf32, #tpu.memory_space<hbm>>
        tpu.enqueue_dma source(%dma_start3A_2370 : memref<16x128xf32, #tpu.memory_space<hbm>>) target(%dma_start3A_2368 : memref<16x128xf32, #tpu.memory_space<vmem>>) target_semaphore(%arg16 : memref<!tpu.dma_semaphore, #tpu.memory_space<semaphore_mem>>)
        %slice3A_2371 = vector.extract_strided_slice %get3A_2264 {offsets = [2], sizes = [1], strides = [1]} : vector<16xi32> to vector<1xi32>
        %squeeze3A_2372 = vector.extract %slice3A_2371[0] : i32 from vector<1xi32>
        %shift_right_arithmetic3A_2373 = arith.constant 3 : i32
        %shift_right_arithmetic3A_2374 = arith.shrsi %squeeze3A_2372, %shift_right_arithmetic3A_2373 : i32
        %mul3A_2375 = arith.constant 8 : i32
        %mul3A_2376 = arith.muli %shift_right_arithmetic3A_2374, %mul3A_2375 : i32
        %dma_start3A_2377 = arith.constant 0 : i32
        %dma_start3A_2378 = arith.constant 2 : i32
        %dma_start3A_2379 = arith.constant 0 : i32
        %dma_start3A_2380 = arith.constant 0 : i32
        %dma_start3A_2381 = tpu.memref_slice %arg12[%dma_start3A_2377, %dma_start3A_2378, %dma_start3A_2379, %dma_start3A_2380] : memref<2x8x8x32xf32, #tpu.memory_space<vmem>> -> memref<1x1x8x32xf32, #tpu.memory_space<vmem>>
        %dma_start3A_2382 = tpu.memref_squeeze %dma_start3A_2381 : memref<1x1x8x32xf32, #tpu.memory_space<vmem>> -> memref<8x32xf32, #tpu.memory_space<vmem>>
        %dma_start3A_2383 = arith.constant 0 : i32
        %dma_start3A_2384 = tpu.memref_slice %arg5[%mul3A_2376, %dma_start3A_2383] : memref<100000x32xf32, #tpu.memory_space<hbm>> -> memref<8x32xf32, #tpu.memory_space<hbm>>
        %dma_start3A_2385 = arith.constant 0 : i32
        %dma_start3A_2386 = arith.constant 0 : i32
        %dma_start3A_2387 = tpu.memref_slice %arg12[%dma_start3A_2377, %dma_start3A_2378, %dma_start3A_2385, %dma_start3A_2386] : memref<2x8x8x32xf32, #tpu.memory_space<vmem>> -> memref<1x1x8x32xf32, #tpu.memory_space<vmem>>
        %dma_start3A_2388 = tpu.memref_squeeze %dma_start3A_2387 : memref<1x1x8x32xf32, #tpu.memory_space<vmem>> -> memref<8x32xf32, #tpu.memory_space<vmem>>
        %dma_start3A_2389 = arith.constant 0 : i32
        %dma_start3A_2390 = tpu.memref_slice %arg5[%mul3A_2376, %dma_start3A_2389] : memref<100000x32xf32, #tpu.memory_space<hbm>> -> memref<8x32xf32, #tpu.memory_space<hbm>>
        tpu.enqueue_dma source(%dma_start3A_2390 : memref<8x32xf32, #tpu.memory_space<hbm>>) target(%dma_start3A_2388 : memref<8x32xf32, #tpu.memory_space<vmem>>) target_semaphore(%arg17 : memref<!tpu.dma_semaphore, #tpu.memory_space<semaphore_mem>>)
        %slice3A_2391 = vector.extract_strided_slice %get3A_2258 {offsets = [3], sizes = [1], strides = [1]} : vector<16xi32> to vector<1xi32>
        %squeeze3A_2392 = vector.extract %slice3A_2391[0] : i32 from vector<1xi32>
        %shift_right_arithmetic3A_2393 = arith.constant 7 : i32
        %shift_right_arithmetic3A_2394 = arith.shrsi %squeeze3A_2392, %shift_right_arithmetic3A_2393 : i32
        %min3A_2395 = arith.constant 7811 : i32
        %min3A_2396 = arith.minsi %shift_right_arithmetic3A_2394, %min3A_2395 : i32
        %mul3A_2397 = arith.constant 128 : i32
        %mul3A_2398 = arith.muli %min3A_2396, %mul3A_2397 : i32
        %dma_start3A_2399 = arith.constant 0 : i32
        %dma_start3A_2400 = arith.constant 3 : i32
        %dma_start3A_2401 = arith.constant 0 : i32
        %dma_start3A_2402 = arith.constant 0 : i32
        %dma_start3A_2403 = tpu.memref_slice %arg11[%dma_start3A_2399, %dma_start3A_2400, %dma_start3A_2401, %dma_start3A_2402] : memref<2x8x16x128xf32, #tpu.memory_space<vmem>> -> memref<1x1x16x128xf32, #tpu.memory_space<vmem>>
        %dma_start3A_2404 = tpu.memref_squeeze %dma_start3A_2403 : memref<1x1x16x128xf32, #tpu.memory_space<vmem>> -> memref<16x128xf32, #tpu.memory_space<vmem>>
        %dma_start3A_2405 = arith.constant 0 : i32
        %dma_start3A_2406 = tpu.memref_slice %arg3[%dma_start3A_2405, %mul3A_2398] : memref<16x1000000xf32, #tpu.memory_space<hbm>> -> memref<16x128xf32, #tpu.memory_space<hbm>>
        %dma_start3A_2407 = arith.constant 0 : i32
        %dma_start3A_2408 = arith.constant 0 : i32
        %dma_start3A_2409 = tpu.memref_slice %arg11[%dma_start3A_2399, %dma_start3A_2400, %dma_start3A_2407, %dma_start3A_2408] : memref<2x8x16x128xf32, #tpu.memory_space<vmem>> -> memref<1x1x16x128xf32, #tpu.memory_space<vmem>>
        %dma_start3A_2410 = tpu.memref_squeeze %dma_start3A_2409 : memref<1x1x16x128xf32, #tpu.memory_space<vmem>> -> memref<16x128xf32, #tpu.memory_space<vmem>>
        %dma_start3A_2411 = arith.constant 0 : i32
        %dma_start3A_2412 = tpu.memref_slice %arg3[%dma_start3A_2411, %mul3A_2398] : memref<16x1000000xf32, #tpu.memory_space<hbm>> -> memref<16x128xf32, #tpu.memory_space<hbm>>
        tpu.enqueue_dma source(%dma_start3A_2412 : memref<16x128xf32, #tpu.memory_space<hbm>>) target(%dma_start3A_2410 : memref<16x128xf32, #tpu.memory_space<vmem>>) target_semaphore(%arg16 : memref<!tpu.dma_semaphore, #tpu.memory_space<semaphore_mem>>)
        %slice3A_2413 = vector.extract_strided_slice %get3A_2264 {offsets = [3], sizes = [1], strides = [1]} : vector<16xi32> to vector<1xi32>
        %squeeze3A_2414 = vector.extract %slice3A_2413[0] : i32 from vector<1xi32>
        %shift_right_arithmetic3A_2415 = arith.constant 3 : i32
        %shift_right_arithmetic3A_2416 = arith.shrsi %squeeze3A_2414, %shift_right_arithmetic3A_2415 : i32
        %mul3A_2417 = arith.constant 8 : i32
        %mul3A_2418 = arith.muli %shift_right_arithmetic3A_2416, %mul3A_2417 : i32
        %dma_start3A_2419 = arith.constant 0 : i32
        %dma_start3A_2420 = arith.constant 3 : i32
        %dma_start3A_2421 = arith.constant 0 : i32
        %dma_start3A_2422 = arith.constant 0 : i32
        %dma_start3A_2423 = tpu.memref_slice %arg12[%dma_start3A_2419, %dma_start3A_2420, %dma_start3A_2421, %dma_start3A_2422] : memref<2x8x8x32xf32, #tpu.memory_space<vmem>> -> memref<1x1x8x32xf32, #tpu.memory_space<vmem>>
        %dma_start3A_2424 = tpu.memref_squeeze %dma_start3A_2423 : memref<1x1x8x32xf32, #tpu.memory_space<vmem>> -> memref<8x32xf32, #tpu.memory_space<vmem>>
        %dma_start3A_2425 = arith.constant 0 : i32
        %dma_start3A_2426 = tpu.memref_slice %arg5[%mul3A_2418, %dma_start3A_2425] : memref<100000x32xf32, #tpu.memory_space<hbm>> -> memref<8x32xf32, #tpu.memory_space<hbm>>
        %dma_start3A_2427 = arith.constant 0 : i32
        %dma_start3A_2428 = arith.constant 0 : i32
        %dma_start3A_2429 = tpu.memref_slice %arg12[%dma_start3A_2419, %dma_start3A_2420, %dma_start3A_2427, %dma_start3A_2428] : memref<2x8x8x32xf32, #tpu.memory_space<vmem>> -> memref<1x1x8x32xf32, #tpu.memory_space<vmem>>
        %dma_start3A_2430 = tpu.memref_squeeze %dma_start3A_2429 : memref<1x1x8x32xf32, #tpu.memory_space<vmem>> -> memref<8x32xf32, #tpu.memory_space<vmem>>
        %dma_start3A_2431 = arith.constant 0 : i32
        %dma_start3A_2432 = tpu.memref_slice %arg5[%mul3A_2418, %dma_start3A_2431] : memref<100000x32xf32, #tpu.memory_space<hbm>> -> memref<8x32xf32, #tpu.memory_space<hbm>>
        tpu.enqueue_dma source(%dma_start3A_2432 : memref<8x32xf32, #tpu.memory_space<hbm>>) target(%dma_start3A_2430 : memref<8x32xf32, #tpu.memory_space<vmem>>) target_semaphore(%arg17 : memref<!tpu.dma_semaphore, #tpu.memory_space<semaphore_mem>>)
        %slice3A_2433 = vector.extract_strided_slice %get3A_2258 {offsets = [4], sizes = [1], strides = [1]} : vector<16xi32> to vector<1xi32>
        %squeeze3A_2434 = vector.extract %slice3A_2433[0] : i32 from vector<1xi32>
        %shift_right_arithmetic3A_2435 = arith.constant 7 : i32
        %shift_right_arithmetic3A_2436 = arith.shrsi %squeeze3A_2434, %shift_right_arithmetic3A_2435 : i32
        %min3A_2437 = arith.constant 7811 : i32
        %min3A_2438 = arith.minsi %shift_right_arithmetic3A_2436, %min3A_2437 : i32
        %mul3A_2439 = arith.constant 128 : i32
        %mul3A_2440 = arith.muli %min3A_2438, %mul3A_2439 : i32
        %dma_start3A_2441 = arith.constant 0 : i32
        %dma_start3A_2442 = arith.constant 4 : i32
        %dma_start3A_2443 = arith.constant 0 : i32
        %dma_start3A_2444 = arith.constant 0 : i32
        %dma_start3A_2445 = tpu.memref_slice %arg11[%dma_start3A_2441, %dma_start3A_2442, %dma_start3A_2443, %dma_start3A_2444] : memref<2x8x16x128xf32, #tpu.memory_space<vmem>> -> memref<1x1x16x128xf32, #tpu.memory_space<vmem>>
        %dma_start3A_2446 = tpu.memref_squeeze %dma_start3A_2445 : memref<1x1x16x128xf32, #tpu.memory_space<vmem>> -> memref<16x128xf32, #tpu.memory_space<vmem>>
        %dma_start3A_2447 = arith.constant 0 : i32
        %dma_start3A_2448 = tpu.memref_slice %arg3[%dma_start3A_2447, %mul3A_2440] : memref<16x1000000xf32, #tpu.memory_space<hbm>> -> memref<16x128xf32, #tpu.memory_space<hbm>>
        %dma_start3A_2449 = arith.constant 0 : i32
        %dma_start3A_2450 = arith.constant 0 : i32
        %dma_start3A_2451 = tpu.memref_slice %arg11[%dma_start3A_2441, %dma_start3A_2442, %dma_start3A_2449, %dma_start3A_2450] : memref<2x8x16x128xf32, #tpu.memory_space<vmem>> -> memref<1x1x16x128xf32, #tpu.memory_space<vmem>>
        %dma_start3A_2452 = tpu.memref_squeeze %dma_start3A_2451 : memref<1x1x16x128xf32, #tpu.memory_space<vmem>> -> memref<16x128xf32, #tpu.memory_space<vmem>>
        %dma_start3A_2453 = arith.constant 0 : i32
        %dma_start3A_2454 = tpu.memref_slice %arg3[%dma_start3A_2453, %mul3A_2440] : memref<16x1000000xf32, #tpu.memory_space<hbm>> -> memref<16x128xf32, #tpu.memory_space<hbm>>
        tpu.enqueue_dma source(%dma_start3A_2454 : memref<16x128xf32, #tpu.memory_space<hbm>>) target(%dma_start3A_2452 : memref<16x128xf32, #tpu.memory_space<vmem>>) target_semaphore(%arg16 : memref<!tpu.dma_semaphore, #tpu.memory_space<semaphore_mem>>)
        %slice3A_2455 = vector.extract_strided_slice %get3A_2264 {offsets = [4], sizes = [1], strides = [1]} : vector<16xi32> to vector<1xi32>
        %squeeze3A_2456 = vector.extract %slice3A_2455[0] : i32 from vector<1xi32>
        %shift_right_arithmetic3A_2457 = arith.constant 3 : i32
        %shift_right_arithmetic3A_2458 = arith.shrsi %squeeze3A_2456, %shift_right_arithmetic3A_2457 : i32
        %mul3A_2459 = arith.constant 8 : i32
        %mul3A_2460 = arith.muli %shift_right_arithmetic3A_2458, %mul3A_2459 : i32
        %dma_start3A_2461 = arith.constant 0 : i32
        %dma_start3A_2462 = arith.constant 4 : i32
        %dma_start3A_2463 = arith.constant 0 : i32
        %dma_start3A_2464 = arith.constant 0 : i32
        %dma_start3A_2465 = tpu.memref_slice %arg12[%dma_start3A_2461, %dma_start3A_2462, %dma_start3A_2463, %dma_start3A_2464] : memref<2x8x8x32xf32, #tpu.memory_space<vmem>> -> memref<1x1x8x32xf32, #tpu.memory_space<vmem>>
        %dma_start3A_2466 = tpu.memref_squeeze %dma_start3A_2465 : memref<1x1x8x32xf32, #tpu.memory_space<vmem>> -> memref<8x32xf32, #tpu.memory_space<vmem>>
        %dma_start3A_2467 = arith.constant 0 : i32
        %dma_start3A_2468 = tpu.memref_slice %arg5[%mul3A_2460, %dma_start3A_2467] : memref<100000x32xf32, #tpu.memory_space<hbm>> -> memref<8x32xf32, #tpu.memory_space<hbm>>
        %dma_start3A_2469 = arith.constant 0 : i32
        %dma_start3A_2470 = arith.constant 0 : i32
        %dma_start3A_2471 = tpu.memref_slice %arg12[%dma_start3A_2461, %dma_start3A_2462, %dma_start3A_2469, %dma_start3A_2470] : memref<2x8x8x32xf32, #tpu.memory_space<vmem>> -> memref<1x1x8x32xf32, #tpu.memory_space<vmem>>
        %dma_start3A_2472 = tpu.memref_squeeze %dma_start3A_2471 : memref<1x1x8x32xf32, #tpu.memory_space<vmem>> -> memref<8x32xf32, #tpu.memory_space<vmem>>
        %dma_start3A_2473 = arith.constant 0 : i32
        %dma_start3A_2474 = tpu.memref_slice %arg5[%mul3A_2460, %dma_start3A_2473] : memref<100000x32xf32, #tpu.memory_space<hbm>> -> memref<8x32xf32, #tpu.memory_space<hbm>>
        tpu.enqueue_dma source(%dma_start3A_2474 : memref<8x32xf32, #tpu.memory_space<hbm>>) target(%dma_start3A_2472 : memref<8x32xf32, #tpu.memory_space<vmem>>) target_semaphore(%arg17 : memref<!tpu.dma_semaphore, #tpu.memory_space<semaphore_mem>>)
        %slice3A_2475 = vector.extract_strided_slice %get3A_2258 {offsets = [5], sizes = [1], strides = [1]} : vector<16xi32> to vector<1xi32>
        %squeeze3A_2476 = vector.extract %slice3A_2475[0] : i32 from vector<1xi32>
        %shift_right_arithmetic3A_2477 = arith.constant 7 : i32
        %shift_right_arithmetic3A_2478 = arith.shrsi %squeeze3A_2476, %shift_right_arithmetic3A_2477 : i32
        %min3A_2479 = arith.constant 7811 : i32
        %min3A_2480 = arith.minsi %shift_right_arithmetic3A_2478, %min3A_2479 : i32
        %mul3A_2481 = arith.constant 128 : i32
        %mul3A_2482 = arith.muli %min3A_2480, %mul3A_2481 : i32
        %dma_start3A_2483 = arith.constant 0 : i32
        %dma_start3A_2484 = arith.constant 5 : i32
        %dma_start3A_2485 = arith.constant 0 : i32
        %dma_start3A_2486 = arith.constant 0 : i32
        %dma_start3A_2487 = tpu.memref_slice %arg11[%dma_start3A_2483, %dma_start3A_2484, %dma_start3A_2485, %dma_start3A_2486] : memref<2x8x16x128xf32, #tpu.memory_space<vmem>> -> memref<1x1x16x128xf32, #tpu.memory_space<vmem>>
        %dma_start3A_2488 = tpu.memref_squeeze %dma_start3A_2487 : memref<1x1x16x128xf32, #tpu.memory_space<vmem>> -> memref<16x128xf32, #tpu.memory_space<vmem>>
        %dma_start3A_2489 = arith.constant 0 : i32
        %dma_start3A_2490 = tpu.memref_slice %arg3[%dma_start3A_2489, %mul3A_2482] : memref<16x1000000xf32, #tpu.memory_space<hbm>> -> memref<16x128xf32, #tpu.memory_space<hbm>>
        %dma_start3A_2491 = arith.constant 0 : i32
        %dma_start3A_2492 = arith.constant 0 : i32
        %dma_start3A_2493 = tpu.memref_slice %arg11[%dma_start3A_2483, %dma_start3A_2484, %dma_start3A_2491, %dma_start3A_2492] : memref<2x8x16x128xf32, #tpu.memory_space<vmem>> -> memref<1x1x16x128xf32, #tpu.memory_space<vmem>>
        %dma_start3A_2494 = tpu.memref_squeeze %dma_start3A_2493 : memref<1x1x16x128xf32, #tpu.memory_space<vmem>> -> memref<16x128xf32, #tpu.memory_space<vmem>>
        %dma_start3A_2495 = arith.constant 0 : i32
        %dma_start3A_2496 = tpu.memref_slice %arg3[%dma_start3A_2495, %mul3A_2482] : memref<16x1000000xf32, #tpu.memory_space<hbm>> -> memref<16x128xf32, #tpu.memory_space<hbm>>
        tpu.enqueue_dma source(%dma_start3A_2496 : memref<16x128xf32, #tpu.memory_space<hbm>>) target(%dma_start3A_2494 : memref<16x128xf32, #tpu.memory_space<vmem>>) target_semaphore(%arg16 : memref<!tpu.dma_semaphore, #tpu.memory_space<semaphore_mem>>)
        %slice3A_2497 = vector.extract_strided_slice %get3A_2264 {offsets = [5], sizes = [1], strides = [1]} : vector<16xi32> to vector<1xi32>
        %squeeze3A_2498 = vector.extract %slice3A_2497[0] : i32 from vector<1xi32>
        %shift_right_arithmetic3A_2499 = arith.constant 3 : i32
        %shift_right_arithmetic3A_2500 = arith.shrsi %squeeze3A_2498, %shift_right_arithmetic3A_2499 : i32
        %mul3A_2501 = arith.constant 8 : i32
        %mul3A_2502 = arith.muli %shift_right_arithmetic3A_2500, %mul3A_2501 : i32
        %dma_start3A_2503 = arith.constant 0 : i32
        %dma_start3A_2504 = arith.constant 5 : i32
        %dma_start3A_2505 = arith.constant 0 : i32
        %dma_start3A_2506 = arith.constant 0 : i32
        %dma_start3A_2507 = tpu.memref_slice %arg12[%dma_start3A_2503, %dma_start3A_2504, %dma_start3A_2505, %dma_start3A_2506] : memref<2x8x8x32xf32, #tpu.memory_space<vmem>> -> memref<1x1x8x32xf32, #tpu.memory_space<vmem>>
        %dma_start3A_2508 = tpu.memref_squeeze %dma_start3A_2507 : memref<1x1x8x32xf32, #tpu.memory_space<vmem>> -> memref<8x32xf32, #tpu.memory_space<vmem>>
        %dma_start3A_2509 = arith.constant 0 : i32
        %dma_start3A_2510 = tpu.memref_slice %arg5[%mul3A_2502, %dma_start3A_2509] : memref<100000x32xf32, #tpu.memory_space<hbm>> -> memref<8x32xf32, #tpu.memory_space<hbm>>
        %dma_start3A_2511 = arith.constant 0 : i32
        %dma_start3A_2512 = arith.constant 0 : i32
        %dma_start3A_2513 = tpu.memref_slice %arg12[%dma_start3A_2503, %dma_start3A_2504, %dma_start3A_2511, %dma_start3A_2512] : memref<2x8x8x32xf32, #tpu.memory_space<vmem>> -> memref<1x1x8x32xf32, #tpu.memory_space<vmem>>
        %dma_start3A_2514 = tpu.memref_squeeze %dma_start3A_2513 : memref<1x1x8x32xf32, #tpu.memory_space<vmem>> -> memref<8x32xf32, #tpu.memory_space<vmem>>
        %dma_start3A_2515 = arith.constant 0 : i32
        %dma_start3A_2516 = tpu.memref_slice %arg5[%mul3A_2502, %dma_start3A_2515] : memref<100000x32xf32, #tpu.memory_space<hbm>> -> memref<8x32xf32, #tpu.memory_space<hbm>>
        tpu.enqueue_dma source(%dma_start3A_2516 : memref<8x32xf32, #tpu.memory_space<hbm>>) target(%dma_start3A_2514 : memref<8x32xf32, #tpu.memory_space<vmem>>) target_semaphore(%arg17 : memref<!tpu.dma_semaphore, #tpu.memory_space<semaphore_mem>>)
        %slice3A_2517 = vector.extract_strided_slice %get3A_2258 {offsets = [6], sizes = [1], strides = [1]} : vector<16xi32> to vector<1xi32>
        %squeeze3A_2518 = vector.extract %slice3A_2517[0] : i32 from vector<1xi32>
        %shift_right_arithmetic3A_2519 = arith.constant 7 : i32
        %shift_right_arithmetic3A_2520 = arith.shrsi %squeeze3A_2518, %shift_right_arithmetic3A_2519 : i32
        %min3A_2521 = arith.constant 7811 : i32
        %min3A_2522 = arith.minsi %shift_right_arithmetic3A_2520, %min3A_2521 : i32
        %mul3A_2523 = arith.constant 128 : i32
        %mul3A_2524 = arith.muli %min3A_2522, %mul3A_2523 : i32
        %dma_start3A_2525 = arith.constant 0 : i32
        %dma_start3A_2526 = arith.constant 6 : i32
        %dma_start3A_2527 = arith.constant 0 : i32
        %dma_start3A_2528 = arith.constant 0 : i32
        %dma_start3A_2529 = tpu.memref_slice %arg11[%dma_start3A_2525, %dma_start3A_2526, %dma_start3A_2527, %dma_start3A_2528] : memref<2x8x16x128xf32, #tpu.memory_space<vmem>> -> memref<1x1x16x128xf32, #tpu.memory_space<vmem>>
        %dma_start3A_2530 = tpu.memref_squeeze %dma_start3A_2529 : memref<1x1x16x128xf32, #tpu.memory_space<vmem>> -> memref<16x128xf32, #tpu.memory_space<vmem>>
        %dma_start3A_2531 = arith.constant 0 : i32
        %dma_start3A_2532 = tpu.memref_slice %arg3[%dma_start3A_2531, %mul3A_2524] : memref<16x1000000xf32, #tpu.memory_space<hbm>> -> memref<16x128xf32, #tpu.memory_space<hbm>>
        %dma_start3A_2533 = arith.constant 0 : i32
        %dma_start3A_2534 = arith.constant 0 : i32
        %dma_start3A_2535 = tpu.memref_slice %arg11[%dma_start3A_2525, %dma_start3A_2526, %dma_start3A_2533, %dma_start3A_2534] : memref<2x8x16x128xf32, #tpu.memory_space<vmem>> -> memref<1x1x16x128xf32, #tpu.memory_space<vmem>>
        %dma_start3A_2536 = tpu.memref_squeeze %dma_start3A_2535 : memref<1x1x16x128xf32, #tpu.memory_space<vmem>> -> memref<16x128xf32, #tpu.memory_space<vmem>>
        %dma_start3A_2537 = arith.constant 0 : i32
        %dma_start3A_2538 = tpu.memref_slice %arg3[%dma_start3A_2537, %mul3A_2524] : memref<16x1000000xf32, #tpu.memory_space<hbm>> -> memref<16x128xf32, #tpu.memory_space<hbm>>
        tpu.enqueue_dma source(%dma_start3A_2538 : memref<16x128xf32, #tpu.memory_space<hbm>>) target(%dma_start3A_2536 : memref<16x128xf32, #tpu.memory_space<vmem>>) target_semaphore(%arg16 : memref<!tpu.dma_semaphore, #tpu.memory_space<semaphore_mem>>)
        %slice3A_2539 = vector.extract_strided_slice %get3A_2264 {offsets = [6], sizes = [1], strides = [1]} : vector<16xi32> to vector<1xi32>
        %squeeze3A_2540 = vector.extract %slice3A_2539[0] : i32 from vector<1xi32>
        %shift_right_arithmetic3A_2541 = arith.constant 3 : i32
        %shift_right_arithmetic3A_2542 = arith.shrsi %squeeze3A_2540, %shift_right_arithmetic3A_2541 : i32
        %mul3A_2543 = arith.constant 8 : i32
        %mul3A_2544 = arith.muli %shift_right_arithmetic3A_2542, %mul3A_2543 : i32
        %dma_start3A_2545 = arith.constant 0 : i32
        %dma_start3A_2546 = arith.constant 6 : i32
        %dma_start3A_2547 = arith.constant 0 : i32
        %dma_start3A_2548 = arith.constant 0 : i32
        %dma_start3A_2549 = tpu.memref_slice %arg12[%dma_start3A_2545, %dma_start3A_2546, %dma_start3A_2547, %dma_start3A_2548] : memref<2x8x8x32xf32, #tpu.memory_space<vmem>> -> memref<1x1x8x32xf32, #tpu.memory_space<vmem>>
        %dma_start3A_2550 = tpu.memref_squeeze %dma_start3A_2549 : memref<1x1x8x32xf32, #tpu.memory_space<vmem>> -> memref<8x32xf32, #tpu.memory_space<vmem>>
        %dma_start3A_2551 = arith.constant 0 : i32
        %dma_start3A_2552 = tpu.memref_slice %arg5[%mul3A_2544, %dma_start3A_2551] : memref<100000x32xf32, #tpu.memory_space<hbm>> -> memref<8x32xf32, #tpu.memory_space<hbm>>
        %dma_start3A_2553 = arith.constant 0 : i32
        %dma_start3A_2554 = arith.constant 0 : i32
        %dma_start3A_2555 = tpu.memref_slice %arg12[%dma_start3A_2545, %dma_start3A_2546, %dma_start3A_2553, %dma_start3A_2554] : memref<2x8x8x32xf32, #tpu.memory_space<vmem>> -> memref<1x1x8x32xf32, #tpu.memory_space<vmem>>
        %dma_start3A_2556 = tpu.memref_squeeze %dma_start3A_2555 : memref<1x1x8x32xf32, #tpu.memory_space<vmem>> -> memref<8x32xf32, #tpu.memory_space<vmem>>
        %dma_start3A_2557 = arith.constant 0 : i32
        %dma_start3A_2558 = tpu.memref_slice %arg5[%mul3A_2544, %dma_start3A_2557] : memref<100000x32xf32, #tpu.memory_space<hbm>> -> memref<8x32xf32, #tpu.memory_space<hbm>>
        tpu.enqueue_dma source(%dma_start3A_2558 : memref<8x32xf32, #tpu.memory_space<hbm>>) target(%dma_start3A_2556 : memref<8x32xf32, #tpu.memory_space<vmem>>) target_semaphore(%arg17 : memref<!tpu.dma_semaphore, #tpu.memory_space<semaphore_mem>>)
        %slice3A_2559 = vector.extract_strided_slice %get3A_2258 {offsets = [7], sizes = [1], strides = [1]} : vector<16xi32> to vector<1xi32>
        %squeeze3A_2560 = vector.extract %slice3A_2559[0] : i32 from vector<1xi32>
        %shift_right_arithmetic3A_2561 = arith.constant 7 : i32
        %shift_right_arithmetic3A_2562 = arith.shrsi %squeeze3A_2560, %shift_right_arithmetic3A_2561 : i32
        %min3A_2563 = arith.constant 7811 : i32
        %min3A_2564 = arith.minsi %shift_right_arithmetic3A_2562, %min3A_2563 : i32
        %mul3A_2565 = arith.constant 128 : i32
        %mul3A_2566 = arith.muli %min3A_2564, %mul3A_2565 : i32
        %dma_start3A_2567 = arith.constant 0 : i32
        %dma_start3A_2568 = arith.constant 7 : i32
        %dma_start3A_2569 = arith.constant 0 : i32
        %dma_start3A_2570 = arith.constant 0 : i32
        %dma_start3A_2571 = tpu.memref_slice %arg11[%dma_start3A_2567, %dma_start3A_2568, %dma_start3A_2569, %dma_start3A_2570] : memref<2x8x16x128xf32, #tpu.memory_space<vmem>> -> memref<1x1x16x128xf32, #tpu.memory_space<vmem>>
        %dma_start3A_2572 = tpu.memref_squeeze %dma_start3A_2571 : memref<1x1x16x128xf32, #tpu.memory_space<vmem>> -> memref<16x128xf32, #tpu.memory_space<vmem>>
        %dma_start3A_2573 = arith.constant 0 : i32
        %dma_start3A_2574 = tpu.memref_slice %arg3[%dma_start3A_2573, %mul3A_2566] : memref<16x1000000xf32, #tpu.memory_space<hbm>> -> memref<16x128xf32, #tpu.memory_space<hbm>>
        %dma_start3A_2575 = arith.constant 0 : i32
        %dma_start3A_2576 = arith.constant 0 : i32
        %dma_start3A_2577 = tpu.memref_slice %arg11[%dma_start3A_2567, %dma_start3A_2568, %dma_start3A_2575, %dma_start3A_2576] : memref<2x8x16x128xf32, #tpu.memory_space<vmem>> -> memref<1x1x16x128xf32, #tpu.memory_space<vmem>>
        %dma_start3A_2578 = tpu.memref_squeeze %dma_start3A_2577 : memref<1x1x16x128xf32, #tpu.memory_space<vmem>> -> memref<16x128xf32, #tpu.memory_space<vmem>>
        %dma_start3A_2579 = arith.constant 0 : i32
        %dma_start3A_2580 = tpu.memref_slice %arg3[%dma_start3A_2579, %mul3A_2566] : memref<16x1000000xf32, #tpu.memory_space<hbm>> -> memref<16x128xf32, #tpu.memory_space<hbm>>
        tpu.enqueue_dma source(%dma_start3A_2580 : memref<16x128xf32, #tpu.memory_space<hbm>>) target(%dma_start3A_2578 : memref<16x128xf32, #tpu.memory_space<vmem>>) target_semaphore(%arg16 : memref<!tpu.dma_semaphore, #tpu.memory_space<semaphore_mem>>)
        %slice3A_2581 = vector.extract_strided_slice %get3A_2264 {offsets = [7], sizes = [1], strides = [1]} : vector<16xi32> to vector<1xi32>
        %squeeze3A_2582 = vector.extract %slice3A_2581[0] : i32 from vector<1xi32>
        %shift_right_arithmetic3A_2583 = arith.constant 3 : i32
        %shift_right_arithmetic3A_2584 = arith.shrsi %squeeze3A_2582, %shift_right_arithmetic3A_2583 : i32
        %mul3A_2585 = arith.constant 8 : i32
        %mul3A_2586 = arith.muli %shift_right_arithmetic3A_2584, %mul3A_2585 : i32
        %dma_start3A_2587 = arith.constant 0 : i32
        %dma_start3A_2588 = arith.constant 7 : i32
        %dma_start3A_2589 = arith.constant 0 : i32
        %dma_start3A_2590 = arith.constant 0 : i32
        %dma_start3A_2591 = tpu.memref_slice %arg12[%dma_start3A_2587, %dma_start3A_2588, %dma_start3A_2589, %dma_start3A_2590] : memref<2x8x8x32xf32, #tpu.memory_space<vmem>> -> memref<1x1x8x32xf32, #tpu.memory_space<vmem>>
        %dma_start3A_2592 = tpu.memref_squeeze %dma_start3A_2591 : memref<1x1x8x32xf32, #tpu.memory_space<vmem>> -> memref<8x32xf32, #tpu.memory_space<vmem>>
        %dma_start3A_2593 = arith.constant 0 : i32
        %dma_start3A_2594 = tpu.memref_slice %arg5[%mul3A_2586, %dma_start3A_2593] : memref<100000x32xf32, #tpu.memory_space<hbm>> -> memref<8x32xf32, #tpu.memory_space<hbm>>
        %dma_start3A_2595 = arith.constant 0 : i32
        %dma_start3A_2596 = arith.constant 0 : i32
        %dma_start3A_2597 = tpu.memref_slice %arg12[%dma_start3A_2587, %dma_start3A_2588, %dma_start3A_2595, %dma_start3A_2596] : memref<2x8x8x32xf32, #tpu.memory_space<vmem>> -> memref<1x1x8x32xf32, #tpu.memory_space<vmem>>
        %dma_start3A_2598 = tpu.memref_squeeze %dma_start3A_2597 : memref<1x1x8x32xf32, #tpu.memory_space<vmem>> -> memref<8x32xf32, #tpu.memory_space<vmem>>
        %dma_start3A_2599 = arith.constant 0 : i32
        %dma_start3A_2600 = tpu.memref_slice %arg5[%mul3A_2586, %dma_start3A_2599] : memref<100000x32xf32, #tpu.memory_space<hbm>> -> memref<8x32xf32, #tpu.memory_space<hbm>>
        tpu.enqueue_dma source(%dma_start3A_2600 : memref<8x32xf32, #tpu.memory_space<hbm>>) target(%dma_start3A_2598 : memref<8x32xf32, #tpu.memory_space<vmem>>) target_semaphore(%arg17 : memref<!tpu.dma_semaphore, #tpu.memory_space<semaphore_mem>>)
      } else {
      }
      %dma_wait3A_1468 = arith.constant 1 : i32
      %dma_wait3A_1469 = arith.constant 0 : i32
      %dma_wait3A_1470 = arith.constant 0 : i32
      %dma_wait3A_1471 = arith.constant 0 : i32
      %dma_wait3A_1472 = tpu.memref_slice %arg11[%dma_wait3A_1468, %dma_wait3A_1469, %dma_wait3A_1470, %dma_wait3A_1471] : memref<2x8x16x128xf32, #tpu.memory_space<vmem>> -> memref<1x1x16x128xf32, #tpu.memory_space<vmem>>
      %dma_wait3A_1473 = tpu.memref_squeeze %dma_wait3A_1472 : memref<1x1x16x128xf32, #tpu.memory_space<vmem>> -> memref<16x128xf32, #tpu.memory_space<vmem>>
      %dma_wait3A_1474 = arith.constant 0 : i32
      %dma_wait3A_1475 = arith.constant 0 : i32
      %dma_wait3A_1476 = tpu.memref_slice %arg3[%dma_wait3A_1474, %dma_wait3A_1475] : memref<16x1000000xf32, #tpu.memory_space<hbm>> -> memref<16x128xf32, #tpu.memory_space<hbm>>
      %dma_wait3A_1477 = arith.constant 0 : i32
      %dma_wait3A_1478 = arith.constant 0 : i32
      %dma_wait3A_1479 = tpu.memref_slice %arg11[%dma_wait3A_1468, %dma_wait3A_1469, %dma_wait3A_1477, %dma_wait3A_1478] : memref<2x8x16x128xf32, #tpu.memory_space<vmem>> -> memref<1x1x16x128xf32, #tpu.memory_space<vmem>>
      %dma_wait3A_1480 = tpu.memref_squeeze %dma_wait3A_1479 : memref<1x1x16x128xf32, #tpu.memory_space<vmem>> -> memref<16x128xf32, #tpu.memory_space<vmem>>
      %dma_wait3A_1481 = arith.constant 0 : i32
      %dma_wait3A_1482 = arith.constant 0 : i32
      %dma_wait3A_1483 = tpu.memref_slice %arg3[%dma_wait3A_1481, %dma_wait3A_1482] : memref<16x1000000xf32, #tpu.memory_space<hbm>> -> memref<16x128xf32, #tpu.memory_space<hbm>>
      tpu.wait_dma2 semaphore(%arg18 : memref<!tpu.dma_semaphore, #tpu.memory_space<semaphore_mem>>) src(%dma_wait3A_1483 : memref<16x128xf32, #tpu.memory_space<hbm>>) dst(%dma_wait3A_1480 : memref<16x128xf32, #tpu.memory_space<vmem>>)
      %dma_wait3A_1484 = arith.constant 1 : i32
      %dma_wait3A_1485 = arith.constant 0 : i32
      %dma_wait3A_1486 = arith.constant 0 : i32
      %dma_wait3A_1487 = arith.constant 0 : i32
      %dma_wait3A_1488 = tpu.memref_slice %arg12[%dma_wait3A_1484, %dma_wait3A_1485, %dma_wait3A_1486, %dma_wait3A_1487] : memref<2x8x8x32xf32, #tpu.memory_space<vmem>> -> memref<1x1x8x32xf32, #tpu.memory_space<vmem>>
      %dma_wait3A_1489 = tpu.memref_squeeze %dma_wait3A_1488 : memref<1x1x8x32xf32, #tpu.memory_space<vmem>> -> memref<8x32xf32, #tpu.memory_space<vmem>>
      %dma_wait3A_1490 = arith.constant 0 : i32
      %dma_wait3A_1491 = arith.constant 0 : i32
      %dma_wait3A_1492 = tpu.memref_slice %arg5[%dma_wait3A_1490, %dma_wait3A_1491] : memref<100000x32xf32, #tpu.memory_space<hbm>> -> memref<8x32xf32, #tpu.memory_space<hbm>>
      %dma_wait3A_1493 = arith.constant 0 : i32
      %dma_wait3A_1494 = arith.constant 0 : i32
      %dma_wait3A_1495 = tpu.memref_slice %arg12[%dma_wait3A_1484, %dma_wait3A_1485, %dma_wait3A_1493, %dma_wait3A_1494] : memref<2x8x8x32xf32, #tpu.memory_space<vmem>> -> memref<1x1x8x32xf32, #tpu.memory_space<vmem>>
      %dma_wait3A_1496 = tpu.memref_squeeze %dma_wait3A_1495 : memref<1x1x8x32xf32, #tpu.memory_space<vmem>> -> memref<8x32xf32, #tpu.memory_space<vmem>>
      %dma_wait3A_1497 = arith.constant 0 : i32
      %dma_wait3A_1498 = arith.constant 0 : i32
      %dma_wait3A_1499 = tpu.memref_slice %arg5[%dma_wait3A_1497, %dma_wait3A_1498] : memref<100000x32xf32, #tpu.memory_space<hbm>> -> memref<8x32xf32, #tpu.memory_space<hbm>>
      tpu.wait_dma2 semaphore(%arg19 : memref<!tpu.dma_semaphore, #tpu.memory_space<semaphore_mem>>) src(%dma_wait3A_1499 : memref<8x32xf32, #tpu.memory_space<hbm>>) dst(%dma_wait3A_1496 : memref<8x32xf32, #tpu.memory_space<vmem>>)
      %dma_wait3A_1500 = arith.constant 1 : i32
      %dma_wait3A_1501 = arith.constant 1 : i32
      %dma_wait3A_1502 = arith.constant 0 : i32
      %dma_wait3A_1503 = arith.constant 0 : i32
      %dma_wait3A_1504 = tpu.memref_slice %arg11[%dma_wait3A_1500, %dma_wait3A_1501, %dma_wait3A_1502, %dma_wait3A_1503] : memref<2x8x16x128xf32, #tpu.memory_space<vmem>> -> memref<1x1x16x128xf32, #tpu.memory_space<vmem>>
      %dma_wait3A_1505 = tpu.memref_squeeze %dma_wait3A_1504 : memref<1x1x16x128xf32, #tpu.memory_space<vmem>> -> memref<16x128xf32, #tpu.memory_space<vmem>>
      %dma_wait3A_1506 = arith.constant 0 : i32
      %dma_wait3A_1507 = arith.constant 0 : i32
      %dma_wait3A_1508 = tpu.memref_slice %arg3[%dma_wait3A_1506, %dma_wait3A_1507] : memref<16x1000000xf32, #tpu.memory_space<hbm>> -> memref<16x128xf32, #tpu.memory_space<hbm>>
      %dma_wait3A_1509 = arith.constant 0 : i32
      %dma_wait3A_1510 = arith.constant 0 : i32
      %dma_wait3A_1511 = tpu.memref_slice %arg11[%dma_wait3A_1500, %dma_wait3A_1501, %dma_wait3A_1509, %dma_wait3A_1510] : memref<2x8x16x128xf32, #tpu.memory_space<vmem>> -> memref<1x1x16x128xf32, #tpu.memory_space<vmem>>
      %dma_wait3A_1512 = tpu.memref_squeeze %dma_wait3A_1511 : memref<1x1x16x128xf32, #tpu.memory_space<vmem>> -> memref<16x128xf32, #tpu.memory_space<vmem>>
      %dma_wait3A_1513 = arith.constant 0 : i32
      %dma_wait3A_1514 = arith.constant 0 : i32
      %dma_wait3A_1515 = tpu.memref_slice %arg3[%dma_wait3A_1513, %dma_wait3A_1514] : memref<16x1000000xf32, #tpu.memory_space<hbm>> -> memref<16x128xf32, #tpu.memory_space<hbm>>
      tpu.wait_dma2 semaphore(%arg18 : memref<!tpu.dma_semaphore, #tpu.memory_space<semaphore_mem>>) src(%dma_wait3A_1515 : memref<16x128xf32, #tpu.memory_space<hbm>>) dst(%dma_wait3A_1512 : memref<16x128xf32, #tpu.memory_space<vmem>>)
      %dma_wait3A_1516 = arith.constant 1 : i32
      %dma_wait3A_1517 = arith.constant 1 : i32
      %dma_wait3A_1518 = arith.constant 0 : i32
      %dma_wait3A_1519 = arith.constant 0 : i32
      %dma_wait3A_1520 = tpu.memref_slice %arg12[%dma_wait3A_1516, %dma_wait3A_1517, %dma_wait3A_1518, %dma_wait3A_1519] : memref<2x8x8x32xf32, #tpu.memory_space<vmem>> -> memref<1x1x8x32xf32, #tpu.memory_space<vmem>>
      %dma_wait3A_1521 = tpu.memref_squeeze %dma_wait3A_1520 : memref<1x1x8x32xf32, #tpu.memory_space<vmem>> -> memref<8x32xf32, #tpu.memory_space<vmem>>
      %dma_wait3A_1522 = arith.constant 0 : i32
      %dma_wait3A_1523 = arith.constant 0 : i32
      %dma_wait3A_1524 = tpu.memref_slice %arg5[%dma_wait3A_1522, %dma_wait3A_1523] : memref<100000x32xf32, #tpu.memory_space<hbm>> -> memref<8x32xf32, #tpu.memory_space<hbm>>
      %dma_wait3A_1525 = arith.constant 0 : i32
      %dma_wait3A_1526 = arith.constant 0 : i32
      %dma_wait3A_1527 = tpu.memref_slice %arg12[%dma_wait3A_1516, %dma_wait3A_1517, %dma_wait3A_1525, %dma_wait3A_1526] : memref<2x8x8x32xf32, #tpu.memory_space<vmem>> -> memref<1x1x8x32xf32, #tpu.memory_space<vmem>>
      %dma_wait3A_1528 = tpu.memref_squeeze %dma_wait3A_1527 : memref<1x1x8x32xf32, #tpu.memory_space<vmem>> -> memref<8x32xf32, #tpu.memory_space<vmem>>
      %dma_wait3A_1529 = arith.constant 0 : i32
      %dma_wait3A_1530 = arith.constant 0 : i32
      %dma_wait3A_1531 = tpu.memref_slice %arg5[%dma_wait3A_1529, %dma_wait3A_1530] : memref<100000x32xf32, #tpu.memory_space<hbm>> -> memref<8x32xf32, #tpu.memory_space<hbm>>
      tpu.wait_dma2 semaphore(%arg19 : memref<!tpu.dma_semaphore, #tpu.memory_space<semaphore_mem>>) src(%dma_wait3A_1531 : memref<8x32xf32, #tpu.memory_space<hbm>>) dst(%dma_wait3A_1528 : memref<8x32xf32, #tpu.memory_space<vmem>>)
      %dma_wait3A_1532 = arith.constant 1 : i32
      %dma_wait3A_1533 = arith.constant 2 : i32
      %dma_wait3A_1534 = arith.constant 0 : i32
      %dma_wait3A_1535 = arith.constant 0 : i32
      %dma_wait3A_1536 = tpu.memref_slice %arg11[%dma_wait3A_1532, %dma_wait3A_1533, %dma_wait3A_1534, %dma_wait3A_1535] : memref<2x8x16x128xf32, #tpu.memory_space<vmem>> -> memref<1x1x16x128xf32, #tpu.memory_space<vmem>>
      %dma_wait3A_1537 = tpu.memref_squeeze %dma_wait3A_1536 : memref<1x1x16x128xf32, #tpu.memory_space<vmem>> -> memref<16x128xf32, #tpu.memory_space<vmem>>
      %dma_wait3A_1538 = arith.constant 0 : i32
      %dma_wait3A_1539 = arith.constant 0 : i32
      %dma_wait3A_1540 = tpu.memref_slice %arg3[%dma_wait3A_1538, %dma_wait3A_1539] : memref<16x1000000xf32, #tpu.memory_space<hbm>> -> memref<16x128xf32, #tpu.memory_space<hbm>>
      %dma_wait3A_1541 = arith.constant 0 : i32
      %dma_wait3A_1542 = arith.constant 0 : i32
      %dma_wait3A_1543 = tpu.memref_slice %arg11[%dma_wait3A_1532, %dma_wait3A_1533, %dma_wait3A_1541, %dma_wait3A_1542] : memref<2x8x16x128xf32, #tpu.memory_space<vmem>> -> memref<1x1x16x128xf32, #tpu.memory_space<vmem>>
      %dma_wait3A_1544 = tpu.memref_squeeze %dma_wait3A_1543 : memref<1x1x16x128xf32, #tpu.memory_space<vmem>> -> memref<16x128xf32, #tpu.memory_space<vmem>>
      %dma_wait3A_1545 = arith.constant 0 : i32
      %dma_wait3A_1546 = arith.constant 0 : i32
      %dma_wait3A_1547 = tpu.memref_slice %arg3[%dma_wait3A_1545, %dma_wait3A_1546] : memref<16x1000000xf32, #tpu.memory_space<hbm>> -> memref<16x128xf32, #tpu.memory_space<hbm>>
      tpu.wait_dma2 semaphore(%arg18 : memref<!tpu.dma_semaphore, #tpu.memory_space<semaphore_mem>>) src(%dma_wait3A_1547 : memref<16x128xf32, #tpu.memory_space<hbm>>) dst(%dma_wait3A_1544 : memref<16x128xf32, #tpu.memory_space<vmem>>)
      %dma_wait3A_1548 = arith.constant 1 : i32
      %dma_wait3A_1549 = arith.constant 2 : i32
      %dma_wait3A_1550 = arith.constant 0 : i32
      %dma_wait3A_1551 = arith.constant 0 : i32
      %dma_wait3A_1552 = tpu.memref_slice %arg12[%dma_wait3A_1548, %dma_wait3A_1549, %dma_wait3A_1550, %dma_wait3A_1551] : memref<2x8x8x32xf32, #tpu.memory_space<vmem>> -> memref<1x1x8x32xf32, #tpu.memory_space<vmem>>
      %dma_wait3A_1553 = tpu.memref_squeeze %dma_wait3A_1552 : memref<1x1x8x32xf32, #tpu.memory_space<vmem>> -> memref<8x32xf32, #tpu.memory_space<vmem>>
      %dma_wait3A_1554 = arith.constant 0 : i32
      %dma_wait3A_1555 = arith.constant 0 : i32
      %dma_wait3A_1556 = tpu.memref_slice %arg5[%dma_wait3A_1554, %dma_wait3A_1555] : memref<100000x32xf32, #tpu.memory_space<hbm>> -> memref<8x32xf32, #tpu.memory_space<hbm>>
      %dma_wait3A_1557 = arith.constant 0 : i32
      %dma_wait3A_1558 = arith.constant 0 : i32
      %dma_wait3A_1559 = tpu.memref_slice %arg12[%dma_wait3A_1548, %dma_wait3A_1549, %dma_wait3A_1557, %dma_wait3A_1558] : memref<2x8x8x32xf32, #tpu.memory_space<vmem>> -> memref<1x1x8x32xf32, #tpu.memory_space<vmem>>
      %dma_wait3A_1560 = tpu.memref_squeeze %dma_wait3A_1559 : memref<1x1x8x32xf32, #tpu.memory_space<vmem>> -> memref<8x32xf32, #tpu.memory_space<vmem>>
      %dma_wait3A_1561 = arith.constant 0 : i32
      %dma_wait3A_1562 = arith.constant 0 : i32
      %dma_wait3A_1563 = tpu.memref_slice %arg5[%dma_wait3A_1561, %dma_wait3A_1562] : memref<100000x32xf32, #tpu.memory_space<hbm>> -> memref<8x32xf32, #tpu.memory_space<hbm>>
      tpu.wait_dma2 semaphore(%arg19 : memref<!tpu.dma_semaphore, #tpu.memory_space<semaphore_mem>>) src(%dma_wait3A_1563 : memref<8x32xf32, #tpu.memory_space<hbm>>) dst(%dma_wait3A_1560 : memref<8x32xf32, #tpu.memory_space<vmem>>)
      %dma_wait3A_1564 = arith.constant 1 : i32
      %dma_wait3A_1565 = arith.constant 3 : i32
      %dma_wait3A_1566 = arith.constant 0 : i32
      %dma_wait3A_1567 = arith.constant 0 : i32
      %dma_wait3A_1568 = tpu.memref_slice %arg11[%dma_wait3A_1564, %dma_wait3A_1565, %dma_wait3A_1566, %dma_wait3A_1567] : memref<2x8x16x128xf32, #tpu.memory_space<vmem>> -> memref<1x1x16x128xf32, #tpu.memory_space<vmem>>
      %dma_wait3A_1569 = tpu.memref_squeeze %dma_wait3A_1568 : memref<1x1x16x128xf32, #tpu.memory_space<vmem>> -> memref<16x128xf32, #tpu.memory_space<vmem>>
      %dma_wait3A_1570 = arith.constant 0 : i32
      %dma_wait3A_1571 = arith.constant 0 : i32
      %dma_wait3A_1572 = tpu.memref_slice %arg3[%dma_wait3A_1570, %dma_wait3A_1571] : memref<16x1000000xf32, #tpu.memory_space<hbm>> -> memref<16x128xf32, #tpu.memory_space<hbm>>
      %dma_wait3A_1573 = arith.constant 0 : i32
      %dma_wait3A_1574 = arith.constant 0 : i32
      %dma_wait3A_1575 = tpu.memref_slice %arg11[%dma_wait3A_1564, %dma_wait3A_1565, %dma_wait3A_1573, %dma_wait3A_1574] : memref<2x8x16x128xf32, #tpu.memory_space<vmem>> -> memref<1x1x16x128xf32, #tpu.memory_space<vmem>>
      %dma_wait3A_1576 = tpu.memref_squeeze %dma_wait3A_1575 : memref<1x1x16x128xf32, #tpu.memory_space<vmem>> -> memref<16x128xf32, #tpu.memory_space<vmem>>
      %dma_wait3A_1577 = arith.constant 0 : i32
      %dma_wait3A_1578 = arith.constant 0 : i32
      %dma_wait3A_1579 = tpu.memref_slice %arg3[%dma_wait3A_1577, %dma_wait3A_1578] : memref<16x1000000xf32, #tpu.memory_space<hbm>> -> memref<16x128xf32, #tpu.memory_space<hbm>>
      tpu.wait_dma2 semaphore(%arg18 : memref<!tpu.dma_semaphore, #tpu.memory_space<semaphore_mem>>) src(%dma_wait3A_1579 : memref<16x128xf32, #tpu.memory_space<hbm>>) dst(%dma_wait3A_1576 : memref<16x128xf32, #tpu.memory_space<vmem>>)
      %dma_wait3A_1580 = arith.constant 1 : i32
      %dma_wait3A_1581 = arith.constant 3 : i32
      %dma_wait3A_1582 = arith.constant 0 : i32
      %dma_wait3A_1583 = arith.constant 0 : i32
      %dma_wait3A_1584 = tpu.memref_slice %arg12[%dma_wait3A_1580, %dma_wait3A_1581, %dma_wait3A_1582, %dma_wait3A_1583] : memref<2x8x8x32xf32, #tpu.memory_space<vmem>> -> memref<1x1x8x32xf32, #tpu.memory_space<vmem>>
      %dma_wait3A_1585 = tpu.memref_squeeze %dma_wait3A_1584 : memref<1x1x8x32xf32, #tpu.memory_space<vmem>> -> memref<8x32xf32, #tpu.memory_space<vmem>>
      %dma_wait3A_1586 = arith.constant 0 : i32
      %dma_wait3A_1587 = arith.constant 0 : i32
      %dma_wait3A_1588 = tpu.memref_slice %arg5[%dma_wait3A_1586, %dma_wait3A_1587] : memref<100000x32xf32, #tpu.memory_space<hbm>> -> memref<8x32xf32, #tpu.memory_space<hbm>>
      %dma_wait3A_1589 = arith.constant 0 : i32
      %dma_wait3A_1590 = arith.constant 0 : i32
      %dma_wait3A_1591 = tpu.memref_slice %arg12[%dma_wait3A_1580, %dma_wait3A_1581, %dma_wait3A_1589, %dma_wait3A_1590] : memref<2x8x8x32xf32, #tpu.memory_space<vmem>> -> memref<1x1x8x32xf32, #tpu.memory_space<vmem>>
      %dma_wait3A_1592 = tpu.memref_squeeze %dma_wait3A_1591 : memref<1x1x8x32xf32, #tpu.memory_space<vmem>> -> memref<8x32xf32, #tpu.memory_space<vmem>>
      %dma_wait3A_1593 = arith.constant 0 : i32
      %dma_wait3A_1594 = arith.constant 0 : i32
      %dma_wait3A_1595 = tpu.memref_slice %arg5[%dma_wait3A_1593, %dma_wait3A_1594] : memref<100000x32xf32, #tpu.memory_space<hbm>> -> memref<8x32xf32, #tpu.memory_space<hbm>>
      tpu.wait_dma2 semaphore(%arg19 : memref<!tpu.dma_semaphore, #tpu.memory_space<semaphore_mem>>) src(%dma_wait3A_1595 : memref<8x32xf32, #tpu.memory_space<hbm>>) dst(%dma_wait3A_1592 : memref<8x32xf32, #tpu.memory_space<vmem>>)
      %dma_wait3A_1596 = arith.constant 1 : i32
      %dma_wait3A_1597 = arith.constant 4 : i32
      %dma_wait3A_1598 = arith.constant 0 : i32
      %dma_wait3A_1599 = arith.constant 0 : i32
      %dma_wait3A_1600 = tpu.memref_slice %arg11[%dma_wait3A_1596, %dma_wait3A_1597, %dma_wait3A_1598, %dma_wait3A_1599] : memref<2x8x16x128xf32, #tpu.memory_space<vmem>> -> memref<1x1x16x128xf32, #tpu.memory_space<vmem>>
      %dma_wait3A_1601 = tpu.memref_squeeze %dma_wait3A_1600 : memref<1x1x16x128xf32, #tpu.memory_space<vmem>> -> memref<16x128xf32, #tpu.memory_space<vmem>>
      %dma_wait3A_1602 = arith.constant 0 : i32
      %dma_wait3A_1603 = arith.constant 0 : i32
      %dma_wait3A_1604 = tpu.memref_slice %arg3[%dma_wait3A_1602, %dma_wait3A_1603] : memref<16x1000000xf32, #tpu.memory_space<hbm>> -> memref<16x128xf32, #tpu.memory_space<hbm>>
      %dma_wait3A_1605 = arith.constant 0 : i32
      %dma_wait3A_1606 = arith.constant 0 : i32
      %dma_wait3A_1607 = tpu.memref_slice %arg11[%dma_wait3A_1596, %dma_wait3A_1597, %dma_wait3A_1605, %dma_wait3A_1606] : memref<2x8x16x128xf32, #tpu.memory_space<vmem>> -> memref<1x1x16x128xf32, #tpu.memory_space<vmem>>
      %dma_wait3A_1608 = tpu.memref_squeeze %dma_wait3A_1607 : memref<1x1x16x128xf32, #tpu.memory_space<vmem>> -> memref<16x128xf32, #tpu.memory_space<vmem>>
      %dma_wait3A_1609 = arith.constant 0 : i32
      %dma_wait3A_1610 = arith.constant 0 : i32
      %dma_wait3A_1611 = tpu.memref_slice %arg3[%dma_wait3A_1609, %dma_wait3A_1610] : memref<16x1000000xf32, #tpu.memory_space<hbm>> -> memref<16x128xf32, #tpu.memory_space<hbm>>
      tpu.wait_dma2 semaphore(%arg18 : memref<!tpu.dma_semaphore, #tpu.memory_space<semaphore_mem>>) src(%dma_wait3A_1611 : memref<16x128xf32, #tpu.memory_space<hbm>>) dst(%dma_wait3A_1608 : memref<16x128xf32, #tpu.memory_space<vmem>>)
      %dma_wait3A_1612 = arith.constant 1 : i32
      %dma_wait3A_1613 = arith.constant 4 : i32
      %dma_wait3A_1614 = arith.constant 0 : i32
      %dma_wait3A_1615 = arith.constant 0 : i32
      %dma_wait3A_1616 = tpu.memref_slice %arg12[%dma_wait3A_1612, %dma_wait3A_1613, %dma_wait3A_1614, %dma_wait3A_1615] : memref<2x8x8x32xf32, #tpu.memory_space<vmem>> -> memref<1x1x8x32xf32, #tpu.memory_space<vmem>>
      %dma_wait3A_1617 = tpu.memref_squeeze %dma_wait3A_1616 : memref<1x1x8x32xf32, #tpu.memory_space<vmem>> -> memref<8x32xf32, #tpu.memory_space<vmem>>
      %dma_wait3A_1618 = arith.constant 0 : i32
      %dma_wait3A_1619 = arith.constant 0 : i32
      %dma_wait3A_1620 = tpu.memref_slice %arg5[%dma_wait3A_1618, %dma_wait3A_1619] : memref<100000x32xf32, #tpu.memory_space<hbm>> -> memref<8x32xf32, #tpu.memory_space<hbm>>
      %dma_wait3A_1621 = arith.constant 0 : i32
      %dma_wait3A_1622 = arith.constant 0 : i32
      %dma_wait3A_1623 = tpu.memref_slice %arg12[%dma_wait3A_1612, %dma_wait3A_1613, %dma_wait3A_1621, %dma_wait3A_1622] : memref<2x8x8x32xf32, #tpu.memory_space<vmem>> -> memref<1x1x8x32xf32, #tpu.memory_space<vmem>>
      %dma_wait3A_1624 = tpu.memref_squeeze %dma_wait3A_1623 : memref<1x1x8x32xf32, #tpu.memory_space<vmem>> -> memref<8x32xf32, #tpu.memory_space<vmem>>
      %dma_wait3A_1625 = arith.constant 0 : i32
      %dma_wait3A_1626 = arith.constant 0 : i32
      %dma_wait3A_1627 = tpu.memref_slice %arg5[%dma_wait3A_1625, %dma_wait3A_1626] : memref<100000x32xf32, #tpu.memory_space<hbm>> -> memref<8x32xf32, #tpu.memory_space<hbm>>
      tpu.wait_dma2 semaphore(%arg19 : memref<!tpu.dma_semaphore, #tpu.memory_space<semaphore_mem>>) src(%dma_wait3A_1627 : memref<8x32xf32, #tpu.memory_space<hbm>>) dst(%dma_wait3A_1624 : memref<8x32xf32, #tpu.memory_space<vmem>>)
      %dma_wait3A_1628 = arith.constant 1 : i32
      %dma_wait3A_1629 = arith.constant 5 : i32
      %dma_wait3A_1630 = arith.constant 0 : i32
      %dma_wait3A_1631 = arith.constant 0 : i32
      %dma_wait3A_1632 = tpu.memref_slice %arg11[%dma_wait3A_1628, %dma_wait3A_1629, %dma_wait3A_1630, %dma_wait3A_1631] : memref<2x8x16x128xf32, #tpu.memory_space<vmem>> -> memref<1x1x16x128xf32, #tpu.memory_space<vmem>>
      %dma_wait3A_1633 = tpu.memref_squeeze %dma_wait3A_1632 : memref<1x1x16x128xf32, #tpu.memory_space<vmem>> -> memref<16x128xf32, #tpu.memory_space<vmem>>
      %dma_wait3A_1634 = arith.constant 0 : i32
      %dma_wait3A_1635 = arith.constant 0 : i32
      %dma_wait3A_1636 = tpu.memref_slice %arg3[%dma_wait3A_1634, %dma_wait3A_1635] : memref<16x1000000xf32, #tpu.memory_space<hbm>> -> memref<16x128xf32, #tpu.memory_space<hbm>>
      %dma_wait3A_1637 = arith.constant 0 : i32
      %dma_wait3A_1638 = arith.constant 0 : i32
      %dma_wait3A_1639 = tpu.memref_slice %arg11[%dma_wait3A_1628, %dma_wait3A_1629, %dma_wait3A_1637, %dma_wait3A_1638] : memref<2x8x16x128xf32, #tpu.memory_space<vmem>> -> memref<1x1x16x128xf32, #tpu.memory_space<vmem>>
      %dma_wait3A_1640 = tpu.memref_squeeze %dma_wait3A_1639 : memref<1x1x16x128xf32, #tpu.memory_space<vmem>> -> memref<16x128xf32, #tpu.memory_space<vmem>>
      %dma_wait3A_1641 = arith.constant 0 : i32
      %dma_wait3A_1642 = arith.constant 0 : i32
      %dma_wait3A_1643 = tpu.memref_slice %arg3[%dma_wait3A_1641, %dma_wait3A_1642] : memref<16x1000000xf32, #tpu.memory_space<hbm>> -> memref<16x128xf32, #tpu.memory_space<hbm>>
      tpu.wait_dma2 semaphore(%arg18 : memref<!tpu.dma_semaphore, #tpu.memory_space<semaphore_mem>>) src(%dma_wait3A_1643 : memref<16x128xf32, #tpu.memory_space<hbm>>) dst(%dma_wait3A_1640 : memref<16x128xf32, #tpu.memory_space<vmem>>)
      %dma_wait3A_1644 = arith.constant 1 : i32
      %dma_wait3A_1645 = arith.constant 5 : i32
      %dma_wait3A_1646 = arith.constant 0 : i32
      %dma_wait3A_1647 = arith.constant 0 : i32
      %dma_wait3A_1648 = tpu.memref_slice %arg12[%dma_wait3A_1644, %dma_wait3A_1645, %dma_wait3A_1646, %dma_wait3A_1647] : memref<2x8x8x32xf32, #tpu.memory_space<vmem>> -> memref<1x1x8x32xf32, #tpu.memory_space<vmem>>
      %dma_wait3A_1649 = tpu.memref_squeeze %dma_wait3A_1648 : memref<1x1x8x32xf32, #tpu.memory_space<vmem>> -> memref<8x32xf32, #tpu.memory_space<vmem>>
      %dma_wait3A_1650 = arith.constant 0 : i32
      %dma_wait3A_1651 = arith.constant 0 : i32
      %dma_wait3A_1652 = tpu.memref_slice %arg5[%dma_wait3A_1650, %dma_wait3A_1651] : memref<100000x32xf32, #tpu.memory_space<hbm>> -> memref<8x32xf32, #tpu.memory_space<hbm>>
      %dma_wait3A_1653 = arith.constant 0 : i32
      %dma_wait3A_1654 = arith.constant 0 : i32
      %dma_wait3A_1655 = tpu.memref_slice %arg12[%dma_wait3A_1644, %dma_wait3A_1645, %dma_wait3A_1653, %dma_wait3A_1654] : memref<2x8x8x32xf32, #tpu.memory_space<vmem>> -> memref<1x1x8x32xf32, #tpu.memory_space<vmem>>
      %dma_wait3A_1656 = tpu.memref_squeeze %dma_wait3A_1655 : memref<1x1x8x32xf32, #tpu.memory_space<vmem>> -> memref<8x32xf32, #tpu.memory_space<vmem>>
      %dma_wait3A_1657 = arith.constant 0 : i32
      %dma_wait3A_1658 = arith.constant 0 : i32
      %dma_wait3A_1659 = tpu.memref_slice %arg5[%dma_wait3A_1657, %dma_wait3A_1658] : memref<100000x32xf32, #tpu.memory_space<hbm>> -> memref<8x32xf32, #tpu.memory_space<hbm>>
      tpu.wait_dma2 semaphore(%arg19 : memref<!tpu.dma_semaphore, #tpu.memory_space<semaphore_mem>>) src(%dma_wait3A_1659 : memref<8x32xf32, #tpu.memory_space<hbm>>) dst(%dma_wait3A_1656 : memref<8x32xf32, #tpu.memory_space<vmem>>)
      %dma_wait3A_1660 = arith.constant 1 : i32
      %dma_wait3A_1661 = arith.constant 6 : i32
      %dma_wait3A_1662 = arith.constant 0 : i32
      %dma_wait3A_1663 = arith.constant 0 : i32
      %dma_wait3A_1664 = tpu.memref_slice %arg11[%dma_wait3A_1660, %dma_wait3A_1661, %dma_wait3A_1662, %dma_wait3A_1663] : memref<2x8x16x128xf32, #tpu.memory_space<vmem>> -> memref<1x1x16x128xf32, #tpu.memory_space<vmem>>
      %dma_wait3A_1665 = tpu.memref_squeeze %dma_wait3A_1664 : memref<1x1x16x128xf32, #tpu.memory_space<vmem>> -> memref<16x128xf32, #tpu.memory_space<vmem>>
      %dma_wait3A_1666 = arith.constant 0 : i32
      %dma_wait3A_1667 = arith.constant 0 : i32
      %dma_wait3A_1668 = tpu.memref_slice %arg3[%dma_wait3A_1666, %dma_wait3A_1667] : memref<16x1000000xf32, #tpu.memory_space<hbm>> -> memref<16x128xf32, #tpu.memory_space<hbm>>
      %dma_wait3A_1669 = arith.constant 0 : i32
      %dma_wait3A_1670 = arith.constant 0 : i32
      %dma_wait3A_1671 = tpu.memref_slice %arg11[%dma_wait3A_1660, %dma_wait3A_1661, %dma_wait3A_1669, %dma_wait3A_1670] : memref<2x8x16x128xf32, #tpu.memory_space<vmem>> -> memref<1x1x16x128xf32, #tpu.memory_space<vmem>>
      %dma_wait3A_1672 = tpu.memref_squeeze %dma_wait3A_1671 : memref<1x1x16x128xf32, #tpu.memory_space<vmem>> -> memref<16x128xf32, #tpu.memory_space<vmem>>
      %dma_wait3A_1673 = arith.constant 0 : i32
      %dma_wait3A_1674 = arith.constant 0 : i32
      %dma_wait3A_1675 = tpu.memref_slice %arg3[%dma_wait3A_1673, %dma_wait3A_1674] : memref<16x1000000xf32, #tpu.memory_space<hbm>> -> memref<16x128xf32, #tpu.memory_space<hbm>>
      tpu.wait_dma2 semaphore(%arg18 : memref<!tpu.dma_semaphore, #tpu.memory_space<semaphore_mem>>) src(%dma_wait3A_1675 : memref<16x128xf32, #tpu.memory_space<hbm>>) dst(%dma_wait3A_1672 : memref<16x128xf32, #tpu.memory_space<vmem>>)
      %dma_wait3A_1676 = arith.constant 1 : i32
      %dma_wait3A_1677 = arith.constant 6 : i32
      %dma_wait3A_1678 = arith.constant 0 : i32
      %dma_wait3A_1679 = arith.constant 0 : i32
      %dma_wait3A_1680 = tpu.memref_slice %arg12[%dma_wait3A_1676, %dma_wait3A_1677, %dma_wait3A_1678, %dma_wait3A_1679] : memref<2x8x8x32xf32, #tpu.memory_space<vmem>> -> memref<1x1x8x32xf32, #tpu.memory_space<vmem>>
      %dma_wait3A_1681 = tpu.memref_squeeze %dma_wait3A_1680 : memref<1x1x8x32xf32, #tpu.memory_space<vmem>> -> memref<8x32xf32, #tpu.memory_space<vmem>>
      %dma_wait3A_1682 = arith.constant 0 : i32
      %dma_wait3A_1683 = arith.constant 0 : i32
      %dma_wait3A_1684 = tpu.memref_slice %arg5[%dma_wait3A_1682, %dma_wait3A_1683] : memref<100000x32xf32, #tpu.memory_space<hbm>> -> memref<8x32xf32, #tpu.memory_space<hbm>>
      %dma_wait3A_1685 = arith.constant 0 : i32
      %dma_wait3A_1686 = arith.constant 0 : i32
      %dma_wait3A_1687 = tpu.memref_slice %arg12[%dma_wait3A_1676, %dma_wait3A_1677, %dma_wait3A_1685, %dma_wait3A_1686] : memref<2x8x8x32xf32, #tpu.memory_space<vmem>> -> memref<1x1x8x32xf32, #tpu.memory_space<vmem>>
      %dma_wait3A_1688 = tpu.memref_squeeze %dma_wait3A_1687 : memref<1x1x8x32xf32, #tpu.memory_space<vmem>> -> memref<8x32xf32, #tpu.memory_space<vmem>>
      %dma_wait3A_1689 = arith.constant 0 : i32
      %dma_wait3A_1690 = arith.constant 0 : i32
      %dma_wait3A_1691 = tpu.memref_slice %arg5[%dma_wait3A_1689, %dma_wait3A_1690] : memref<100000x32xf32, #tpu.memory_space<hbm>> -> memref<8x32xf32, #tpu.memory_space<hbm>>
      tpu.wait_dma2 semaphore(%arg19 : memref<!tpu.dma_semaphore, #tpu.memory_space<semaphore_mem>>) src(%dma_wait3A_1691 : memref<8x32xf32, #tpu.memory_space<hbm>>) dst(%dma_wait3A_1688 : memref<8x32xf32, #tpu.memory_space<vmem>>)
      %dma_wait3A_1692 = arith.constant 1 : i32
      %dma_wait3A_1693 = arith.constant 7 : i32
      %dma_wait3A_1694 = arith.constant 0 : i32
      %dma_wait3A_1695 = arith.constant 0 : i32
      %dma_wait3A_1696 = tpu.memref_slice %arg11[%dma_wait3A_1692, %dma_wait3A_1693, %dma_wait3A_1694, %dma_wait3A_1695] : memref<2x8x16x128xf32, #tpu.memory_space<vmem>> -> memref<1x1x16x128xf32, #tpu.memory_space<vmem>>
      %dma_wait3A_1697 = tpu.memref_squeeze %dma_wait3A_1696 : memref<1x1x16x128xf32, #tpu.memory_space<vmem>> -> memref<16x128xf32, #tpu.memory_space<vmem>>
      %dma_wait3A_1698 = arith.constant 0 : i32
      %dma_wait3A_1699 = arith.constant 0 : i32
      %dma_wait3A_1700 = tpu.memref_slice %arg3[%dma_wait3A_1698, %dma_wait3A_1699] : memref<16x1000000xf32, #tpu.memory_space<hbm>> -> memref<16x128xf32, #tpu.memory_space<hbm>>
      %dma_wait3A_1701 = arith.constant 0 : i32
      %dma_wait3A_1702 = arith.constant 0 : i32
      %dma_wait3A_1703 = tpu.memref_slice %arg11[%dma_wait3A_1692, %dma_wait3A_1693, %dma_wait3A_1701, %dma_wait3A_1702] : memref<2x8x16x128xf32, #tpu.memory_space<vmem>> -> memref<1x1x16x128xf32, #tpu.memory_space<vmem>>
      %dma_wait3A_1704 = tpu.memref_squeeze %dma_wait3A_1703 : memref<1x1x16x128xf32, #tpu.memory_space<vmem>> -> memref<16x128xf32, #tpu.memory_space<vmem>>
      %dma_wait3A_1705 = arith.constant 0 : i32
      %dma_wait3A_1706 = arith.constant 0 : i32
      %dma_wait3A_1707 = tpu.memref_slice %arg3[%dma_wait3A_1705, %dma_wait3A_1706] : memref<16x1000000xf32, #tpu.memory_space<hbm>> -> memref<16x128xf32, #tpu.memory_space<hbm>>
      tpu.wait_dma2 semaphore(%arg18 : memref<!tpu.dma_semaphore, #tpu.memory_space<semaphore_mem>>) src(%dma_wait3A_1707 : memref<16x128xf32, #tpu.memory_space<hbm>>) dst(%dma_wait3A_1704 : memref<16x128xf32, #tpu.memory_space<vmem>>)
      %dma_wait3A_1708 = arith.constant 1 : i32
      %dma_wait3A_1709 = arith.constant 7 : i32
      %dma_wait3A_1710 = arith.constant 0 : i32
      %dma_wait3A_1711 = arith.constant 0 : i32
      %dma_wait3A_1712 = tpu.memref_slice %arg12[%dma_wait3A_1708, %dma_wait3A_1709, %dma_wait3A_1710, %dma_wait3A_1711] : memref<2x8x8x32xf32, #tpu.memory_space<vmem>> -> memref<1x1x8x32xf32, #tpu.memory_space<vmem>>
      %dma_wait3A_1713 = tpu.memref_squeeze %dma_wait3A_1712 : memref<1x1x8x32xf32, #tpu.memory_space<vmem>> -> memref<8x32xf32, #tpu.memory_space<vmem>>
      %dma_wait3A_1714 = arith.constant 0 : i32
      %dma_wait3A_1715 = arith.constant 0 : i32
      %dma_wait3A_1716 = tpu.memref_slice %arg5[%dma_wait3A_1714, %dma_wait3A_1715] : memref<100000x32xf32, #tpu.memory_space<hbm>> -> memref<8x32xf32, #tpu.memory_space<hbm>>
      %dma_wait3A_1717 = arith.constant 0 : i32
      %dma_wait3A_1718 = arith.constant 0 : i32
      %dma_wait3A_1719 = tpu.memref_slice %arg12[%dma_wait3A_1708, %dma_wait3A_1709, %dma_wait3A_1717, %dma_wait3A_1718] : memref<2x8x8x32xf32, #tpu.memory_space<vmem>> -> memref<1x1x8x32xf32, #tpu.memory_space<vmem>>
      %dma_wait3A_1720 = tpu.memref_squeeze %dma_wait3A_1719 : memref<1x1x8x32xf32, #tpu.memory_space<vmem>> -> memref<8x32xf32, #tpu.memory_space<vmem>>
      %dma_wait3A_1721 = arith.constant 0 : i32
      %dma_wait3A_1722 = arith.constant 0 : i32
      %dma_wait3A_1723 = tpu.memref_slice %arg5[%dma_wait3A_1721, %dma_wait3A_1722] : memref<100000x32xf32, #tpu.memory_space<hbm>> -> memref<8x32xf32, #tpu.memory_space<hbm>>
      tpu.wait_dma2 semaphore(%arg19 : memref<!tpu.dma_semaphore, #tpu.memory_space<semaphore_mem>>) src(%dma_wait3A_1723 : memref<8x32xf32, #tpu.memory_space<hbm>>) dst(%dma_wait3A_1720 : memref<8x32xf32, #tpu.memory_space<vmem>>)
      %add3A_1724 = arith.constant 1 : i32
      %add3A_1725 = arith.addi %mul3A_687, %add3A_1724 : i32
      %slice3A_1726 = vector.extract_strided_slice %get3A_691 {offsets = [8], sizes = [1], strides = [1]} : vector<16xi32> to vector<1xi32>
      %squeeze3A_1727 = vector.extract %slice3A_1726[0] : i32 from vector<1xi32>
      %shift_right_arithmetic3A_1728 = arith.constant 7 : i32
      %shift_right_arithmetic3A_1729 = arith.shrsi %squeeze3A_1727, %shift_right_arithmetic3A_1728 : i32
      %min3A_1730 = arith.constant 7811 : i32
      %min3A_1731 = arith.minsi %shift_right_arithmetic3A_1729, %min3A_1730 : i32
      %shift_left3A_1732 = arith.constant 7 : i32
      %shift_left3A_1733 = arith.shli %min3A_1731, %shift_left3A_1732 : i32
      %sub3A_1734 = arith.subi %squeeze3A_1727, %shift_left3A_1733 : i32
      %min3A_1735 = arith.constant 127 : i32
      %min3A_1736 = arith.minsi %sub3A_1734, %min3A_1735 : i32
      %mul3A_1737 = arith.constant 8 : i32
      %mul3A_1738 = arith.muli %add3A_1725, %mul3A_1737 : i32
      %add3A_1739 = arith.constant 0 : i32
      %add3A_1740 = arith.addi %mul3A_1738, %add3A_1739 : i32
      %broadcast_in_dim3A_1741 = vector.broadcast %add3A_1740 : i32 to vector<16xi32>
      %broadcast_in_dim3A_1742 = vector.broadcast %min3A_1736 : i32 to vector<16xi32>
      %gather3A_1743 = arith.constant 1 : i32
      %gather3A_1744 = arith.constant 0 : i32
      %gather3A_1745 = arith.constant 0 : i32
      %gather3A_1746 = arith.constant 0 : i32
      %gather3A_1747 = tpu.memref_slice %arg11[%gather3A_1743, %gather3A_1744, %gather3A_1745, %gather3A_1746] : memref<2x8x16x128xf32, #tpu.memory_space<vmem>> -> memref<1x1x16x128xf32, #tpu.memory_space<vmem>>
      %gather3A_1748 = tpu.memref_squeeze %gather3A_1747 : memref<1x1x16x128xf32, #tpu.memory_space<vmem>> -> memref<16x128xf32, #tpu.memory_space<vmem>>
      %gather3A_1749 = tpu.vector_load_idx %gather3A_1748[%iota3A, %broadcast_in_dim3A_1742] : memref<16x128xf32, #tpu.memory_space<vmem>>[vector<16xi32>, vector<16xi32>], vector<16xf32>,
      %sub3A_1750 = arith.constant 999936 : i32
      %sub3A_1751 = arith.subi %squeeze3A_1727, %sub3A_1750 : i32
      %jit3A_1752 = arith.constant 0 : i32
      %jit3A_1753 = arith.constant 63 : i32
      %max3A_1754 = arith.maxsi %jit3A_1752, %sub3A_1751 : i32
      %min3A_1755 = arith.minsi %jit3A_1753, %max3A_1754 : i32
      %broadcast_in_dim3A_1756 = vector.broadcast %min3A_1755 : i32 to vector<16xi32>
      %gather3A_1757 = tpu.vector_load_idx %arg13[%iota3A, %broadcast_in_dim3A_1756] : memref<16x64xf32, #tpu.memory_space<vmem>>[vector<16xi32>, vector<16xi32>], vector<16xf32>,
      %ge3A_1758 = arith.constant 999936 : i32
      %ge3A_1759 = arith.cmpi sge, %squeeze3A_1727, %ge3A_1758 : i32
      %select_n3A_1760 = arith.select %ge3A_1759, %gather3A_1757, %gather3A_1749 : vector<16xf32>
      tpu.vector_store_idx %arg14[%iota3A, %broadcast_in_dim3A_1741], %select_n3A_1760 : memref<64x512xf32, #tpu.memory_space<vmem>>[vector<16xi32>, vector<16xi32>], vector<16xf32>,
      %slice3A_1761 = vector.extract_strided_slice %get3A_695 {offsets = [8], sizes = [1], strides = [1]} : vector<16xi32> to vector<1xi32>
      %squeeze3A_1762 = vector.extract %slice3A_1761[0] : i32 from vector<1xi32>
      %shift_right_arithmetic3A_1763 = arith.constant 3 : i32
      %shift_right_arithmetic3A_1764 = arith.shrsi %squeeze3A_1762, %shift_right_arithmetic3A_1763 : i32
      %shift_left3A_1765 = arith.constant 3 : i32
      %shift_left3A_1766 = arith.shli %shift_right_arithmetic3A_1764, %shift_left3A_1765 : i32
      %sub3A_1767 = arith.subi %squeeze3A_1762, %shift_left3A_1766 : i32
      %get3A_1768 = arith.constant 1 : i32
      %get3A_1769 = arith.constant 0 : i32
      %get3A_1770 = arith.index_cast %get3A_1768 : i32 to index
      %get3A_1771 = arith.index_cast %get3A_1769 : i32 to index
      %get3A_1772 = arith.index_cast %sub3A_1767 : i32 to index
      %get3A_1773 = arith.constant 0 : index
      %get3A_1774 = tpu.vector_load %arg12[%get3A_1770, %get3A_1771, %get3A_1772, %get3A_1773] {strides = array<i32>} : memref<2x8x8x32xf32, #tpu.memory_space<vmem>>, vector<16xf32>,
      %get3A_1775 = arith.constant 1 : i32
      %get3A_1776 = arith.constant 0 : i32
      %get3A_1777 = arith.index_cast %get3A_1775 : i32 to index
      %get3A_1778 = arith.index_cast %get3A_1776 : i32 to index
      %get3A_1779 = arith.index_cast %sub3A_1767 : i32 to index
      %get3A_1780 = arith.constant 16 : index
      %get3A_1781 = tpu.vector_load %arg12[%get3A_1777, %get3A_1778, %get3A_1779, %get3A_1780] {strides = array<i32>} : memref<2x8x8x32xf32, #tpu.memory_space<vmem>>, vector<16xf32>,
      %add3A_1782 = arith.constant 16 : i32
      %add3A_1783 = vector.broadcast %add3A_1782 : i32 to vector<16xi32>
      %add3A_1784 = arith.addi %iota3A, %add3A_1783 : vector<16xi32>
      tpu.vector_store_idx %arg14[%add3A_1784, %broadcast_in_dim3A_1741], %get3A_1774 : memref<64x512xf32, #tpu.memory_space<vmem>>[vector<16xi32>, vector<16xi32>], vector<16xf32>,
      %add3A_1785 = arith.constant 16 : i32
      %add3A_1786 = vector.broadcast %add3A_1785 : i32 to vector<16xi32>
      %add3A_1787 = arith.addi %iota3A, %add3A_1786 : vector<16xi32>
      %add3A_1788 = arith.constant 16 : i32
      %add3A_1789 = vector.broadcast %add3A_1788 : i32 to vector<16xi32>
      %add3A_1790 = arith.addi %add3A_1787, %add3A_1789 : vector<16xi32>
      tpu.vector_store_idx %arg14[%add3A_1790, %broadcast_in_dim3A_1741], %get3A_1781 : memref<64x512xf32, #tpu.memory_space<vmem>>[vector<16xi32>, vector<16xi32>], vector<16xf32>,
      %slice3A_1791 = vector.extract_strided_slice %get3A_691 {offsets = [9], sizes = [1], strides = [1]} : vector<16xi32> to vector<1xi32>
      %squeeze3A_1792 = vector.extract %slice3A_1791[0] : i32 from vector<1xi32>
      %shift_right_arithmetic3A_1793 = arith.constant 7 : i32
      %shift_right_arithmetic3A_1794 = arith.shrsi %squeeze3A_1792, %shift_right_arithmetic3A_1793 : i32
      %min3A_1795 = arith.constant 7811 : i32
      %min3A_1796 = arith.minsi %shift_right_arithmetic3A_1794, %min3A_1795 : i32
      %shift_left3A_1797 = arith.constant 7 : i32
      %shift_left3A_1798 = arith.shli %min3A_1796, %shift_left3A_1797 : i32
      %sub3A_1799 = arith.subi %squeeze3A_1792, %shift_left3A_1798 : i32
      %min3A_1800 = arith.constant 127 : i32
      %min3A_1801 = arith.minsi %sub3A_1799, %min3A_1800 : i32
      %mul3A_1802 = arith.constant 8 : i32
      %mul3A_1803 = arith.muli %add3A_1725, %mul3A_1802 : i32
      %add3A_1804 = arith.constant 1 : i32
      %add3A_1805 = arith.addi %mul3A_1803, %add3A_1804 : i32
      %broadcast_in_dim3A_1806 = vector.broadcast %add3A_1805 : i32 to vector<16xi32>
      %broadcast_in_dim3A_1807 = vector.broadcast %min3A_1801 : i32 to vector<16xi32>
      %gather3A_1808 = arith.constant 1 : i32
      %gather3A_1809 = arith.constant 1 : i32
      %gather3A_1810 = arith.constant 0 : i32
      %gather3A_1811 = arith.constant 0 : i32
      %gather3A_1812 = tpu.memref_slice %arg11[%gather3A_1808, %gather3A_1809, %gather3A_1810, %gather3A_1811] : memref<2x8x16x128xf32, #tpu.memory_space<vmem>> -> memref<1x1x16x128xf32, #tpu.memory_space<vmem>>
      %gather3A_1813 = tpu.memref_squeeze %gather3A_1812 : memref<1x1x16x128xf32, #tpu.memory_space<vmem>> -> memref<16x128xf32, #tpu.memory_space<vmem>>
      %gather3A_1814 = tpu.vector_load_idx %gather3A_1813[%iota3A, %broadcast_in_dim3A_1807] : memref<16x128xf32, #tpu.memory_space<vmem>>[vector<16xi32>, vector<16xi32>], vector<16xf32>,
      %sub3A_1815 = arith.constant 999936 : i32
      %sub3A_1816 = arith.subi %squeeze3A_1792, %sub3A_1815 : i32
      %jit3A_1817 = arith.constant 0 : i32
      %jit3A_1818 = arith.constant 63 : i32
      %max3A_1819 = arith.maxsi %jit3A_1817, %sub3A_1816 : i32
      %min3A_1820 = arith.minsi %jit3A_1818, %max3A_1819 : i32
      %broadcast_in_dim3A_1821 = vector.broadcast %min3A_1820 : i32 to vector<16xi32>
      %gather3A_1822 = tpu.vector_load_idx %arg13[%iota3A, %broadcast_in_dim3A_1821] : memref<16x64xf32, #tpu.memory_space<vmem>>[vector<16xi32>, vector<16xi32>], vector<16xf32>,
      %ge3A_1823 = arith.constant 999936 : i32
      %ge3A_1824 = arith.cmpi sge, %squeeze3A_1792, %ge3A_1823 : i32
      %select_n3A_1825 = arith.select %ge3A_1824, %gather3A_1822, %gather3A_1814 : vector<16xf32>
      tpu.vector_store_idx %arg14[%iota3A, %broadcast_in_dim3A_1806], %select_n3A_1825 : memref<64x512xf32, #tpu.memory_space<vmem>>[vector<16xi32>, vector<16xi32>], vector<16xf32>,
      %slice3A_1826 = vector.extract_strided_slice %get3A_695 {offsets = [9], sizes = [1], strides = [1]} : vector<16xi32> to vector<1xi32>
      %squeeze3A_1827 = vector.extract %slice3A_1826[0] : i32 from vector<1xi32>
      %shift_right_arithmetic3A_1828 = arith.constant 3 : i32
      %shift_right_arithmetic3A_1829 = arith.shrsi %squeeze3A_1827, %shift_right_arithmetic3A_1828 : i32
      %shift_left3A_1830 = arith.constant 3 : i32
      %shift_left3A_1831 = arith.shli %shift_right_arithmetic3A_1829, %shift_left3A_1830 : i32
      %sub3A_1832 = arith.subi %squeeze3A_1827, %shift_left3A_1831 : i32
      %get3A_1833 = arith.constant 1 : i32
      %get3A_1834 = arith.constant 1 : i32
      %get3A_1835 = arith.index_cast %get3A_1833 : i32 to index
      %get3A_1836 = arith.index_cast %get3A_1834 : i32 to index
      %get3A_1837 = arith.index_cast %sub3A_1832 : i32 to index
      %get3A_1838 = arith.constant 0 : index
      %get3A_1839 = tpu.vector_load %arg12[%get3A_1835, %get3A_1836, %get3A_1837, %get3A_1838] {strides = array<i32>} : memref<2x8x8x32xf32, #tpu.memory_space<vmem>>, vector<16xf32>,
      %get3A_1840 = arith.constant 1 : i32
      %get3A_1841 = arith.constant 1 : i32
      %get3A_1842 = arith.index_cast %get3A_1840 : i32 to index
      %get3A_1843 = arith.index_cast %get3A_1841 : i32 to index
      %get3A_1844 = arith.index_cast %sub3A_1832 : i32 to index
      %get3A_1845 = arith.constant 16 : index
      %get3A_1846 = tpu.vector_load %arg12[%get3A_1842, %get3A_1843, %get3A_1844, %get3A_1845] {strides = array<i32>} : memref<2x8x8x32xf32, #tpu.memory_space<vmem>>, vector<16xf32>,
      %add3A_1847 = arith.constant 16 : i32
      %add3A_1848 = vector.broadcast %add3A_1847 : i32 to vector<16xi32>
      %add3A_1849 = arith.addi %iota3A, %add3A_1848 : vector<16xi32>
      tpu.vector_store_idx %arg14[%add3A_1849, %broadcast_in_dim3A_1806], %get3A_1839 : memref<64x512xf32, #tpu.memory_space<vmem>>[vector<16xi32>, vector<16xi32>], vector<16xf32>,
      %add3A_1850 = arith.constant 16 : i32
      %add3A_1851 = vector.broadcast %add3A_1850 : i32 to vector<16xi32>
      %add3A_1852 = arith.addi %iota3A, %add3A_1851 : vector<16xi32>
      %add3A_1853 = arith.constant 16 : i32
      %add3A_1854 = vector.broadcast %add3A_1853 : i32 to vector<16xi32>
      %add3A_1855 = arith.addi %add3A_1852, %add3A_1854 : vector<16xi32>
      tpu.vector_store_idx %arg14[%add3A_1855, %broadcast_in_dim3A_1806], %get3A_1846 : memref<64x512xf32, #tpu.memory_space<vmem>>[vector<16xi32>, vector<16xi32>], vector<16xf32>,
      %slice3A_1856 = vector.extract_strided_slice %get3A_691 {offsets = [10], sizes = [1], strides = [1]} : vector<16xi32> to vector<1xi32>
      %squeeze3A_1857 = vector.extract %slice3A_1856[0] : i32 from vector<1xi32>
      %shift_right_arithmetic3A_1858 = arith.constant 7 : i32
      %shift_right_arithmetic3A_1859 = arith.shrsi %squeeze3A_1857, %shift_right_arithmetic3A_1858 : i32
      %min3A_1860 = arith.constant 7811 : i32
      %min3A_1861 = arith.minsi %shift_right_arithmetic3A_1859, %min3A_1860 : i32
      %shift_left3A_1862 = arith.constant 7 : i32
      %shift_left3A_1863 = arith.shli %min3A_1861, %shift_left3A_1862 : i32
      %sub3A_1864 = arith.subi %squeeze3A_1857, %shift_left3A_1863 : i32
      %min3A_1865 = arith.constant 127 : i32
      %min3A_1866 = arith.minsi %sub3A_1864, %min3A_1865 : i32
      %mul3A_1867 = arith.constant 8 : i32
      %mul3A_1868 = arith.muli %add3A_1725, %mul3A_1867 : i32
      %add3A_1869 = arith.constant 2 : i32
      %add3A_1870 = arith.addi %mul3A_1868, %add3A_1869 : i32
      %broadcast_in_dim3A_1871 = vector.broadcast %add3A_1870 : i32 to vector<16xi32>
      %broadcast_in_dim3A_1872 = vector.broadcast %min3A_1866 : i32 to vector<16xi32>
      %gather3A_1873 = arith.constant 1 : i32
      %gather3A_1874 = arith.constant 2 : i32
      %gather3A_1875 = arith.constant 0 : i32
      %gather3A_1876 = arith.constant 0 : i32
      %gather3A_1877 = tpu.memref_slice %arg11[%gather3A_1873, %gather3A_1874, %gather3A_1875, %gather3A_1876] : memref<2x8x16x128xf32, #tpu.memory_space<vmem>> -> memref<1x1x16x128xf32, #tpu.memory_space<vmem>>
      %gather3A_1878 = tpu.memref_squeeze %gather3A_1877 : memref<1x1x16x128xf32, #tpu.memory_space<vmem>> -> memref<16x128xf32, #tpu.memory_space<vmem>>
      %gather3A_1879 = tpu.vector_load_idx %gather3A_1878[%iota3A, %broadcast_in_dim3A_1872] : memref<16x128xf32, #tpu.memory_space<vmem>>[vector<16xi32>, vector<16xi32>], vector<16xf32>,
      %sub3A_1880 = arith.constant 999936 : i32
      %sub3A_1881 = arith.subi %squeeze3A_1857, %sub3A_1880 : i32
      %jit3A_1882 = arith.constant 0 : i32
      %jit3A_1883 = arith.constant 63 : i32
      %max3A_1884 = arith.maxsi %jit3A_1882, %sub3A_1881 : i32
      %min3A_1885 = arith.minsi %jit3A_1883, %max3A_1884 : i32
      %broadcast_in_dim3A_1886 = vector.broadcast %min3A_1885 : i32 to vector<16xi32>
      %gather3A_1887 = tpu.vector_load_idx %arg13[%iota3A, %broadcast_in_dim3A_1886] : memref<16x64xf32, #tpu.memory_space<vmem>>[vector<16xi32>, vector<16xi32>], vector<16xf32>,
      %ge3A_1888 = arith.constant 999936 : i32
      %ge3A_1889 = arith.cmpi sge, %squeeze3A_1857, %ge3A_1888 : i32
      %select_n3A_1890 = arith.select %ge3A_1889, %gather3A_1887, %gather3A_1879 : vector<16xf32>
      tpu.vector_store_idx %arg14[%iota3A, %broadcast_in_dim3A_1871], %select_n3A_1890 : memref<64x512xf32, #tpu.memory_space<vmem>>[vector<16xi32>, vector<16xi32>], vector<16xf32>,
      %slice3A_1891 = vector.extract_strided_slice %get3A_695 {offsets = [10], sizes = [1], strides = [1]} : vector<16xi32> to vector<1xi32>
      %squeeze3A_1892 = vector.extract %slice3A_1891[0] : i32 from vector<1xi32>
      %shift_right_arithmetic3A_1893 = arith.constant 3 : i32
      %shift_right_arithmetic3A_1894 = arith.shrsi %squeeze3A_1892, %shift_right_arithmetic3A_1893 : i32
      %shift_left3A_1895 = arith.constant 3 : i32
      %shift_left3A_1896 = arith.shli %shift_right_arithmetic3A_1894, %shift_left3A_1895 : i32
      %sub3A_1897 = arith.subi %squeeze3A_1892, %shift_left3A_1896 : i32
      %get3A_1898 = arith.constant 1 : i32
      %get3A_1899 = arith.constant 2 : i32
      %get3A_1900 = arith.index_cast %get3A_1898 : i32 to index
      %get3A_1901 = arith.index_cast %get3A_1899 : i32 to index
      %get3A_1902 = arith.index_cast %sub3A_1897 : i32 to index
      %get3A_1903 = arith.constant 0 : index
      %get3A_1904 = tpu.vector_load %arg12[%get3A_1900, %get3A_1901, %get3A_1902, %get3A_1903] {strides = array<i32>} : memref<2x8x8x32xf32, #tpu.memory_space<vmem>>, vector<16xf32>,
      %get3A_1905 = arith.constant 1 : i32
      %get3A_1906 = arith.constant 2 : i32
      %get3A_1907 = arith.index_cast %get3A_1905 : i32 to index
      %get3A_1908 = arith.index_cast %get3A_1906 : i32 to index
      %get3A_1909 = arith.index_cast %sub3A_1897 : i32 to index
      %get3A_1910 = arith.constant 16 : index
      %get3A_1911 = tpu.vector_load %arg12[%get3A_1907, %get3A_1908, %get3A_1909, %get3A_1910] {strides = array<i32>} : memref<2x8x8x32xf32, #tpu.memory_space<vmem>>, vector<16xf32>,
      %add3A_1912 = arith.constant 16 : i32
      %add3A_1913 = vector.broadcast %add3A_1912 : i32 to vector<16xi32>
      %add3A_1914 = arith.addi %iota3A, %add3A_1913 : vector<16xi32>
      tpu.vector_store_idx %arg14[%add3A_1914, %broadcast_in_dim3A_1871], %get3A_1904 : memref<64x512xf32, #tpu.memory_space<vmem>>[vector<16xi32>, vector<16xi32>], vector<16xf32>,
      %add3A_1915 = arith.constant 16 : i32
      %add3A_1916 = vector.broadcast %add3A_1915 : i32 to vector<16xi32>
      %add3A_1917 = arith.addi %iota3A, %add3A_1916 : vector<16xi32>
      %add3A_1918 = arith.constant 16 : i32
      %add3A_1919 = vector.broadcast %add3A_1918 : i32 to vector<16xi32>
      %add3A_1920 = arith.addi %add3A_1917, %add3A_1919 : vector<16xi32>
      tpu.vector_store_idx %arg14[%add3A_1920, %broadcast_in_dim3A_1871], %get3A_1911 : memref<64x512xf32, #tpu.memory_space<vmem>>[vector<16xi32>, vector<16xi32>], vector<16xf32>,
      %slice3A_1921 = vector.extract_strided_slice %get3A_691 {offsets = [11], sizes = [1], strides = [1]} : vector<16xi32> to vector<1xi32>
      %squeeze3A_1922 = vector.extract %slice3A_1921[0] : i32 from vector<1xi32>
      %shift_right_arithmetic3A_1923 = arith.constant 7 : i32
      %shift_right_arithmetic3A_1924 = arith.shrsi %squeeze3A_1922, %shift_right_arithmetic3A_1923 : i32
      %min3A_1925 = arith.constant 7811 : i32
      %min3A_1926 = arith.minsi %shift_right_arithmetic3A_1924, %min3A_1925 : i32
      %shift_left3A_1927 = arith.constant 7 : i32
      %shift_left3A_1928 = arith.shli %min3A_1926, %shift_left3A_1927 : i32
      %sub3A_1929 = arith.subi %squeeze3A_1922, %shift_left3A_1928 : i32
      %min3A_1930 = arith.constant 127 : i32
      %min3A_1931 = arith.minsi %sub3A_1929, %min3A_1930 : i32
      %mul3A_1932 = arith.constant 8 : i32
      %mul3A_1933 = arith.muli %add3A_1725, %mul3A_1932 : i32
      %add3A_1934 = arith.constant 3 : i32
      %add3A_1935 = arith.addi %mul3A_1933, %add3A_1934 : i32
      %broadcast_in_dim3A_1936 = vector.broadcast %add3A_1935 : i32 to vector<16xi32>
      %broadcast_in_dim3A_1937 = vector.broadcast %min3A_1931 : i32 to vector<16xi32>
      %gather3A_1938 = arith.constant 1 : i32
      %gather3A_1939 = arith.constant 3 : i32
      %gather3A_1940 = arith.constant 0 : i32
      %gather3A_1941 = arith.constant 0 : i32
      %gather3A_1942 = tpu.memref_slice %arg11[%gather3A_1938, %gather3A_1939, %gather3A_1940, %gather3A_1941] : memref<2x8x16x128xf32, #tpu.memory_space<vmem>> -> memref<1x1x16x128xf32, #tpu.memory_space<vmem>>
      %gather3A_1943 = tpu.memref_squeeze %gather3A_1942 : memref<1x1x16x128xf32, #tpu.memory_space<vmem>> -> memref<16x128xf32, #tpu.memory_space<vmem>>
      %gather3A_1944 = tpu.vector_load_idx %gather3A_1943[%iota3A, %broadcast_in_dim3A_1937] : memref<16x128xf32, #tpu.memory_space<vmem>>[vector<16xi32>, vector<16xi32>], vector<16xf32>,
      %sub3A_1945 = arith.constant 999936 : i32
      %sub3A_1946 = arith.subi %squeeze3A_1922, %sub3A_1945 : i32
      %jit3A_1947 = arith.constant 0 : i32
      %jit3A_1948 = arith.constant 63 : i32
      %max3A_1949 = arith.maxsi %jit3A_1947, %sub3A_1946 : i32
      %min3A_1950 = arith.minsi %jit3A_1948, %max3A_1949 : i32
      %broadcast_in_dim3A_1951 = vector.broadcast %min3A_1950 : i32 to vector<16xi32>
      %gather3A_1952 = tpu.vector_load_idx %arg13[%iota3A, %broadcast_in_dim3A_1951] : memref<16x64xf32, #tpu.memory_space<vmem>>[vector<16xi32>, vector<16xi32>], vector<16xf32>,
      %ge3A_1953 = arith.constant 999936 : i32
      %ge3A_1954 = arith.cmpi sge, %squeeze3A_1922, %ge3A_1953 : i32
      %select_n3A_1955 = arith.select %ge3A_1954, %gather3A_1952, %gather3A_1944 : vector<16xf32>
      tpu.vector_store_idx %arg14[%iota3A, %broadcast_in_dim3A_1936], %select_n3A_1955 : memref<64x512xf32, #tpu.memory_space<vmem>>[vector<16xi32>, vector<16xi32>], vector<16xf32>,
      %slice3A_1956 = vector.extract_strided_slice %get3A_695 {offsets = [11], sizes = [1], strides = [1]} : vector<16xi32> to vector<1xi32>
      %squeeze3A_1957 = vector.extract %slice3A_1956[0] : i32 from vector<1xi32>
      %shift_right_arithmetic3A_1958 = arith.constant 3 : i32
      %shift_right_arithmetic3A_1959 = arith.shrsi %squeeze3A_1957, %shift_right_arithmetic3A_1958 : i32
      %shift_left3A_1960 = arith.constant 3 : i32
      %shift_left3A_1961 = arith.shli %shift_right_arithmetic3A_1959, %shift_left3A_1960 : i32
      %sub3A_1962 = arith.subi %squeeze3A_1957, %shift_left3A_1961 : i32
      %get3A_1963 = arith.constant 1 : i32
      %get3A_1964 = arith.constant 3 : i32
      %get3A_1965 = arith.index_cast %get3A_1963 : i32 to index
      %get3A_1966 = arith.index_cast %get3A_1964 : i32 to index
      %get3A_1967 = arith.index_cast %sub3A_1962 : i32 to index
      %get3A_1968 = arith.constant 0 : index
      %get3A_1969 = tpu.vector_load %arg12[%get3A_1965, %get3A_1966, %get3A_1967, %get3A_1968] {strides = array<i32>} : memref<2x8x8x32xf32, #tpu.memory_space<vmem>>, vector<16xf32>,
      %get3A_1970 = arith.constant 1 : i32
      %get3A_1971 = arith.constant 3 : i32
      %get3A_1972 = arith.index_cast %get3A_1970 : i32 to index
      %get3A_1973 = arith.index_cast %get3A_1971 : i32 to index
      %get3A_1974 = arith.index_cast %sub3A_1962 : i32 to index
      %get3A_1975 = arith.constant 16 : index
      %get3A_1976 = tpu.vector_load %arg12[%get3A_1972, %get3A_1973, %get3A_1974, %get3A_1975] {strides = array<i32>} : memref<2x8x8x32xf32, #tpu.memory_space<vmem>>, vector<16xf32>,
      %add3A_1977 = arith.constant 16 : i32
      %add3A_1978 = vector.broadcast %add3A_1977 : i32 to vector<16xi32>
      %add3A_1979 = arith.addi %iota3A, %add3A_1978 : vector<16xi32>
      tpu.vector_store_idx %arg14[%add3A_1979, %broadcast_in_dim3A_1936], %get3A_1969 : memref<64x512xf32, #tpu.memory_space<vmem>>[vector<16xi32>, vector<16xi32>], vector<16xf32>,
      %add3A_1980 = arith.constant 16 : i32
      %add3A_1981 = vector.broadcast %add3A_1980 : i32 to vector<16xi32>
      %add3A_1982 = arith.addi %iota3A, %add3A_1981 : vector<16xi32>
      %add3A_1983 = arith.constant 16 : i32
      %add3A_1984 = vector.broadcast %add3A_1983 : i32 to vector<16xi32>
      %add3A_1985 = arith.addi %add3A_1982, %add3A_1984 : vector<16xi32>
      tpu.vector_store_idx %arg14[%add3A_1985, %broadcast_in_dim3A_1936], %get3A_1976 : memref<64x512xf32, #tpu.memory_space<vmem>>[vector<16xi32>, vector<16xi32>], vector<16xf32>,
      %slice3A_1986 = vector.extract_strided_slice %get3A_691 {offsets = [12], sizes = [1], strides = [1]} : vector<16xi32> to vector<1xi32>
      %squeeze3A_1987 = vector.extract %slice3A_1986[0] : i32 from vector<1xi32>
      %shift_right_arithmetic3A_1988 = arith.constant 7 : i32
      %shift_right_arithmetic3A_1989 = arith.shrsi %squeeze3A_1987, %shift_right_arithmetic3A_1988 : i32
      %min3A_1990 = arith.constant 7811 : i32
      %min3A_1991 = arith.minsi %shift_right_arithmetic3A_1989, %min3A_1990 : i32
      %shift_left3A_1992 = arith.constant 7 : i32
      %shift_left3A_1993 = arith.shli %min3A_1991, %shift_left3A_1992 : i32
      %sub3A_1994 = arith.subi %squeeze3A_1987, %shift_left3A_1993 : i32
      %min3A_1995 = arith.constant 127 : i32
      %min3A_1996 = arith.minsi %sub3A_1994, %min3A_1995 : i32
      %mul3A_1997 = arith.constant 8 : i32
      %mul3A_1998 = arith.muli %add3A_1725, %mul3A_1997 : i32
      %add3A_1999 = arith.constant 4 : i32
      %add3A_2000 = arith.addi %mul3A_1998, %add3A_1999 : i32
      %broadcast_in_dim3A_2001 = vector.broadcast %add3A_2000 : i32 to vector<16xi32>
      %broadcast_in_dim3A_2002 = vector.broadcast %min3A_1996 : i32 to vector<16xi32>
      %gather3A_2003 = arith.constant 1 : i32
      %gather3A_2004 = arith.constant 4 : i32
      %gather3A_2005 = arith.constant 0 : i32
      %gather3A_2006 = arith.constant 0 : i32
      %gather3A_2007 = tpu.memref_slice %arg11[%gather3A_2003, %gather3A_2004, %gather3A_2005, %gather3A_2006] : memref<2x8x16x128xf32, #tpu.memory_space<vmem>> -> memref<1x1x16x128xf32, #tpu.memory_space<vmem>>
      %gather3A_2008 = tpu.memref_squeeze %gather3A_2007 : memref<1x1x16x128xf32, #tpu.memory_space<vmem>> -> memref<16x128xf32, #tpu.memory_space<vmem>>
      %gather3A_2009 = tpu.vector_load_idx %gather3A_2008[%iota3A, %broadcast_in_dim3A_2002] : memref<16x128xf32, #tpu.memory_space<vmem>>[vector<16xi32>, vector<16xi32>], vector<16xf32>,
      %sub3A_2010 = arith.constant 999936 : i32
      %sub3A_2011 = arith.subi %squeeze3A_1987, %sub3A_2010 : i32
      %jit3A_2012 = arith.constant 0 : i32
      %jit3A_2013 = arith.constant 63 : i32
      %max3A_2014 = arith.maxsi %jit3A_2012, %sub3A_2011 : i32
      %min3A_2015 = arith.minsi %jit3A_2013, %max3A_2014 : i32
      %broadcast_in_dim3A_2016 = vector.broadcast %min3A_2015 : i32 to vector<16xi32>
      %gather3A_2017 = tpu.vector_load_idx %arg13[%iota3A, %broadcast_in_dim3A_2016] : memref<16x64xf32, #tpu.memory_space<vmem>>[vector<16xi32>, vector<16xi32>], vector<16xf32>,
      %ge3A_2018 = arith.constant 999936 : i32
      %ge3A_2019 = arith.cmpi sge, %squeeze3A_1987, %ge3A_2018 : i32
      %select_n3A_2020 = arith.select %ge3A_2019, %gather3A_2017, %gather3A_2009 : vector<16xf32>
      tpu.vector_store_idx %arg14[%iota3A, %broadcast_in_dim3A_2001], %select_n3A_2020 : memref<64x512xf32, #tpu.memory_space<vmem>>[vector<16xi32>, vector<16xi32>], vector<16xf32>,
      %slice3A_2021 = vector.extract_strided_slice %get3A_695 {offsets = [12], sizes = [1], strides = [1]} : vector<16xi32> to vector<1xi32>
      %squeeze3A_2022 = vector.extract %slice3A_2021[0] : i32 from vector<1xi32>
      %shift_right_arithmetic3A_2023 = arith.constant 3 : i32
      %shift_right_arithmetic3A_2024 = arith.shrsi %squeeze3A_2022, %shift_right_arithmetic3A_2023 : i32
      %shift_left3A_2025 = arith.constant 3 : i32
      %shift_left3A_2026 = arith.shli %shift_right_arithmetic3A_2024, %shift_left3A_2025 : i32
      %sub3A_2027 = arith.subi %squeeze3A_2022, %shift_left3A_2026 : i32
      %get3A_2028 = arith.constant 1 : i32
      %get3A_2029 = arith.constant 4 : i32
      %get3A_2030 = arith.index_cast %get3A_2028 : i32 to index
      %get3A_2031 = arith.index_cast %get3A_2029 : i32 to index
      %get3A_2032 = arith.index_cast %sub3A_2027 : i32 to index
      %get3A_2033 = arith.constant 0 : index
      %get3A_2034 = tpu.vector_load %arg12[%get3A_2030, %get3A_2031, %get3A_2032, %get3A_2033] {strides = array<i32>} : memref<2x8x8x32xf32, #tpu.memory_space<vmem>>, vector<16xf32>,
      %get3A_2035 = arith.constant 1 : i32
      %get3A_2036 = arith.constant 4 : i32
      %get3A_2037 = arith.index_cast %get3A_2035 : i32 to index
      %get3A_2038 = arith.index_cast %get3A_2036 : i32 to index
      %get3A_2039 = arith.index_cast %sub3A_2027 : i32 to index
      %get3A_2040 = arith.constant 16 : index
      %get3A_2041 = tpu.vector_load %arg12[%get3A_2037, %get3A_2038, %get3A_2039, %get3A_2040] {strides = array<i32>} : memref<2x8x8x32xf32, #tpu.memory_space<vmem>>, vector<16xf32>,
      %add3A_2042 = arith.constant 16 : i32
      %add3A_2043 = vector.broadcast %add3A_2042 : i32 to vector<16xi32>
      %add3A_2044 = arith.addi %iota3A, %add3A_2043 : vector<16xi32>
      tpu.vector_store_idx %arg14[%add3A_2044, %broadcast_in_dim3A_2001], %get3A_2034 : memref<64x512xf32, #tpu.memory_space<vmem>>[vector<16xi32>, vector<16xi32>], vector<16xf32>,
      %add3A_2045 = arith.constant 16 : i32
      %add3A_2046 = vector.broadcast %add3A_2045 : i32 to vector<16xi32>
      %add3A_2047 = arith.addi %iota3A, %add3A_2046 : vector<16xi32>
      %add3A_2048 = arith.constant 16 : i32
      %add3A_2049 = vector.broadcast %add3A_2048 : i32 to vector<16xi32>
      %add3A_2050 = arith.addi %add3A_2047, %add3A_2049 : vector<16xi32>
      tpu.vector_store_idx %arg14[%add3A_2050, %broadcast_in_dim3A_2001], %get3A_2041 : memref<64x512xf32, #tpu.memory_space<vmem>>[vector<16xi32>, vector<16xi32>], vector<16xf32>,
      %slice3A_2051 = vector.extract_strided_slice %get3A_691 {offsets = [13], sizes = [1], strides = [1]} : vector<16xi32> to vector<1xi32>
      %squeeze3A_2052 = vector.extract %slice3A_2051[0] : i32 from vector<1xi32>
      %shift_right_arithmetic3A_2053 = arith.constant 7 : i32
      %shift_right_arithmetic3A_2054 = arith.shrsi %squeeze3A_2052, %shift_right_arithmetic3A_2053 : i32
      %min3A_2055 = arith.constant 7811 : i32
      %min3A_2056 = arith.minsi %shift_right_arithmetic3A_2054, %min3A_2055 : i32
      %shift_left3A_2057 = arith.constant 7 : i32
      %shift_left3A_2058 = arith.shli %min3A_2056, %shift_left3A_2057 : i32
      %sub3A_2059 = arith.subi %squeeze3A_2052, %shift_left3A_2058 : i32
      %min3A_2060 = arith.constant 127 : i32
      %min3A_2061 = arith.minsi %sub3A_2059, %min3A_2060 : i32
      %mul3A_2062 = arith.constant 8 : i32
      %mul3A_2063 = arith.muli %add3A_1725, %mul3A_2062 : i32
      %add3A_2064 = arith.constant 5 : i32
      %add3A_2065 = arith.addi %mul3A_2063, %add3A_2064 : i32
      %broadcast_in_dim3A_2066 = vector.broadcast %add3A_2065 : i32 to vector<16xi32>
      %broadcast_in_dim3A_2067 = vector.broadcast %min3A_2061 : i32 to vector<16xi32>
      %gather3A_2068 = arith.constant 1 : i32
      %gather3A_2069 = arith.constant 5 : i32
      %gather3A_2070 = arith.constant 0 : i32
      %gather3A_2071 = arith.constant 0 : i32
      %gather3A_2072 = tpu.memref_slice %arg11[%gather3A_2068, %gather3A_2069, %gather3A_2070, %gather3A_2071] : memref<2x8x16x128xf32, #tpu.memory_space<vmem>> -> memref<1x1x16x128xf32, #tpu.memory_space<vmem>>
      %gather3A_2073 = tpu.memref_squeeze %gather3A_2072 : memref<1x1x16x128xf32, #tpu.memory_space<vmem>> -> memref<16x128xf32, #tpu.memory_space<vmem>>
      %gather3A_2074 = tpu.vector_load_idx %gather3A_2073[%iota3A, %broadcast_in_dim3A_2067] : memref<16x128xf32, #tpu.memory_space<vmem>>[vector<16xi32>, vector<16xi32>], vector<16xf32>,
      %sub3A_2075 = arith.constant 999936 : i32
      %sub3A_2076 = arith.subi %squeeze3A_2052, %sub3A_2075 : i32
      %jit3A_2077 = arith.constant 0 : i32
      %jit3A_2078 = arith.constant 63 : i32
      %max3A_2079 = arith.maxsi %jit3A_2077, %sub3A_2076 : i32
      %min3A_2080 = arith.minsi %jit3A_2078, %max3A_2079 : i32
      %broadcast_in_dim3A_2081 = vector.broadcast %min3A_2080 : i32 to vector<16xi32>
      %gather3A_2082 = tpu.vector_load_idx %arg13[%iota3A, %broadcast_in_dim3A_2081] : memref<16x64xf32, #tpu.memory_space<vmem>>[vector<16xi32>, vector<16xi32>], vector<16xf32>,
      %ge3A_2083 = arith.constant 999936 : i32
      %ge3A_2084 = arith.cmpi sge, %squeeze3A_2052, %ge3A_2083 : i32
      %select_n3A_2085 = arith.select %ge3A_2084, %gather3A_2082, %gather3A_2074 : vector<16xf32>
      tpu.vector_store_idx %arg14[%iota3A, %broadcast_in_dim3A_2066], %select_n3A_2085 : memref<64x512xf32, #tpu.memory_space<vmem>>[vector<16xi32>, vector<16xi32>], vector<16xf32>,
      %slice3A_2086 = vector.extract_strided_slice %get3A_695 {offsets = [13], sizes = [1], strides = [1]} : vector<16xi32> to vector<1xi32>
      %squeeze3A_2087 = vector.extract %slice3A_2086[0] : i32 from vector<1xi32>
      %shift_right_arithmetic3A_2088 = arith.constant 3 : i32
      %shift_right_arithmetic3A_2089 = arith.shrsi %squeeze3A_2087, %shift_right_arithmetic3A_2088 : i32
      %shift_left3A_2090 = arith.constant 3 : i32
      %shift_left3A_2091 = arith.shli %shift_right_arithmetic3A_2089, %shift_left3A_2090 : i32
      %sub3A_2092 = arith.subi %squeeze3A_2087, %shift_left3A_2091 : i32
      %get3A_2093 = arith.constant 1 : i32
      %get3A_2094 = arith.constant 5 : i32
      %get3A_2095 = arith.index_cast %get3A_2093 : i32 to index
      %get3A_2096 = arith.index_cast %get3A_2094 : i32 to index
      %get3A_2097 = arith.index_cast %sub3A_2092 : i32 to index
      %get3A_2098 = arith.constant 0 : index
      %get3A_2099 = tpu.vector_load %arg12[%get3A_2095, %get3A_2096, %get3A_2097, %get3A_2098] {strides = array<i32>} : memref<2x8x8x32xf32, #tpu.memory_space<vmem>>, vector<16xf32>,
      %get3A_2100 = arith.constant 1 : i32
      %get3A_2101 = arith.constant 5 : i32
      %get3A_2102 = arith.index_cast %get3A_2100 : i32 to index
      %get3A_2103 = arith.index_cast %get3A_2101 : i32 to index
      %get3A_2104 = arith.index_cast %sub3A_2092 : i32 to index
      %get3A_2105 = arith.constant 16 : index
      %get3A_2106 = tpu.vector_load %arg12[%get3A_2102, %get3A_2103, %get3A_2104, %get3A_2105] {strides = array<i32>} : memref<2x8x8x32xf32, #tpu.memory_space<vmem>>, vector<16xf32>,
      %add3A_2107 = arith.constant 16 : i32
      %add3A_2108 = vector.broadcast %add3A_2107 : i32 to vector<16xi32>
      %add3A_2109 = arith.addi %iota3A, %add3A_2108 : vector<16xi32>
      tpu.vector_store_idx %arg14[%add3A_2109, %broadcast_in_dim3A_2066], %get3A_2099 : memref<64x512xf32, #tpu.memory_space<vmem>>[vector<16xi32>, vector<16xi32>], vector<16xf32>,
      %add3A_2110 = arith.constant 16 : i32
      %add3A_2111 = vector.broadcast %add3A_2110 : i32 to vector<16xi32>
      %add3A_2112 = arith.addi %iota3A, %add3A_2111 : vector<16xi32>
      %add3A_2113 = arith.constant 16 : i32
      %add3A_2114 = vector.broadcast %add3A_2113 : i32 to vector<16xi32>
      %add3A_2115 = arith.addi %add3A_2112, %add3A_2114 : vector<16xi32>
      tpu.vector_store_idx %arg14[%add3A_2115, %broadcast_in_dim3A_2066], %get3A_2106 : memref<64x512xf32, #tpu.memory_space<vmem>>[vector<16xi32>, vector<16xi32>], vector<16xf32>,
      %slice3A_2116 = vector.extract_strided_slice %get3A_691 {offsets = [14], sizes = [1], strides = [1]} : vector<16xi32> to vector<1xi32>
      %squeeze3A_2117 = vector.extract %slice3A_2116[0] : i32 from vector<1xi32>
      %shift_right_arithmetic3A_2118 = arith.constant 7 : i32
      %shift_right_arithmetic3A_2119 = arith.shrsi %squeeze3A_2117, %shift_right_arithmetic3A_2118 : i32
      %min3A_2120 = arith.constant 7811 : i32
      %min3A_2121 = arith.minsi %shift_right_arithmetic3A_2119, %min3A_2120 : i32
      %shift_left3A_2122 = arith.constant 7 : i32
      %shift_left3A_2123 = arith.shli %min3A_2121, %shift_left3A_2122 : i32
      %sub3A_2124 = arith.subi %squeeze3A_2117, %shift_left3A_2123 : i32
      %min3A_2125 = arith.constant 127 : i32
      %min3A_2126 = arith.minsi %sub3A_2124, %min3A_2125 : i32
      %mul3A_2127 = arith.constant 8 : i32
      %mul3A_2128 = arith.muli %add3A_1725, %mul3A_2127 : i32
      %add3A_2129 = arith.constant 6 : i32
      %add3A_2130 = arith.addi %mul3A_2128, %add3A_2129 : i32
      %broadcast_in_dim3A_2131 = vector.broadcast %add3A_2130 : i32 to vector<16xi32>
      %broadcast_in_dim3A_2132 = vector.broadcast %min3A_2126 : i32 to vector<16xi32>
      %gather3A_2133 = arith.constant 1 : i32
      %gather3A_2134 = arith.constant 6 : i32
      %gather3A_2135 = arith.constant 0 : i32
      %gather3A_2136 = arith.constant 0 : i32
      %gather3A_2137 = tpu.memref_slice %arg11[%gather3A_2133, %gather3A_2134, %gather3A_2135, %gather3A_2136] : memref<2x8x16x128xf32, #tpu.memory_space<vmem>> -> memref<1x1x16x128xf32, #tpu.memory_space<vmem>>
      %gather3A_2138 = tpu.memref_squeeze %gather3A_2137 : memref<1x1x16x128xf32, #tpu.memory_space<vmem>> -> memref<16x128xf32, #tpu.memory_space<vmem>>
      %gather3A_2139 = tpu.vector_load_idx %gather3A_2138[%iota3A, %broadcast_in_dim3A_2132] : memref<16x128xf32, #tpu.memory_space<vmem>>[vector<16xi32>, vector<16xi32>], vector<16xf32>,
      %sub3A_2140 = arith.constant 999936 : i32
      %sub3A_2141 = arith.subi %squeeze3A_2117, %sub3A_2140 : i32
      %jit3A_2142 = arith.constant 0 : i32
      %jit3A_2143 = arith.constant 63 : i32
      %max3A_2144 = arith.maxsi %jit3A_2142, %sub3A_2141 : i32
      %min3A_2145 = arith.minsi %jit3A_2143, %max3A_2144 : i32
      %broadcast_in_dim3A_2146 = vector.broadcast %min3A_2145 : i32 to vector<16xi32>
      %gather3A_2147 = tpu.vector_load_idx %arg13[%iota3A, %broadcast_in_dim3A_2146] : memref<16x64xf32, #tpu.memory_space<vmem>>[vector<16xi32>, vector<16xi32>], vector<16xf32>,
      %ge3A_2148 = arith.constant 999936 : i32
      %ge3A_2149 = arith.cmpi sge, %squeeze3A_2117, %ge3A_2148 : i32
      %select_n3A_2150 = arith.select %ge3A_2149, %gather3A_2147, %gather3A_2139 : vector<16xf32>
      tpu.vector_store_idx %arg14[%iota3A, %broadcast_in_dim3A_2131], %select_n3A_2150 : memref<64x512xf32, #tpu.memory_space<vmem>>[vector<16xi32>, vector<16xi32>], vector<16xf32>,
      %slice3A_2151 = vector.extract_strided_slice %get3A_695 {offsets = [14], sizes = [1], strides = [1]} : vector<16xi32> to vector<1xi32>
      %squeeze3A_2152 = vector.extract %slice3A_2151[0] : i32 from vector<1xi32>
      %shift_right_arithmetic3A_2153 = arith.constant 3 : i32
      %shift_right_arithmetic3A_2154 = arith.shrsi %squeeze3A_2152, %shift_right_arithmetic3A_2153 : i32
      %shift_left3A_2155 = arith.constant 3 : i32
      %shift_left3A_2156 = arith.shli %shift_right_arithmetic3A_2154, %shift_left3A_2155 : i32
      %sub3A_2157 = arith.subi %squeeze3A_2152, %shift_left3A_2156 : i32
      %get3A_2158 = arith.constant 1 : i32
      %get3A_2159 = arith.constant 6 : i32
      %get3A_2160 = arith.index_cast %get3A_2158 : i32 to index
      %get3A_2161 = arith.index_cast %get3A_2159 : i32 to index
      %get3A_2162 = arith.index_cast %sub3A_2157 : i32 to index
      %get3A_2163 = arith.constant 0 : index
      %get3A_2164 = tpu.vector_load %arg12[%get3A_2160, %get3A_2161, %get3A_2162, %get3A_2163] {strides = array<i32>} : memref<2x8x8x32xf32, #tpu.memory_space<vmem>>, vector<16xf32>,
      %get3A_2165 = arith.constant 1 : i32
      %get3A_2166 = arith.constant 6 : i32
      %get3A_2167 = arith.index_cast %get3A_2165 : i32 to index
      %get3A_2168 = arith.index_cast %get3A_2166 : i32 to index
      %get3A_2169 = arith.index_cast %sub3A_2157 : i32 to index
      %get3A_2170 = arith.constant 16 : index
      %get3A_2171 = tpu.vector_load %arg12[%get3A_2167, %get3A_2168, %get3A_2169, %get3A_2170] {strides = array<i32>} : memref<2x8x8x32xf32, #tpu.memory_space<vmem>>, vector<16xf32>,
      %add3A_2172 = arith.constant 16 : i32
      %add3A_2173 = vector.broadcast %add3A_2172 : i32 to vector<16xi32>
      %add3A_2174 = arith.addi %iota3A, %add3A_2173 : vector<16xi32>
      tpu.vector_store_idx %arg14[%add3A_2174, %broadcast_in_dim3A_2131], %get3A_2164 : memref<64x512xf32, #tpu.memory_space<vmem>>[vector<16xi32>, vector<16xi32>], vector<16xf32>,
      %add3A_2175 = arith.constant 16 : i32
      %add3A_2176 = vector.broadcast %add3A_2175 : i32 to vector<16xi32>
      %add3A_2177 = arith.addi %iota3A, %add3A_2176 : vector<16xi32>
      %add3A_2178 = arith.constant 16 : i32
      %add3A_2179 = vector.broadcast %add3A_2178 : i32 to vector<16xi32>
      %add3A_2180 = arith.addi %add3A_2177, %add3A_2179 : vector<16xi32>
      tpu.vector_store_idx %arg14[%add3A_2180, %broadcast_in_dim3A_2131], %get3A_2171 : memref<64x512xf32, #tpu.memory_space<vmem>>[vector<16xi32>, vector<16xi32>], vector<16xf32>,
      %slice3A_2181 = vector.extract_strided_slice %get3A_691 {offsets = [15], sizes = [1], strides = [1]} : vector<16xi32> to vector<1xi32>
      %squeeze3A_2182 = vector.extract %slice3A_2181[0] : i32 from vector<1xi32>
      %shift_right_arithmetic3A_2183 = arith.constant 7 : i32
      %shift_right_arithmetic3A_2184 = arith.shrsi %squeeze3A_2182, %shift_right_arithmetic3A_2183 : i32
      %min3A_2185 = arith.constant 7811 : i32
      %min3A_2186 = arith.minsi %shift_right_arithmetic3A_2184, %min3A_2185 : i32
      %shift_left3A_2187 = arith.constant 7 : i32
      %shift_left3A_2188 = arith.shli %min3A_2186, %shift_left3A_2187 : i32
      %sub3A_2189 = arith.subi %squeeze3A_2182, %shift_left3A_2188 : i32
      %min3A_2190 = arith.constant 127 : i32
      %min3A_2191 = arith.minsi %sub3A_2189, %min3A_2190 : i32
      %mul3A_2192 = arith.constant 8 : i32
      %mul3A_2193 = arith.muli %add3A_1725, %mul3A_2192 : i32
      %add3A_2194 = arith.constant 7 : i32
      %add3A_2195 = arith.addi %mul3A_2193, %add3A_2194 : i32
      %broadcast_in_dim3A_2196 = vector.broadcast %add3A_2195 : i32 to vector<16xi32>
      %broadcast_in_dim3A_2197 = vector.broadcast %min3A_2191 : i32 to vector<16xi32>
      %gather3A_2198 = arith.constant 1 : i32
      %gather3A_2199 = arith.constant 7 : i32
      %gather3A_2200 = arith.constant 0 : i32
      %gather3A_2201 = arith.constant 0 : i32
      %gather3A_2202 = tpu.memref_slice %arg11[%gather3A_2198, %gather3A_2199, %gather3A_2200, %gather3A_2201] : memref<2x8x16x128xf32, #tpu.memory_space<vmem>> -> memref<1x1x16x128xf32, #tpu.memory_space<vmem>>
      %gather3A_2203 = tpu.memref_squeeze %gather3A_2202 : memref<1x1x16x128xf32, #tpu.memory_space<vmem>> -> memref<16x128xf32, #tpu.memory_space<vmem>>
      %gather3A_2204 = tpu.vector_load_idx %gather3A_2203[%iota3A, %broadcast_in_dim3A_2197] : memref<16x128xf32, #tpu.memory_space<vmem>>[vector<16xi32>, vector<16xi32>], vector<16xf32>,
      %sub3A_2205 = arith.constant 999936 : i32
      %sub3A_2206 = arith.subi %squeeze3A_2182, %sub3A_2205 : i32
      %jit3A_2207 = arith.constant 0 : i32
      %jit3A_2208 = arith.constant 63 : i32
      %max3A_2209 = arith.maxsi %jit3A_2207, %sub3A_2206 : i32
      %min3A_2210 = arith.minsi %jit3A_2208, %max3A_2209 : i32
      %broadcast_in_dim3A_2211 = vector.broadcast %min3A_2210 : i32 to vector<16xi32>
      %gather3A_2212 = tpu.vector_load_idx %arg13[%iota3A, %broadcast_in_dim3A_2211] : memref<16x64xf32, #tpu.memory_space<vmem>>[vector<16xi32>, vector<16xi32>], vector<16xf32>,
      %ge3A_2213 = arith.constant 999936 : i32
      %ge3A_2214 = arith.cmpi sge, %squeeze3A_2182, %ge3A_2213 : i32
      %select_n3A_2215 = arith.select %ge3A_2214, %gather3A_2212, %gather3A_2204 : vector<16xf32>
      tpu.vector_store_idx %arg14[%iota3A, %broadcast_in_dim3A_2196], %select_n3A_2215 : memref<64x512xf32, #tpu.memory_space<vmem>>[vector<16xi32>, vector<16xi32>], vector<16xf32>,
      %slice3A_2216 = vector.extract_strided_slice %get3A_695 {offsets = [15], sizes = [1], strides = [1]} : vector<16xi32> to vector<1xi32>
      %squeeze3A_2217 = vector.extract %slice3A_2216[0] : i32 from vector<1xi32>
      %shift_right_arithmetic3A_2218 = arith.constant 3 : i32
      %shift_right_arithmetic3A_2219 = arith.shrsi %squeeze3A_2217, %shift_right_arithmetic3A_2218 : i32
      %shift_left3A_2220 = arith.constant 3 : i32
      %shift_left3A_2221 = arith.shli %shift_right_arithmetic3A_2219, %shift_left3A_2220 : i32
      %sub3A_2222 = arith.subi %squeeze3A_2217, %shift_left3A_2221 : i32
      %get3A_2223 = arith.constant 1 : i32
      %get3A_2224 = arith.constant 7 : i32
      %get3A_2225 = arith.index_cast %get3A_2223 : i32 to index
      %get3A_2226 = arith.index_cast %get3A_2224 : i32 to index
      %get3A_2227 = arith.index_cast %sub3A_2222 : i32 to index
      %get3A_2228 = arith.constant 0 : index
      %get3A_2229 = tpu.vector_load %arg12[%get3A_2225, %get3A_2226, %get3A_2227, %get3A_2228] {strides = array<i32>} : memref<2x8x8x32xf32, #tpu.memory_space<vmem>>, vector<16xf32>,
      %get3A_2230 = arith.constant 1 : i32
      %get3A_2231 = arith.constant 7 : i32
      %get3A_2232 = arith.index_cast %get3A_2230 : i32 to index
      %get3A_2233 = arith.index_cast %get3A_2231 : i32 to index
      %get3A_2234 = arith.index_cast %sub3A_2222 : i32 to index
      %get3A_2235 = arith.constant 16 : index
      %get3A_2236 = tpu.vector_load %arg12[%get3A_2232, %get3A_2233, %get3A_2234, %get3A_2235] {strides = array<i32>} : memref<2x8x8x32xf32, #tpu.memory_space<vmem>>, vector<16xf32>,
      %add3A_2237 = arith.constant 16 : i32
      %add3A_2238 = vector.broadcast %add3A_2237 : i32 to vector<16xi32>
      %add3A_2239 = arith.addi %iota3A, %add3A_2238 : vector<16xi32>
      tpu.vector_store_idx %arg14[%add3A_2239, %broadcast_in_dim3A_2196], %get3A_2229 : memref<64x512xf32, #tpu.memory_space<vmem>>[vector<16xi32>, vector<16xi32>], vector<16xf32>,
      %add3A_2240 = arith.constant 16 : i32
      %add3A_2241 = vector.broadcast %add3A_2240 : i32 to vector<16xi32>
      %add3A_2242 = arith.addi %iota3A, %add3A_2241 : vector<16xi32>
      %add3A_2243 = arith.constant 16 : i32
      %add3A_2244 = vector.broadcast %add3A_2243 : i32 to vector<16xi32>
      %add3A_2245 = arith.addi %add3A_2242, %add3A_2244 : vector<16xi32>
      tpu.vector_store_idx %arg14[%add3A_2245, %broadcast_in_dim3A_2196], %get3A_2236 : memref<64x512xf32, #tpu.memory_space<vmem>>[vector<16xi32>, vector<16xi32>], vector<16xf32>,
      %add3A_2246 = arith.constant 1 : i32
      %add3A_2247 = arith.addi %scan3A_685, %add3A_2246 : i32
      %lt3A_2248 = arith.constant 32 : i32
      %lt3A_2249 = arith.cmpi slt, %add3A_2247, %lt3A_2248 : i32
      %convert_element_type3A_2250 = arith.extui %lt3A_2249 : i1 to i32
      %cond3A_2251 = arith.constant 0 : i32
      %cond3A_2252 = arith.cmpi ne, %convert_element_type3A_2250, %cond3A_2251 : i32
      scf.if %cond3A_2252 {
        %add3A_2253 = arith.constant 1 : i32
        %add3A_2254 = arith.addi %scan3A_685, %add3A_2253 : i32
        %mul3A_2255 = arith.constant 16 : i32
        %mul3A_2256 = arith.muli %add3A_2254, %mul3A_2255 : i32
        %get3A_2257 = arith.index_cast %mul3A_2256 : i32 to index
        %get3A_2258 = tpu.vector_load %arg9[%get3A_2257] {strides = array<i32>} : memref<512xi32, #tpu.memory_space<vmem>>, vector<16xi32>,
        %add3A_2259 = arith.constant 1 : i32
        %add3A_2260 = arith.addi %scan3A_685, %add3A_2259 : i32
        %mul3A_2261 = arith.constant 16 : i32
        %mul3A_2262 = arith.muli %add3A_2260, %mul3A_2261 : i32
        %get3A_2263 = arith.index_cast %mul3A_2262 : i32 to index
        %get3A_2264 = tpu.vector_load %arg10[%get3A_2263] {strides = array<i32>} : memref<512xi32, #tpu.memory_space<vmem>>, vector<16xi32>,
        %slice3A_2265 = vector.extract_strided_slice %get3A_2258 {offsets = [8], sizes = [1], strides = [1]} : vector<16xi32> to vector<1xi32>
        %squeeze3A_2266 = vector.extract %slice3A_2265[0] : i32 from vector<1xi32>
        %shift_right_arithmetic3A_2267 = arith.constant 7 : i32
        %shift_right_arithmetic3A_2268 = arith.shrsi %squeeze3A_2266, %shift_right_arithmetic3A_2267 : i32
        %min3A_2269 = arith.constant 7811 : i32
        %min3A_2270 = arith.minsi %shift_right_arithmetic3A_2268, %min3A_2269 : i32
        %mul3A_2271 = arith.constant 128 : i32
        %mul3A_2272 = arith.muli %min3A_2270, %mul3A_2271 : i32
        %dma_start3A_2273 = arith.constant 1 : i32
        %dma_start3A_2274 = arith.constant 0 : i32
        %dma_start3A_2275 = arith.constant 0 : i32
        %dma_start3A_2276 = arith.constant 0 : i32
        %dma_start3A_2277 = tpu.memref_slice %arg11[%dma_start3A_2273, %dma_start3A_2274, %dma_start3A_2275, %dma_start3A_2276] : memref<2x8x16x128xf32, #tpu.memory_space<vmem>> -> memref<1x1x16x128xf32, #tpu.memory_space<vmem>>
        %dma_start3A_2278 = tpu.memref_squeeze %dma_start3A_2277 : memref<1x1x16x128xf32, #tpu.memory_space<vmem>> -> memref<16x128xf32, #tpu.memory_space<vmem>>
        %dma_start3A_2279 = arith.constant 0 : i32
        %dma_start3A_2280 = tpu.memref_slice %arg3[%dma_start3A_2279, %mul3A_2272] : memref<16x1000000xf32, #tpu.memory_space<hbm>> -> memref<16x128xf32, #tpu.memory_space<hbm>>
        %dma_start3A_2281 = arith.constant 0 : i32
        %dma_start3A_2282 = arith.constant 0 : i32
        %dma_start3A_2283 = tpu.memref_slice %arg11[%dma_start3A_2273, %dma_start3A_2274, %dma_start3A_2281, %dma_start3A_2282] : memref<2x8x16x128xf32, #tpu.memory_space<vmem>> -> memref<1x1x16x128xf32, #tpu.memory_space<vmem>>
        %dma_start3A_2284 = tpu.memref_squeeze %dma_start3A_2283 : memref<1x1x16x128xf32, #tpu.memory_space<vmem>> -> memref<16x128xf32, #tpu.memory_space<vmem>>
        %dma_start3A_2285 = arith.constant 0 : i32
        %dma_start3A_2286 = tpu.memref_slice %arg3[%dma_start3A_2285, %mul3A_2272] : memref<16x1000000xf32, #tpu.memory_space<hbm>> -> memref<16x128xf32, #tpu.memory_space<hbm>>
        tpu.enqueue_dma source(%dma_start3A_2286 : memref<16x128xf32, #tpu.memory_space<hbm>>) target(%dma_start3A_2284 : memref<16x128xf32, #tpu.memory_space<vmem>>) target_semaphore(%arg18 : memref<!tpu.dma_semaphore, #tpu.memory_space<semaphore_mem>>)
        %slice3A_2287 = vector.extract_strided_slice %get3A_2264 {offsets = [8], sizes = [1], strides = [1]} : vector<16xi32> to vector<1xi32>
        %squeeze3A_2288 = vector.extract %slice3A_2287[0] : i32 from vector<1xi32>
        %shift_right_arithmetic3A_2289 = arith.constant 3 : i32
        %shift_right_arithmetic3A_2290 = arith.shrsi %squeeze3A_2288, %shift_right_arithmetic3A_2289 : i32
        %mul3A_2291 = arith.constant 8 : i32
        %mul3A_2292 = arith.muli %shift_right_arithmetic3A_2290, %mul3A_2291 : i32
        %dma_start3A_2293 = arith.constant 1 : i32
        %dma_start3A_2294 = arith.constant 0 : i32
        %dma_start3A_2295 = arith.constant 0 : i32
        %dma_start3A_2296 = arith.constant 0 : i32
        %dma_start3A_2297 = tpu.memref_slice %arg12[%dma_start3A_2293, %dma_start3A_2294, %dma_start3A_2295, %dma_start3A_2296] : memref<2x8x8x32xf32, #tpu.memory_space<vmem>> -> memref<1x1x8x32xf32, #tpu.memory_space<vmem>>
        %dma_start3A_2298 = tpu.memref_squeeze %dma_start3A_2297 : memref<1x1x8x32xf32, #tpu.memory_space<vmem>> -> memref<8x32xf32, #tpu.memory_space<vmem>>
        %dma_start3A_2299 = arith.constant 0 : i32
        %dma_start3A_2300 = tpu.memref_slice %arg5[%mul3A_2292, %dma_start3A_2299] : memref<100000x32xf32, #tpu.memory_space<hbm>> -> memref<8x32xf32, #tpu.memory_space<hbm>>
        %dma_start3A_2301 = arith.constant 0 : i32
        %dma_start3A_2302 = arith.constant 0 : i32
        %dma_start3A_2303 = tpu.memref_slice %arg12[%dma_start3A_2293, %dma_start3A_2294, %dma_start3A_2301, %dma_start3A_2302] : memref<2x8x8x32xf32, #tpu.memory_space<vmem>> -> memref<1x1x8x32xf32, #tpu.memory_space<vmem>>
        %dma_start3A_2304 = tpu.memref_squeeze %dma_start3A_2303 : memref<1x1x8x32xf32, #tpu.memory_space<vmem>> -> memref<8x32xf32, #tpu.memory_space<vmem>>
        %dma_start3A_2305 = arith.constant 0 : i32
        %dma_start3A_2306 = tpu.memref_slice %arg5[%mul3A_2292, %dma_start3A_2305] : memref<100000x32xf32, #tpu.memory_space<hbm>> -> memref<8x32xf32, #tpu.memory_space<hbm>>
        tpu.enqueue_dma source(%dma_start3A_2306 : memref<8x32xf32, #tpu.memory_space<hbm>>) target(%dma_start3A_2304 : memref<8x32xf32, #tpu.memory_space<vmem>>) target_semaphore(%arg19 : memref<!tpu.dma_semaphore, #tpu.memory_space<semaphore_mem>>)
        %slice3A_2307 = vector.extract_strided_slice %get3A_2258 {offsets = [9], sizes = [1], strides = [1]} : vector<16xi32> to vector<1xi32>
        %squeeze3A_2308 = vector.extract %slice3A_2307[0] : i32 from vector<1xi32>
        %shift_right_arithmetic3A_2309 = arith.constant 7 : i32
        %shift_right_arithmetic3A_2310 = arith.shrsi %squeeze3A_2308, %shift_right_arithmetic3A_2309 : i32
        %min3A_2311 = arith.constant 7811 : i32
        %min3A_2312 = arith.minsi %shift_right_arithmetic3A_2310, %min3A_2311 : i32
        %mul3A_2313 = arith.constant 128 : i32
        %mul3A_2314 = arith.muli %min3A_2312, %mul3A_2313 : i32
        %dma_start3A_2315 = arith.constant 1 : i32
        %dma_start3A_2316 = arith.constant 1 : i32
        %dma_start3A_2317 = arith.constant 0 : i32
        %dma_start3A_2318 = arith.constant 0 : i32
        %dma_start3A_2319 = tpu.memref_slice %arg11[%dma_start3A_2315, %dma_start3A_2316, %dma_start3A_2317, %dma_start3A_2318] : memref<2x8x16x128xf32, #tpu.memory_space<vmem>> -> memref<1x1x16x128xf32, #tpu.memory_space<vmem>>
        %dma_start3A_2320 = tpu.memref_squeeze %dma_start3A_2319 : memref<1x1x16x128xf32, #tpu.memory_space<vmem>> -> memref<16x128xf32, #tpu.memory_space<vmem>>
        %dma_start3A_2321 = arith.constant 0 : i32
        %dma_start3A_2322 = tpu.memref_slice %arg3[%dma_start3A_2321, %mul3A_2314] : memref<16x1000000xf32, #tpu.memory_space<hbm>> -> memref<16x128xf32, #tpu.memory_space<hbm>>
        %dma_start3A_2323 = arith.constant 0 : i32
        %dma_start3A_2324 = arith.constant 0 : i32
        %dma_start3A_2325 = tpu.memref_slice %arg11[%dma_start3A_2315, %dma_start3A_2316, %dma_start3A_2323, %dma_start3A_2324] : memref<2x8x16x128xf32, #tpu.memory_space<vmem>> -> memref<1x1x16x128xf32, #tpu.memory_space<vmem>>
        %dma_start3A_2326 = tpu.memref_squeeze %dma_start3A_2325 : memref<1x1x16x128xf32, #tpu.memory_space<vmem>> -> memref<16x128xf32, #tpu.memory_space<vmem>>
        %dma_start3A_2327 = arith.constant 0 : i32
        %dma_start3A_2328 = tpu.memref_slice %arg3[%dma_start3A_2327, %mul3A_2314] : memref<16x1000000xf32, #tpu.memory_space<hbm>> -> memref<16x128xf32, #tpu.memory_space<hbm>>
        tpu.enqueue_dma source(%dma_start3A_2328 : memref<16x128xf32, #tpu.memory_space<hbm>>) target(%dma_start3A_2326 : memref<16x128xf32, #tpu.memory_space<vmem>>) target_semaphore(%arg18 : memref<!tpu.dma_semaphore, #tpu.memory_space<semaphore_mem>>)
        %slice3A_2329 = vector.extract_strided_slice %get3A_2264 {offsets = [9], sizes = [1], strides = [1]} : vector<16xi32> to vector<1xi32>
        %squeeze3A_2330 = vector.extract %slice3A_2329[0] : i32 from vector<1xi32>
        %shift_right_arithmetic3A_2331 = arith.constant 3 : i32
        %shift_right_arithmetic3A_2332 = arith.shrsi %squeeze3A_2330, %shift_right_arithmetic3A_2331 : i32
        %mul3A_2333 = arith.constant 8 : i32
        %mul3A_2334 = arith.muli %shift_right_arithmetic3A_2332, %mul3A_2333 : i32
        %dma_start3A_2335 = arith.constant 1 : i32
        %dma_start3A_2336 = arith.constant 1 : i32
        %dma_start3A_2337 = arith.constant 0 : i32
        %dma_start3A_2338 = arith.constant 0 : i32
        %dma_start3A_2339 = tpu.memref_slice %arg12[%dma_start3A_2335, %dma_start3A_2336, %dma_start3A_2337, %dma_start3A_2338] : memref<2x8x8x32xf32, #tpu.memory_space<vmem>> -> memref<1x1x8x32xf32, #tpu.memory_space<vmem>>
        %dma_start3A_2340 = tpu.memref_squeeze %dma_start3A_2339 : memref<1x1x8x32xf32, #tpu.memory_space<vmem>> -> memref<8x32xf32, #tpu.memory_space<vmem>>
        %dma_start3A_2341 = arith.constant 0 : i32
        %dma_start3A_2342 = tpu.memref_slice %arg5[%mul3A_2334, %dma_start3A_2341] : memref<100000x32xf32, #tpu.memory_space<hbm>> -> memref<8x32xf32, #tpu.memory_space<hbm>>
        %dma_start3A_2343 = arith.constant 0 : i32
        %dma_start3A_2344 = arith.constant 0 : i32
        %dma_start3A_2345 = tpu.memref_slice %arg12[%dma_start3A_2335, %dma_start3A_2336, %dma_start3A_2343, %dma_start3A_2344] : memref<2x8x8x32xf32, #tpu.memory_space<vmem>> -> memref<1x1x8x32xf32, #tpu.memory_space<vmem>>
        %dma_start3A_2346 = tpu.memref_squeeze %dma_start3A_2345 : memref<1x1x8x32xf32, #tpu.memory_space<vmem>> -> memref<8x32xf32, #tpu.memory_space<vmem>>
        %dma_start3A_2347 = arith.constant 0 : i32
        %dma_start3A_2348 = tpu.memref_slice %arg5[%mul3A_2334, %dma_start3A_2347] : memref<100000x32xf32, #tpu.memory_space<hbm>> -> memref<8x32xf32, #tpu.memory_space<hbm>>
        tpu.enqueue_dma source(%dma_start3A_2348 : memref<8x32xf32, #tpu.memory_space<hbm>>) target(%dma_start3A_2346 : memref<8x32xf32, #tpu.memory_space<vmem>>) target_semaphore(%arg19 : memref<!tpu.dma_semaphore, #tpu.memory_space<semaphore_mem>>)
        %slice3A_2349 = vector.extract_strided_slice %get3A_2258 {offsets = [10], sizes = [1], strides = [1]} : vector<16xi32> to vector<1xi32>
        %squeeze3A_2350 = vector.extract %slice3A_2349[0] : i32 from vector<1xi32>
        %shift_right_arithmetic3A_2351 = arith.constant 7 : i32
        %shift_right_arithmetic3A_2352 = arith.shrsi %squeeze3A_2350, %shift_right_arithmetic3A_2351 : i32
        %min3A_2353 = arith.constant 7811 : i32
        %min3A_2354 = arith.minsi %shift_right_arithmetic3A_2352, %min3A_2353 : i32
        %mul3A_2355 = arith.constant 128 : i32
        %mul3A_2356 = arith.muli %min3A_2354, %mul3A_2355 : i32
        %dma_start3A_2357 = arith.constant 1 : i32
        %dma_start3A_2358 = arith.constant 2 : i32
        %dma_start3A_2359 = arith.constant 0 : i32
        %dma_start3A_2360 = arith.constant 0 : i32
        %dma_start3A_2361 = tpu.memref_slice %arg11[%dma_start3A_2357, %dma_start3A_2358, %dma_start3A_2359, %dma_start3A_2360] : memref<2x8x16x128xf32, #tpu.memory_space<vmem>> -> memref<1x1x16x128xf32, #tpu.memory_space<vmem>>
        %dma_start3A_2362 = tpu.memref_squeeze %dma_start3A_2361 : memref<1x1x16x128xf32, #tpu.memory_space<vmem>> -> memref<16x128xf32, #tpu.memory_space<vmem>>
        %dma_start3A_2363 = arith.constant 0 : i32
        %dma_start3A_2364 = tpu.memref_slice %arg3[%dma_start3A_2363, %mul3A_2356] : memref<16x1000000xf32, #tpu.memory_space<hbm>> -> memref<16x128xf32, #tpu.memory_space<hbm>>
        %dma_start3A_2365 = arith.constant 0 : i32
        %dma_start3A_2366 = arith.constant 0 : i32
        %dma_start3A_2367 = tpu.memref_slice %arg11[%dma_start3A_2357, %dma_start3A_2358, %dma_start3A_2365, %dma_start3A_2366] : memref<2x8x16x128xf32, #tpu.memory_space<vmem>> -> memref<1x1x16x128xf32, #tpu.memory_space<vmem>>
        %dma_start3A_2368 = tpu.memref_squeeze %dma_start3A_2367 : memref<1x1x16x128xf32, #tpu.memory_space<vmem>> -> memref<16x128xf32, #tpu.memory_space<vmem>>
        %dma_start3A_2369 = arith.constant 0 : i32
        %dma_start3A_2370 = tpu.memref_slice %arg3[%dma_start3A_2369, %mul3A_2356] : memref<16x1000000xf32, #tpu.memory_space<hbm>> -> memref<16x128xf32, #tpu.memory_space<hbm>>
        tpu.enqueue_dma source(%dma_start3A_2370 : memref<16x128xf32, #tpu.memory_space<hbm>>) target(%dma_start3A_2368 : memref<16x128xf32, #tpu.memory_space<vmem>>) target_semaphore(%arg18 : memref<!tpu.dma_semaphore, #tpu.memory_space<semaphore_mem>>)
        %slice3A_2371 = vector.extract_strided_slice %get3A_2264 {offsets = [10], sizes = [1], strides = [1]} : vector<16xi32> to vector<1xi32>
        %squeeze3A_2372 = vector.extract %slice3A_2371[0] : i32 from vector<1xi32>
        %shift_right_arithmetic3A_2373 = arith.constant 3 : i32
        %shift_right_arithmetic3A_2374 = arith.shrsi %squeeze3A_2372, %shift_right_arithmetic3A_2373 : i32
        %mul3A_2375 = arith.constant 8 : i32
        %mul3A_2376 = arith.muli %shift_right_arithmetic3A_2374, %mul3A_2375 : i32
        %dma_start3A_2377 = arith.constant 1 : i32
        %dma_start3A_2378 = arith.constant 2 : i32
        %dma_start3A_2379 = arith.constant 0 : i32
        %dma_start3A_2380 = arith.constant 0 : i32
        %dma_start3A_2381 = tpu.memref_slice %arg12[%dma_start3A_2377, %dma_start3A_2378, %dma_start3A_2379, %dma_start3A_2380] : memref<2x8x8x32xf32, #tpu.memory_space<vmem>> -> memref<1x1x8x32xf32, #tpu.memory_space<vmem>>
        %dma_start3A_2382 = tpu.memref_squeeze %dma_start3A_2381 : memref<1x1x8x32xf32, #tpu.memory_space<vmem>> -> memref<8x32xf32, #tpu.memory_space<vmem>>
        %dma_start3A_2383 = arith.constant 0 : i32
        %dma_start3A_2384 = tpu.memref_slice %arg5[%mul3A_2376, %dma_start3A_2383] : memref<100000x32xf32, #tpu.memory_space<hbm>> -> memref<8x32xf32, #tpu.memory_space<hbm>>
        %dma_start3A_2385 = arith.constant 0 : i32
        %dma_start3A_2386 = arith.constant 0 : i32
        %dma_start3A_2387 = tpu.memref_slice %arg12[%dma_start3A_2377, %dma_start3A_2378, %dma_start3A_2385, %dma_start3A_2386] : memref<2x8x8x32xf32, #tpu.memory_space<vmem>> -> memref<1x1x8x32xf32, #tpu.memory_space<vmem>>
        %dma_start3A_2388 = tpu.memref_squeeze %dma_start3A_2387 : memref<1x1x8x32xf32, #tpu.memory_space<vmem>> -> memref<8x32xf32, #tpu.memory_space<vmem>>
        %dma_start3A_2389 = arith.constant 0 : i32
        %dma_start3A_2390 = tpu.memref_slice %arg5[%mul3A_2376, %dma_start3A_2389] : memref<100000x32xf32, #tpu.memory_space<hbm>> -> memref<8x32xf32, #tpu.memory_space<hbm>>
        tpu.enqueue_dma source(%dma_start3A_2390 : memref<8x32xf32, #tpu.memory_space<hbm>>) target(%dma_start3A_2388 : memref<8x32xf32, #tpu.memory_space<vmem>>) target_semaphore(%arg19 : memref<!tpu.dma_semaphore, #tpu.memory_space<semaphore_mem>>)
        %slice3A_2391 = vector.extract_strided_slice %get3A_2258 {offsets = [11], sizes = [1], strides = [1]} : vector<16xi32> to vector<1xi32>
        %squeeze3A_2392 = vector.extract %slice3A_2391[0] : i32 from vector<1xi32>
        %shift_right_arithmetic3A_2393 = arith.constant 7 : i32
        %shift_right_arithmetic3A_2394 = arith.shrsi %squeeze3A_2392, %shift_right_arithmetic3A_2393 : i32
        %min3A_2395 = arith.constant 7811 : i32
        %min3A_2396 = arith.minsi %shift_right_arithmetic3A_2394, %min3A_2395 : i32
        %mul3A_2397 = arith.constant 128 : i32
        %mul3A_2398 = arith.muli %min3A_2396, %mul3A_2397 : i32
        %dma_start3A_2399 = arith.constant 1 : i32
        %dma_start3A_2400 = arith.constant 3 : i32
        %dma_start3A_2401 = arith.constant 0 : i32
        %dma_start3A_2402 = arith.constant 0 : i32
        %dma_start3A_2403 = tpu.memref_slice %arg11[%dma_start3A_2399, %dma_start3A_2400, %dma_start3A_2401, %dma_start3A_2402] : memref<2x8x16x128xf32, #tpu.memory_space<vmem>> -> memref<1x1x16x128xf32, #tpu.memory_space<vmem>>
        %dma_start3A_2404 = tpu.memref_squeeze %dma_start3A_2403 : memref<1x1x16x128xf32, #tpu.memory_space<vmem>> -> memref<16x128xf32, #tpu.memory_space<vmem>>
        %dma_start3A_2405 = arith.constant 0 : i32
        %dma_start3A_2406 = tpu.memref_slice %arg3[%dma_start3A_2405, %mul3A_2398] : memref<16x1000000xf32, #tpu.memory_space<hbm>> -> memref<16x128xf32, #tpu.memory_space<hbm>>
        %dma_start3A_2407 = arith.constant 0 : i32
        %dma_start3A_2408 = arith.constant 0 : i32
        %dma_start3A_2409 = tpu.memref_slice %arg11[%dma_start3A_2399, %dma_start3A_2400, %dma_start3A_2407, %dma_start3A_2408] : memref<2x8x16x128xf32, #tpu.memory_space<vmem>> -> memref<1x1x16x128xf32, #tpu.memory_space<vmem>>
        %dma_start3A_2410 = tpu.memref_squeeze %dma_start3A_2409 : memref<1x1x16x128xf32, #tpu.memory_space<vmem>> -> memref<16x128xf32, #tpu.memory_space<vmem>>
        %dma_start3A_2411 = arith.constant 0 : i32
        %dma_start3A_2412 = tpu.memref_slice %arg3[%dma_start3A_2411, %mul3A_2398] : memref<16x1000000xf32, #tpu.memory_space<hbm>> -> memref<16x128xf32, #tpu.memory_space<hbm>>
        tpu.enqueue_dma source(%dma_start3A_2412 : memref<16x128xf32, #tpu.memory_space<hbm>>) target(%dma_start3A_2410 : memref<16x128xf32, #tpu.memory_space<vmem>>) target_semaphore(%arg18 : memref<!tpu.dma_semaphore, #tpu.memory_space<semaphore_mem>>)
        %slice3A_2413 = vector.extract_strided_slice %get3A_2264 {offsets = [11], sizes = [1], strides = [1]} : vector<16xi32> to vector<1xi32>
        %squeeze3A_2414 = vector.extract %slice3A_2413[0] : i32 from vector<1xi32>
        %shift_right_arithmetic3A_2415 = arith.constant 3 : i32
        %shift_right_arithmetic3A_2416 = arith.shrsi %squeeze3A_2414, %shift_right_arithmetic3A_2415 : i32
        %mul3A_2417 = arith.constant 8 : i32
        %mul3A_2418 = arith.muli %shift_right_arithmetic3A_2416, %mul3A_2417 : i32
        %dma_start3A_2419 = arith.constant 1 : i32
        %dma_start3A_2420 = arith.constant 3 : i32
        %dma_start3A_2421 = arith.constant 0 : i32
        %dma_start3A_2422 = arith.constant 0 : i32
        %dma_start3A_2423 = tpu.memref_slice %arg12[%dma_start3A_2419, %dma_start3A_2420, %dma_start3A_2421, %dma_start3A_2422] : memref<2x8x8x32xf32, #tpu.memory_space<vmem>> -> memref<1x1x8x32xf32, #tpu.memory_space<vmem>>
        %dma_start3A_2424 = tpu.memref_squeeze %dma_start3A_2423 : memref<1x1x8x32xf32, #tpu.memory_space<vmem>> -> memref<8x32xf32, #tpu.memory_space<vmem>>
        %dma_start3A_2425 = arith.constant 0 : i32
        %dma_start3A_2426 = tpu.memref_slice %arg5[%mul3A_2418, %dma_start3A_2425] : memref<100000x32xf32, #tpu.memory_space<hbm>> -> memref<8x32xf32, #tpu.memory_space<hbm>>
        %dma_start3A_2427 = arith.constant 0 : i32
        %dma_start3A_2428 = arith.constant 0 : i32
        %dma_start3A_2429 = tpu.memref_slice %arg12[%dma_start3A_2419, %dma_start3A_2420, %dma_start3A_2427, %dma_start3A_2428] : memref<2x8x8x32xf32, #tpu.memory_space<vmem>> -> memref<1x1x8x32xf32, #tpu.memory_space<vmem>>
        %dma_start3A_2430 = tpu.memref_squeeze %dma_start3A_2429 : memref<1x1x8x32xf32, #tpu.memory_space<vmem>> -> memref<8x32xf32, #tpu.memory_space<vmem>>
        %dma_start3A_2431 = arith.constant 0 : i32
        %dma_start3A_2432 = tpu.memref_slice %arg5[%mul3A_2418, %dma_start3A_2431] : memref<100000x32xf32, #tpu.memory_space<hbm>> -> memref<8x32xf32, #tpu.memory_space<hbm>>
        tpu.enqueue_dma source(%dma_start3A_2432 : memref<8x32xf32, #tpu.memory_space<hbm>>) target(%dma_start3A_2430 : memref<8x32xf32, #tpu.memory_space<vmem>>) target_semaphore(%arg19 : memref<!tpu.dma_semaphore, #tpu.memory_space<semaphore_mem>>)
        %slice3A_2433 = vector.extract_strided_slice %get3A_2258 {offsets = [12], sizes = [1], strides = [1]} : vector<16xi32> to vector<1xi32>
        %squeeze3A_2434 = vector.extract %slice3A_2433[0] : i32 from vector<1xi32>
        %shift_right_arithmetic3A_2435 = arith.constant 7 : i32
        %shift_right_arithmetic3A_2436 = arith.shrsi %squeeze3A_2434, %shift_right_arithmetic3A_2435 : i32
        %min3A_2437 = arith.constant 7811 : i32
        %min3A_2438 = arith.minsi %shift_right_arithmetic3A_2436, %min3A_2437 : i32
        %mul3A_2439 = arith.constant 128 : i32
        %mul3A_2440 = arith.muli %min3A_2438, %mul3A_2439 : i32
        %dma_start3A_2441 = arith.constant 1 : i32
        %dma_start3A_2442 = arith.constant 4 : i32
        %dma_start3A_2443 = arith.constant 0 : i32
        %dma_start3A_2444 = arith.constant 0 : i32
        %dma_start3A_2445 = tpu.memref_slice %arg11[%dma_start3A_2441, %dma_start3A_2442, %dma_start3A_2443, %dma_start3A_2444] : memref<2x8x16x128xf32, #tpu.memory_space<vmem>> -> memref<1x1x16x128xf32, #tpu.memory_space<vmem>>
        %dma_start3A_2446 = tpu.memref_squeeze %dma_start3A_2445 : memref<1x1x16x128xf32, #tpu.memory_space<vmem>> -> memref<16x128xf32, #tpu.memory_space<vmem>>
        %dma_start3A_2447 = arith.constant 0 : i32
        %dma_start3A_2448 = tpu.memref_slice %arg3[%dma_start3A_2447, %mul3A_2440] : memref<16x1000000xf32, #tpu.memory_space<hbm>> -> memref<16x128xf32, #tpu.memory_space<hbm>>
        %dma_start3A_2449 = arith.constant 0 : i32
        %dma_start3A_2450 = arith.constant 0 : i32
        %dma_start3A_2451 = tpu.memref_slice %arg11[%dma_start3A_2441, %dma_start3A_2442, %dma_start3A_2449, %dma_start3A_2450] : memref<2x8x16x128xf32, #tpu.memory_space<vmem>> -> memref<1x1x16x128xf32, #tpu.memory_space<vmem>>
        %dma_start3A_2452 = tpu.memref_squeeze %dma_start3A_2451 : memref<1x1x16x128xf32, #tpu.memory_space<vmem>> -> memref<16x128xf32, #tpu.memory_space<vmem>>
        %dma_start3A_2453 = arith.constant 0 : i32
        %dma_start3A_2454 = tpu.memref_slice %arg3[%dma_start3A_2453, %mul3A_2440] : memref<16x1000000xf32, #tpu.memory_space<hbm>> -> memref<16x128xf32, #tpu.memory_space<hbm>>
        tpu.enqueue_dma source(%dma_start3A_2454 : memref<16x128xf32, #tpu.memory_space<hbm>>) target(%dma_start3A_2452 : memref<16x128xf32, #tpu.memory_space<vmem>>) target_semaphore(%arg18 : memref<!tpu.dma_semaphore, #tpu.memory_space<semaphore_mem>>)
        %slice3A_2455 = vector.extract_strided_slice %get3A_2264 {offsets = [12], sizes = [1], strides = [1]} : vector<16xi32> to vector<1xi32>
        %squeeze3A_2456 = vector.extract %slice3A_2455[0] : i32 from vector<1xi32>
        %shift_right_arithmetic3A_2457 = arith.constant 3 : i32
        %shift_right_arithmetic3A_2458 = arith.shrsi %squeeze3A_2456, %shift_right_arithmetic3A_2457 : i32
        %mul3A_2459 = arith.constant 8 : i32
        %mul3A_2460 = arith.muli %shift_right_arithmetic3A_2458, %mul3A_2459 : i32
        %dma_start3A_2461 = arith.constant 1 : i32
        %dma_start3A_2462 = arith.constant 4 : i32
        %dma_start3A_2463 = arith.constant 0 : i32
        %dma_start3A_2464 = arith.constant 0 : i32
        %dma_start3A_2465 = tpu.memref_slice %arg12[%dma_start3A_2461, %dma_start3A_2462, %dma_start3A_2463, %dma_start3A_2464] : memref<2x8x8x32xf32, #tpu.memory_space<vmem>> -> memref<1x1x8x32xf32, #tpu.memory_space<vmem>>
        %dma_start3A_2466 = tpu.memref_squeeze %dma_start3A_2465 : memref<1x1x8x32xf32, #tpu.memory_space<vmem>> -> memref<8x32xf32, #tpu.memory_space<vmem>>
        %dma_start3A_2467 = arith.constant 0 : i32
        %dma_start3A_2468 = tpu.memref_slice %arg5[%mul3A_2460, %dma_start3A_2467] : memref<100000x32xf32, #tpu.memory_space<hbm>> -> memref<8x32xf32, #tpu.memory_space<hbm>>
        %dma_start3A_2469 = arith.constant 0 : i32
        %dma_start3A_2470 = arith.constant 0 : i32
        %dma_start3A_2471 = tpu.memref_slice %arg12[%dma_start3A_2461, %dma_start3A_2462, %dma_start3A_2469, %dma_start3A_2470] : memref<2x8x8x32xf32, #tpu.memory_space<vmem>> -> memref<1x1x8x32xf32, #tpu.memory_space<vmem>>
        %dma_start3A_2472 = tpu.memref_squeeze %dma_start3A_2471 : memref<1x1x8x32xf32, #tpu.memory_space<vmem>> -> memref<8x32xf32, #tpu.memory_space<vmem>>
        %dma_start3A_2473 = arith.constant 0 : i32
        %dma_start3A_2474 = tpu.memref_slice %arg5[%mul3A_2460, %dma_start3A_2473] : memref<100000x32xf32, #tpu.memory_space<hbm>> -> memref<8x32xf32, #tpu.memory_space<hbm>>
        tpu.enqueue_dma source(%dma_start3A_2474 : memref<8x32xf32, #tpu.memory_space<hbm>>) target(%dma_start3A_2472 : memref<8x32xf32, #tpu.memory_space<vmem>>) target_semaphore(%arg19 : memref<!tpu.dma_semaphore, #tpu.memory_space<semaphore_mem>>)
        %slice3A_2475 = vector.extract_strided_slice %get3A_2258 {offsets = [13], sizes = [1], strides = [1]} : vector<16xi32> to vector<1xi32>
        %squeeze3A_2476 = vector.extract %slice3A_2475[0] : i32 from vector<1xi32>
        %shift_right_arithmetic3A_2477 = arith.constant 7 : i32
        %shift_right_arithmetic3A_2478 = arith.shrsi %squeeze3A_2476, %shift_right_arithmetic3A_2477 : i32
        %min3A_2479 = arith.constant 7811 : i32
        %min3A_2480 = arith.minsi %shift_right_arithmetic3A_2478, %min3A_2479 : i32
        %mul3A_2481 = arith.constant 128 : i32
        %mul3A_2482 = arith.muli %min3A_2480, %mul3A_2481 : i32
        %dma_start3A_2483 = arith.constant 1 : i32
        %dma_start3A_2484 = arith.constant 5 : i32
        %dma_start3A_2485 = arith.constant 0 : i32
        %dma_start3A_2486 = arith.constant 0 : i32
        %dma_start3A_2487 = tpu.memref_slice %arg11[%dma_start3A_2483, %dma_start3A_2484, %dma_start3A_2485, %dma_start3A_2486] : memref<2x8x16x128xf32, #tpu.memory_space<vmem>> -> memref<1x1x16x128xf32, #tpu.memory_space<vmem>>
        %dma_start3A_2488 = tpu.memref_squeeze %dma_start3A_2487 : memref<1x1x16x128xf32, #tpu.memory_space<vmem>> -> memref<16x128xf32, #tpu.memory_space<vmem>>
        %dma_start3A_2489 = arith.constant 0 : i32
        %dma_start3A_2490 = tpu.memref_slice %arg3[%dma_start3A_2489, %mul3A_2482] : memref<16x1000000xf32, #tpu.memory_space<hbm>> -> memref<16x128xf32, #tpu.memory_space<hbm>>
        %dma_start3A_2491 = arith.constant 0 : i32
        %dma_start3A_2492 = arith.constant 0 : i32
        %dma_start3A_2493 = tpu.memref_slice %arg11[%dma_start3A_2483, %dma_start3A_2484, %dma_start3A_2491, %dma_start3A_2492] : memref<2x8x16x128xf32, #tpu.memory_space<vmem>> -> memref<1x1x16x128xf32, #tpu.memory_space<vmem>>
        %dma_start3A_2494 = tpu.memref_squeeze %dma_start3A_2493 : memref<1x1x16x128xf32, #tpu.memory_space<vmem>> -> memref<16x128xf32, #tpu.memory_space<vmem>>
        %dma_start3A_2495 = arith.constant 0 : i32
        %dma_start3A_2496 = tpu.memref_slice %arg3[%dma_start3A_2495, %mul3A_2482] : memref<16x1000000xf32, #tpu.memory_space<hbm>> -> memref<16x128xf32, #tpu.memory_space<hbm>>
        tpu.enqueue_dma source(%dma_start3A_2496 : memref<16x128xf32, #tpu.memory_space<hbm>>) target(%dma_start3A_2494 : memref<16x128xf32, #tpu.memory_space<vmem>>) target_semaphore(%arg18 : memref<!tpu.dma_semaphore, #tpu.memory_space<semaphore_mem>>)
        %slice3A_2497 = vector.extract_strided_slice %get3A_2264 {offsets = [13], sizes = [1], strides = [1]} : vector<16xi32> to vector<1xi32>
        %squeeze3A_2498 = vector.extract %slice3A_2497[0] : i32 from vector<1xi32>
        %shift_right_arithmetic3A_2499 = arith.constant 3 : i32
        %shift_right_arithmetic3A_2500 = arith.shrsi %squeeze3A_2498, %shift_right_arithmetic3A_2499 : i32
        %mul3A_2501 = arith.constant 8 : i32
        %mul3A_2502 = arith.muli %shift_right_arithmetic3A_2500, %mul3A_2501 : i32
        %dma_start3A_2503 = arith.constant 1 : i32
        %dma_start3A_2504 = arith.constant 5 : i32
        %dma_start3A_2505 = arith.constant 0 : i32
        %dma_start3A_2506 = arith.constant 0 : i32
        %dma_start3A_2507 = tpu.memref_slice %arg12[%dma_start3A_2503, %dma_start3A_2504, %dma_start3A_2505, %dma_start3A_2506] : memref<2x8x8x32xf32, #tpu.memory_space<vmem>> -> memref<1x1x8x32xf32, #tpu.memory_space<vmem>>
        %dma_start3A_2508 = tpu.memref_squeeze %dma_start3A_2507 : memref<1x1x8x32xf32, #tpu.memory_space<vmem>> -> memref<8x32xf32, #tpu.memory_space<vmem>>
        %dma_start3A_2509 = arith.constant 0 : i32
        %dma_start3A_2510 = tpu.memref_slice %arg5[%mul3A_2502, %dma_start3A_2509] : memref<100000x32xf32, #tpu.memory_space<hbm>> -> memref<8x32xf32, #tpu.memory_space<hbm>>
        %dma_start3A_2511 = arith.constant 0 : i32
        %dma_start3A_2512 = arith.constant 0 : i32
        %dma_start3A_2513 = tpu.memref_slice %arg12[%dma_start3A_2503, %dma_start3A_2504, %dma_start3A_2511, %dma_start3A_2512] : memref<2x8x8x32xf32, #tpu.memory_space<vmem>> -> memref<1x1x8x32xf32, #tpu.memory_space<vmem>>
        %dma_start3A_2514 = tpu.memref_squeeze %dma_start3A_2513 : memref<1x1x8x32xf32, #tpu.memory_space<vmem>> -> memref<8x32xf32, #tpu.memory_space<vmem>>
        %dma_start3A_2515 = arith.constant 0 : i32
        %dma_start3A_2516 = tpu.memref_slice %arg5[%mul3A_2502, %dma_start3A_2515] : memref<100000x32xf32, #tpu.memory_space<hbm>> -> memref<8x32xf32, #tpu.memory_space<hbm>>
        tpu.enqueue_dma source(%dma_start3A_2516 : memref<8x32xf32, #tpu.memory_space<hbm>>) target(%dma_start3A_2514 : memref<8x32xf32, #tpu.memory_space<vmem>>) target_semaphore(%arg19 : memref<!tpu.dma_semaphore, #tpu.memory_space<semaphore_mem>>)
        %slice3A_2517 = vector.extract_strided_slice %get3A_2258 {offsets = [14], sizes = [1], strides = [1]} : vector<16xi32> to vector<1xi32>
        %squeeze3A_2518 = vector.extract %slice3A_2517[0] : i32 from vector<1xi32>
        %shift_right_arithmetic3A_2519 = arith.constant 7 : i32
        %shift_right_arithmetic3A_2520 = arith.shrsi %squeeze3A_2518, %shift_right_arithmetic3A_2519 : i32
        %min3A_2521 = arith.constant 7811 : i32
        %min3A_2522 = arith.minsi %shift_right_arithmetic3A_2520, %min3A_2521 : i32
        %mul3A_2523 = arith.constant 128 : i32
        %mul3A_2524 = arith.muli %min3A_2522, %mul3A_2523 : i32
        %dma_start3A_2525 = arith.constant 1 : i32
        %dma_start3A_2526 = arith.constant 6 : i32
        %dma_start3A_2527 = arith.constant 0 : i32
        %dma_start3A_2528 = arith.constant 0 : i32
        %dma_start3A_2529 = tpu.memref_slice %arg11[%dma_start3A_2525, %dma_start3A_2526, %dma_start3A_2527, %dma_start3A_2528] : memref<2x8x16x128xf32, #tpu.memory_space<vmem>> -> memref<1x1x16x128xf32, #tpu.memory_space<vmem>>
        %dma_start3A_2530 = tpu.memref_squeeze %dma_start3A_2529 : memref<1x1x16x128xf32, #tpu.memory_space<vmem>> -> memref<16x128xf32, #tpu.memory_space<vmem>>
        %dma_start3A_2531 = arith.constant 0 : i32
        %dma_start3A_2532 = tpu.memref_slice %arg3[%dma_start3A_2531, %mul3A_2524] : memref<16x1000000xf32, #tpu.memory_space<hbm>> -> memref<16x128xf32, #tpu.memory_space<hbm>>
        %dma_start3A_2533 = arith.constant 0 : i32
        %dma_start3A_2534 = arith.constant 0 : i32
        %dma_start3A_2535 = tpu.memref_slice %arg11[%dma_start3A_2525, %dma_start3A_2526, %dma_start3A_2533, %dma_start3A_2534] : memref<2x8x16x128xf32, #tpu.memory_space<vmem>> -> memref<1x1x16x128xf32, #tpu.memory_space<vmem>>
        %dma_start3A_2536 = tpu.memref_squeeze %dma_start3A_2535 : memref<1x1x16x128xf32, #tpu.memory_space<vmem>> -> memref<16x128xf32, #tpu.memory_space<vmem>>
        %dma_start3A_2537 = arith.constant 0 : i32
        %dma_start3A_2538 = tpu.memref_slice %arg3[%dma_start3A_2537, %mul3A_2524] : memref<16x1000000xf32, #tpu.memory_space<hbm>> -> memref<16x128xf32, #tpu.memory_space<hbm>>
        tpu.enqueue_dma source(%dma_start3A_2538 : memref<16x128xf32, #tpu.memory_space<hbm>>) target(%dma_start3A_2536 : memref<16x128xf32, #tpu.memory_space<vmem>>) target_semaphore(%arg18 : memref<!tpu.dma_semaphore, #tpu.memory_space<semaphore_mem>>)
        %slice3A_2539 = vector.extract_strided_slice %get3A_2264 {offsets = [14], sizes = [1], strides = [1]} : vector<16xi32> to vector<1xi32>
        %squeeze3A_2540 = vector.extract %slice3A_2539[0] : i32 from vector<1xi32>
        %shift_right_arithmetic3A_2541 = arith.constant 3 : i32
        %shift_right_arithmetic3A_2542 = arith.shrsi %squeeze3A_2540, %shift_right_arithmetic3A_2541 : i32
        %mul3A_2543 = arith.constant 8 : i32
        %mul3A_2544 = arith.muli %shift_right_arithmetic3A_2542, %mul3A_2543 : i32
        %dma_start3A_2545 = arith.constant 1 : i32
        %dma_start3A_2546 = arith.constant 6 : i32
        %dma_start3A_2547 = arith.constant 0 : i32
        %dma_start3A_2548 = arith.constant 0 : i32
        %dma_start3A_2549 = tpu.memref_slice %arg12[%dma_start3A_2545, %dma_start3A_2546, %dma_start3A_2547, %dma_start3A_2548] : memref<2x8x8x32xf32, #tpu.memory_space<vmem>> -> memref<1x1x8x32xf32, #tpu.memory_space<vmem>>
        %dma_start3A_2550 = tpu.memref_squeeze %dma_start3A_2549 : memref<1x1x8x32xf32, #tpu.memory_space<vmem>> -> memref<8x32xf32, #tpu.memory_space<vmem>>
        %dma_start3A_2551 = arith.constant 0 : i32
        %dma_start3A_2552 = tpu.memref_slice %arg5[%mul3A_2544, %dma_start3A_2551] : memref<100000x32xf32, #tpu.memory_space<hbm>> -> memref<8x32xf32, #tpu.memory_space<hbm>>
        %dma_start3A_2553 = arith.constant 0 : i32
        %dma_start3A_2554 = arith.constant 0 : i32
        %dma_start3A_2555 = tpu.memref_slice %arg12[%dma_start3A_2545, %dma_start3A_2546, %dma_start3A_2553, %dma_start3A_2554] : memref<2x8x8x32xf32, #tpu.memory_space<vmem>> -> memref<1x1x8x32xf32, #tpu.memory_space<vmem>>
        %dma_start3A_2556 = tpu.memref_squeeze %dma_start3A_2555 : memref<1x1x8x32xf32, #tpu.memory_space<vmem>> -> memref<8x32xf32, #tpu.memory_space<vmem>>
        %dma_start3A_2557 = arith.constant 0 : i32
        %dma_start3A_2558 = tpu.memref_slice %arg5[%mul3A_2544, %dma_start3A_2557] : memref<100000x32xf32, #tpu.memory_space<hbm>> -> memref<8x32xf32, #tpu.memory_space<hbm>>
        tpu.enqueue_dma source(%dma_start3A_2558 : memref<8x32xf32, #tpu.memory_space<hbm>>) target(%dma_start3A_2556 : memref<8x32xf32, #tpu.memory_space<vmem>>) target_semaphore(%arg19 : memref<!tpu.dma_semaphore, #tpu.memory_space<semaphore_mem>>)
        %slice3A_2559 = vector.extract_strided_slice %get3A_2258 {offsets = [15], sizes = [1], strides = [1]} : vector<16xi32> to vector<1xi32>
        %squeeze3A_2560 = vector.extract %slice3A_2559[0] : i32 from vector<1xi32>
        %shift_right_arithmetic3A_2561 = arith.constant 7 : i32
        %shift_right_arithmetic3A_2562 = arith.shrsi %squeeze3A_2560, %shift_right_arithmetic3A_2561 : i32
        %min3A_2563 = arith.constant 7811 : i32
        %min3A_2564 = arith.minsi %shift_right_arithmetic3A_2562, %min3A_2563 : i32
        %mul3A_2565 = arith.constant 128 : i32
        %mul3A_2566 = arith.muli %min3A_2564, %mul3A_2565 : i32
        %dma_start3A_2567 = arith.constant 1 : i32
        %dma_start3A_2568 = arith.constant 7 : i32
        %dma_start3A_2569 = arith.constant 0 : i32
        %dma_start3A_2570 = arith.constant 0 : i32
        %dma_start3A_2571 = tpu.memref_slice %arg11[%dma_start3A_2567, %dma_start3A_2568, %dma_start3A_2569, %dma_start3A_2570] : memref<2x8x16x128xf32, #tpu.memory_space<vmem>> -> memref<1x1x16x128xf32, #tpu.memory_space<vmem>>
        %dma_start3A_2572 = tpu.memref_squeeze %dma_start3A_2571 : memref<1x1x16x128xf32, #tpu.memory_space<vmem>> -> memref<16x128xf32, #tpu.memory_space<vmem>>
        %dma_start3A_2573 = arith.constant 0 : i32
        %dma_start3A_2574 = tpu.memref_slice %arg3[%dma_start3A_2573, %mul3A_2566] : memref<16x1000000xf32, #tpu.memory_space<hbm>> -> memref<16x128xf32, #tpu.memory_space<hbm>>
        %dma_start3A_2575 = arith.constant 0 : i32
        %dma_start3A_2576 = arith.constant 0 : i32
        %dma_start3A_2577 = tpu.memref_slice %arg11[%dma_start3A_2567, %dma_start3A_2568, %dma_start3A_2575, %dma_start3A_2576] : memref<2x8x16x128xf32, #tpu.memory_space<vmem>> -> memref<1x1x16x128xf32, #tpu.memory_space<vmem>>
        %dma_start3A_2578 = tpu.memref_squeeze %dma_start3A_2577 : memref<1x1x16x128xf32, #tpu.memory_space<vmem>> -> memref<16x128xf32, #tpu.memory_space<vmem>>
        %dma_start3A_2579 = arith.constant 0 : i32
        %dma_start3A_2580 = tpu.memref_slice %arg3[%dma_start3A_2579, %mul3A_2566] : memref<16x1000000xf32, #tpu.memory_space<hbm>> -> memref<16x128xf32, #tpu.memory_space<hbm>>
        tpu.enqueue_dma source(%dma_start3A_2580 : memref<16x128xf32, #tpu.memory_space<hbm>>) target(%dma_start3A_2578 : memref<16x128xf32, #tpu.memory_space<vmem>>) target_semaphore(%arg18 : memref<!tpu.dma_semaphore, #tpu.memory_space<semaphore_mem>>)
        %slice3A_2581 = vector.extract_strided_slice %get3A_2264 {offsets = [15], sizes = [1], strides = [1]} : vector<16xi32> to vector<1xi32>
        %squeeze3A_2582 = vector.extract %slice3A_2581[0] : i32 from vector<1xi32>
        %shift_right_arithmetic3A_2583 = arith.constant 3 : i32
        %shift_right_arithmetic3A_2584 = arith.shrsi %squeeze3A_2582, %shift_right_arithmetic3A_2583 : i32
        %mul3A_2585 = arith.constant 8 : i32
        %mul3A_2586 = arith.muli %shift_right_arithmetic3A_2584, %mul3A_2585 : i32
        %dma_start3A_2587 = arith.constant 1 : i32
        %dma_start3A_2588 = arith.constant 7 : i32
        %dma_start3A_2589 = arith.constant 0 : i32
        %dma_start3A_2590 = arith.constant 0 : i32
        %dma_start3A_2591 = tpu.memref_slice %arg12[%dma_start3A_2587, %dma_start3A_2588, %dma_start3A_2589, %dma_start3A_2590] : memref<2x8x8x32xf32, #tpu.memory_space<vmem>> -> memref<1x1x8x32xf32, #tpu.memory_space<vmem>>
        %dma_start3A_2592 = tpu.memref_squeeze %dma_start3A_2591 : memref<1x1x8x32xf32, #tpu.memory_space<vmem>> -> memref<8x32xf32, #tpu.memory_space<vmem>>
        %dma_start3A_2593 = arith.constant 0 : i32
        %dma_start3A_2594 = tpu.memref_slice %arg5[%mul3A_2586, %dma_start3A_2593] : memref<100000x32xf32, #tpu.memory_space<hbm>> -> memref<8x32xf32, #tpu.memory_space<hbm>>
        %dma_start3A_2595 = arith.constant 0 : i32
        %dma_start3A_2596 = arith.constant 0 : i32
        %dma_start3A_2597 = tpu.memref_slice %arg12[%dma_start3A_2587, %dma_start3A_2588, %dma_start3A_2595, %dma_start3A_2596] : memref<2x8x8x32xf32, #tpu.memory_space<vmem>> -> memref<1x1x8x32xf32, #tpu.memory_space<vmem>>
        %dma_start3A_2598 = tpu.memref_squeeze %dma_start3A_2597 : memref<1x1x8x32xf32, #tpu.memory_space<vmem>> -> memref<8x32xf32, #tpu.memory_space<vmem>>
        %dma_start3A_2599 = arith.constant 0 : i32
        %dma_start3A_2600 = tpu.memref_slice %arg5[%mul3A_2586, %dma_start3A_2599] : memref<100000x32xf32, #tpu.memory_space<hbm>> -> memref<8x32xf32, #tpu.memory_space<hbm>>
        tpu.enqueue_dma source(%dma_start3A_2600 : memref<8x32xf32, #tpu.memory_space<hbm>>) target(%dma_start3A_2598 : memref<8x32xf32, #tpu.memory_space<vmem>>) target_semaphore(%arg19 : memref<!tpu.dma_semaphore, #tpu.memory_space<semaphore_mem>>)
      } else {
      }
    }
    %scan3A_684 = arith.constant 32 : i32
    "tpu.region"() ({
      %run_scoped3A = tpu.sem_alloc : memref<!tpu.dma_semaphore, #tpu.memory_space<semaphore_mem>>
      %dma_start3A_685 = arith.constant 0 : i32
      %dma_start3A_686 = tpu.memref_slice %arg8[%dma_start3A_685, %mul3A_2] : memref<64x16384xf32, #tpu.memory_space<hbm>> -> memref<64x512xf32, #tpu.memory_space<hbm>>
      %dma_start3A_687 = arith.constant 0 : i32
      %dma_start3A_688 = tpu.memref_slice %arg8[%dma_start3A_687, %mul3A_2] : memref<64x16384xf32, #tpu.memory_space<hbm>> -> memref<64x512xf32, #tpu.memory_space<hbm>>
      tpu.enqueue_dma source(%arg14 : memref<64x512xf32, #tpu.memory_space<vmem>>) target(%dma_start3A_688 : memref<64x512xf32, #tpu.memory_space<hbm>>) target_semaphore(%run_scoped3A : memref<!tpu.dma_semaphore, #tpu.memory_space<semaphore_mem>>)
      %dma_wait3A_689 = arith.constant 0 : i32
      %dma_wait3A_690 = tpu.memref_slice %arg8[%dma_wait3A_689, %mul3A_2] : memref<64x16384xf32, #tpu.memory_space<hbm>> -> memref<64x512xf32, #tpu.memory_space<hbm>>
      %dma_wait3A_691 = arith.constant 0 : i32
      %dma_wait3A_692 = tpu.memref_slice %arg8[%dma_wait3A_691, %mul3A_2] : memref<64x16384xf32, #tpu.memory_space<hbm>> -> memref<64x512xf32, #tpu.memory_space<hbm>>
      tpu.wait_dma2 semaphore(%run_scoped3A : memref<!tpu.dma_semaphore, #tpu.memory_space<semaphore_mem>>) src(%arg14 : memref<64x512xf32, #tpu.memory_space<vmem>>) dst(%dma_wait3A_692 : memref<64x512xf32, #tpu.memory_space<hbm>>)
      tpu.yield
    }) : () -> ()
    return
  }
}

</mosaic_0001>

<sc_bundles>
// kernel: _lookup.3.cloned.1.call-start
scs
__scs_entry_jumppad:
0x0: {  	(pc) =	sbr.rel $0x88, $3  }
0x1: {  	(tag) =	ssettag $0x0;
	lr =	simm.s32 $0x1  }
0x2: {  	[smem:$0x3F9B] =	sst lr;
	_ =	strace $0xD0000000  }
0x3: {  	_ = 	snop  }
0x4: {  	_ = 	snop  }
0x5: {  	_ = 	snop  }
0x6: {  	_ = 	snop  }
0x7: {  	_ = 	snop  }
__scs_overlays_trampoline_lowered:
0x8: {  	[smem:$0x3FAA] =	sst s0  }
0x9: {  	[smem:$0x3FAB] =	sst s1  }
0xa: {  	[smem:$0x3FAC] =	sst s2  }
0xb: {  	[smem:$0x3FAD] =	sst s3  }
0xc: {  	[smem:$0x3FAE] =	sst s4  }
0xd: {  	[smem:$0x3FAF] =	sst s5  }
0xe: {  	[smem:$0x3FB0] =	sst s6  }
0xf: {  	[smem:$0x3FB1] =	sst s7  }
0x10: {  	[smem:$0x3FB2] =	sst s8  }
0x11: {  	[smem:$0x3FB3] =	sst s9;
	s0 =	simm.s32 @!p0 $0x0  }
0x12: {  	s1 =	sld [smem:$0x3F99];
	s0 =	simm.s32 @p0 $0x1  }
0x13: {  	[smem:$0x3FB4] =	sst s0;
	s0 =	simm.s32 @!p1 $0x0  }
0x14: {  	s2 =	sld [smem:$0x3F98];
	s0 =	simm.s32 @p1 $0x1  }
0x15: {  	[smem:$0x3FB5] =	sst s0;
	s0 =	simm.s32 @!p2 $0x0  }
0x16: {  	s3 =	sld [smem:$0x3FDB];
	s0 =	simm.s32 @p2 $0x1  }
0x17: {  	s4 =	simm.s32 $0x1BF5;
	[smem:$0x3FB7] =	sst s0  }
0x18: {  	s0 =	sld [smem:$0x3F9A];
	_ =	swait.ge [sflag:s4], $0x0  }
0x19: {  	s7 =	sld [smem:$0x3F9B]  }
0x1a: {  	s8 =	sadd.s32 $0xFFFFE003, lr  }
0x1b: {  	s9 =	sadd.s32 $0xFFFFFEF7, lr;
	s5 =	simm.s32 $0xFFFFFFFF;
	p2 =	slt.u32 s8, $0xFFFFF086  }
0x1c: {  	p1 =	slt.u32 s9, $0xF7A;
	s5 =	simm.s32 @!p2 $0x0  }
0x1d: {  	s5 =	simm.s32 @p1 $0x1;
	p0 =	seq.s32 s7, s2  }
0x1e: {  	s7 =	smul.u32 @!p0 $0xF7A, s2;
	p2 =	seq.s32 @!p0 s5, $0x0  }
0x1f: {  	s9 =	smul.u32 $0xF7A, s1;
	s8 =	simm.s32 @!p0 $0x1BF5;
	p2 =	por !p2, p0  }
0x20: {  	[sflag:s8] =	ssyncset.s32 @!p0 $0xFFFFF086;
	s6 =	sadd.s32 @!p0 s3, s7;
	s7 =	simm.s32 @!p0 $0x108  }
0x21: {  	s3 =	sadd.s32 s3, s9;
	s6 =	sadd.s32 @!p0 $0x88, s6;
	s7 =	simm.s32 @p2 $0x1082  }
0x22: {  	[simem:s7], [sflag:s8] =	dma.local @!p0 [hbm:s6], $0xF7A  }
0x23: {  	s9 =	sor.u32 $0xD0000000, s2;
	s6 =	simm.s32 $0x108;
	_ =	swait.ge @!p0 [sflag:s8], $0x0  }
0x24: {  	s3 =	sadd.s32 $0x88, s3;
	s6 =	simm.s32 @!p1 $0x1082;
	[sflag:s4] =	ssyncset.s32 $0xFFFFF086  }
0x25: {  	[simem:s6], [sflag:s4] =	dma.local [hbm:s3], $0xF7A  }
0x26: {  	[smem:$0x3F9B] =	sst s1;
	(tag) =	ssettag s2;
	_ =	strace s9  }
0x27: {  	s1 =	sld [smem:$0x3FAB]  }
0x28: {  	s2 =	sld [smem:$0x3FAC]  }
0x29: {  	s4 =	sld [smem:$0x3FAE]  }
0x2a: {  	p0 =	seq.s32 s5, $0x0;
	s5 =	sld [smem:$0x3FAF]  }
0x2b: {  	s6 =	sld [smem:$0x3FB0]  }
0x2c: {  	s7 =	sld [smem:$0x3FB1]  }
0x2d: {  	s3 =	simm.s32 $0x108;
	s8 =	sld [smem:$0x3FB2]  }
0x2e: {  	s3 =	simm.s32 @!p0 $0x1082;
	s9 =	sld [smem:$0x3FB3]  }
0x2f: {  	lr =	sadd.s32 s0, s3;
	s0 =	sld [smem:$0x3FAA]  }
0x30: {  	s3 =	sld [smem:$0x3FAD]  }
0x31: {  	[smem:$0x3FB6] =	sst s10  }
0x32: {  	s10 =	sld [smem:$0x3FB4];
	_ =	sdelay $0x3  }
0x33: {  	p0 =	seq.s32 s10, $0x1;
	s10 =	sld [smem:$0x3FB6];
	_ =	sdelay $0x3  }
0x34: {  	[smem:$0x3FB6] =	sst s10  }
0x35: {  	s10 =	sld [smem:$0x3FB5];
	_ =	sdelay $0x3  }
0x36: {  	p1 =	seq.s32 s10, $0x1;
	s10 =	sld [smem:$0x3FB6];
	_ =	sdelay $0x3  }
0x37: {  	[smem:$0x3FB6] =	sst s10  }
0x38: {  	s10 =	sld [smem:$0x3FB7]  }
0x39: {  	_ = 	snop;
	(pc) =	sbr.ind lr, $3  }
0x3a: {  	_ = 	snop  }
0x3b: {  	_ = 	snop  }
0x3c: {  	p2 =	seq.s32 s10, $0x1;
	s10 =	sld [smem:$0x3FB6]  }
0x3d: {  	_ =	shalt  }
0x3e: {  	_ =	shalt  }
0x3f: {  	_ =	shalt  }
0x40: {  	_ =	shalt  }
0x41: {  	_ =	shalt  }
0x42: {  	_ =	shalt  }
0x43: {  	_ =	shalt  }
0x44: {  	_ =	shalt  }
0x45: {  	_ =	shalt  }
0x46: {  	_ =	shalt  }
0x47: {  	_ =	shalt  }
0x48: {  	_ =	shalt  }
0x49: {  	_ =	shalt  }
0x4a: {  	_ =	shalt  }
0x4b: {  	_ =	shalt  }
0x4c: {  	_ =	shalt  }
0x4d: {  	_ =	shalt  }
0x4e: {  	_ =	shalt  }
0x4f: {  	_ =	shalt  }
0x50: {  	_ =	shalt  }
0x51: {  	_ =	shalt  }
0x52: {  	_ =	shalt  }
0x53: {  	_ =	shalt  }
0x54: {  	_ =	shalt  }
0x55: {  	_ =	shalt  }
0x56: {  	_ =	shalt  }
0x57: {  	_ =	shalt  }
0x58: {  	_ =	shalt  }
0x59: {  	_ =	shalt  }
0x5a: {  	_ =	shalt  }
0x5b: {  	_ =	shalt  }
0x5c: {  	_ =	shalt  }
0x5d: {  	_ =	shalt  }
0x5e: {  	_ =	shalt  }
0x5f: {  	_ =	shalt  }
0x60: {  	_ =	shalt  }
0x61: {  	_ =	shalt  }
0x62: {  	_ =	shalt  }
0x63: {  	_ =	shalt  }
0x64: {  	_ =	shalt  }
0x65: {  	_ =	shalt  }
0x66: {  	_ =	shalt  }
0x67: {  	_ =	shalt  }
0x68: {  	_ =	shalt  }
0x69: {  	_ =	shalt  }
0x6a: {  	_ =	shalt  }
0x6b: {  	_ =	shalt  }
0x6c: {  	_ =	shalt  }
0x6d: {  	_ =	shalt  }
0x6e: {  	_ =	shalt  }
0x6f: {  	_ =	shalt  }
0x70: {  	_ =	shalt  }
0x71: {  	_ =	shalt  }
0x72: {  	_ =	shalt  }
0x73: {  	_ =	shalt  }
0x74: {  	_ =	shalt  }
0x75: {  	_ =	shalt  }
0x76: {  	_ =	shalt  }
0x77: {  	_ =	shalt  }
0x78: {  	_ =	shalt  }
0x79: {  	_ =	shalt  }
0x7a: {  	_ =	shalt  }
0x7b: {  	_ =	shalt  }
0x7c: {  	_ =	shalt  }
0x7d: {  	_ =	shalt  }
0x7e: {  	_ =	shalt  }
0x7f: {  	_ =	shalt  }
0x80: {  	_ =	shalt  }
0x81: {  	_ =	shalt  }
0x82: {  	_ =	shalt  }
0x83: {  	_ =	shalt  }
0x84: {  	_ =	shalt  }
0x85: {  	_ =	shalt  }
0x86: {  	_ =	shalt  }
0x87: {  	_ =	shalt  }
.Lfunc_end0:
.L_simem_size_0:
called_computation_lowered:
.L_overlay_start_0:
0x88: {  	s2 =	sld [smem:$0x3FD9]  }
0x89: {  	s3 =	sld [smem:$0x3FFE];
	_ =	sdelay $0x1  }
0x8a: {  	s1 =	srdreg.scid  }
0x8b: {  	s0 =	sand.u32 $0x1, s1  }
0x8c: {  	s17 =	sshll.u32 s0, $0xA;
	s2 =	sadd.s32 s3, s2  }
0x8d: {  	s2 =	sadd.s32 s2, s17  }
0x8e: {  	[smem:$0x3FC2] =	sst s2  }
0x8f: {  	_ = 	snop  }
0x90: {  	s2 =	sld [smem:$0x3FC9]  }
0x91: {  	s18 =	sld [smem:$0x3FC8]  }
0x92: {  	s4 =	sld [smem:$0x3FC7]  }
0x93: {  	s5 =	sld [smem:$0x3FC5]  }
0x94: {  	s6 =	sld [smem:$0x3FC4]  }
0x95: {  	s7 =	sld [smem:$0x3FD0];
	(tm) =	ssettm $0x1  }
0x96: {  	s8 =	sld [smem:$0x3FFB];
	_ =	sdelay $0x3  }
0x97: {  	_ =	strace s8  }
0x98: {  	s8 =	sld [smem:$0x3FFC];
	_ =	sdelay $0x3  }
0x99: {  	_ =	strace s8  }
0x9a: {  	s8 =	sld [smem:$0x3FFD];
	_ =	sdelay $0x3  }
0x9b: {  	_ =	strace s8  }
0x9c: {  	_ =	strace $0x8FFFFFFF  }
0x9d: {  	s19 =	sld [smem:$0x3FDB];
	_ =	sdelay $0x1  }
0x9e: {  	s9 =	simm.s32 $_scs_section_size  }
0x9f: {  	s10 =	simm.s32 $_size__tile_overlayer_lowered;
	s11 =	simm.s32 $_tile_overlayer_lowered  }
0xa0: {  	s22 =	simm.s32 $0x1BFF;
	s21 =	sshll.u32 s11, $0x1;
	s8 =	sadd.s32 s9, s19  }
0xa1: {  	s12 =	simm.s32 $0x0;
	s20 =	sshll.u32 s10, $0x1;
	s10 =	sadd.s32 s21, s8  }
0xa2: {  	[timem:s12], [sflag:s22] =	dma.local [hbm:s10], s20  }
0xa3: {  	_ =	swait.ge [sflag:s22], s20  }
0xa4: {  	s9 =	ssub.s32 $0x0, s20;
	[sflag:s22] =	ssyncset.done $0x0  }
0xa5: {  	[sflag:s22] =	ssyncadd.s32 s9;
	_ =	sdelay $0x1  }
0xa6: {  	s23 =	simm.s32 $0x1B8B  }
0xa7: {  	_ =	swait.ge [sflag:s23], $0x1  }
0xa8: {  	[sflag:s23] =	ssyncset.done $0x0  }
0xa9: {  	s25 =	simm.s32 $0x1B8E;
	s24 =	sld [smem:$0x3FFE];
	[sflag:s23] =	ssyncadd.s32 $0xFFFFFFFF  }
0xaa: {  	s26 =	simm.s32 $execute0_lowered;
	[smem:$0x3FD2] =	sst s25  }
0xab: {  	s10 =	sshll.u32 s26, $0x1;
	_ =	strace $0x80000046;
	[dreg:$0x1] =	wrdreg $0xFFFFFFFF  }
0xac: {  	s28 =	simm.s32 $_size_execute0_lowered;
	s8 =	sadd.s32 s8, s10;
	[dreg:$0x0] =	wrdreg $0x0  }
0xad: {  	s10 =	sshll.u32 s28, $0x1;
	[dreg:$0x2] =	wrdreg s8  }
0xae: {  	[dreg:$0x3] =	wrdreg s10  }
0xaf: {  	[dreg:$0x4] =	wrdreg $0xC0  }
0xb0: {  	_ =	task [dreg:s12], $0x5FFFF  }
0xb1: {  	[dreg:$0x1] =	wrdreg $0xFFFFFFFF  }
0xb2: {  	[dreg:$0x0] =	wrdreg $0x60  }
0xb3: {  	[dreg:$0x2] =	wrdreg s2  }
0xb4: {  	[dreg:$0x3] =	wrdreg s18  }
0xb5: {  	[dreg:$0x4] =	wrdreg s4  }
0xb6: {  	[dreg:$0x5] =	wrdreg s24  }
0xb7: {  	[dreg:$0x6] =	wrdreg s5  }
0xb8: {  	[dreg:$0x7] =	wrdreg s6  }
0xb9: {  	[dreg:$0x8] =	wrdreg s7  }
0xba: {  	[dreg:$0x9] =	wrdreg $0x9  }
0xbb: {  	_ =	task.clear_ibuf [dreg:s12], $0xAFFFF;
	_ =	strace $0x90000046  }
0xbc: {  	s29 =	simm.s32 $0x9;
	_ =	strace $0x80000048  }
0xbd: {  	_ =	swait.ge [sflag:s29], $0x1  }
0xbe: {  	[sflag:s29] =	ssyncadd.s32 $0xFFFFFFFF  }
0xbf: {  	_ =	strace $0x90000048  }
0xc0: {  	_ =	sfence  }
0xc1: {  	s30 =	sld [smem:$0x0];
	_ =	sdelay $0x2  }
0xc2: {  	s31 =	sshll.u32 s1, $0xD;
	s1 =	sshrl.u32 s1, $0x2  }
0xc3: {  	s3 =	sand.u32 $0x4000, s31;
	s1 =	sadd.s32 s1, s30  }
0xc4: {  	s0 =	sor.u32 s3, s0;
	s1 =	sshll.u32 s1, $0x11  }
0xc5: {  	s0 =	sor.u32 s1, s0  }
0xc6: {  	s0 =	sadd.s32 $0x8F2B, s0  }
0xc7: {  	[sflag:s0] =	ssyncadd.remote.s32 $0x1  }
0xc8: {  	_ =	sfence.sel $0xFFFF  }
0xc9: {  	[dreg:$0x0] =	wrdreg $0xFFFFFFFF;
	(pc) =	sbr.abs _section_cstart, $3  }
0xca: {  	[dreg:$0x1] =	wrdreg $0xFFFFFFFF  }
0xcb: {  	_ =	task.clear_ibuf [dreg:s12], $0x2FFFF;
	_ =	strace $0x9FFFFFFF  }
0xcc: {  	(tm) =	ssettm $0x7FFFFFFF  }
0xcd: {  	_ =	shalt  }
tec
execute0_lowered:
.L_overlay_start_1:
0x0: {  	(tag) =	ssettag $0x1  }
0x1: {  	v0 =	vimm.s32 $0x1380;
	vm7 =	vcmask $0x300  }
0x2: {  	s1 =	rddreg [dreg:$0x0];
	vm5 =	vcmask $0x704;
	v0 =	vsel vm7, $0x0, v0  }
0x3: {  	s0 =	rddreg [dreg:$0x1];
	vm2 =	vcmask $0xB08;
	v0 =	vsel vm5, $0x80, v0  }
0x4: {  	s2 =	rddreg [dreg:$0x3];
	vm0 =	vcmask $0xF0C;
	v0 =	vsel vm2, $0x100, v0  }
0x5: {  	s4 =	rddreg [dreg:$0x4];
	vm1 =	vcmask $0x1310;
	vm3 =	vcmask $0x1714;
	v0 =	vsel vm0, $0x180, v0  }
0x6: {  	s6 =	rddreg [dreg:$0x5];
	v1 =	vlaneseq.u32;
	vm4 =	vcmask $0x1B18;
	v0 =	vsel vm1, $0x200, v0  }
0x7: {  	s7 =	rddreg [dreg:$0x6];
	s3 =	simm.s32 $0x0;
	vm6 =	vcmask $0x1F1C;
	v3 =	vimm.s32 $0x5380;
	v2 =	vsel vm3, $0x280, v0  }
0x8: {  	s5 =	srdreg.scid;
	s12 =	simm.s32 $0xC400;
	s13 =	simm.s32 $0x1000;
	v0 =	vmul.u32 $0x80, v1;
	v1 =	vsel vm4, $0x300, v2;
	v2 =	vimm.s32 $0x3380  }
0x9: {  	s9 =	stileid.u32;
	s14 =	simm.s32 $0x20000;
	s17 =	simm.s32 $0x7A1400;
	vm9 =	vcmask $0x2320;
	v3 =	vsel vm7, $0x4000, v3;
	v2 =	vsel vm7, $0x2000, v2  }
0xa: {  	s16 =	simm.s32 $0x6;
	s19 =	simm.s32 $0x400;
	s21 =	simm.s32 $0xC00;
	vm10 =	vcmask $0x2724;
	v3 =	vsel vm5, $0x4080, v3;
	v2 =	vsel vm5, $0x2080, v2  }
0xb: {  	s23 =	simm.s32 $0x1400;
	vm11 =	vcmask $0x2B28;
	s28 =	simm.s32 $0x2400;
	s30 =	simm.s32 $0x2C00;
	v3 =	vsel vm2, $0x4100, v3;
	v2 =	vsel vm2, $0x2100, v2  }
0xc: {  	vm12 =	vcmask $0x2F2C;
	s18 =	simm.s32 $0x2;
	s15 =	simm.s32 $0x3;
	s20 =	simm.s32 $0xCC00;
	v3 =	vsel vm0, $0x4180, v3;
	v2 =	vsel vm0, $0x2180, v2  }
0xd: {  	vm13 =	vcmask $0x3330;
	s22 =	simm.s32 $0x4;
	s11 =	simm.s32 $0x0;
	s5 =	sand.u32 $0x1, s5;
	v3 =	vsel vm1, $0x4200, v3;
	v2 =	vsel vm1, $0x2200, v2  }
0xe: {  	vm14 =	vcmask $0x3734;
	[smem:$0x7FF] =	sst s3;
	s9 =	sshll.u32 s9, $0xA;
	s8 =	ssub.s32 $0x2, s5;
	v3 =	vsel vm3, $0x4280, v3;
	v2 =	vsel vm3, $0x2280, v2  }
0xf: {  	vm15 =	vcmask $0x3B38;
	s5 =	sshll.u32 s5, $0x9;
	_ =	strace $0x80000047;
	s10 =	sshrl.u32 s8, $0x1;
	v3 =	vsel vm4, $0x4300, v3;
	v2 =	vsel vm4, $0x2300, v2  }
0x10: {  	s9 =	sor.u32 s5, s9;
	s5 =	sadd.s32 $0x400, s2;
	s2 =	simm.s32 $0x3400;
	v1 =	vsel vm6, $0x380, v1;
	v3 =	vsel vm6, $0x4380, v3;
	v2 =	vsel vm6, $0x2380, v2  }
0x11: {  	s24 =	ssub.s32 s8, s10;
	s25 =	sshrl.u32 s9, $0x3;
	s1 =	sadd.s32 s1, s9;
	v1 =	vsel vm9, $0x1000, v1;
	v3 =	vsel vm9, $0x5000, v3;
	v2 =	vsel vm9, $0x3000, v2  }
0x12: {  	s29 =	sadd.s32 s7, s9;
	s7 =	simm.s32 $0x6400;
	s8 =	simm.s32 $0x6C00;
	v1 =	vsel vm10, $0x1080, v1;
	v3 =	vsel vm10, $0x5080, v3;
	v2 =	vsel vm10, $0x3080, v2  }
.Ltmp0:
0x13: {  	s9 =	simm.s32 $0x7400;
	[dreg:$0xa] =	wrdreg s1;
	v1 =	vsel vm11, $0x1100, v1;
	v3 =	vsel vm11, $0x5100, v3;
	v2 =	vsel vm11, $0x3100, v2;
	(pc) =	sbr.rel .LBB2_1-.Ltmp0, $4  }
0x14: {  	s10 =	simm.s32 $0x7C00;
	s4 =	sadd.s32 s4, s25;
	[dreg:$0xb] =	wrdreg s29;
	v1 =	vsel vm12, $0x1180, v1;
	v3 =	vsel vm12, $0x5180, v3;
	v2 =	vsel vm12, $0x3180, v2  }
0x15: {  	s26 =	sadd.s32 s6, s25;
	s31 =	smax.u32 s24, $0x1;
	[dreg:$0x8] =	wrdreg s4;
	v1 =	vsel vm13, $0x1200, v1;
	v3 =	vsel vm13, $0x5200, v3;
	v2 =	vsel vm13, $0x3200, v2  }
0x16: {  	s25 =	simm.s32 $0x1C00;
	s1 =	simm.s32 $0x3C00;
	[dreg:$0x9] =	wrdreg s26;
	v1 =	vsel vm14, $0x1280, v1;
	v3 =	vsel vm14, $0x5280, v3;
	v2 =	vsel vm14, $0x3280, v2  }
0x17: {  	s6 =	simm.s32 $0x5C00;
	s24 =	simm.s32 $0x5;
	[dreg:$0xc] =	wrdreg s31;
	v1 =	vsel vm15, $0x1300, v1;
	v3 =	vsel vm15, $0x5300, v3;
	v2 =	vsel vm15, $0x3300, v2  }
.LBB2_5:
0x18: {  	s4 =	rddreg [dreg:$0xb]  }
0x19: {  	s13 =	simm.s32 $0x1000;
	s14 =	simm.s32 $0x20000;
	s16 =	simm.s32 $0x6  }
0x1a: {  	[hbm4b:s4+s13] =	stream.strided.scatter [tilespmem:s20], [sflag:$0x6], $0x8000, s14, s13, $0x38;
	[tilespmem:$0x14C00] =	vst v63  }
0x1b: {  	_ =	swait.ge [sflag:s16], $0x8000  }
0x1c: {  	s11 =	rddreg [dreg:$0xd]  }
0x1d: {  	s31 =	rddreg [dreg:$0xc];
	s11 =	sadd.s32 $0x1, s11  }
0x1e: {  	p0 =	sne.s32 s11, s31  }
.Ltmp1:
0x1f: {  	_ = 	snop;
	(pc) =	sbr.rel @!p0 .LBB2_6-.Ltmp1, $3  }
0x20: {  	_ =	sdelay $0x1  }
0x21: {  	[sflag:s16] =	ssyncset.done $0x0  }
0x22: {  	[sflag:s16] =	ssyncadd.s32 $0xFFFF8000  }
.LBB2_1:
0x23: {  	[dreg:$0xd] =	wrdreg s11  }
0x24: {  	s4 =	rddreg [dreg:$0x8]  }
0x25: {  	[tilespmem:s3], [sflag:$0x1] =	stream.linear.gather [hbm4b:s4+s3], $0x200, $0x38;
	[tilespmem:$0x14C00] =	vst v63  }
0x26: {  	s11 =	rddreg [dreg:$0x9];
	s26 =	simm.s32 $0x200  }
0x27: {  	[tilespmem:s26], [sflag:$0x1] =	stream.linear.gather [hbm4b:s11+s3], $0x200, $0x38;
	[tilespmem:$0x14C00] =	vst v63  }
0x28: {  	s11 =	rddreg [dreg:$0x2];
	s26 =	simm.s32 $0x1  }
0x29: {  	[tilespmem:s12], [sflag:$0x1] =	stream.linear.gather [hbm4b:s11+s3], $0x800, $0x38;
	[tilespmem:$0x14C00] =	vst v63  }
0x2a: {  	_ =	swait.ge [sflag:s26], $0x200  }
0x2b: {  	[sflag:s26] =	ssyncset.done $0x0  }
0x2c: {  	[sflag:s26] =	ssyncadd.s32 $0xFFFFFE00  }
0x2d: {  	_ =	swait.ge [sflag:s26], $0x200  }
0x2e: {  	[sflag:s26] =	ssyncset.done $0x0  }
0x2f: {  	[sflag:s26] =	ssyncadd.s32 $0xFFFFFE00  }
0x30: {  	_ =	swait.ge [sflag:s26], $0x800  }
0x31: {  	[sflag:s26] =	ssyncset.done $0x0  }
0x32: {  	s11 =	rddreg [dreg:$0xa];
	[sflag:s26] =	ssyncadd.s32 $0xFFFFF800;
	s26 =	simm.s32 $0x12C00  }
0x33: {  	[tilespmem:s26], [sflag:$0x6] =	stream.strided.gather [hbm4b:s11+s13], $0x2000, s14, s13, $0x38;
	[tilespmem:$0x14C00] =	vst v63  }
0x34: {  	_ =	swait.ge [sflag:s16], $0x2000  }
0x35: {  	[sflag:s16] =	ssyncset.done $0x0  }
0x36: {  	[sflag:s16] =	ssyncadd.s32 $0xFFFFE000  }
0x37: {  	v4 =	vld [tilespmem:$0x0];
	_ =	sdelay $0x4  }
0x38: {  	v5 =	vshra.s32 v4, $0x7;
	v4 =	vld [tilespmem:$0x200]  }
0x39: {  	(v2sf) =	vpush v5, $0x0;
	_ =	sdelay $0x3  }
0x3a: {  	v4 =	vshll.u32 v4, $0x4  }
0x3b: {  	(v2sf) =	vpush v4, $0x0;
	_ =	sdelay $0x4  }
0x3c: {  	(v2sf) =	vpush v5, $0x1;
	_ =	sdelay $0x4  }
0x3d: {  	(v2sf) =	vpush v4, $0x1;
	s4 =	spop (v2sf)  }
0x3e: {  	p0 =	slt.s32 s4, $0x1E83  }
0x3f: {  	s4 =	simm.s32 @!p0 $0x1E83  }
0x40: {  	s4 =	sshll.u32 s4, $0x7  }
0x41: {  	s4 =	sand.u32 $0x1FFFFF80, s4  }
0x42: {  	s4 =	sadd.s32 s0, s4;
	s13 =	spop (v2sf);
	(v2sf) =	vpush v5, $0x2  }
0x43: {  	[tilespmem:s19], [sflag:$0x2] =	stream.strided.gather [hbm4b:s4+s19], $0x800, s17, s19, $0x38;
	[tilespmem:$0x14C00] =	vst v63  }
0x44: {  	s4 =	sand.u32 $0xFFFFF80, s13  }
0x45: {  	s14 =	simm.s32 $0x8400;
	s4 =	sadd.s32 s5, s4  }
0x46: {  	[tilespmem:s14], [sflag:$0x3] =	stream.linear.gather [hbm4b:s4+s3], $0x400, $0x38;
	[tilespmem:$0x14C00] =	vst v63  }
0x47: {  	s4 =	spop (v2sf);
	(v2sf) =	vpush v4, $0x2  }
0x48: {  	p0 =	slt.s32 s4, $0x1E83  }
0x49: {  	s4 =	simm.s32 @!p0 $0x1E83  }
0x4a: {  	s4 =	sshll.u32 s4, $0x7  }
0x4b: {  	s4 =	sand.u32 $0x1FFFFF80, s4  }
0x4c: {  	s16 =	spop (v2sf);
	(v2sf) =	vpush v5, $0x3;
	s4 =	sadd.s32 s0, s4  }
0x4d: {  	[tilespmem:s21], [sflag:$0x2] =	stream.strided.gather [hbm4b:s4+s19], $0x800, s17, s19, $0x38;
	[tilespmem:$0x14C00] =	vst v63  }
0x4e: {  	s4 =	sand.u32 $0xFFFFF80, s16  }
0x4f: {  	s26 =	simm.s32 $0x8800;
	s4 =	sadd.s32 s5, s4  }
0x50: {  	[tilespmem:s26], [sflag:$0x3] =	stream.linear.gather [hbm4b:s4+s3], $0x400, $0x38;
	[tilespmem:$0x14C00] =	vst v63  }
0x51: {  	s4 =	spop (v2sf);
	(v2sf) =	vpush v4, $0x3  }
0x52: {  	p0 =	slt.s32 s4, $0x1E83  }
0x53: {  	s4 =	simm.s32 @!p0 $0x1E83  }
0x54: {  	s4 =	sshll.u32 s4, $0x7  }
0x55: {  	s4 =	sand.u32 $0x1FFFFF80, s4  }
0x56: {  	s13 =	spop (v2sf);
	(v2sf) =	vpush v5, $0x4;
	s4 =	sadd.s32 s0, s4  }
0x57: {  	[tilespmem:s23], [sflag:$0x2] =	stream.strided.gather [hbm4b:s4+s19], $0x800, s17, s19, $0x38;
	[tilespmem:$0x14C00] =	vst v63  }
0x58: {  	s4 =	sand.u32 $0xFFFFF80, s13  }
0x59: {  	s14 =	simm.s32 $0x8C00;
	s4 =	sadd.s32 s5, s4  }
0x5a: {  	[tilespmem:s14], [sflag:$0x3] =	stream.linear.gather [hbm4b:s4+s3], $0x400, $0x38;
	[tilespmem:$0x14C00] =	vst v63  }
0x5b: {  	s4 =	spop (v2sf);
	(v2sf) =	vpush v4, $0x4  }
0x5c: {  	p0 =	slt.s32 s4, $0x1E83  }
0x5d: {  	s4 =	simm.s32 @!p0 $0x1E83  }
0x5e: {  	s4 =	sshll.u32 s4, $0x7  }
0x5f: {  	s4 =	sand.u32 $0x1FFFFF80, s4  }
0x60: {  	s4 =	sadd.s32 s0, s4;
	s16 =	spop (v2sf);
	(v2sf) =	vpush v5, $0x5  }
0x61: {  	[tilespmem:s25], [sflag:$0x2] =	stream.strided.gather [hbm4b:s4+s19], $0x800, s17, s19, $0x38;
	[tilespmem:$0x14C00] =	vst v63  }
0x62: {  	s4 =	sand.u32 $0xFFFFF80, s16  }
0x63: {  	s26 =	simm.s32 $0x9000;
	s4 =	sadd.s32 s5, s4  }
0x64: {  	[tilespmem:s26], [sflag:$0x3] =	stream.linear.gather [hbm4b:s4+s3], $0x400, $0x38;
	[tilespmem:$0x14C00] =	vst v63  }
0x65: {  	s4 =	spop (v2sf);
	(v2sf) =	vpush v4, $0x5  }
0x66: {  	p0 =	slt.s32 s4, $0x1E83  }
0x67: {  	s4 =	simm.s32 @!p0 $0x1E83  }
0x68: {  	s4 =	sshll.u32 s4, $0x7  }
0x69: {  	s4 =	sand.u32 $0x1FFFFF80, s4  }
0x6a: {  	s4 =	sadd.s32 s0, s4;
	s13 =	spop (v2sf);
	(v2sf) =	vpush v5, $0x6  }
0x6b: {  	[tilespmem:s28], [sflag:$0x2] =	stream.strided.gather [hbm4b:s4+s19], $0x800, s17, s19, $0x38;
	[tilespmem:$0x14C00] =	vst v63  }
0x6c: {  	s4 =	sand.u32 $0xFFFFF80, s13  }
0x6d: {  	s14 =	simm.s32 $0x9400;
	s4 =	sadd.s32 s5, s4  }
0x6e: {  	[tilespmem:s14], [sflag:$0x3] =	stream.linear.gather [hbm4b:s4+s3], $0x400, $0x38;
	[tilespmem:$0x14C00] =	vst v63  }
0x6f: {  	s4 =	spop (v2sf);
	(v2sf) =	vpush v4, $0x6  }
0x70: {  	p0 =	slt.s32 s4, $0x1E83  }
0x71: {  	s4 =	simm.s32 @!p0 $0x1E83  }
0x72: {  	s4 =	sshll.u32 s4, $0x7  }
0x73: {  	s4 =	sand.u32 $0x1FFFFF80, s4  }
0x74: {  	s16 =	spop (v2sf);
	(v2sf) =	vpush v5, $0x7;
	s4 =	sadd.s32 s0, s4  }
0x75: {  	[tilespmem:s30], [sflag:$0x2] =	stream.strided.gather [hbm4b:s4+s19], $0x800, s17, s19, $0x38;
	[tilespmem:$0x14C00] =	vst v63  }
0x76: {  	s4 =	sand.u32 $0xFFFFF80, s16  }
0x77: {  	s26 =	simm.s32 $0x9800;
	s4 =	sadd.s32 s5, s4  }
0x78: {  	[tilespmem:s26], [sflag:$0x3] =	stream.linear.gather [hbm4b:s4+s3], $0x400, $0x38;
	[tilespmem:$0x14C00] =	vst v63  }
0x79: {  	s4 =	spop (v2sf);
	(v2sf) =	vpush v4, $0x7  }
0x7a: {  	p0 =	slt.s32 s4, $0x1E83  }
0x7b: {  	s4 =	simm.s32 @!p0 $0x1E83  }
0x7c: {  	s4 =	sshll.u32 s4, $0x7  }
0x7d: {  	s4 =	sand.u32 $0x1FFFFF80, s4  }
0x7e: {  	s4 =	sadd.s32 s0, s4;
	s13 =	spop (v2sf);
	(v2sf) =	vpush v5, $0x8  }
0x7f: {  	[tilespmem:s2], [sflag:$0x2] =	stream.strided.gather [hbm4b:s4+s19], $0x800, s17, s19, $0x38;
	[tilespmem:$0x14C00] =	vst v63  }
0x80: {  	s4 =	sand.u32 $0xFFFFF80, s13  }
0x81: {  	s14 =	simm.s32 $0x9C00;
	s4 =	sadd.s32 s5, s4  }
0x82: {  	[tilespmem:s14], [sflag:$0x3] =	stream.linear.gather [hbm4b:s4+s3], $0x400, $0x38;
	[tilespmem:$0x14C00] =	vst v63  }
0x83: {  	s4 =	spop (v2sf);
	(v2sf) =	vpush v4, $0x8  }
0x84: {  	p0 =	slt.s32 s4, $0x1E83  }
0x85: {  	s4 =	simm.s32 @!p0 $0x1E83  }
0x86: {  	s4 =	sshll.u32 s4, $0x7  }
0x87: {  	s4 =	sand.u32 $0x1FFFFF80, s4  }
0x88: {  	s4 =	sadd.s32 s0, s4;
	s16 =	spop (v2sf);
	(v2sf) =	vpush v5, $0x9  }
0x89: {  	[tilespmem:s1], [sflag:$0x2] =	stream.strided.gather [hbm4b:s4+s19], $0x800, s17, s19, $0x38;
	[tilespmem:$0x14C00] =	vst v63  }
0x8a: {  	s4 =	sand.u32 $0xFFFFF80, s16  }
0x8b: {  	s26 =	simm.s32 $0xA000;
	s4 =	sadd.s32 s5, s4  }
0x8c: {  	[tilespmem:s26], [sflag:$0x3] =	stream.linear.gather [hbm4b:s4+s3], $0x400, $0x38;
	[tilespmem:$0x14C00] =	vst v63  }
0x8d: {  	s4 =	spop (v2sf);
	(v2sf) =	vpush v4, $0x9  }
0x8e: {  	p0 =	slt.s32 s4, $0x1E83  }
0x8f: {  	s4 =	simm.s32 @!p0 $0x1E83  }
0x90: {  	s4 =	sshll.u32 s4, $0x7  }
0x91: {  	s4 =	sand.u32 $0x1FFFFF80, s4  }
0x92: {  	s13 =	simm.s32 $0x4400;
	s14 =	spop (v2sf);
	(v2sf) =	vpush v5, $0xA;
	s4 =	sadd.s32 s0, s4  }
0x93: {  	[tilespmem:s13], [sflag:$0x4] =	stream.strided.gather [hbm4b:s4+s19], $0x800, s17, s19, $0x38;
	[tilespmem:$0x14C00] =	vst v63  }
0x94: {  	s4 =	sand.u32 $0xFFFFF80, s14  }
0x95: {  	s16 =	simm.s32 $0xA400;
	s4 =	sadd.s32 s5, s4  }
0x96: {  	[tilespmem:s16], [sflag:$0x5] =	stream.linear.gather [hbm4b:s4+s3], $0x400, $0x38;
	[tilespmem:$0x14C00] =	vst v63  }
0x97: {  	s4 =	spop (v2sf);
	(v2sf) =	vpush v4, $0xA  }
0x98: {  	p0 =	slt.s32 s4, $0x1E83  }
0x99: {  	s4 =	simm.s32 @!p0 $0x1E83  }
0x9a: {  	s4 =	sshll.u32 s4, $0x7  }
0x9b: {  	s4 =	sand.u32 $0x1FFFFF80, s4  }
0x9c: {  	s26 =	simm.s32 $0x4C00;
	s4 =	sadd.s32 s0, s4;
	s11 =	spop (v2sf);
	(v2sf) =	vpush v5, $0xB  }
0x9d: {  	[tilespmem:s26], [sflag:$0x4] =	stream.strided.gather [hbm4b:s4+s19], $0x800, s17, s19, $0x38;
	[tilespmem:$0x14C00] =	vst v63  }
0x9e: {  	s4 =	sand.u32 $0xFFFFF80, s11  }
0x9f: {  	s13 =	simm.s32 $0xA800;
	s4 =	sadd.s32 s5, s4  }
0xa0: {  	[tilespmem:s13], [sflag:$0x5] =	stream.linear.gather [hbm4b:s4+s3], $0x400, $0x38;
	[tilespmem:$0x14C00] =	vst v63  }
0xa1: {  	s4 =	spop (v2sf);
	(v2sf) =	vpush v4, $0xB  }
0xa2: {  	p0 =	slt.s32 s4, $0x1E83  }
0xa3: {  	s4 =	simm.s32 @!p0 $0x1E83  }
0xa4: {  	s4 =	sshll.u32 s4, $0x7  }
0xa5: {  	s4 =	sand.u32 $0x1FFFFF80, s4  }
0xa6: {  	s14 =	simm.s32 $0x5400;
	s4 =	sadd.s32 s0, s4;
	s16 =	spop (v2sf);
	(v2sf) =	vpush v5, $0xC  }
0xa7: {  	[tilespmem:s14], [sflag:$0x4] =	stream.strided.gather [hbm4b:s4+s19], $0x800, s17, s19, $0x38;
	[tilespmem:$0x14C00] =	vst v63  }
0xa8: {  	s4 =	sand.u32 $0xFFFFF80, s16  }
0xa9: {  	s26 =	simm.s32 $0xAC00;
	s4 =	sadd.s32 s5, s4  }
0xaa: {  	[tilespmem:s26], [sflag:$0x5] =	stream.linear.gather [hbm4b:s4+s3], $0x400, $0x38;
	[tilespmem:$0x14C00] =	vst v63  }
0xab: {  	s4 =	spop (v2sf)  }
0xac: {  	p0 =	slt.s32 s4, $0x1E83  }
0xad: {  	(v2sf) =	vpush v4, $0xC;
	s4 =	simm.s32 @!p0 $0x1E83  }
0xae: {  	s4 =	sshll.u32 s4, $0x7  }
0xaf: {  	s4 =	sand.u32 $0x1FFFFF80, s4  }
0xb0: {  	s11 =	spop (v2sf);
	s4 =	sadd.s32 s0, s4  }
0xb1: {  	(v2sf) =	vpush v5, $0xD;
	[tilespmem:s6], [sflag:$0x4] =	stream.strided.gather [hbm4b:s4+s19], $0x800, s17, s19, $0x38;
	[tilespmem:$0x14C00] =	vst v63  }
0xb2: {  	s4 =	sand.u32 $0xFFFFF80, s11  }
0xb3: {  	s13 =	simm.s32 $0xB000;
	s4 =	sadd.s32 s5, s4  }
0xb4: {  	[tilespmem:s13], [sflag:$0x5] =	stream.linear.gather [hbm4b:s4+s3], $0x400, $0x38;
	[tilespmem:$0x14C00] =	vst v63  }
0xb5: {  	(v2sf) =	vpush v4, $0xD;
	s4 =	spop (v2sf)  }
0xb6: {  	p0 =	slt.s32 s4, $0x1E83  }
0xb7: {  	s4 =	simm.s32 @!p0 $0x1E83  }
0xb8: {  	s4 =	sshll.u32 s4, $0x7  }
0xb9: {  	s4 =	sand.u32 $0x1FFFFF80, s4  }
0xba: {  	(v2sf) =	vpush v5, $0xE;
	s4 =	sadd.s32 s0, s4  }
0xbb: {  	[tilespmem:s7], [sflag:$0x4] =	stream.strided.gather [hbm4b:s4+s19], $0x800, s17, s19, $0x38;
	[tilespmem:$0x14C00] =	vst v63  }
0xbc: {  	s14 =	spop (v2sf)  }
0xbd: {  	s4 =	sand.u32 $0xFFFFF80, s14  }
0xbe: {  	s16 =	simm.s32 $0xB400;
	(v2sf) =	vpush v4, $0xE;
	s4 =	sadd.s32 s5, s4  }
0xbf: {  	[tilespmem:s16], [sflag:$0x5] =	stream.linear.gather [hbm4b:s4+s3], $0x400, $0x38;
	[tilespmem:$0x14C00] =	vst v63  }
0xc0: {  	s4 =	spop (v2sf)  }
0xc1: {  	(v2sf) =	vpush v5, $0xF;
	p0 =	slt.s32 s4, $0x1E83  }
0xc2: {  	s4 =	simm.s32 @!p0 $0x1E83  }
0xc3: {  	s4 =	sshll.u32 s4, $0x7  }
0xc4: {  	s26 =	spop (v2sf);
	s4 =	sand.u32 $0x1FFFFF80, s4  }
0xc5: {  	s11 =	sand.u32 $0xFFFFF80, s26;
	s4 =	sadd.s32 s0, s4  }
0xc6: {  	[tilespmem:s8], [sflag:$0x4] =	stream.strided.gather [hbm4b:s4+s19], $0x800, s17, s19, $0x38;
	[tilespmem:$0x14C00] =	vst v63  }
0xc7: {  	s13 =	simm.s32 $0xB800;
	s4 =	sadd.s32 s5, s11  }
0xc8: {  	[tilespmem:s13], [sflag:$0x5] =	stream.linear.gather [hbm4b:s4+s3], $0x400, $0x38;
	[tilespmem:$0x14C00] =	vst v63  }
0xc9: {  	(v2sf) =	vpush v4, $0xF;
	s4 =	spop (v2sf)  }
0xca: {  	p0 =	slt.s32 s4, $0x1E83  }
0xcb: {  	s4 =	simm.s32 @!p0 $0x1E83  }
0xcc: {  	s4 =	sshll.u32 s4, $0x7  }
0xcd: {  	s4 =	sand.u32 $0x1FFFFF80, s4;
	s14 =	spop (v2sf)  }
0xce: {  	s4 =	sadd.s32 s0, s4;
	s16 =	sand.u32 $0xFFFFF80, s14  }
0xcf: {  	[tilespmem:s9], [sflag:$0x4] =	stream.strided.gather [hbm4b:s4+s19], $0x800, s17, s19, $0x38;
	[tilespmem:$0x14C00] =	vst v63  }
0xd0: {  	s26 =	simm.s32 $0xBC00;
	s4 =	sadd.s32 s5, s16;
	s11 =	spop (v2sf)  }
0xd1: {  	[tilespmem:s26], [sflag:$0x5] =	stream.linear.gather [hbm4b:s4+s3], $0x400, $0x38;
	[tilespmem:$0x14C00] =	vst v63  }
0xd2: {  	p0 =	slt.s32 s11, $0x1E83  }
0xd3: {  	s11 =	simm.s32 @!p0 $0x1E83  }
0xd4: {  	s14 =	sshll.u32 s11, $0x7  }
0xd5: {  	s4 =	sand.u32 $0x1FFFFF80, s14  }
0xd6: {  	s4 =	sadd.s32 s0, s4  }
0xd7: {  	[tilespmem:s10], [sflag:$0x4] =	stream.strided.gather [hbm4b:s4+s19], $0x800, s17, s19, $0x38;
	[tilespmem:$0x14C00] =	vst v63  }
.Ltmp2:
0xd8: {  	s16 =	spop (v2sf);
	(pc) =	sbr.rel .LBB2_2-.Ltmp2, $4  }
0xd9: {  	s4 =	sand.u32 $0xFFFFF80, s16  }
0xda: {  	s26 =	simm.s32 $0xC000;
	s4 =	sadd.s32 s5, s4  }
0xdb: {  	[tilespmem:s26], [sflag:$0x5] =	stream.linear.gather [hbm4b:s4+s3], $0x400, $0x38;
	[tilespmem:$0x14C00] =	vst v63  }
0xdc: {  	s29 =	simm.s32 $0x10;
	s31 =	simm.s32 $0x0;
	s26 =	simm.s32 $0x210  }
.LBB2_4:
0xdd: {  	_ =	swait.ge [sflag:s22], $0x800  }
0xde: {  	[sflag:s22] =	ssyncset.done $0x0  }
0xdf: {  	[sflag:s22] =	ssyncadd.s32 $0xFFFFF800  }
0xe0: {  	_ =	swait.ge [sflag:s24], $0x400  }
0xe1: {  	[sflag:s24] =	ssyncset.done $0x0  }
0xe2: {  	[sflag:s24] =	ssyncadd.s32 $0xFFFFFC00  }
0xe3: {  	_ =	swait.ge [sflag:s22], $0x800  }
0xe4: {  	[sflag:s22] =	ssyncset.done $0x0  }
0xe5: {  	[sflag:s22] =	ssyncadd.s32 $0xFFFFF800  }
0xe6: {  	_ =	swait.ge [sflag:s24], $0x400  }
0xe7: {  	[sflag:s24] =	ssyncset.done $0x0  }
0xe8: {  	[sflag:s24] =	ssyncadd.s32 $0xFFFFFC00  }
0xe9: {  	_ =	swait.ge [sflag:s22], $0x800  }
0xea: {  	[sflag:s22] =	ssyncset.done $0x0  }
0xeb: {  	[sflag:s22] =	ssyncadd.s32 $0xFFFFF800  }
0xec: {  	_ =	swait.ge [sflag:s24], $0x400  }
0xed: {  	[sflag:s24] =	ssyncset.done $0x0  }
0xee: {  	[sflag:s24] =	ssyncadd.s32 $0xFFFFFC00  }
0xef: {  	_ =	swait.ge [sflag:s22], $0x800  }
0xf0: {  	[sflag:s22] =	ssyncset.done $0x0  }
0xf1: {  	[sflag:s22] =	ssyncadd.s32 $0xFFFFF800  }
0xf2: {  	_ =	swait.ge [sflag:s24], $0x400  }
0xf3: {  	[sflag:s24] =	ssyncset.done $0x0  }
0xf4: {  	[sflag:s24] =	ssyncadd.s32 $0xFFFFFC00  }
0xf5: {  	_ =	swait.ge [sflag:s22], $0x800  }
0xf6: {  	[sflag:s22] =	ssyncset.done $0x0  }
0xf7: {  	[sflag:s22] =	ssyncadd.s32 $0xFFFFF800  }
0xf8: {  	_ =	swait.ge [sflag:s24], $0x400  }
0xf9: {  	[sflag:s24] =	ssyncset.done $0x0  }
0xfa: {  	[sflag:s24] =	ssyncadd.s32 $0xFFFFFC00  }
0xfb: {  	_ =	swait.ge [sflag:s22], $0x800  }
0xfc: {  	[sflag:s22] =	ssyncset.done $0x0  }
0xfd: {  	[sflag:s22] =	ssyncadd.s32 $0xFFFFF800  }
0xfe: {  	_ =	swait.ge [sflag:s24], $0x400  }
0xff: {  	[sflag:s24] =	ssyncset.done $0x0  }
0x100: {  	[sflag:s24] =	ssyncadd.s32 $0xFFFFFC00  }
0x101: {  	_ =	swait.ge [sflag:s22], $0x800  }
0x102: {  	[sflag:s22] =	ssyncset.done $0x0  }
0x103: {  	[sflag:s22] =	ssyncadd.s32 $0xFFFFF800  }
0x104: {  	_ =	swait.ge [sflag:s24], $0x400  }
0x105: {  	[sflag:s24] =	ssyncset.done $0x0  }
0x106: {  	[sflag:s24] =	ssyncadd.s32 $0xFFFFFC00  }
0x107: {  	_ =	swait.ge [sflag:s22], $0x800  }
0x108: {  	[sflag:s22] =	ssyncset.done $0x0  }
0x109: {  	[sflag:s22] =	ssyncadd.s32 $0xFFFFF800  }
0x10a: {  	_ =	swait.ge [sflag:s24], $0x400  }
0x10b: {  	(v2sf) =	vpush v4, $0x8;
	_ =	sdelay $0xc  }
0x10c: {  	(v2sf) =	vpush v5, $0x8  }
0x10d: {  	(v2sf) =	vpush v4, $0x9  }
0x10e: {  	s4 =	spop (v2sf)  }
0x10f: {  	s11 =	sshra.s32 s4, $0x7  }
0x110: {  	p1 =	slt.s32 s11, $0x1E83  }
0x111: {  	s13 =	sadd.s32 $0xFFF0BE00, s4;
	s11 =	simm.s32 @!p1 $0x1E83  }
0x112: {  	p2 =	sgt.s32 s13, $0x0;
	s11 =	sshll.u32 s11, $0x7  }
0x113: {  	s13 =	simm.s32 @!p2 $0x0;
	s11 =	ssub.s32 s4, s11  }
0x114: {  	s14 =	smin.u32 s13, $0x3F;
	p1 =	slt.s32 s11, $0x7F  }
0x115: {  	v7 =	vor.u32 s14, v0;
	s11 =	simm.s32 @!p1 $0x7F  }
0x116: {  	v6 =	vadd.s32 s11, v0  }
0x117: {  	s16 =	sadd.s32 $0x8, s31  }
0x118: {  	v8 =	vmov s16;
	[sflag:s24] =	ssyncset.done $0x0  }
0x119: {  	v9 =	vshll.u32 v8, $0x3;
	[sflag:s24] =	ssyncadd.s32 $0xFFFFFC00  }
0x11a: {  	v8 =	vand.u32 $0x78, v8;
	v9 =	vand.u32 $0xC00, v9;
	s13 =	simm.s32 $0x4400;
	v7 =	vld.idx.msk [tilespmem:v7+s12+$0x0], $0xffff  }
0x11b: {  	v8 =	vor.u32 v8, v9;
	s14 =	spop (v2sf);
	(v2sf) =	vpush v5, $0x9;
	v6 =	vld.idx.msk [tilespmem:v6+s13+$0x0], $0xffff  }
0x11c: {  	v9 =	vor.u32 v1, v8;
	s13 =	spop (v2sf);
	(v2sf) =	vpush v4, $0xA  }
0x11d: {  	s16 =	sshra.s32 s13, $0x7  }
0x11e: {  	p1 =	slt.s32 s16, $0x1E83  }
0x11f: {  	p3 =	sgt.s32 s4, $0xF41FF;
	s16 =	simm.s32 @!p1 $0x1E83  }
0x120: {  	s16 =	sshll.u32 s16, $0x7;
	v6 =	vpsel p3, v7, v6  }
0x121: {  	s11 =	sand.u32 $0x380, s14;
	s4 =	ssub.s32 s13, s16;
	s16 =	sadd.s32 $0xFFF0BE00, s13;
	[tilespmem:v9+s20+$0x0] =	vst.idx.msk $0xffff, v6  }
0x122: {  	v27 =	vor.u32 v2, v8;
	p1 =	slt.s32 s4, $0x7F;
	p2 =	sgt.s32 s16, $0x0;
	v6 =	vld [tilespmem:s11+$0xA400]  }
0x123: {  	v8 =	vor.u32 v3, v8;
	v9 =	vld [tilespmem:s11+$0xA410];
	s4 =	simm.s32 @!p1 $0x7F;
	s16 =	simm.s32 @!p2 $0x0  }
0x124: {  	v10 =	vadd.s32 s4, v0;
	s14 =	smin.u32 s16, $0x3F  }
0x125: {  	v11 =	vor.u32 s14, v0  }
0x126: {  	s16 =	sadd.s32 $0x9, s31  }
0x127: {  	v28 =	vmov s16;
	[tilespmem:v27+s20+$0x0] =	vst.idx.msk $0xffff, v6  }
0x128: {  	s11 =	simm.s32 $0x4C00;
	v29 =	vshll.u32 v28, $0x3;
	[tilespmem:v8+s20+$0x0] =	vst.idx.msk $0xffff, v9  }
0x129: {  	v7 =	vand.u32 $0xC00, v29;
	v6 =	vand.u32 $0x79, v28;
	v8 =	vld.idx.msk [tilespmem:v10+s11+$0x0], $0xffff  }
0x12a: {  	s14 =	spop (v2sf);
	(v2sf) =	vpush v5, $0xA;
	v6 =	vor.u32 v6, v7;
	v9 =	vld.idx.msk [tilespmem:v11+s12+$0x0], $0xffff  }
0x12b: {  	v7 =	vor.u32 v1, v6;
	s11 =	spop (v2sf);
	(v2sf) =	vpush v4, $0xB  }
0x12c: {  	s16 =	sshra.s32 s11, $0x7  }
0x12d: {  	p1 =	slt.s32 s16, $0x1E83  }
0x12e: {  	p4 =	sgt.s32 s13, $0xF41FF;
	s16 =	simm.s32 @!p1 $0x1E83  }
0x12f: {  	v8 =	vpsel p4, v9, v8;
	s16 =	sshll.u32 s16, $0x7  }
0x130: {  	s4 =	sand.u32 $0x380, s14;
	[tilespmem:v7+s20+$0x0] =	vst.idx.msk $0xffff, v8;
	s13 =	ssub.s32 s11, s16;
	s16 =	sadd.s32 $0xFFF0BE00, s11  }
0x131: {  	v30 =	vor.u32 v2, v6;
	v7 =	vld [tilespmem:s4+$0xA800];
	p1 =	slt.s32 s13, $0x7F;
	p2 =	sgt.s32 s16, $0x0  }
0x132: {  	v6 =	vor.u32 v3, v6;
	v31 =	vld [tilespmem:s4+$0xA810];
	s13 =	simm.s32 @!p1 $0x7F;
	s16 =	simm.s32 @!p2 $0x0  }
0x133: {  	v32 =	vadd.s32 s13, v0;
	s14 =	smin.u32 s16, $0x3F  }
0x134: {  	v33 =	vor.u32 s14, v0  }
0x135: {  	s16 =	sadd.s32 $0xA, s31  }
0x136: {  	v34 =	vmov s16;
	[tilespmem:v30+s20+$0x0] =	vst.idx.msk $0xffff, v7  }
0x137: {  	s13 =	simm.s32 $0x5400;
	v35 =	vshll.u32 v34, $0x3;
	[tilespmem:v6+s20+$0x0] =	vst.idx.msk $0xffff, v31  }
0x138: {  	v7 =	vand.u32 $0x7A, v34;
	v6 =	vand.u32 $0xC00, v35;
	v8 =	vld.idx.msk [tilespmem:v32+s13+$0x0], $0xffff  }
0x139: {  	s4 =	spop (v2sf);
	(v2sf) =	vpush v5, $0xB;
	v6 =	vor.u32 v7, v6;
	v9 =	vld.idx.msk [tilespmem:v33+s12+$0x0], $0xffff  }
0x13a: {  	v7 =	vor.u32 v1, v6;
	s13 =	spop (v2sf);
	(v2sf) =	vpush v4, $0xC  }
0x13b: {  	s16 =	sshra.s32 s13, $0x7  }
0x13c: {  	p1 =	slt.s32 s16, $0x1E83  }
0x13d: {  	p5 =	sgt.s32 s11, $0xF41FF;
	s16 =	simm.s32 @!p1 $0x1E83  }
0x13e: {  	v8 =	vpsel p5, v9, v8;
	s14 =	sshll.u32 s16, $0x7  }
0x13f: {  	s4 =	sand.u32 $0x380, s4;
	s16 =	sadd.s32 $0xFFF0BE00, s13;
	[tilespmem:v7+s20+$0x0] =	vst.idx.msk $0xffff, v8;
	s11 =	ssub.s32 s13, s14  }
0x140: {  	v36 =	vor.u32 v2, v6;
	p2 =	sgt.s32 s16, $0x0;
	v7 =	vld [tilespmem:s4+$0xAC00];
	p1 =	slt.s32 s11, $0x7F  }
0x141: {  	v6 =	vor.u32 v3, v6;
	v37 =	vld [tilespmem:s4+$0xAC10];
	s16 =	simm.s32 @!p2 $0x0;
	s11 =	simm.s32 @!p1 $0x7F  }
0x142: {  	s16 =	smin.u32 s16, $0x3F;
	v38 =	vadd.s32 s11, v0  }
0x143: {  	v39 =	vor.u32 s16, v0  }
0x144: {  	s11 =	sadd.s32 $0xB, s31  }
0x145: {  	v40 =	vmov s11;
	[tilespmem:v36+s20+$0x0] =	vst.idx.msk $0xffff, v7  }
0x146: {  	v41 =	vshll.u32 v40, $0x3;
	[tilespmem:v6+s20+$0x0] =	vst.idx.msk $0xffff, v37  }
0x147: {  	v7 =	vand.u32 $0x7B, v40;
	v6 =	vand.u32 $0xC00, v41;
	v8 =	vld.idx.msk [tilespmem:v38+s6+$0x0], $0xffff  }
0x148: {  	s4 =	spop (v2sf);
	(v2sf) =	vpush v5, $0xC;
	v9 =	vld.idx.msk [tilespmem:v39+s12+$0x0], $0xffff;
	v6 =	vor.u32 v7, v6  }
0x149: {  	v7 =	vor.u32 v1, v6;
	s11 =	spop (v2sf);
	(v2sf) =	vpush v4, $0xD  }
0x14a: {  	s16 =	sshra.s32 s11, $0x7  }
0x14b: {  	p1 =	slt.s32 s16, $0x1E83  }
0x14c: {  	p6 =	sgt.s32 s13, $0xF41FF;
	s16 =	simm.s32 @!p1 $0x1E83  }
0x14d: {  	v8 =	vpsel p6, v9, v8;
	s14 =	sshll.u32 s16, $0x7  }
0x14e: {  	s4 =	sand.u32 $0x380, s4;
	[tilespmem:v7+s20+$0x0] =	vst.idx.msk $0xffff, v8;
	s16 =	sadd.s32 $0xFFF0BE00, s11;
	s13 =	ssub.s32 s11, s14  }
0x14f: {  	v42 =	vor.u32 v2, v6;
	v7 =	vld [tilespmem:s4+$0xB000];
	p2 =	sgt.s32 s16, $0x0;
	p1 =	slt.s32 s13, $0x7F  }
0x150: {  	v6 =	vor.u32 v3, v6;
	v43 =	vld [tilespmem:s4+$0xB010];
	s16 =	simm.s32 @!p2 $0x0;
	s13 =	simm.s32 @!p1 $0x7F  }
0x151: {  	s16 =	smin.u32 s16, $0x3F;
	v44 =	vadd.s32 s13, v0  }
0x152: {  	v45 =	vor.u32 s16, v0  }
0x153: {  	s13 =	sadd.s32 $0xC, s31  }
0x154: {  	v46 =	vmov s13;
	[tilespmem:v42+s20+$0x0] =	vst.idx.msk $0xffff, v7  }
0x155: {  	v47 =	vshll.u32 v46, $0x3;
	[tilespmem:v6+s20+$0x0] =	vst.idx.msk $0xffff, v43  }
0x156: {  	v7 =	vand.u32 $0x7C, v46;
	v6 =	vand.u32 $0xC00, v47;
	v8 =	vld.idx.msk [tilespmem:v44+s7+$0x0], $0xffff  }
0x157: {  	s4 =	spop (v2sf);
	(v2sf) =	vpush v5, $0xD;
	v6 =	vor.u32 v7, v6;
	v9 =	vld.idx.msk [tilespmem:v45+s12+$0x0], $0xffff  }
0x158: {  	v7 =	vor.u32 v1, v6;
	s13 =	spop (v2sf);
	(v2sf) =	vpush v4, $0xE  }
0x159: {  	s16 =	sshra.s32 s13, $0x7  }
0x15a: {  	p1 =	slt.s32 s16, $0x1E83  }
0x15b: {  	p3 =	sgt.s32 s11, $0xF41FF;
	s16 =	simm.s32 @!p1 $0x1E83  }
0x15c: {  	v8 =	vpsel p3, v9, v8;
	s14 =	sshll.u32 s16, $0x7  }
0x15d: {  	s4 =	sand.u32 $0x380, s4;
	[tilespmem:v7+s20+$0x0] =	vst.idx.msk $0xffff, v8;
	s16 =	sadd.s32 $0xFFF0BE00, s13;
	s11 =	ssub.s32 s13, s14  }
0x15e: {  	v48 =	vor.u32 v2, v6;
	v7 =	vld [tilespmem:s4+$0xB400];
	p2 =	sgt.s32 s16, $0x0;
	p1 =	slt.s32 s11, $0x7F  }
0x15f: {  	v6 =	vor.u32 v3, v6;
	v49 =	vld [tilespmem:s4+$0xB410];
	s16 =	simm.s32 @!p2 $0x0;
	s11 =	simm.s32 @!p1 $0x7F  }
0x160: {  	s16 =	smin.u32 s16, $0x3F;
	v50 =	vadd.s32 s11, v0  }
0x161: {  	v51 =	vor.u32 s16, v0  }
0x162: {  	s11 =	sadd.s32 $0xD, s31  }
0x163: {  	v52 =	vmov s11;
	[tilespmem:v48+s20+$0x0] =	vst.idx.msk $0xffff, v7  }
0x164: {  	v53 =	vshll.u32 v52, $0x3;
	[tilespmem:v6+s20+$0x0] =	vst.idx.msk $0xffff, v49  }
0x165: {  	v7 =	vand.u32 $0x7D, v52;
	v6 =	vand.u32 $0xC00, v53;
	v8 =	vld.idx.msk [tilespmem:v50+s8+$0x0], $0xffff  }
0x166: {  	s4 =	spop (v2sf);
	(v2sf) =	vpush v5, $0xE;
	v6 =	vor.u32 v7, v6;
	v9 =	vld.idx.msk [tilespmem:v51+s12+$0x0], $0xffff  }
0x167: {  	v7 =	vor.u32 v1, v6;
	s11 =	spop (v2sf);
	(v2sf) =	vpush v4, $0xF  }
0x168: {  	s16 =	sshra.s32 s11, $0x7  }
0x169: {  	p1 =	slt.s32 s16, $0x1E83  }
0x16a: {  	p4 =	sgt.s32 s13, $0xF41FF;
	s16 =	simm.s32 @!p1 $0x1E83  }
0x16b: {  	v4 =	vpsel p4, v9, v8;
	s14 =	sshll.u32 s16, $0x7  }
0x16c: {  	s4 =	sand.u32 $0x380, s4;
	[tilespmem:v7+s20+$0x0] =	vst.idx.msk $0xffff, v4;
	s16 =	sadd.s32 $0xFFF0BE00, s11;
	s13 =	ssub.s32 s11, s14  }
0x16d: {  	v54 =	vor.u32 v2, v6;
	v4 =	vld [tilespmem:s4+$0xB800];
	p2 =	sgt.s32 s16, $0x0;
	p1 =	slt.s32 s13, $0x7F  }
0x16e: {  	v6 =	vor.u32 v3, v6;
	v55 =	vld [tilespmem:s4+$0xB810];
	s16 =	simm.s32 @!p2 $0x0;
	s13 =	simm.s32 @!p1 $0x7F  }
0x16f: {  	s16 =	smin.u32 s16, $0x3F;
	v56 =	vadd.s32 s13, v0  }
0x170: {  	v57 =	vor.u32 s16, v0  }
0x171: {  	s13 =	sadd.s32 $0xE, s31  }
0x172: {  	[tilespmem:v54+s20+$0x0] =	vst.idx.msk $0xffff, v4;
	v4 =	vmov s13  }
0x173: {  	[tilespmem:v6+s20+$0x0] =	vst.idx.msk $0xffff, v55;
	v58 =	vshll.u32 v4, $0x3  }
0x174: {  	v4 =	vand.u32 $0x7E, v4;
	v6 =	vand.u32 $0xC00, v58;
	v7 =	vld.idx.msk [tilespmem:v56+s9+$0x0], $0xffff  }
0x175: {  	s14 =	spop (v2sf);
	v8 =	vld.idx.msk [tilespmem:v57+s12+$0x0], $0xffff;
	v4 =	vor.u32 v4, v6  }
0x176: {  	v6 =	vor.u32 v1, v4;
	s13 =	spop (v2sf)  }
0x177: {  	s16 =	sshra.s32 s13, $0x7  }
0x178: {  	p1 =	slt.s32 s16, $0x1E83  }
0x179: {  	p5 =	sgt.s32 s11, $0xF41FF;
	s16 =	simm.s32 @!p1 $0x1E83  }
0x17a: {  	(v2sf) =	vpush v5, $0xF;
	v7 =	vpsel p5, v8, v7;
	s16 =	sshll.u32 s16, $0x7  }
0x17b: {  	s4 =	sand.u32 $0x380, s14;
	[tilespmem:v6+s20+$0x0] =	vst.idx.msk $0xffff, v7;
	s11 =	ssub.s32 s13, s16;
	s16 =	sadd.s32 $0xFFF0BE00, s13  }
0x17c: {  	v59 =	vor.u32 v2, v4;
	v5 =	vld [tilespmem:s4+$0xBC00];
	p1 =	slt.s32 s11, $0x7F;
	p2 =	sgt.s32 s16, $0x0  }
0x17d: {  	v4 =	vor.u32 v3, v4;
	v7 =	vld [tilespmem:s4+$0xBC10];
	s11 =	simm.s32 @!p1 $0x7F;
	s16 =	simm.s32 @!p2 $0x0  }
0x17e: {  	v60 =	vadd.s32 s11, v0;
	s11 =	smin.u32 s16, $0x3F  }
0x17f: {  	v61 =	vor.u32 s11, v0  }
0x180: {  	s14 =	sadd.s32 $0xF, s31  }
0x181: {  	[tilespmem:v59+s20+$0x0] =	vst.idx.msk $0xffff, v5;
	v5 =	vmov s14  }
0x182: {  	[tilespmem:v4+s20+$0x0] =	vst.idx.msk $0xffff, v7;
	v4 =	vshll.u32 v5, $0x3  }
0x183: {  	v5 =	vand.u32 $0x7F, v5;
	v4 =	vand.u32 $0xC00, v4;
	v6 =	vld.idx.msk [tilespmem:v60+s10+$0x0], $0xffff  }
0x184: {  	v4 =	vor.u32 v5, v4;
	v7 =	vld.idx.msk [tilespmem:v61+s12+$0x0], $0xffff  }
0x185: {  	v5 =	vor.u32 v1, v4;
	_ =	sdelay $0x2  }
0x186: {  	p6 =	sgt.s32 s13, $0xF41FF  }
0x187: {  	s16 =	spop (v2sf);
	v6 =	vpsel p6, v7, v6  }
0x188: {  	s4 =	sand.u32 $0x380, s16;
	[tilespmem:v5+s20+$0x0] =	vst.idx.msk $0xffff, v6  }
0x189: {  	v62 =	vor.u32 v2, v4;
	v5 =	vld [tilespmem:s4+$0xC000]  }
0x18a: {  	v4 =	vor.u32 v3, v4;
	v63 =	vld [tilespmem:s4+$0xC010];
	_ =	sdelay $0x3  }
0x18b: {  	[tilespmem:v62+s20+$0x0] =	vst.idx.msk $0xffff, v5  }
0x18c: {  	[tilespmem:v4+s20+$0x0] =	vst.idx.msk $0xffff, v63  }
0x18d: {  	v4 =	vld @!p0 [tilespmem:s29+$0x0];
	_ =	sdelay $0x4  }
0x18e: {  	v4 =	vshra.s32 @!p0 v4, $0x7  }
0x18f: {  	(v2sf) =	vpush @!p0 v4, $0x8;
	_ =	sdelay $0x1  }
0x190: {  	v5 =	vld @!p0 [tilespmem:s26+$0x0];
	_ =	sdelay $0x4  }
0x191: {  	v5 =	vshll.u32 @!p0 v5, $0x4  }
0x192: {  	(v2sf) =	vpush @!p0 v5, $0x8;
	_ =	sdelay $0x3  }
0x193: {  	(v2sf) =	vpush @!p0 v4, $0x9;
	_ =	sdelay $0x2  }
0x194: {  	s4 =	spop @!p0 (v2sf)  }
0x195: {  	p1 =	slt.s32 @!p0 s4, $0x1E83  }
0x196: {  	p1 =	por !p1, p0  }
0x197: {  	s4 =	simm.s32 @p1 $0x1E83  }
0x198: {  	s4 =	sshll.u32 @!p0 s4, $0x7  }
0x199: {  	s11 =	simm.s32 @!p0 $0x7A1400;
	(v2sf) =	vpush @!p0 v5, $0x9;
	s4 =	sand.u32 @!p0 $0x1FFFFF80, s4  }
0x19a: {  	s16 =	simm.s32 @!p0 $0x4400;
	s13 =	sadd.s32 @!p0 s0, s4;
	s4 =	simm.s32 @!p0 $0x400  }
0x19b: {  	[tilespmem:s16], [sflag:$0x4] =	stream.strided.gather @!p0 [hbm4b:s13+s4], $0x800, s11, s4, $0x38;
	[tilespmem:$0x14C00] =	vst v63  }
0x19c: {  	s13 =	spop @!p0 (v2sf)  }
0x19d: {  	(v2sf) =	vpush @!p0 v4, $0xA;
	s13 =	sand.u32 @!p0 $0xFFFFF80, s13  }
0x19e: {  	s14 =	simm.s32 @!p0 $0xA400;
	s16 =	simm.s32 @!p0 $0x0;
	s13 =	sadd.s32 @!p0 s5, s13  }
0x19f: {  	[tilespmem:s14], [sflag:$0x5] =	stream.linear.gather @!p0 [hbm4b:s13+s16], $0x400, $0x38;
	[tilespmem:$0x14C00] =	vst v63  }
0x1a0: {  	s13 =	spop @!p0 (v2sf)  }
0x1a1: {  	p1 =	slt.s32 @!p0 s13, $0x1E83  }
0x1a2: {  	p1 =	por !p1, p0  }
0x1a3: {  	s13 =	simm.s32 @p1 $0x1E83  }
0x1a4: {  	s13 =	sshll.u32 @!p0 s13, $0x7  }
0x1a5: {  	(v2sf) =	vpush @!p0 v5, $0xA;
	s13 =	sand.u32 @!p0 $0x1FFFFF80, s13  }
0x1a6: {  	s14 =	simm.s32 @!p0 $0x4C00;
	s13 =	sadd.s32 @!p0 s0, s13  }
0x1a7: {  	[tilespmem:s14], [sflag:$0x4] =	stream.strided.gather @!p0 [hbm4b:s13+s4], $0x800, s11, s4, $0x38;
	[tilespmem:$0x14C00] =	vst v63  }
0x1a8: {  	s13 =	spop @!p0 (v2sf)  }
0x1a9: {  	(v2sf) =	vpush @!p0 v4, $0xB;
	s13 =	sand.u32 @!p0 $0xFFFFF80, s13  }
0x1aa: {  	s14 =	simm.s32 @!p0 $0xA800;
	s13 =	sadd.s32 @!p0 s5, s13  }
0x1ab: {  	[tilespmem:s14], [sflag:$0x5] =	stream.linear.gather @!p0 [hbm4b:s13+s16], $0x400, $0x38;
	[tilespmem:$0x14C00] =	vst v63  }
0x1ac: {  	s13 =	spop @!p0 (v2sf)  }
0x1ad: {  	p1 =	slt.s32 @!p0 s13, $0x1E83  }
0x1ae: {  	p1 =	por !p1, p0  }
0x1af: {  	s13 =	simm.s32 @p1 $0x1E83  }
0x1b0: {  	s13 =	sshll.u32 @!p0 s13, $0x7  }
0x1b1: {  	(v2sf) =	vpush @!p0 v5, $0xB;
	s13 =	sand.u32 @!p0 $0x1FFFFF80, s13  }
0x1b2: {  	s14 =	simm.s32 @!p0 $0x5400;
	s13 =	sadd.s32 @!p0 s0, s13  }
0x1b3: {  	[tilespmem:s14], [sflag:$0x4] =	stream.strided.gather @!p0 [hbm4b:s13+s4], $0x800, s11, s4, $0x38;
	[tilespmem:$0x14C00] =	vst v63  }
0x1b4: {  	s13 =	spop @!p0 (v2sf)  }
0x1b5: {  	(v2sf) =	vpush @!p0 v4, $0xC;
	s13 =	sand.u32 @!p0 $0xFFFFF80, s13  }
0x1b6: {  	s14 =	simm.s32 @!p0 $0xAC00;
	s13 =	sadd.s32 @!p0 s5, s13  }
0x1b7: {  	[tilespmem:s14], [sflag:$0x5] =	stream.linear.gather @!p0 [hbm4b:s13+s16], $0x400, $0x38;
	[tilespmem:$0x14C00] =	vst v63  }
0x1b8: {  	s13 =	spop @!p0 (v2sf)  }
0x1b9: {  	p1 =	slt.s32 @!p0 s13, $0x1E83  }
0x1ba: {  	p1 =	por !p1, p0  }
0x1bb: {  	s13 =	simm.s32 @p1 $0x1E83  }
0x1bc: {  	s13 =	sshll.u32 @!p0 s13, $0x7  }
0x1bd: {  	(v2sf) =	vpush @!p0 v5, $0xC;
	s13 =	sand.u32 @!p0 $0x1FFFFF80, s13  }
0x1be: {  	s14 =	simm.s32 @!p0 $0x5C00;
	s13 =	sadd.s32 @!p0 s0, s13  }
0x1bf: {  	[tilespmem:s14], [sflag:$0x4] =	stream.strided.gather @!p0 [hbm4b:s13+s4], $0x800, s11, s4, $0x38;
	[tilespmem:$0x14C00] =	vst v63  }
0x1c0: {  	s13 =	spop @!p0 (v2sf)  }
0x1c1: {  	(v2sf) =	vpush @!p0 v4, $0xD;
	s13 =	sand.u32 @!p0 $0xFFFFF80, s13  }
0x1c2: {  	s14 =	simm.s32 @!p0 $0xB000;
	s13 =	sadd.s32 @!p0 s5, s13  }
0x1c3: {  	[tilespmem:s14], [sflag:$0x5] =	stream.linear.gather @!p0 [hbm4b:s13+s16], $0x400, $0x38;
	[tilespmem:$0x14C00] =	vst v63  }
0x1c4: {  	s13 =	spop @!p0 (v2sf)  }
0x1c5: {  	p1 =	slt.s32 @!p0 s13, $0x1E83  }
0x1c6: {  	p1 =	por !p1, p0  }
0x1c7: {  	s13 =	simm.s32 @p1 $0x1E83  }
0x1c8: {  	s13 =	sshll.u32 @!p0 s13, $0x7  }
0x1c9: {  	(v2sf) =	vpush @!p0 v5, $0xD;
	s13 =	sand.u32 @!p0 $0x1FFFFF80, s13  }
0x1ca: {  	s14 =	simm.s32 @!p0 $0x6400;
	s13 =	sadd.s32 @!p0 s0, s13  }
0x1cb: {  	[tilespmem:s14], [sflag:$0x4] =	stream.strided.gather @!p0 [hbm4b:s13+s4], $0x800, s11, s4, $0x38;
	[tilespmem:$0x14C00] =	vst v63  }
0x1cc: {  	s13 =	spop @!p0 (v2sf)  }
0x1cd: {  	(v2sf) =	vpush @!p0 v4, $0xE;
	s13 =	sand.u32 @!p0 $0xFFFFF80, s13  }
0x1ce: {  	s14 =	simm.s32 @!p0 $0xB400;
	s13 =	sadd.s32 @!p0 s5, s13  }
0x1cf: {  	[tilespmem:s14], [sflag:$0x5] =	stream.linear.gather @!p0 [hbm4b:s13+s16], $0x400, $0x38;
	[tilespmem:$0x14C00] =	vst v63  }
0x1d0: {  	s13 =	spop @!p0 (v2sf)  }
0x1d1: {  	p1 =	slt.s32 @!p0 s13, $0x1E83  }
0x1d2: {  	p1 =	por !p1, p0  }
0x1d3: {  	s13 =	simm.s32 @p1 $0x1E83  }
0x1d4: {  	s13 =	sshll.u32 @!p0 s13, $0x7  }
0x1d5: {  	(v2sf) =	vpush @!p0 v5, $0xE;
	s13 =	sand.u32 @!p0 $0x1FFFFF80, s13  }
0x1d6: {  	s14 =	simm.s32 @!p0 $0x6C00;
	s13 =	sadd.s32 @!p0 s0, s13  }
0x1d7: {  	[tilespmem:s14], [sflag:$0x4] =	stream.strided.gather @!p0 [hbm4b:s13+s4], $0x800, s11, s4, $0x38;
	[tilespmem:$0x14C00] =	vst v63  }
0x1d8: {  	s13 =	spop @!p0 (v2sf)  }
0x1d9: {  	(v2sf) =	vpush @!p0 v4, $0xF;
	s13 =	sand.u32 @!p0 $0xFFFFF80, s13  }
0x1da: {  	s14 =	simm.s32 @!p0 $0xB800;
	s13 =	sadd.s32 @!p0 s5, s13  }
0x1db: {  	[tilespmem:s14], [sflag:$0x5] =	stream.linear.gather @!p0 [hbm4b:s13+s16], $0x400, $0x38;
	[tilespmem:$0x14C00] =	vst v63  }
0x1dc: {  	s13 =	spop @!p0 (v2sf)  }
0x1dd: {  	p1 =	slt.s32 @!p0 s13, $0x1E83  }
0x1de: {  	p1 =	por !p1, p0  }
0x1df: {  	s13 =	simm.s32 @p1 $0x1E83  }
0x1e0: {  	s13 =	sshll.u32 @!p0 s13, $0x7  }
0x1e1: {  	s13 =	sand.u32 @!p0 $0x1FFFFF80, s13  }
0x1e2: {  	s14 =	simm.s32 @!p0 $0x7400;
	(v2sf) =	vpush @!p0 v5, $0xF;
	s13 =	sadd.s32 @!p0 s0, s13  }
0x1e3: {  	[tilespmem:s14], [sflag:$0x4] =	stream.strided.gather @!p0 [hbm4b:s13+s4], $0x800, s11, s4, $0x38;
	[tilespmem:$0x14C00] =	vst v63  }
0x1e4: {  	s13 =	spop @!p0 (v2sf)  }
0x1e5: {  	s13 =	sand.u32 @!p0 $0xFFFFF80, s13  }
0x1e6: {  	s14 =	simm.s32 @!p0 $0xBC00;
	s13 =	sadd.s32 @!p0 s5, s13  }
0x1e7: {  	[tilespmem:s14], [sflag:$0x5] =	stream.linear.gather @!p0 [hbm4b:s13+s16], $0x400, $0x38;
	[tilespmem:$0x14C00] =	vst v63  }
0x1e8: {  	s13 =	spop @!p0 (v2sf)  }
0x1e9: {  	p1 =	slt.s32 @!p0 s13, $0x1E83  }
0x1ea: {  	p1 =	por !p1, p0  }
0x1eb: {  	s13 =	simm.s32 @p1 $0x1E83  }
0x1ec: {  	s31 =	sadd.s32 @!p0 $0x10, s31;
	s13 =	sshll.u32 @!p0 s13, $0x7  }
0x1ed: {  	p1 =	sne.s32 @!p0 s31, $0x200;
	s13 =	sand.u32 @!p0 $0x1FFFFF80, s13  }
0x1ee: {  	s14 =	simm.s32 @!p0 $0x7C00;
	p1 =	por p0, !p1;
	s13 =	sadd.s32 @!p0 s0, s13  }
0x1ef: {  	[tilespmem:s14], [sflag:$0x4] =	stream.strided.gather @!p0 [hbm4b:s13+s4], $0x800, s11, s4, $0x38;
	[tilespmem:$0x14C00] =	vst v63  }
.Ltmp3:
0x1f0: {  	_ = 	snop;
	(pc) =	sbr.rel @p1 .LBB2_5-.Ltmp3, $4  }
0x1f1: {  	s4 =	spop @!p0 (v2sf)  }
0x1f2: {  	s26 =	sadd.s32 @!p0 $0x10, s26;
	s4 =	sand.u32 @!p0 $0xFFFFF80, s4  }
0x1f3: {  	s29 =	sadd.s32 @!p0 $0x10, s29;
	s11 =	simm.s32 @!p0 $0xC000;
	s4 =	sadd.s32 @!p0 s5, s4  }
0x1f4: {  	[tilespmem:s11], [sflag:$0x5] =	stream.linear.gather @!p0 [hbm4b:s4+s16], $0x400, $0x38;
	[tilespmem:$0x14C00] =	vst v63  }
.LBB2_2:
0x1f5: {  	v4 =	vld [tilespmem:s29+$0xFFFFFFF0]  }
0x1f6: {  	v5 =	vld [tilespmem:s26+$0xFFFFFFF0];
	_ =	swait.ge [sflag:s18], $0x800  }
0x1f7: {  	[sflag:s18] =	ssyncset.done $0x0  }
0x1f8: {  	[sflag:s18] =	ssyncadd.s32 $0xFFFFF800  }
0x1f9: {  	_ =	swait.ge [sflag:s15], $0x400  }
0x1fa: {  	[sflag:s15] =	ssyncset.done $0x0  }
0x1fb: {  	[sflag:s15] =	ssyncadd.s32 $0xFFFFFC00  }
0x1fc: {  	_ =	swait.ge [sflag:s18], $0x800  }
0x1fd: {  	[sflag:s18] =	ssyncset.done $0x0  }
0x1fe: {  	[sflag:s18] =	ssyncadd.s32 $0xFFFFF800  }
0x1ff: {  	_ =	swait.ge [sflag:s15], $0x400  }
0x200: {  	[sflag:s15] =	ssyncset.done $0x0  }
0x201: {  	[sflag:s15] =	ssyncadd.s32 $0xFFFFFC00  }
0x202: {  	_ =	swait.ge [sflag:s18], $0x800  }
0x203: {  	[sflag:s18] =	ssyncset.done $0x0  }
0x204: {  	[sflag:s18] =	ssyncadd.s32 $0xFFFFF800  }
0x205: {  	_ =	swait.ge [sflag:s15], $0x400  }
0x206: {  	[sflag:s15] =	ssyncset.done $0x0  }
0x207: {  	[sflag:s15] =	ssyncadd.s32 $0xFFFFFC00  }
0x208: {  	_ =	swait.ge [sflag:s18], $0x800  }
0x209: {  	[sflag:s18] =	ssyncset.done $0x0  }
0x20a: {  	[sflag:s18] =	ssyncadd.s32 $0xFFFFF800  }
0x20b: {  	_ =	swait.ge [sflag:s15], $0x400  }
0x20c: {  	[sflag:s15] =	ssyncset.done $0x0  }
0x20d: {  	[sflag:s15] =	ssyncadd.s32 $0xFFFFFC00  }
0x20e: {  	_ =	swait.ge [sflag:s18], $0x800  }
0x20f: {  	[sflag:s18] =	ssyncset.done $0x0  }
0x210: {  	[sflag:s18] =	ssyncadd.s32 $0xFFFFF800  }
0x211: {  	_ =	swait.ge [sflag:s15], $0x400  }
0x212: {  	[sflag:s15] =	ssyncset.done $0x0  }
0x213: {  	[sflag:s15] =	ssyncadd.s32 $0xFFFFFC00  }
0x214: {  	_ =	swait.ge [sflag:s18], $0x800  }
0x215: {  	[sflag:s18] =	ssyncset.done $0x0  }
0x216: {  	[sflag:s18] =	ssyncadd.s32 $0xFFFFF800  }
0x217: {  	_ =	swait.ge [sflag:s15], $0x400  }
0x218: {  	[sflag:s15] =	ssyncset.done $0x0  }
0x219: {  	[sflag:s15] =	ssyncadd.s32 $0xFFFFFC00  }
0x21a: {  	_ =	swait.ge [sflag:s18], $0x800  }
0x21b: {  	[sflag:s18] =	ssyncset.done $0x0  }
0x21c: {  	[sflag:s18] =	ssyncadd.s32 $0xFFFFF800  }
0x21d: {  	_ =	swait.ge [sflag:s15], $0x400  }
0x21e: {  	[sflag:s15] =	ssyncset.done $0x0  }
0x21f: {  	[sflag:s15] =	ssyncadd.s32 $0xFFFFFC00  }
0x220: {  	_ =	swait.ge [sflag:s18], $0x800  }
0x221: {  	[sflag:s18] =	ssyncset.done $0x0  }
0x222: {  	[sflag:s18] =	ssyncadd.s32 $0xFFFFF800  }
0x223: {  	_ =	swait.ge [sflag:s15], $0x400  }
0x224: {  	(v2sf) =	vpush v4, $0x0;
	_ =	sdelay $0xc  }
0x225: {  	v5 =	vshll.u32 v5, $0x7  }
0x226: {  	(v2sf) =	vpush v5, $0x0  }
0x227: {  	s4 =	spop (v2sf);
	(v2sf) =	vpush v4, $0x1;
	_ =	sdelay $0x1  }
0x228: {  	s11 =	sshra.s32 s4, $0x7  }
0x229: {  	p0 =	slt.s32 s11, $0x1E83  }
0x22a: {  	s16 =	sadd.s32 $0xFFF0BE00, s4;
	s11 =	simm.s32 @!p0 $0x1E83  }
0x22b: {  	p1 =	sgt.s32 s16, $0x0;
	s11 =	sshll.u32 s11, $0x7  }
0x22c: {  	s16 =	simm.s32 @!p1 $0x0;
	s11 =	ssub.s32 s4, s11  }
0x22d: {  	s13 =	smin.u32 s16, $0x3F;
	p0 =	slt.s32 s11, $0x7F  }
0x22e: {  	v7 =	vor.u32 s13, v0;
	s11 =	simm.s32 @!p0 $0x7F  }
0x22f: {  	v6 =	vadd.s32 s11, v0;
	_ =	sdelay $0x1  }
0x230: {  	v8 =	vmov s31;
	[sflag:s15] =	ssyncset.done $0x0  }
0x231: {  	v9 =	vshll.u32 v8, $0x3;
	[sflag:s15] =	ssyncadd.s32 $0xFFFFFC00  }
0x232: {  	v8 =	vand.u32 $0x70, v8;
	v9 =	vand.u32 $0xC00, v9;
	v7 =	vld.idx.msk [tilespmem:v7+s12+$0x0], $0xffff  }
0x233: {  	v8 =	vor.u32 v8, v9;
	s11 =	spop (v2sf);
	(v2sf) =	vpush v5, $0x1;
	v6 =	vld.idx.msk [tilespmem:v6+s19+$0x0], $0xffff  }
0x234: {  	v9 =	vor.u32 v1, v8;
	s16 =	spop (v2sf);
	(v2sf) =	vpush v4, $0x2  }
0x235: {  	s13 =	sshra.s32 s16, $0x7  }
0x236: {  	p0 =	slt.s32 s13, $0x1E83  }
0x237: {  	p4 =	sgt.s32 s4, $0xF41FF;
	s13 =	simm.s32 @!p0 $0x1E83  }
0x238: {  	v6 =	vpsel p4, v7, v6;
	s14 =	sshll.u32 s13, $0x7  }
0x239: {  	s11 =	sand.u32 $0x380, s11;
	[tilespmem:v9+s20+$0x0] =	vst.idx.msk $0xffff, v6;
	s13 =	sadd.s32 $0xFFF0BE00, s16;
	s4 =	ssub.s32 s16, s14  }
0x23a: {  	v7 =	vor.u32 v2, v8;
	v6 =	vld [tilespmem:s11+$0x8400];
	p1 =	sgt.s32 s13, $0x0;
	p0 =	slt.s32 s4, $0x7F  }
0x23b: {  	v8 =	vor.u32 v3, v8;
	v9 =	vld [tilespmem:s11+$0x8410];
	s13 =	simm.s32 @!p1 $0x0;
	s4 =	simm.s32 @!p0 $0x7F  }
0x23c: {  	s13 =	smin.u32 s13, $0x3F;
	v10 =	vadd.s32 s4, v0  }
0x23d: {  	v11 =	vor.u32 s13, v0  }
0x23e: {  	s14 =	sadd.s32 $0x1, s31  }
0x23f: {  	[tilespmem:v7+s20+$0x0] =	vst.idx.msk $0xffff, v6;
	v6 =	vmov s14  }
0x240: {  	[tilespmem:v8+s20+$0x0] =	vst.idx.msk $0xffff, v9;
	v7 =	vshll.u32 v6, $0x3  }
0x241: {  	v6 =	vand.u32 $0x71, v6;
	v7 =	vand.u32 $0xC00, v7;
	v8 =	vld.idx.msk [tilespmem:v10+s21+$0x0], $0xffff  }
0x242: {  	s11 =	spop (v2sf);
	(v2sf) =	vpush v5, $0x2;
	v9 =	vld.idx.msk [tilespmem:v11+s12+$0x0], $0xffff;
	v6 =	vor.u32 v6, v7  }
0x243: {  	v7 =	vor.u32 v1, v6;
	s14 =	spop (v2sf);
	(v2sf) =	vpush v4, $0x3;
	_ =	sdelay $0x1  }
0x244: {  	s13 =	sshra.s32 s14, $0x7  }
0x245: {  	p5 =	sgt.s32 s16, $0xF41FF;
	p0 =	slt.s32 s13, $0x1E83  }
0x246: {  	s16 =	sadd.s32 $0xFFF0BE00, s14;
	s13 =	simm.s32 @!p0 $0x1E83;
	v8 =	vpsel p5, v9, v8  }
0x247: {  	s4 =	sand.u32 $0x380, s11;
	p1 =	sgt.s32 s16, $0x0;
	s13 =	sshll.u32 s13, $0x7;
	[tilespmem:v7+s20+$0x0] =	vst.idx.msk $0xffff, v8  }
0x248: {  	v38 =	vor.u32 v2, v6;
	s16 =	simm.s32 @!p1 $0x0;
	s13 =	ssub.s32 s14, s13;
	v7 =	vld [tilespmem:s4+$0x8800]  }
0x249: {  	v6 =	vor.u32 v3, v6;
	s16 =	smin.u32 s16, $0x3F;
	v39 =	vld [tilespmem:s4+$0x8810];
	p0 =	slt.s32 s13, $0x7F  }
0x24a: {  	v41 =	vor.u32 s16, v0;
	s13 =	simm.s32 @!p0 $0x7F  }
0x24b: {  	v40 =	vadd.s32 s13, v0  }
0x24c: {  	s13 =	sadd.s32 $0x2, s31  }
0x24d: {  	[tilespmem:v38+s20+$0x0] =	vst.idx.msk $0xffff, v7;
	v7 =	vmov s13  }
0x24e: {  	[tilespmem:v6+s20+$0x0] =	vst.idx.msk $0xffff, v39;
	v6 =	vshll.u32 v7, $0x3  }
0x24f: {  	v7 =	vand.u32 $0x72, v7;
	v6 =	vand.u32 $0xC00, v6;
	v9 =	vld.idx.msk [tilespmem:v41+s12+$0x0], $0xffff  }
0x250: {  	s4 =	spop (v2sf);
	(v2sf) =	vpush v5, $0x3;
	v8 =	vld.idx.msk [tilespmem:v40+s23+$0x0], $0xffff;
	v6 =	vor.u32 v7, v6  }
0x251: {  	v7 =	vor.u32 v1, v6;
	s13 =	spop (v2sf);
	(v2sf) =	vpush v4, $0x4  }
0x252: {  	s16 =	sshra.s32 s13, $0x7  }
0x253: {  	p0 =	slt.s32 s16, $0x1E83  }
0x254: {  	p6 =	sgt.s32 s14, $0xF41FF;
	s16 =	simm.s32 @!p0 $0x1E83  }
0x255: {  	v8 =	vpsel p6, v9, v8;
	s14 =	sshll.u32 s16, $0x7  }
0x256: {  	s4 =	sand.u32 $0x380, s4;
	[tilespmem:v7+s20+$0x0] =	vst.idx.msk $0xffff, v8;
	s16 =	sadd.s32 $0xFFF0BE00, s13;
	s11 =	ssub.s32 s13, s14  }
0x257: {  	v42 =	vor.u32 v2, v6;
	v7 =	vld [tilespmem:s4+$0x8C00];
	p1 =	sgt.s32 s16, $0x0;
	p0 =	slt.s32 s11, $0x7F  }
0x258: {  	v6 =	vor.u32 v3, v6;
	v43 =	vld [tilespmem:s4+$0x8C10];
	s16 =	simm.s32 @!p1 $0x0;
	s11 =	simm.s32 @!p0 $0x7F  }
0x259: {  	s16 =	smin.u32 s16, $0x3F;
	v44 =	vadd.s32 s11, v0  }
0x25a: {  	v45 =	vor.u32 s16, v0  }
0x25b: {  	s11 =	sadd.s32 $0x3, s31  }
0x25c: {  	[tilespmem:v42+s20+$0x0] =	vst.idx.msk $0xffff, v7;
	v7 =	vmov s11  }
0x25d: {  	[tilespmem:v6+s20+$0x0] =	vst.idx.msk $0xffff, v43;
	v6 =	vshll.u32 v7, $0x3  }
0x25e: {  	v7 =	vand.u32 $0x73, v7;
	v6 =	vand.u32 $0xC00, v6;
	v8 =	vld.idx.msk [tilespmem:v44+s25+$0x0], $0xffff  }
0x25f: {  	s4 =	spop (v2sf);
	(v2sf) =	vpush v5, $0x4;
	v9 =	vld.idx.msk [tilespmem:v45+s12+$0x0], $0xffff;
	v6 =	vor.u32 v7, v6  }
0x260: {  	v7 =	vor.u32 v1, v6;
	s11 =	spop (v2sf);
	(v2sf) =	vpush v4, $0x5  }
0x261: {  	s16 =	sshra.s32 s11, $0x7  }
0x262: {  	p0 =	slt.s32 s16, $0x1E83  }
0x263: {  	p2 =	sgt.s32 s13, $0xF41FF;
	s16 =	simm.s32 @!p0 $0x1E83  }
0x264: {  	v8 =	vpsel p2, v9, v8;
	s14 =	sshll.u32 s16, $0x7  }
0x265: {  	s4 =	sand.u32 $0x380, s4;
	[tilespmem:v7+s20+$0x0] =	vst.idx.msk $0xffff, v8;
	s16 =	sadd.s32 $0xFFF0BE00, s11;
	s13 =	ssub.s32 s11, s14  }
0x266: {  	v46 =	vor.u32 v2, v6;
	v7 =	vld [tilespmem:s4+$0x9000];
	p1 =	sgt.s32 s16, $0x0;
	p0 =	slt.s32 s13, $0x7F  }
0x267: {  	v6 =	vor.u32 v3, v6;
	v47 =	vld [tilespmem:s4+$0x9010];
	s16 =	simm.s32 @!p1 $0x0;
	s13 =	simm.s32 @!p0 $0x7F  }
0x268: {  	s16 =	smin.u32 s16, $0x3F;
	v48 =	vadd.s32 s13, v0  }
0x269: {  	v49 =	vor.u32 s16, v0  }
0x26a: {  	s13 =	sadd.s32 $0x4, s31  }
0x26b: {  	[tilespmem:v46+s20+$0x0] =	vst.idx.msk $0xffff, v7;
	v7 =	vmov s13  }
0x26c: {  	[tilespmem:v6+s20+$0x0] =	vst.idx.msk $0xffff, v47;
	v6 =	vshll.u32 v7, $0x3  }
0x26d: {  	v7 =	vand.u32 $0x74, v7;
	v6 =	vand.u32 $0xC00, v6;
	v8 =	vld.idx.msk [tilespmem:v48+s28+$0x0], $0xffff  }
0x26e: {  	s4 =	spop (v2sf);
	(v2sf) =	vpush v5, $0x5;
	v9 =	vld.idx.msk [tilespmem:v49+s12+$0x0], $0xffff;
	v6 =	vor.u32 v7, v6  }
0x26f: {  	v7 =	vor.u32 v1, v6;
	s13 =	spop (v2sf);
	(v2sf) =	vpush v4, $0x6  }
0x270: {  	s16 =	sshra.s32 s13, $0x7  }
0x271: {  	p0 =	slt.s32 s16, $0x1E83  }
0x272: {  	p3 =	sgt.s32 s11, $0xF41FF;
	s16 =	simm.s32 @!p0 $0x1E83  }
0x273: {  	v8 =	vpsel p3, v9, v8;
	s14 =	sshll.u32 s16, $0x7  }
0x274: {  	s4 =	sand.u32 $0x380, s4;
	[tilespmem:v7+s20+$0x0] =	vst.idx.msk $0xffff, v8;
	s16 =	sadd.s32 $0xFFF0BE00, s13;
	s11 =	ssub.s32 s13, s14  }
0x275: {  	v50 =	vor.u32 v2, v6;
	v7 =	vld [tilespmem:s4+$0x9400];
	p1 =	sgt.s32 s16, $0x0;
	p0 =	slt.s32 s11, $0x7F  }
0x276: {  	v6 =	vor.u32 v3, v6;
	v51 =	vld [tilespmem:s4+$0x9410];
	s16 =	simm.s32 @!p1 $0x0;
	s11 =	simm.s32 @!p0 $0x7F  }
0x277: {  	s16 =	smin.u32 s16, $0x3F;
	v52 =	vadd.s32 s11, v0  }
0x278: {  	v53 =	vor.u32 s16, v0  }
0x279: {  	s11 =	sadd.s32 $0x5, s31  }
0x27a: {  	[tilespmem:v50+s20+$0x0] =	vst.idx.msk $0xffff, v7;
	v7 =	vmov s11  }
0x27b: {  	[tilespmem:v6+s20+$0x0] =	vst.idx.msk $0xffff, v51;
	v6 =	vshll.u32 v7, $0x3  }
0x27c: {  	v7 =	vand.u32 $0x75, v7;
	v6 =	vand.u32 $0xC00, v6;
	v8 =	vld.idx.msk [tilespmem:v52+s30+$0x0], $0xffff  }
0x27d: {  	s4 =	spop (v2sf);
	(v2sf) =	vpush v5, $0x6;
	v9 =	vld.idx.msk [tilespmem:v53+s12+$0x0], $0xffff;
	v6 =	vor.u32 v7, v6  }
0x27e: {  	v7 =	vor.u32 v1, v6;
	s11 =	spop (v2sf);
	(v2sf) =	vpush v4, $0x7  }
0x27f: {  	s16 =	sshra.s32 s11, $0x7  }
0x280: {  	p0 =	slt.s32 s16, $0x1E83  }
0x281: {  	p4 =	sgt.s32 s13, $0xF41FF;
	s16 =	simm.s32 @!p0 $0x1E83  }
0x282: {  	v8 =	vpsel p4, v9, v8;
	s14 =	sshll.u32 s16, $0x7  }
0x283: {  	s4 =	sand.u32 $0x380, s4;
	[tilespmem:v7+s20+$0x0] =	vst.idx.msk $0xffff, v8;
	s16 =	sadd.s32 $0xFFF0BE00, s11;
	s13 =	ssub.s32 s11, s14  }
0x284: {  	v54 =	vor.u32 v2, v6;
	v7 =	vld [tilespmem:s4+$0x9800];
	p1 =	sgt.s32 s16, $0x0;
	p0 =	slt.s32 s13, $0x7F  }
0x285: {  	v6 =	vor.u32 v3, v6;
	v55 =	vld [tilespmem:s4+$0x9810];
	s16 =	simm.s32 @!p1 $0x0;
	s13 =	simm.s32 @!p0 $0x7F  }
0x286: {  	s16 =	smin.u32 s16, $0x3F;
	v56 =	vadd.s32 s13, v0  }
0x287: {  	v57 =	vor.u32 s16, v0  }
0x288: {  	s13 =	sadd.s32 $0x6, s31  }
0x289: {  	[tilespmem:v54+s20+$0x0] =	vst.idx.msk $0xffff, v7;
	v7 =	vmov s13  }
0x28a: {  	[tilespmem:v6+s20+$0x0] =	vst.idx.msk $0xffff, v55;
	v6 =	vshll.u32 v7, $0x3  }
0x28b: {  	v7 =	vand.u32 $0x76, v7;
	v6 =	vand.u32 $0xC00, v6;
	v8 =	vld.idx.msk [tilespmem:v56+s2+$0x0], $0xffff  }
0x28c: {  	s14 =	spop (v2sf);
	v9 =	vld.idx.msk [tilespmem:v57+s12+$0x0], $0xffff;
	v6 =	vor.u32 v7, v6  }
0x28d: {  	v7 =	vor.u32 v1, v6;
	s13 =	spop (v2sf)  }
0x28e: {  	s16 =	sshra.s32 s13, $0x7  }
0x28f: {  	p0 =	slt.s32 s16, $0x1E83  }
0x290: {  	p5 =	sgt.s32 s11, $0xF41FF;
	s16 =	simm.s32 @!p0 $0x1E83  }
0x291: {  	(v2sf) =	vpush v5, $0x7;
	v8 =	vpsel p5, v9, v8;
	s16 =	sshll.u32 s16, $0x7  }
0x292: {  	s4 =	sand.u32 $0x380, s14;
	[tilespmem:v7+s20+$0x0] =	vst.idx.msk $0xffff, v8;
	s11 =	ssub.s32 s13, s16;
	s16 =	sadd.s32 $0xFFF0BE00, s13  }
0x293: {  	v58 =	vor.u32 v2, v6;
	v7 =	vld [tilespmem:s4+$0x9C00];
	p0 =	slt.s32 s11, $0x7F;
	p1 =	sgt.s32 s16, $0x0  }
0x294: {  	v6 =	vor.u32 v3, v6;
	v59 =	vld [tilespmem:s4+$0x9C10];
	s11 =	simm.s32 @!p0 $0x7F;
	s16 =	simm.s32 @!p1 $0x0  }
0x295: {  	v60 =	vadd.s32 s11, v0;
	s11 =	smin.u32 s16, $0x3F  }
0x296: {  	v61 =	vor.u32 s11, v0  }
0x297: {  	s14 =	sadd.s32 $0x7, s31  }
0x298: {  	[tilespmem:v58+s20+$0x0] =	vst.idx.msk $0xffff, v7;
	v7 =	vmov s14  }
0x299: {  	[tilespmem:v6+s20+$0x0] =	vst.idx.msk $0xffff, v59;
	v6 =	vshll.u32 v7, $0x3  }
0x29a: {  	v7 =	vand.u32 $0x77, v7;
	v6 =	vand.u32 $0xC00, v6;
	v8 =	vld.idx.msk [tilespmem:v60+s1+$0x0], $0xffff  }
0x29b: {  	v6 =	vor.u32 v7, v6;
	v9 =	vld.idx.msk [tilespmem:v61+s12+$0x0], $0xffff  }
0x29c: {  	v7 =	vor.u32 v1, v6;
	_ =	sdelay $0x2  }
0x29d: {  	p6 =	sgt.s32 s13, $0xF41FF  }
0x29e: {  	s16 =	spop (v2sf);
	v8 =	vpsel p6, v9, v8  }
0x29f: {  	s4 =	sand.u32 $0x380, s16;
	[tilespmem:v7+s20+$0x0] =	vst.idx.msk $0xffff, v8  }
0x2a0: {  	v62 =	vor.u32 v2, v6;
	v7 =	vld [tilespmem:s4+$0xA000]  }
0x2a1: {  	p0 =	seq.s32 s31, $0x1F0;
	v6 =	vor.u32 v3, v6;
	v63 =	vld [tilespmem:s4+$0xA010]  }
.Ltmp4:
0x2a2: {  	_ = 	snop;
	(pc) =	sbr.rel @p0 .LBB2_4-.Ltmp4, $3  }
0x2a3: {  	_ =	sdelay $0x1  }
0x2a4: {  	[tilespmem:v62+s20+$0x0] =	vst.idx.msk $0xffff, v7  }
0x2a5: {  	[tilespmem:v6+s20+$0x0] =	vst.idx.msk $0xffff, v63  }
0x2a6: {  	v6 =	vld [tilespmem:s29+$0x0];
	_ =	sdelay $0x4  }
0x2a7: {  	v7 =	vld [tilespmem:s26+$0x0];
	v6 =	vshra.s32 v6, $0x7  }
0x2a8: {  	(v2sf) =	vpush v6, $0x0;
	_ =	sdelay $0x3  }
0x2a9: {  	v7 =	vshll.u32 v7, $0x4  }
0x2aa: {  	(v2sf) =	vpush v7, $0x0;
	_ =	sdelay $0x4  }
0x2ab: {  	(v2sf) =	vpush v6, $0x1;
	_ =	sdelay $0x4  }
0x2ac: {  	s4 =	spop (v2sf);
	(v2sf) =	vpush v7, $0x1  }
0x2ad: {  	p1 =	slt.s32 s4, $0x1E83  }
0x2ae: {  	s4 =	simm.s32 @!p1 $0x1E83  }
0x2af: {  	s4 =	sshll.u32 s4, $0x7  }
0x2b0: {  	s4 =	sand.u32 $0x1FFFFF80, s4  }
0x2b1: {  	s13 =	spop (v2sf);
	(v2sf) =	vpush v6, $0x2;
	s4 =	sadd.s32 s0, s4  }
0x2b2: {  	[tilespmem:s19], [sflag:$0x2] =	stream.strided.gather [hbm4b:s4+s19], $0x800, s17, s19, $0x38;
	[tilespmem:$0x14C00] =	vst v63  }
0x2b3: {  	s4 =	sand.u32 $0xFFFFF80, s13  }
0x2b4: {  	s11 =	simm.s32 $0x8400;
	s4 =	sadd.s32 s5, s4  }
0x2b5: {  	[tilespmem:s11], [sflag:$0x3] =	stream.linear.gather [hbm4b:s4+s3], $0x400, $0x38;
	[tilespmem:$0x14C00] =	vst v63  }
0x2b6: {  	s4 =	spop (v2sf);
	(v2sf) =	vpush v7, $0x2  }
0x2b7: {  	p1 =	slt.s32 s4, $0x1E83  }
0x2b8: {  	s4 =	simm.s32 @!p1 $0x1E83  }
0x2b9: {  	s4 =	sshll.u32 s4, $0x7  }
0x2ba: {  	s4 =	sand.u32 $0x1FFFFF80, s4  }
0x2bb: {  	s4 =	sadd.s32 s0, s4;
	s14 =	spop (v2sf);
	(v2sf) =	vpush v6, $0x3  }
0x2bc: {  	[tilespmem:s21], [sflag:$0x2] =	stream.strided.gather [hbm4b:s4+s19], $0x800, s17, s19, $0x38;
	[tilespmem:$0x14C00] =	vst v63  }
0x2bd: {  	s4 =	sand.u32 $0xFFFFF80, s14  }
0x2be: {  	s16 =	simm.s32 $0x8800;
	s4 =	sadd.s32 s5, s4  }
0x2bf: {  	[tilespmem:s16], [sflag:$0x3] =	stream.linear.gather [hbm4b:s4+s3], $0x400, $0x38;
	[tilespmem:$0x14C00] =	vst v63  }
0x2c0: {  	s4 =	spop (v2sf);
	(v2sf) =	vpush v7, $0x3  }
0x2c1: {  	p1 =	slt.s32 s4, $0x1E83  }
0x2c2: {  	s4 =	simm.s32 @!p1 $0x1E83  }
0x2c3: {  	s4 =	sshll.u32 s4, $0x7  }
0x2c4: {  	s4 =	sand.u32 $0x1FFFFF80, s4  }
0x2c5: {  	s4 =	sadd.s32 s0, s4;
	s11 =	spop (v2sf);
	(v2sf) =	vpush v6, $0x4  }
0x2c6: {  	[tilespmem:s23], [sflag:$0x2] =	stream.strided.gather [hbm4b:s4+s19], $0x800, s17, s19, $0x38;
	[tilespmem:$0x14C00] =	vst v63  }
0x2c7: {  	s4 =	sand.u32 $0xFFFFF80, s11  }
0x2c8: {  	s13 =	simm.s32 $0x8C00;
	s4 =	sadd.s32 s5, s4  }
0x2c9: {  	[tilespmem:s13], [sflag:$0x3] =	stream.linear.gather [hbm4b:s4+s3], $0x400, $0x38;
	[tilespmem:$0x14C00] =	vst v63  }
0x2ca: {  	s4 =	spop (v2sf);
	(v2sf) =	vpush v7, $0x4  }
0x2cb: {  	p1 =	slt.s32 s4, $0x1E83  }
0x2cc: {  	s4 =	simm.s32 @!p1 $0x1E83  }
0x2cd: {  	s4 =	sshll.u32 s4, $0x7  }
0x2ce: {  	s4 =	sand.u32 $0x1FFFFF80, s4  }
0x2cf: {  	s14 =	spop (v2sf);
	(v2sf) =	vpush v6, $0x5;
	s4 =	sadd.s32 s0, s4  }
0x2d0: {  	[tilespmem:s25], [sflag:$0x2] =	stream.strided.gather [hbm4b:s4+s19], $0x800, s17, s19, $0x38;
	[tilespmem:$0x14C00] =	vst v63  }
0x2d1: {  	s4 =	sand.u32 $0xFFFFF80, s14  }
0x2d2: {  	s16 =	simm.s32 $0x9000;
	s4 =	sadd.s32 s5, s4  }
0x2d3: {  	[tilespmem:s16], [sflag:$0x3] =	stream.linear.gather [hbm4b:s4+s3], $0x400, $0x38;
	[tilespmem:$0x14C00] =	vst v63  }
0x2d4: {  	s4 =	spop (v2sf);
	(v2sf) =	vpush v7, $0x5  }
0x2d5: {  	p1 =	slt.s32 s4, $0x1E83  }
0x2d6: {  	s4 =	simm.s32 @!p1 $0x1E83  }
0x2d7: {  	s4 =	sshll.u32 s4, $0x7  }
0x2d8: {  	s4 =	sand.u32 $0x1FFFFF80, s4  }
0x2d9: {  	s4 =	sadd.s32 s0, s4;
	s11 =	spop (v2sf);
	(v2sf) =	vpush v6, $0x6  }
0x2da: {  	[tilespmem:s28], [sflag:$0x2] =	stream.strided.gather [hbm4b:s4+s19], $0x800, s17, s19, $0x38;
	[tilespmem:$0x14C00] =	vst v63  }
0x2db: {  	s4 =	sand.u32 $0xFFFFF80, s11  }
0x2dc: {  	s13 =	simm.s32 $0x9400;
	s4 =	sadd.s32 s5, s4  }
0x2dd: {  	[tilespmem:s13], [sflag:$0x3] =	stream.linear.gather [hbm4b:s4+s3], $0x400, $0x38;
	[tilespmem:$0x14C00] =	vst v63  }
0x2de: {  	s4 =	spop (v2sf);
	(v2sf) =	vpush v7, $0x6  }
0x2df: {  	p1 =	slt.s32 s4, $0x1E83  }
0x2e0: {  	s4 =	simm.s32 @!p1 $0x1E83  }
0x2e1: {  	s4 =	sshll.u32 s4, $0x7  }
0x2e2: {  	s4 =	sand.u32 $0x1FFFFF80, s4  }
0x2e3: {  	s4 =	sadd.s32 s0, s4;
	s14 =	spop (v2sf);
	(v2sf) =	vpush v6, $0x7  }
0x2e4: {  	[tilespmem:s30], [sflag:$0x2] =	stream.strided.gather [hbm4b:s4+s19], $0x800, s17, s19, $0x38;
	[tilespmem:$0x14C00] =	vst v63  }
0x2e5: {  	s4 =	sand.u32 $0xFFFFF80, s14  }
0x2e6: {  	s16 =	simm.s32 $0x9800;
	s4 =	sadd.s32 s5, s4  }
0x2e7: {  	[tilespmem:s16], [sflag:$0x3] =	stream.linear.gather [hbm4b:s4+s3], $0x400, $0x38;
	[tilespmem:$0x14C00] =	vst v63  }
0x2e8: {  	s4 =	spop (v2sf)  }
0x2e9: {  	p1 =	slt.s32 s4, $0x1E83  }
0x2ea: {  	s4 =	simm.s32 @!p1 $0x1E83  }
0x2eb: {  	(v2sf) =	vpush v7, $0x7;
	s4 =	sshll.u32 s4, $0x7  }
0x2ec: {  	s4 =	sand.u32 $0x1FFFFF80, s4  }
0x2ed: {  	s11 =	spop (v2sf);
	s4 =	sadd.s32 s0, s4  }
0x2ee: {  	[tilespmem:s2], [sflag:$0x2] =	stream.strided.gather [hbm4b:s4+s19], $0x800, s17, s19, $0x38;
	[tilespmem:$0x14C00] =	vst v63  }
0x2ef: {  	s4 =	sand.u32 $0xFFFFF80, s11  }
0x2f0: {  	s13 =	simm.s32 $0x9C00;
	s4 =	sadd.s32 s5, s4  }
0x2f1: {  	[tilespmem:s13], [sflag:$0x3] =	stream.linear.gather [hbm4b:s4+s3], $0x400, $0x38;
	[tilespmem:$0x14C00] =	vst v63  }
0x2f2: {  	s4 =	spop (v2sf)  }
0x2f3: {  	p1 =	slt.s32 s4, $0x1E83  }
0x2f4: {  	s4 =	simm.s32 @!p1 $0x1E83  }
0x2f5: {  	s4 =	sshll.u32 s4, $0x7  }
0x2f6: {  	s4 =	sand.u32 $0x1FFFFF80, s4  }
0x2f7: {  	s4 =	sadd.s32 s0, s4  }
0x2f8: {  	[tilespmem:s1], [sflag:$0x2] =	stream.strided.gather [hbm4b:s4+s19], $0x800, s17, s19, $0x38;
	[tilespmem:$0x14C00] =	vst v63  }
.Ltmp5:
0x2f9: {  	_ = 	snop;
	(pc) =	sbr.rel .LBB2_4-.Ltmp5, $4  }
0x2fa: {  	s14 =	spop (v2sf)  }
0x2fb: {  	s4 =	sand.u32 $0xFFFFF80, s14  }
0x2fc: {  	s16 =	simm.s32 $0xA000;
	s4 =	sadd.s32 s5, s4  }
0x2fd: {  	[tilespmem:s16], [sflag:$0x3] =	stream.linear.gather [hbm4b:s4+s3], $0x400, $0x38;
	[tilespmem:$0x14C00] =	vst v63  }
.LBB2_6:
0x2fe: {  	_ =	sfence.sel $0x180000  }
0x2ff: {  	[bflag:$0x0] =	sbarrier.arrive $0xFFFF  }
0x300: {  	_ =	strace $0x90000047  }
0x301: {  	s0 =	stileid.u32;
	[bflag:$0x2] =	sbarrier.arrive $0xFFFF  }
0x302: {  	p0 =	sne.s32 s0, $0x0;
	s0 =	rddreg [dreg:$0x7]  }
0x303: {  	s0 =	sadd.s32 @!p0 $0x100000, s0  }
0x304: {  	[sflag:s0] =	ssyncadd.tile.s32 @!p0 $0x1;
	_ =	shalt  }
.Lfunc_end2:
_tile_overlayer_lowered:
.L_overlay_start_2:
0x305: {  	(tag) =	ssettag $0x2  }
0x306: {  	s0 =	rddreg [dreg:$0x0];
	s2 =	stileid.u32  }
0x307: {  	s1 =	rddreg [dreg:$0x1];
	p0 =	sne.s32 s2, $0x0  }
0x308: {  	s3 =	rddreg [dreg:$0x2];
	[bflag:$0x3] =	sbarrier.arrive $0xFFFF;
	s2 =	simm.s32 @!p0 $0x1C06  }
0x309: {  	[timem:s3], [sflag:s2] =	dma.local @!p0 [hbm:s0], s1  }
0x30a: {  	s0 =	simm.s32 @!p0 $0x6  }
0x30b: {  	_ =	swait.ge @!p0 [sflag:s0], s1  }
0x30c: {  	s1 =	ssub.s32 @!p0 $0x0, s1;
	[sflag:s0] =	ssyncset.done @!p0 $0x0  }
0x30d: {  	[sflag:s0] =	ssyncadd.s32 @!p0 s1  }
0x30e: {  	[bflag:$0x3] =	sbarrier.arrive $0xFFFF  }
0x30f: {  	_ =	shalt  }

</sc_bundles>
